<compile_context>
chip_gen: v7x
topology: tpu7x:2x2x1
jax: 0.10.2.dev20260603
libtpu: 0.0.44.dev20260713+nightly
codegen_flags: <defaults>
</compile_context>

<pallas_src>
import functools

import jax
import jax.numpy as jnp
from jax import lax
from jax.experimental import pallas as pl
from jax.experimental.pallas import tpu as pltpu
from jax.experimental.pallas import tpu_sc as plsc

N = 10000
NPAD = 10240
D = 256
H = 128
P = 4096
L = 10
E = 160000

BR = 1024
BP = 1024

NT = 16
EB = 80
NB = E // (NT * EB)
ROWS_PT = NPAD // NT

_sc_mesh = plsc.VectorSubcoreMesh(core_axis_name="c", subcore_axis_name="s",
                                  num_cores=2, num_subcores=NT)


EPT = E // NT


def _edge_agg_body(x0, x1, srcr, dstr, agg0_o, agg1_o,
                   src_v, dst_v, rows_a, rows_b, agg_sh, sem_a, sem_b):
    cid = lax.axis_index("c")
    sid = lax.axis_index("s")
    z16 = jnp.zeros((16,), jnp.float32)

    pltpu.sync_copy(srcr.at[sid], src_v)
    pltpu.sync_copy(dstr.at[sid], dst_v)

    def _zb(r, c_):
        for c in range(H // 16):
            rows_a[r, pl.ds(c * 16, 16)] = z16
        return c_
    lax.fori_loop(0, EB, _zb, 0)

    base = sid * ROWS_PT
    for k in range(ROWS_PT // EB):
        pltpu.sync_copy(rows_a, agg_sh.at[pl.ds(base + k * EB, EB)])

    plsc.subcore_barrier()

    def _process(xh):
        pltpu.async_copy(xh.at[src_v.at[pl.ds(0, EB)]], rows_a, sem_a)

        def step(b, c_):
            def do(cur, nxt, csem, nsem):
                @pl.when(b + 1 < NB)
                def _():
                    pltpu.async_copy(
                        xh.at[src_v.at[pl.ds((b + 1) * EB, EB)]], nxt, nsem)
                pltpu.make_async_copy(
                    xh.at[src_v.at[pl.ds(b * EB, EB)]], cur, csem).wait()
                pltpu.sync_copy(cur, agg_sh.at[dst_v.at[b]], add=True)

            @pl.when(b % 2 == 0)
            def _():
                do(rows_a, rows_b, sem_a, sem_b)

            @pl.when(b % 2 == 1)
            def _():
                do(rows_b, rows_a, sem_b, sem_a)
            return c_
        lax.fori_loop(0, NB, step, 0)

    @pl.when(cid == 0)
    def _():
        _process(x0)

    @pl.when(cid == 1)
    def _():
        _process(x1)

    plsc.subcore_barrier()

    for k in range(ROWS_PT // EB):
        sl = pl.ds(base + k * EB, EB)

        @pl.when(cid == 0)
        def _(sl=sl):
            pltpu.sync_copy(agg_sh.at[sl], agg0_o.at[sl])

        @pl.when(cid == 1)
        def _(sl=sl):
            pltpu.sync_copy(agg_sh.at[sl], agg1_o.at[sl])


_edge_agg = functools.partial(
    pl.kernel,
    out_type=(
        jax.ShapeDtypeStruct((NPAD, H), jnp.float32),
        jax.ShapeDtypeStruct((NPAD, H), jnp.float32),
    ),
    mesh=_sc_mesh,
    scratch_types=[
        pltpu.VMEM((EPT,), jnp.int32),
        pltpu.VMEM((NB, EB), jnp.int32),
        pltpu.VMEM((EB, H), jnp.float32),
        pltpu.VMEM((EB, H), jnp.float32),
        pltpu.VMEM_SHARED((NPAD, H), jnp.float32),
        pltpu.SemaphoreType.DMA,
        pltpu.SemaphoreType.DMA,
    ],
)(_edge_agg_body)


NW = 32
WEDGES = E // NW
DCH = WEDGES // 16
MCH = NPAD // NT


def _dega_body(dstf, dp_o, dst_v, deg_v):
    cid = lax.axis_index("c")
    sid = lax.axis_index("s")
    wid = cid * NT + sid
    z16 = jnp.zeros((16,), jnp.float32)
    lanes = lax.iota(jnp.int32, 16)

    pltpu.sync_copy(dstf.at[wid], dst_v)

    def _zd(i, c_):
        deg_v[pl.ds(i * 16, 16)] = z16
        return c_
    lax.fori_loop(0, NPAD // 16, _zd, 0)

    def chunk(i, c_):
        idx = dst_v[pl.ds(i * 16, 16)]
        cnt, last = plsc.scan_count(idx)
        old = plsc.load_gather(deg_v, [idx], mask=last)
        plsc.store_scatter(deg_v, [idx], old + cnt.astype(jnp.float32),
                           mask=last)
        return c_
    lax.fori_loop(0, DCH, chunk, 0)

    idx = dst_v[pl.ds(WEDGES - 16, 16)]
    tmask = lanes >= 8
    cnt, last = plsc.scan_count(idx, mask=tmask)
    old = plsc.load_gather(deg_v, [idx], mask=last)
    plsc.store_scatter(deg_v, [idx], old + cnt.astype(jnp.float32), mask=last)

    pltpu.sync_copy(deg_v, dp_o.at[pl.ds(wid * NPAD, NPAD)])


_dega = functools.partial(
    pl.kernel,
    out_type=jax.ShapeDtypeStruct((NW * NPAD,), jnp.float32),
    mesh=_sc_mesh,
    scratch_types=[
        pltpu.VMEM((WEDGES,), jnp.int32),
        pltpu.VMEM((NPAD,), jnp.float32),
    ],
    compiler_params=pltpu.CompilerParams(needs_layout_passes=False),
)(_dega_body)


def _degb_body(dp, d0_o, d1_o, mrg_v, res_v):
    cid = lax.axis_index("c")
    sid = lax.axis_index("s")
    z16 = jnp.zeros((16,), jnp.float32)

    def _zr(i, c_):
        res_v[pl.ds(i * 16, 16)] = z16
        return c_
    lax.fori_loop(0, MCH // 16, _zr, 0)

    for t in range(NT):
        pltpu.sync_copy(
            dp.at[pl.ds((cid * NT + t) * NPAD + sid * MCH, MCH)], mrg_v)

        def _acc(i, c_):
            res_v[pl.ds(i * 16, 16)] = (res_v[pl.ds(i * 16, 16)]
                                        + mrg_v[pl.ds(i * 16, 16)])
            return c_
        lax.fori_loop(0, MCH // 16, _acc, 0)

    @pl.when(cid == 0)
    def _():
        pltpu.sync_copy(res_v, d0_o.at[pl.ds(sid * MCH, MCH)])

    @pl.when(cid == 1)
    def _():
        pltpu.sync_copy(res_v, d1_o.at[pl.ds(sid * MCH, MCH)])


_degb = functools.partial(
    pl.kernel,
    out_type=(jax.ShapeDtypeStruct((NPAD,), jnp.float32),
              jax.ShapeDtypeStruct((NPAD,), jnp.float32)),
    mesh=_sc_mesh,
    scratch_types=[
        pltpu.VMEM((MCH,), jnp.float32),
        pltpu.VMEM((MCH,), jnp.float32),
    ],
    compiler_params=pltpu.CompilerParams(needs_layout_passes=False),
)(_degb_body)


PPT = P // NT
PB = 128
NBJ = L * (PPT // PB)
LPAD = 16


def _path_body(h0, h1, pnr, lens, ur, vr,
               p0_o, p1_o, hu0_o, hu1_o, hv0_o, hv1_o,
               pn_v, len_v, u_v, v_v, idx_v, rows_a, rows_b, acc_v, sem_a,
               sem_b):
    cid = lax.axis_index("c")
    sid = lax.axis_index("s")
    z16 = jnp.zeros((16,), jnp.float32)
    base_p = sid * PPT

    pltpu.sync_copy(pnr.at[sid], pn_v)
    pltpu.sync_copy(lens.at[pl.ds(base_p, PPT)], len_v)
    pltpu.sync_copy(ur.at[pl.ds(base_p, PPT)], u_v)
    pltpu.sync_copy(vr.at[pl.ds(base_p, PPT)], v_v)

    NQ = PPT // 16

    lanes = lax.iota(jnp.int32, 16)

    def mk(i, c_):
        j = i // NQ
        q = i % NQ
        node = pn_v[j, pl.ds(q * 16, 16)]
        ln = len_v[pl.ds(q * 16, 16)]
        pad = N + ((q * 16 + lanes + j * 53) & 127)
        sel = jnp.where(j < ln, node, pad)
        row = j * (PPT // PB) + q // (PB // 16)
        col = (q % (PB // 16)) * 16
        idx_v[row, pl.ds(col, 16)] = sel
        return c_
    lax.fori_loop(0, L * NQ, mk, 0)

    def _za(r, c_):
        for c in range(H // 16):
            acc_v[r, pl.ds(c * 16, 16)] = z16
        return c_
    lax.fori_loop(0, PPT, _za, 0)

    def _process(hh, p_o, hu_o, hv_o):
        pltpu.async_copy(hh.at[idx_v.at[0]], rows_a, sem_a)

        def step(b, c_):
            def do(cur, nxt, csem, nsem):
                @pl.when(b + 1 < NBJ)
                def _():
                    pltpu.async_copy(hh.at[idx_v.at[b + 1]], nxt, nsem)
                pltpu.make_async_copy(hh.at[idx_v.at[b]], cur, csem).wait()
                arow = (b % (PPT // PB)) * PB

                def accrow(r, c_2):
                    for c in range(H // 16):
                        sl = pl.ds(c * 16, 16)
                        acc_v[arow + r, sl] = acc_v[arow + r, sl] + cur[r, sl]
                    return c_2
                lax.fori_loop(0, PB, accrow, 0)

            @pl.when(b % 2 == 0)
            def _():
                do(rows_a, rows_b, sem_a, sem_b)

            @pl.when(b % 2 == 1)
            def _():
                do(rows_b, rows_a, sem_b, sem_a)
            return c_
        lax.fori_loop(0, NBJ, step, 0)

        pltpu.sync_copy(acc_v, p_o.at[pl.ds(base_p, PPT)])

        eb = [(u_v, hu_o, k) for k in range(PPT // PB)]
        eb += [(v_v, hv_o, k) for k in range(PPT // PB)]
        bufs = [(rows_a, sem_a), (rows_b, sem_b)]
        for i, (iv, _, k) in enumerate(eb):
            if i < 2:
                pltpu.async_copy(hh.at[iv.at[pl.ds(k * PB, PB)]],
                                 bufs[i % 2][0], bufs[i % 2][1])
        for i, (iv, out_o, k) in enumerate(eb):
            buf, sem = bufs[i % 2]
            pltpu.make_async_copy(hh.at[iv.at[pl.ds(k * PB, PB)]], buf,
                                  sem).wait()
            pltpu.sync_copy(buf, out_o.at[pl.ds(base_p + k * PB, PB)])
            if i + 2 < len(eb):
                niv, _, nk = eb[i + 2]
                pltpu.async_copy(hh.at[niv.at[pl.ds(nk * PB, PB)]], buf, sem)

    @pl.when(cid == 0)
    def _():
        _process(h0, p0_o, hu0_o, hv0_o)

    @pl.when(cid == 1)
    def _():
        _process(h1, p1_o, hu1_o, hv1_o)


_path_gather = functools.partial(
    pl.kernel,
    out_type=tuple(jax.ShapeDtypeStruct((P, H), jnp.float32)
                   for _ in range(6)),
    mesh=_sc_mesh,
    scratch_types=[
        pltpu.VMEM((LPAD, PPT), jnp.int32),
        pltpu.VMEM((PPT,), jnp.int32),
        pltpu.VMEM((PPT,), jnp.int32),
        pltpu.VMEM((PPT,), jnp.int32),
        pltpu.VMEM((NBJ, PB), jnp.int32),
        pltpu.VMEM((PB, H), jnp.float32),
        pltpu.VMEM((PB, H), jnp.float32),
        pltpu.VMEM((PPT, H), jnp.float32),
        pltpu.SemaphoreType.DMA,
        pltpu.SemaphoreType.DMA,
    ],
)(_path_body)


def _gnn_body(a0, a1, d0, d1, w, b, h0_out, h1_out):
    inv = 1.0 / jnp.maximum(d0[...] + d1[...], 1.0)
    x0 = a0[...] * inv
    x1 = a1[...] * inv
    acc = jnp.dot(x0, w[0:H, :], preferred_element_type=jnp.float32)
    acc = acc + jnp.dot(x1, w[H:D, :], preferred_element_type=jnp.float32)
    h = jnp.maximum(acc + b[...], 0.0)
    rows = pl.program_id(0) * BR + jax.lax.broadcasted_iota(jnp.int32, h.shape, 0)
    h = jnp.where(rows < N, h, 0.0)
    h0_out[...] = h[:, :H]
    h1_out[...] = h[:, H:]


def _gnn_dense(a0, a1, d0, d1, w, b):
    return pl.pallas_call(
        _gnn_body,
        grid=(NPAD // BR,),
        in_specs=[
            pl.BlockSpec((BR, H), lambda i: (i, 0)),
            pl.BlockSpec((BR, H), lambda i: (i, 0)),
            pl.BlockSpec((BR, 1), lambda i: (i, 0)),
            pl.BlockSpec((BR, 1), lambda i: (i, 0)),
            pl.BlockSpec((D, D), lambda i: (0, 0)),
            pl.BlockSpec((1, D), lambda i: (0, 0)),
        ],
        out_specs=[pl.BlockSpec((BR, H), lambda i: (i, 0)),
                   pl.BlockSpec((BR, H), lambda i: (i, 0))],
        out_shape=(jax.ShapeDtypeStruct((NPAD, H), jnp.float32),
                   jax.ShapeDtypeStruct((NPAD, H), jnp.float32)),
    )(a0, a1, d0, d1, w, b)


def _pred_body(p0, p1, hu0, hu1, hv0, hv1, lens, wp, bp, w1, b1, w2t, b2, out):
    il = 1.0 / lens[...]
    m0 = p0[...] * il
    m1 = p1[...] * il
    hp = jnp.dot(m0, wp[0:H, :], preferred_element_type=jnp.float32)
    hp = hp + jnp.dot(m1, wp[H:D, :], preferred_element_type=jnp.float32)
    hp = 2.0 * jnp.maximum(hp + bp[...], 0.0)
    t = jnp.dot(hu0[...], w1[0:H, :], preferred_element_type=jnp.float32)
    t = t + jnp.dot(hu1[...], w1[H:2 * H, :], preferred_element_type=jnp.float32)
    t = t + jnp.dot(hv0[...], w1[2 * H:3 * H, :], preferred_element_type=jnp.float32)
    t = t + jnp.dot(hv1[...], w1[3 * H:4 * H, :], preferred_element_type=jnp.float32)
    t = t + jnp.dot(hp, w1[4 * H:6 * H, :], preferred_element_type=jnp.float32)
    t = jnp.maximum(t + b1[...], 0.0)
    out[...] = jnp.sum(t * w2t[...], axis=1, keepdims=True) + b2[...]


def _predictor(p0, p1, hu0, hu1, hv0, hv1, lens, wp, bp, w1, b1, w2t, b2):
    return pl.pallas_call(
        _pred_body,
        grid=(P // BP,),
        in_specs=[
            pl.BlockSpec((BP, H), lambda i: (i, 0)),
            pl.BlockSpec((BP, H), lambda i: (i, 0)),
            pl.BlockSpec((BP, H), lambda i: (i, 0)),
            pl.BlockSpec((BP, H), lambda i: (i, 0)),
            pl.BlockSpec((BP, H), lambda i: (i, 0)),
            pl.BlockSpec((BP, H), lambda i: (i, 0)),
            pl.BlockSpec((BP, 1), lambda i: (i, 0)),
            pl.BlockSpec((D, D), lambda i: (0, 0)),
            pl.BlockSpec((1, D), lambda i: (0, 0)),
            pl.BlockSpec((3 * D, D), lambda i: (0, 0)),
            pl.BlockSpec((1, D), lambda i: (0, 0)),
            pl.BlockSpec((1, D), lambda i: (0, 0)),
            pl.BlockSpec((1, 1), lambda i: (0, 0)),
        ],
        out_specs=pl.BlockSpec((BP, 1), lambda i: (i, 0)),
        out_shape=jax.ShapeDtypeStruct((P, 1), jnp.float32),
    )(p0, p1, hu0, hu1, hv0, hv1, lens, wp, bp, w1, b1, w2t, b2)


def kernel(x, W_gnn, b_gnn, W_path, b_path, W1, b1, W2, b2,
           edge_index, edge_pairs, path_nodes, path_lengths):
    x0 = x[:, :H]
    x1 = x[:, H:]
    srcr = edge_index[0].reshape(NT, EPT)
    dstr = edge_index[1].reshape(NT, NB, EB)
    agg0, agg1 = _edge_agg(x0, x1, srcr, dstr)
    d0, d1 = _degb(_dega(edge_index[1].reshape(NW, WEDGES)))

    h0, h1 = _gnn_dense(agg0, agg1, d0.reshape(NPAD, 1), d1.reshape(NPAD, 1),
                        W_gnn, b_gnn.reshape(1, D))

    pn_t = path_nodes.T.reshape(L, NT, PPT).transpose(1, 0, 2)
    pnr = jnp.concatenate(
        [pn_t, jnp.full((NT, LPAD - L, PPT), N, pn_t.dtype)], axis=1)
    u = edge_pairs[:, 0]
    v = edge_pairs[:, 1]
    p0, p1, hu0, hu1, hv0, hv1 = _path_gather(h0, h1, pnr, path_lengths, u, v)

    lens = path_lengths.astype(jnp.float32)[:, None]
    out = _predictor(p0, p1, hu0, hu1, hv0, hv1, lens,
                     W_path, b_path.reshape(1, D), W1, b1.reshape(1, D),
                     W2.reshape(1, D), b2.reshape(1, 1))
    return out

# --- scband reference (transcript-rebuilt; emitter-appended) ---
"""Pipeline reference for scband-path-gnnmodel-14027363189054 (READ-ONLY COPY).

The authoritative reference and input builder live on the scoring server;
editing this copy changes nothing except your own understanding.
"""

import jax, jax.numpy as jnp
import numpy as np

N = 10000   # n_nodes
E = 160000  # n_edges
D = 256     # d_feat
P = 4096    # number of paths (== number of edge_pairs)
L = 10      # max_path_len


def setup_inputs(seed: int = 0) -> dict:
    key = jax.random.key(seed)
    ks = jax.random.split(key, 12)
    s = 0.05
    x = jax.random.normal(ks[0], (N, D), dtype=jnp.float32)
    edge_index = jax.random.randint(ks[1], (2, E), 0, N)
    edge_pairs = jax.random.randint(ks[2], (P, 2), 0, N)
    path_nodes = jax.random.randint(ks[3], (P, L), 0, N)
    path_lengths = jax.random.randint(ks[4], (P,), 1, L + 1)  # lengths in [1, L]
    W_gnn = jax.random.normal(ks[5], (D, D), dtype=jnp.float32) * s
    b_gnn = jnp.zeros((D,), dtype=jnp.float32)
    W_path = jax.random.normal(ks[6], (D, D), dtype=jnp.float32) * s
    b_path = jnp.zeros((D,), dtype=jnp.float32)
    W1 = jax.random.normal(ks[7], (3 * D, D), dtype=jnp.float32) * s
    b1 = jnp.zeros((D,), dtype=jnp.float32)
    W2 = jax.random.normal(ks[8], (D, 1), dtype=jnp.float32) * s
    b2 = jnp.zeros((1,), dtype=jnp.float32)
    return {"x": x, "W_gnn": W_gnn, "b_gnn": b_gnn, "W_path": W_path,
            "b_path": b_path, "W1": W1, "b1": b1, "W2": W2, "b2": b2,
            "edge_index": edge_index, "edge_pairs": edge_pairs,
            "path_nodes": path_nodes, "path_lengths": path_lengths}


def reference(x, W_gnn, b_gnn, W_path, b_path, W1, b1, W2, b2,
              edge_index, edge_pairs, path_nodes, path_lengths):
    # --- gnn_encoder: mean-aggregation GCN layer (h = relu(mean_agg(x) @ W + b)) ---
    src = edge_index[0]
    dst = edge_index[1]
    agg = jax.ops.segment_sum(x[src], dst, num_segments=N)
    deg = jax.ops.segment_sum(jnp.ones((E,), dtype=x.dtype), dst, num_segments=N)
    h = jax.nn.relu((agg / jnp.maximum(deg, 1.0)[:, None]) @ W_gnn + b_gnn)

    # --- endpoint embeddings ---
    h_u = h[edge_pairs[:, 0]]
    h_v = h[edge_pairs[:, 1]]

    # --- all_paths = paths + flipped paths (padded representation of pad_sequence) ---
    ar = jnp.arange(L)
    rev_idx = jnp.clip(path_lengths[:, None] - 1 - ar[None, :], 0, L - 1)
    path_nodes_rev = jnp.take_along_axis(path_nodes, rev_idx, axis=1)
    all_nodes = jnp.concatenate([path_nodes, path_nodes_rev], axis=0)          # [2P, L]
    all_lengths = jnp.concatenate([path_lengths, path_lengths], axis=0)        # [2P]

    # --- gather node embeddings along paths (torch.index_select + pad_sequence) ---
    emb = h[all_nodes]                                                         # [2P, L, D]
    padding_mask = ar[None, :] >= all_lengths[:, None]                         # True = pad
    valid = (~padding_mask).astype(h.dtype)
    emb = emb * valid[:, :, None]

    # --- path_encoder: masked mean pool over valid positions + linear + relu ---
    mean = emb.sum(axis=1) / all_lengths[:, None].astype(h.dtype)
    h_path_combined = jax.nn.relu(mean @ W_path + b_path)                      # [2P, D]

    half = h_path_combined.shape[0] // 2
    h_path = h_path_combined[:half] + h_path_combined[half:]                   # [P, D]

    # --- predictor: 2-layer MLP on concat(h_u, h_v, h_path) ---
    z = jnp.concatenate([h_u, h_v, h_path], axis=-1)                           # [P, 3D]
    out = jax.nn.relu(z @ W1 + b1) @ W2 + b2                                   # [P, 1]
    return out

if __name__ == "__main__":
    import jax
    _d = setup_inputs()
    print(jax.jit(kernel)(*tuple(_d.values())))

</pallas_src>

<mosaic_0001>
#map = affine_map<(d0, d1) -> (0, 0)>
#map1 = affine_map<(d0, d1) -> (0)>
module attributes {stable_mosaic.version = 14 : i64} {
  func.func @_dega_body(%arg0: i32, %arg1: i32, %arg2: memref<32x5000xi32, #tpu.memory_space<hbm>>, %arg3: memref<327680xf32, #tpu.memory_space<hbm>>, %arg4: memref<5000xi32, #tpu.memory_space<vmem>>, %arg5: memref<10240xf32, #tpu.memory_space<vmem>>) attributes {dimension_semantics = [#tpu.dimension_semantics<core_parallel>, #tpu.dimension_semantics<subcore_parallel>], iteration_bounds = array<i64: 2, 16>, scalar_prefetch = 0 : i64, scratch_operands = 2 : i64, tpu.core_type = #tpu.core_type<sc_vector_subcore>, window_params = [{transform_indices = #map}, {transform_indices = #map1}]} {
    %mul3A = arith.constant 16 : i32
    %mul3A_0 = arith.muli %arg0, %mul3A : i32
    %add3A = arith.addi %mul3A_0, %arg1 : i32
    %broadcast_in_dim3A = arith.constant 0.000000e+00 : f32
    %broadcast_in_dim3A_1 = vector.broadcast %broadcast_in_dim3A : f32 to vector<16xf32>
    %iota3A = tpu.iota {dimensions = array<i32: 0>} : vector<16xi32>
    "tpu.region"() ({
      %run_scoped3A = tpu.sem_alloc : memref<!tpu.dma_semaphore, #tpu.memory_space<semaphore_mem>>
      %dma_start3A = arith.constant 0 : i32
      %dma_start3A_20 = tpu.memref_slice %arg2[%add3A, %dma_start3A] : memref<32x5000xi32, #tpu.memory_space<hbm>> -> memref<1x5000xi32, #tpu.memory_space<hbm>>
      %dma_start3A_21 = tpu.memref_squeeze %dma_start3A_20 : memref<1x5000xi32, #tpu.memory_space<hbm>> -> memref<5000xi32, #tpu.memory_space<hbm>>
      %dma_start3A_22 = arith.constant 0 : i32
      %dma_start3A_23 = tpu.memref_slice %arg2[%add3A, %dma_start3A_22] : memref<32x5000xi32, #tpu.memory_space<hbm>> -> memref<1x5000xi32, #tpu.memory_space<hbm>>
      %dma_start3A_24 = tpu.memref_squeeze %dma_start3A_23 : memref<1x5000xi32, #tpu.memory_space<hbm>> -> memref<5000xi32, #tpu.memory_space<hbm>>
      tpu.enqueue_dma source(%dma_start3A_24 : memref<5000xi32, #tpu.memory_space<hbm>>) target(%arg4 : memref<5000xi32, #tpu.memory_space<vmem>>) target_semaphore(%run_scoped3A : memref<!tpu.dma_semaphore, #tpu.memory_space<semaphore_mem>>)
      %dma_wait3A = arith.constant 0 : i32
      %dma_wait3A_25 = tpu.memref_slice %arg2[%add3A, %dma_wait3A] : memref<32x5000xi32, #tpu.memory_space<hbm>> -> memref<1x5000xi32, #tpu.memory_space<hbm>>
      %dma_wait3A_26 = tpu.memref_squeeze %dma_wait3A_25 : memref<1x5000xi32, #tpu.memory_space<hbm>> -> memref<5000xi32, #tpu.memory_space<hbm>>
      %dma_wait3A_27 = arith.constant 0 : i32
      %dma_wait3A_28 = tpu.memref_slice %arg2[%add3A, %dma_wait3A_27] : memref<32x5000xi32, #tpu.memory_space<hbm>> -> memref<1x5000xi32, #tpu.memory_space<hbm>>
      %dma_wait3A_29 = tpu.memref_squeeze %dma_wait3A_28 : memref<1x5000xi32, #tpu.memory_space<hbm>> -> memref<5000xi32, #tpu.memory_space<hbm>>
      tpu.wait_dma2 semaphore(%run_scoped3A : memref<!tpu.dma_semaphore, #tpu.memory_space<semaphore_mem>>) src(%dma_wait3A_29 : memref<5000xi32, #tpu.memory_space<hbm>>) dst(%arg4 : memref<5000xi32, #tpu.memory_space<vmem>>)
      tpu.yield
    }) : () -> ()
    %scan3A = arith.constant 0 : i32
    %scan3A_2 = arith.constant 0 : i32
    %scan3A_3 = arith.constant 640 : i32
    %scan3A_4 = arith.addi %scan3A_2, %scan3A_3 : i32
    %scan3A_5 = arith.constant 1 : i32
    scf.for %scan3A_20 = %scan3A_2 to %scan3A_4 step %scan3A_5  : i32 {
      %mul3A_21 = arith.constant 16 : i32
      %mul3A_22 = arith.muli %scan3A_20, %mul3A_21 : i32
      %swap3A = arith.index_cast %mul3A_22 : i32 to index
      %swap3A_23 = tpu.vector_load %arg5[%swap3A] {strides = array<i32>} : memref<10240xf32, #tpu.memory_space<vmem>>, vector<16xf32>,
      tpu.vector_store %arg5[%swap3A], %broadcast_in_dim3A_1 {strides = array<i32>} : memref<10240xf32, #tpu.memory_space<vmem>>, vector<16xf32>,
    }
    %scan3A_6 = arith.constant 640 : i32
    %scan3A_7 = arith.constant 0 : i32
    %scan3A_8 = arith.constant 0 : i32
    %scan3A_9 = arith.constant 312 : i32
    %scan3A_10 = arith.addi %scan3A_8, %scan3A_9 : i32
    %scan3A_11 = arith.constant 1 : i32
    scf.for %scan3A_20 = %scan3A_8 to %scan3A_10 step %scan3A_11  : i32 {
      %mul3A_21 = arith.constant 16 : i32
      %mul3A_22 = arith.muli %scan3A_20, %mul3A_21 : i32
      %get3A_23 = arith.index_cast %mul3A_22 : i32 to index
      %get3A_24 = tpu.vector_load %arg4[%get3A_23] {strides = array<i32>} : memref<5000xi32, #tpu.memory_space<vmem>>, vector<16xi32>,
      %broadcast_in_dim3A_25 = arith.constant true
      %broadcast_in_dim3A_26 = vector.broadcast %broadcast_in_dim3A_25 : i1 to vector<16xi1>
      %unique3A_27, %unique3A_28 = tpu.scan_count mask(%broadcast_in_dim3A_26 : vector<16xi1>) value(%get3A_24 : vector<16xi32>) : vector<16xi1>, vector<16xi32>
      %gather3A_29 = tpu.vector_load_idx %arg5[%get3A_24] masked %unique3A_27 : memref<10240xf32, #tpu.memory_space<vmem>>[vector<16xi32>], vector<16xf32>, vector<16xi1>
      %convert_element_type3A_30 = arith.sitofp %unique3A_28 : vector<16xi32> to vector<16xf32>
      %add3A_31 = arith.addf %gather3A_29, %convert_element_type3A_30 : vector<16xf32>
      tpu.vector_store_idx %arg5[%get3A_24], %add3A_31 masked %unique3A_27 : memref<10240xf32, #tpu.memory_space<vmem>>[vector<16xi32>], vector<16xf32>, vector<16xi1>
    }
    %scan3A_12 = arith.constant 312 : i32
    %get3A = arith.constant 4984 : index
    %get3A_13 = tpu.vector_load %arg4[%get3A] {strides = array<i32>} : memref<5000xi32, #tpu.memory_space<vmem>>, vector<16xi32>,
    %ge3A = arith.constant 8 : i32
    %ge3A_14 = vector.broadcast %ge3A : i32 to vector<16xi32>
    %ge3A_15 = arith.cmpi sge, %iota3A, %ge3A_14 : vector<16xi32>
    %unique3A, %unique3A_16 = tpu.scan_count mask(%ge3A_15 : vector<16xi1>) value(%get3A_13 : vector<16xi32>) : vector<16xi1>, vector<16xi32>
    %gather3A = tpu.vector_load_idx %arg5[%get3A_13] masked %unique3A : memref<10240xf32, #tpu.memory_space<vmem>>[vector<16xi32>], vector<16xf32>, vector<16xi1>
    %convert_element_type3A = arith.sitofp %unique3A_16 : vector<16xi32> to vector<16xf32>
    %add3A_17 = arith.addf %gather3A, %convert_element_type3A : vector<16xf32>
    tpu.vector_store_idx %arg5[%get3A_13], %add3A_17 masked %unique3A : memref<10240xf32, #tpu.memory_space<vmem>>[vector<16xi32>], vector<16xf32>, vector<16xi1>
    %mul3A_18 = arith.constant 10240 : i32
    %mul3A_19 = arith.muli %add3A, %mul3A_18 : i32
    "tpu.region"() ({
      %run_scoped3A = tpu.sem_alloc : memref<!tpu.dma_semaphore, #tpu.memory_space<semaphore_mem>>
      %dma_start3A = tpu.memref_slice %arg3[%mul3A_19] : memref<327680xf32, #tpu.memory_space<hbm>> -> memref<10240xf32, #tpu.memory_space<hbm>>
      %dma_start3A_20 = tpu.memref_slice %arg3[%mul3A_19] : memref<327680xf32, #tpu.memory_space<hbm>> -> memref<10240xf32, #tpu.memory_space<hbm>>
      tpu.enqueue_dma source(%arg5 : memref<10240xf32, #tpu.memory_space<vmem>>) target(%dma_start3A_20 : memref<10240xf32, #tpu.memory_space<hbm>>) target_semaphore(%run_scoped3A : memref<!tpu.dma_semaphore, #tpu.memory_space<semaphore_mem>>)
      %dma_wait3A = tpu.memref_slice %arg3[%mul3A_19] : memref<327680xf32, #tpu.memory_space<hbm>> -> memref<10240xf32, #tpu.memory_space<hbm>>
      %dma_wait3A_21 = tpu.memref_slice %arg3[%mul3A_19] : memref<327680xf32, #tpu.memory_space<hbm>> -> memref<10240xf32, #tpu.memory_space<hbm>>
      tpu.wait_dma2 semaphore(%run_scoped3A : memref<!tpu.dma_semaphore, #tpu.memory_space<semaphore_mem>>) src(%arg5 : memref<10240xf32, #tpu.memory_space<vmem>>) dst(%dma_wait3A_21 : memref<10240xf32, #tpu.memory_space<hbm>>)
      tpu.yield
    }) : () -> ()
    return
  }
}

#map = affine_map<(d0, d1) -> (0, 0)>
#map1 = affine_map<(d0, d1) -> (0, 0, 0)>
module attributes {stable_mosaic.version = 14 : i64} {
  func.func @_edge_agg_body(%arg0: i32, %arg1: i32, %arg2: memref<10000x128xf32, #tpu.memory_space<hbm>>, %arg3: memref<10000x128xf32, #tpu.memory_space<hbm>>, %arg4: memref<16x10000xi32, #tpu.memory_space<hbm>>, %arg5: memref<16x125x80xi32, #tpu.memory_space<hbm>>, %arg6: memref<10240x128xf32, #tpu.memory_space<hbm>>, %arg7: memref<10240x128xf32, #tpu.memory_space<hbm>>, %arg8: memref<10000xi32, #tpu.memory_space<vmem>>, %arg9: memref<125x80xi32, #tpu.memory_space<vmem>>, %arg10: memref<80x128xf32, #tpu.memory_space<vmem>>, %arg11: memref<80x128xf32, #tpu.memory_space<vmem>>, %arg12: memref<10240x128xf32, #tpu.memory_space<vmem_shared>>, %arg13: memref<!tpu.dma_semaphore, #tpu.memory_space<semaphore_mem>>, %arg14: memref<!tpu.dma_semaphore, #tpu.memory_space<semaphore_mem>>) attributes {dimension_semantics = [#tpu.dimension_semantics<core_parallel>, #tpu.dimension_semantics<subcore_parallel>], iteration_bounds = array<i64: 2, 16>, scalar_prefetch = 0 : i64, scratch_operands = 7 : i64, tpu.core_type = #tpu.core_type<sc_vector_subcore>, window_params = [{transform_indices = #map}, {transform_indices = #map}, {transform_indices = #map}, {transform_indices = #map1}, {transform_indices = #map}, {transform_indices = #map}]} {
    %broadcast_in_dim3A = arith.constant 0.000000e+00 : f32
    %broadcast_in_dim3A_0 = vector.broadcast %broadcast_in_dim3A : f32 to vector<16xf32>
    "tpu.region"() ({
      %run_scoped3A = tpu.sem_alloc : memref<!tpu.dma_semaphore, #tpu.memory_space<semaphore_mem>>
      %dma_start3A = arith.constant 0 : i32
      %dma_start3A_126 = tpu.memref_slice %arg4[%arg1, %dma_start3A] : memref<16x10000xi32, #tpu.memory_space<hbm>> -> memref<1x10000xi32, #tpu.memory_space<hbm>>
      %dma_start3A_127 = tpu.memref_squeeze %dma_start3A_126 : memref<1x10000xi32, #tpu.memory_space<hbm>> -> memref<10000xi32, #tpu.memory_space<hbm>>
      %dma_start3A_128 = arith.constant 0 : i32
      %dma_start3A_129 = tpu.memref_slice %arg4[%arg1, %dma_start3A_128] : memref<16x10000xi32, #tpu.memory_space<hbm>> -> memref<1x10000xi32, #tpu.memory_space<hbm>>
      %dma_start3A_130 = tpu.memref_squeeze %dma_start3A_129 : memref<1x10000xi32, #tpu.memory_space<hbm>> -> memref<10000xi32, #tpu.memory_space<hbm>>
      tpu.enqueue_dma source(%dma_start3A_130 : memref<10000xi32, #tpu.memory_space<hbm>>) target(%arg8 : memref<10000xi32, #tpu.memory_space<vmem>>) target_semaphore(%run_scoped3A : memref<!tpu.dma_semaphore, #tpu.memory_space<semaphore_mem>>)
      %dma_wait3A = arith.constant 0 : i32
      %dma_wait3A_131 = tpu.memref_slice %arg4[%arg1, %dma_wait3A] : memref<16x10000xi32, #tpu.memory_space<hbm>> -> memref<1x10000xi32, #tpu.memory_space<hbm>>
      %dma_wait3A_132 = tpu.memref_squeeze %dma_wait3A_131 : memref<1x10000xi32, #tpu.memory_space<hbm>> -> memref<10000xi32, #tpu.memory_space<hbm>>
      %dma_wait3A_133 = arith.constant 0 : i32
      %dma_wait3A_134 = tpu.memref_slice %arg4[%arg1, %dma_wait3A_133] : memref<16x10000xi32, #tpu.memory_space<hbm>> -> memref<1x10000xi32, #tpu.memory_space<hbm>>
      %dma_wait3A_135 = tpu.memref_squeeze %dma_wait3A_134 : memref<1x10000xi32, #tpu.memory_space<hbm>> -> memref<10000xi32, #tpu.memory_space<hbm>>
      tpu.wait_dma2 semaphore(%run_scoped3A : memref<!tpu.dma_semaphore, #tpu.memory_space<semaphore_mem>>) src(%dma_wait3A_135 : memref<10000xi32, #tpu.memory_space<hbm>>) dst(%arg8 : memref<10000xi32, #tpu.memory_space<vmem>>)
      tpu.yield
    }) : () -> ()
    "tpu.region"() ({
      %run_scoped3A = tpu.sem_alloc : memref<!tpu.dma_semaphore, #tpu.memory_space<semaphore_mem>>
      %dma_start3A = arith.constant 0 : i32
      %dma_start3A_126 = arith.constant 0 : i32
      %dma_start3A_127 = tpu.memref_slice %arg5[%arg1, %dma_start3A, %dma_start3A_126] : memref<16x125x80xi32, #tpu.memory_space<hbm>> -> memref<1x125x80xi32, #tpu.memory_space<hbm>>
      %dma_start3A_128 = tpu.memref_squeeze %dma_start3A_127 : memref<1x125x80xi32, #tpu.memory_space<hbm>> -> memref<125x80xi32, #tpu.memory_space<hbm>>
      %dma_start3A_129 = arith.constant 0 : i32
      %dma_start3A_130 = arith.constant 0 : i32
      %dma_start3A_131 = tpu.memref_slice %arg5[%arg1, %dma_start3A_129, %dma_start3A_130] : memref<16x125x80xi32, #tpu.memory_space<hbm>> -> memref<1x125x80xi32, #tpu.memory_space<hbm>>
      %dma_start3A_132 = tpu.memref_squeeze %dma_start3A_131 : memref<1x125x80xi32, #tpu.memory_space<hbm>> -> memref<125x80xi32, #tpu.memory_space<hbm>>
      tpu.enqueue_dma source(%dma_start3A_132 : memref<125x80xi32, #tpu.memory_space<hbm>>) target(%arg9 : memref<125x80xi32, #tpu.memory_space<vmem>>) target_semaphore(%run_scoped3A : memref<!tpu.dma_semaphore, #tpu.memory_space<semaphore_mem>>)
      %dma_wait3A = arith.constant 0 : i32
      %dma_wait3A_133 = arith.constant 0 : i32
      %dma_wait3A_134 = tpu.memref_slice %arg5[%arg1, %dma_wait3A, %dma_wait3A_133] : memref<16x125x80xi32, #tpu.memory_space<hbm>> -> memref<1x125x80xi32, #tpu.memory_space<hbm>>
      %dma_wait3A_135 = tpu.memref_squeeze %dma_wait3A_134 : memref<1x125x80xi32, #tpu.memory_space<hbm>> -> memref<125x80xi32, #tpu.memory_space<hbm>>
      %dma_wait3A_136 = arith.constant 0 : i32
      %dma_wait3A_137 = arith.constant 0 : i32
      %dma_wait3A_138 = tpu.memref_slice %arg5[%arg1, %dma_wait3A_136, %dma_wait3A_137] : memref<16x125x80xi32, #tpu.memory_space<hbm>> -> memref<1x125x80xi32, #tpu.memory_space<hbm>>
      %dma_wait3A_139 = tpu.memref_squeeze %dma_wait3A_138 : memref<1x125x80xi32, #tpu.memory_space<hbm>> -> memref<125x80xi32, #tpu.memory_space<hbm>>
      tpu.wait_dma2 semaphore(%run_scoped3A : memref<!tpu.dma_semaphore, #tpu.memory_space<semaphore_mem>>) src(%dma_wait3A_139 : memref<125x80xi32, #tpu.memory_space<hbm>>) dst(%arg9 : memref<125x80xi32, #tpu.memory_space<vmem>>)
      tpu.yield
    }) : () -> ()
    %scan3A = arith.constant 0 : i32
    %scan3A_1 = arith.constant 0 : i32
    %scan3A_2 = arith.constant 80 : i32
    %scan3A_3 = arith.addi %scan3A_1, %scan3A_2 : i32
    %scan3A_4 = arith.constant 1 : i32
    scf.for %scan3A_126 = %scan3A_1 to %scan3A_3 step %scan3A_4  : i32 {
      %swap3A = arith.index_cast %scan3A_126 : i32 to index
      %swap3A_127 = arith.constant 0 : index
      %swap3A_128 = tpu.vector_load %arg10[%swap3A, %swap3A_127] {strides = array<i32>} : memref<80x128xf32, #tpu.memory_space<vmem>>, vector<1x16xf32>,
      %swap3A_129 = vector.shape_cast %swap3A_128 : vector<1x16xf32> to vector<16xf32>
      %swap3A_130 = vector.shape_cast %broadcast_in_dim3A_0 : vector<16xf32> to vector<1x16xf32>
      tpu.vector_store %arg10[%swap3A, %swap3A_127], %swap3A_130 {strides = array<i32>} : memref<80x128xf32, #tpu.memory_space<vmem>>, vector<1x16xf32>,
      %swap3A_131 = arith.index_cast %scan3A_126 : i32 to index
      %swap3A_132 = arith.constant 16 : index
      %swap3A_133 = tpu.vector_load %arg10[%swap3A_131, %swap3A_132] {strides = array<i32>} : memref<80x128xf32, #tpu.memory_space<vmem>>, vector<1x16xf32>,
      %swap3A_134 = vector.shape_cast %swap3A_133 : vector<1x16xf32> to vector<16xf32>
      %swap3A_135 = vector.shape_cast %broadcast_in_dim3A_0 : vector<16xf32> to vector<1x16xf32>
      tpu.vector_store %arg10[%swap3A_131, %swap3A_132], %swap3A_135 {strides = array<i32>} : memref<80x128xf32, #tpu.memory_space<vmem>>, vector<1x16xf32>,
      %swap3A_136 = arith.index_cast %scan3A_126 : i32 to index
      %swap3A_137 = arith.constant 32 : index
      %swap3A_138 = tpu.vector_load %arg10[%swap3A_136, %swap3A_137] {strides = array<i32>} : memref<80x128xf32, #tpu.memory_space<vmem>>, vector<1x16xf32>,
      %swap3A_139 = vector.shape_cast %swap3A_138 : vector<1x16xf32> to vector<16xf32>
      %swap3A_140 = vector.shape_cast %broadcast_in_dim3A_0 : vector<16xf32> to vector<1x16xf32>
      tpu.vector_store %arg10[%swap3A_136, %swap3A_137], %swap3A_140 {strides = array<i32>} : memref<80x128xf32, #tpu.memory_space<vmem>>, vector<1x16xf32>,
      %swap3A_141 = arith.index_cast %scan3A_126 : i32 to index
      %swap3A_142 = arith.constant 48 : index
      %swap3A_143 = tpu.vector_load %arg10[%swap3A_141, %swap3A_142] {strides = array<i32>} : memref<80x128xf32, #tpu.memory_space<vmem>>, vector<1x16xf32>,
      %swap3A_144 = vector.shape_cast %swap3A_143 : vector<1x16xf32> to vector<16xf32>
      %swap3A_145 = vector.shape_cast %broadcast_in_dim3A_0 : vector<16xf32> to vector<1x16xf32>
      tpu.vector_store %arg10[%swap3A_141, %swap3A_142], %swap3A_145 {strides = array<i32>} : memref<80x128xf32, #tpu.memory_space<vmem>>, vector<1x16xf32>,
      %swap3A_146 = arith.index_cast %scan3A_126 : i32 to index
      %swap3A_147 = arith.constant 64 : index
      %swap3A_148 = tpu.vector_load %arg10[%swap3A_146, %swap3A_147] {strides = array<i32>} : memref<80x128xf32, #tpu.memory_space<vmem>>, vector<1x16xf32>,
      %swap3A_149 = vector.shape_cast %swap3A_148 : vector<1x16xf32> to vector<16xf32>
      %swap3A_150 = vector.shape_cast %broadcast_in_dim3A_0 : vector<16xf32> to vector<1x16xf32>
      tpu.vector_store %arg10[%swap3A_146, %swap3A_147], %swap3A_150 {strides = array<i32>} : memref<80x128xf32, #tpu.memory_space<vmem>>, vector<1x16xf32>,
      %swap3A_151 = arith.index_cast %scan3A_126 : i32 to index
      %swap3A_152 = arith.constant 80 : index
      %swap3A_153 = tpu.vector_load %arg10[%swap3A_151, %swap3A_152] {strides = array<i32>} : memref<80x128xf32, #tpu.memory_space<vmem>>, vector<1x16xf32>,
      %swap3A_154 = vector.shape_cast %swap3A_153 : vector<1x16xf32> to vector<16xf32>
      %swap3A_155 = vector.shape_cast %broadcast_in_dim3A_0 : vector<16xf32> to vector<1x16xf32>
      tpu.vector_store %arg10[%swap3A_151, %swap3A_152], %swap3A_155 {strides = array<i32>} : memref<80x128xf32, #tpu.memory_space<vmem>>, vector<1x16xf32>,
      %swap3A_156 = arith.index_cast %scan3A_126 : i32 to index
      %swap3A_157 = arith.constant 96 : index
      %swap3A_158 = tpu.vector_load %arg10[%swap3A_156, %swap3A_157] {strides = array<i32>} : memref<80x128xf32, #tpu.memory_space<vmem>>, vector<1x16xf32>,
      %swap3A_159 = vector.shape_cast %swap3A_158 : vector<1x16xf32> to vector<16xf32>
      %swap3A_160 = vector.shape_cast %broadcast_in_dim3A_0 : vector<16xf32> to vector<1x16xf32>
      tpu.vector_store %arg10[%swap3A_156, %swap3A_157], %swap3A_160 {strides = array<i32>} : memref<80x128xf32, #tpu.memory_space<vmem>>, vector<1x16xf32>,
      %swap3A_161 = arith.index_cast %scan3A_126 : i32 to index
      %swap3A_162 = arith.constant 112 : index
      %swap3A_163 = tpu.vector_load %arg10[%swap3A_161, %swap3A_162] {strides = array<i32>} : memref<80x128xf32, #tpu.memory_space<vmem>>, vector<1x16xf32>,
      %swap3A_164 = vector.shape_cast %swap3A_163 : vector<1x16xf32> to vector<16xf32>
      %swap3A_165 = vector.shape_cast %broadcast_in_dim3A_0 : vector<16xf32> to vector<1x16xf32>
      tpu.vector_store %arg10[%swap3A_161, %swap3A_162], %swap3A_165 {strides = array<i32>} : memref<80x128xf32, #tpu.memory_space<vmem>>, vector<1x16xf32>,
    }
    %scan3A_5 = arith.constant 80 : i32
    %mul3A = arith.constant 640 : i32
    %mul3A_6 = arith.muli %arg1, %mul3A : i32
    %add3A = arith.constant 0 : i32
    %add3A_7 = arith.addi %mul3A_6, %add3A : i32
    "tpu.region"() ({
      %run_scoped3A = tpu.sem_alloc : memref<!tpu.dma_semaphore, #tpu.memory_space<semaphore_mem>>
      %dma_start3A = arith.constant 0 : i32
      %dma_start3A_126 = tpu.memref_slice %arg12[%add3A_7, %dma_start3A] : memref<10240x128xf32, #tpu.memory_space<vmem_shared>> -> memref<80x128xf32, #tpu.memory_space<vmem_shared>>
      %dma_start3A_127 = arith.constant 0 : i32
      %dma_start3A_128 = tpu.memref_slice %arg12[%add3A_7, %dma_start3A_127] : memref<10240x128xf32, #tpu.memory_space<vmem_shared>> -> memref<80x128xf32, #tpu.memory_space<vmem_shared>>
      tpu.enqueue_dma source(%arg10 : memref<80x128xf32, #tpu.memory_space<vmem>>) target(%dma_start3A_128 : memref<80x128xf32, #tpu.memory_space<vmem_shared>>) target_semaphore(%run_scoped3A : memref<!tpu.dma_semaphore, #tpu.memory_space<semaphore_mem>>)
      %dma_wait3A = arith.constant 0 : i32
      %dma_wait3A_129 = tpu.memref_slice %arg12[%add3A_7, %dma_wait3A] : memref<10240x128xf32, #tpu.memory_space<vmem_shared>> -> memref<80x128xf32, #tpu.memory_space<vmem_shared>>
      %dma_wait3A_130 = arith.constant 0 : i32
      %dma_wait3A_131 = tpu.memref_slice %arg12[%add3A_7, %dma_wait3A_130] : memref<10240x128xf32, #tpu.memory_space<vmem_shared>> -> memref<80x128xf32, #tpu.memory_space<vmem_shared>>
      tpu.wait_dma2 semaphore(%run_scoped3A : memref<!tpu.dma_semaphore, #tpu.memory_space<semaphore_mem>>) src(%arg10 : memref<80x128xf32, #tpu.memory_space<vmem>>) dst(%dma_wait3A_131 : memref<80x128xf32, #tpu.memory_space<vmem_shared>>)
      tpu.yield
    }) : () -> ()
    %add3A_8 = arith.constant 80 : i32
    %add3A_9 = arith.addi %mul3A_6, %add3A_8 : i32
    "tpu.region"() ({
      %run_scoped3A = tpu.sem_alloc : memref<!tpu.dma_semaphore, #tpu.memory_space<semaphore_mem>>
      %dma_start3A = arith.constant 0 : i32
      %dma_start3A_126 = tpu.memref_slice %arg12[%add3A_9, %dma_start3A] : memref<10240x128xf32, #tpu.memory_space<vmem_shared>> -> memref<80x128xf32, #tpu.memory_space<vmem_shared>>
      %dma_start3A_127 = arith.constant 0 : i32
      %dma_start3A_128 = tpu.memref_slice %arg12[%add3A_9, %dma_start3A_127] : memref<10240x128xf32, #tpu.memory_space<vmem_shared>> -> memref<80x128xf32, #tpu.memory_space<vmem_shared>>
      tpu.enqueue_dma source(%arg10 : memref<80x128xf32, #tpu.memory_space<vmem>>) target(%dma_start3A_128 : memref<80x128xf32, #tpu.memory_space<vmem_shared>>) target_semaphore(%run_scoped3A : memref<!tpu.dma_semaphore, #tpu.memory_space<semaphore_mem>>)
      %dma_wait3A = arith.constant 0 : i32
      %dma_wait3A_129 = tpu.memref_slice %arg12[%add3A_9, %dma_wait3A] : memref<10240x128xf32, #tpu.memory_space<vmem_shared>> -> memref<80x128xf32, #tpu.memory_space<vmem_shared>>
      %dma_wait3A_130 = arith.constant 0 : i32
      %dma_wait3A_131 = tpu.memref_slice %arg12[%add3A_9, %dma_wait3A_130] : memref<10240x128xf32, #tpu.memory_space<vmem_shared>> -> memref<80x128xf32, #tpu.memory_space<vmem_shared>>
      tpu.wait_dma2 semaphore(%run_scoped3A : memref<!tpu.dma_semaphore, #tpu.memory_space<semaphore_mem>>) src(%arg10 : memref<80x128xf32, #tpu.memory_space<vmem>>) dst(%dma_wait3A_131 : memref<80x128xf32, #tpu.memory_space<vmem_shared>>)
      tpu.yield
    }) : () -> ()
    %add3A_10 = arith.constant 160 : i32
    %add3A_11 = arith.addi %mul3A_6, %add3A_10 : i32
    "tpu.region"() ({
      %run_scoped3A = tpu.sem_alloc : memref<!tpu.dma_semaphore, #tpu.memory_space<semaphore_mem>>
      %dma_start3A = arith.constant 0 : i32
      %dma_start3A_126 = tpu.memref_slice %arg12[%add3A_11, %dma_start3A] : memref<10240x128xf32, #tpu.memory_space<vmem_shared>> -> memref<80x128xf32, #tpu.memory_space<vmem_shared>>
      %dma_start3A_127 = arith.constant 0 : i32
      %dma_start3A_128 = tpu.memref_slice %arg12[%add3A_11, %dma_start3A_127] : memref<10240x128xf32, #tpu.memory_space<vmem_shared>> -> memref<80x128xf32, #tpu.memory_space<vmem_shared>>
      tpu.enqueue_dma source(%arg10 : memref<80x128xf32, #tpu.memory_space<vmem>>) target(%dma_start3A_128 : memref<80x128xf32, #tpu.memory_space<vmem_shared>>) target_semaphore(%run_scoped3A : memref<!tpu.dma_semaphore, #tpu.memory_space<semaphore_mem>>)
      %dma_wait3A = arith.constant 0 : i32
      %dma_wait3A_129 = tpu.memref_slice %arg12[%add3A_11, %dma_wait3A] : memref<10240x128xf32, #tpu.memory_space<vmem_shared>> -> memref<80x128xf32, #tpu.memory_space<vmem_shared>>
      %dma_wait3A_130 = arith.constant 0 : i32
      %dma_wait3A_131 = tpu.memref_slice %arg12[%add3A_11, %dma_wait3A_130] : memref<10240x128xf32, #tpu.memory_space<vmem_shared>> -> memref<80x128xf32, #tpu.memory_space<vmem_shared>>
      tpu.wait_dma2 semaphore(%run_scoped3A : memref<!tpu.dma_semaphore, #tpu.memory_space<semaphore_mem>>) src(%arg10 : memref<80x128xf32, #tpu.memory_space<vmem>>) dst(%dma_wait3A_131 : memref<80x128xf32, #tpu.memory_space<vmem_shared>>)
      tpu.yield
    }) : () -> ()
    %add3A_12 = arith.constant 240 : i32
    %add3A_13 = arith.addi %mul3A_6, %add3A_12 : i32
    "tpu.region"() ({
      %run_scoped3A = tpu.sem_alloc : memref<!tpu.dma_semaphore, #tpu.memory_space<semaphore_mem>>
      %dma_start3A = arith.constant 0 : i32
      %dma_start3A_126 = tpu.memref_slice %arg12[%add3A_13, %dma_start3A] : memref<10240x128xf32, #tpu.memory_space<vmem_shared>> -> memref<80x128xf32, #tpu.memory_space<vmem_shared>>
      %dma_start3A_127 = arith.constant 0 : i32
      %dma_start3A_128 = tpu.memref_slice %arg12[%add3A_13, %dma_start3A_127] : memref<10240x128xf32, #tpu.memory_space<vmem_shared>> -> memref<80x128xf32, #tpu.memory_space<vmem_shared>>
      tpu.enqueue_dma source(%arg10 : memref<80x128xf32, #tpu.memory_space<vmem>>) target(%dma_start3A_128 : memref<80x128xf32, #tpu.memory_space<vmem_shared>>) target_semaphore(%run_scoped3A : memref<!tpu.dma_semaphore, #tpu.memory_space<semaphore_mem>>)
      %dma_wait3A = arith.constant 0 : i32
      %dma_wait3A_129 = tpu.memref_slice %arg12[%add3A_13, %dma_wait3A] : memref<10240x128xf32, #tpu.memory_space<vmem_shared>> -> memref<80x128xf32, #tpu.memory_space<vmem_shared>>
      %dma_wait3A_130 = arith.constant 0 : i32
      %dma_wait3A_131 = tpu.memref_slice %arg12[%add3A_13, %dma_wait3A_130] : memref<10240x128xf32, #tpu.memory_space<vmem_shared>> -> memref<80x128xf32, #tpu.memory_space<vmem_shared>>
      tpu.wait_dma2 semaphore(%run_scoped3A : memref<!tpu.dma_semaphore, #tpu.memory_space<semaphore_mem>>) src(%arg10 : memref<80x128xf32, #tpu.memory_space<vmem>>) dst(%dma_wait3A_131 : memref<80x128xf32, #tpu.memory_space<vmem_shared>>)
      tpu.yield
    }) : () -> ()
    %add3A_14 = arith.constant 320 : i32
    %add3A_15 = arith.addi %mul3A_6, %add3A_14 : i32
    "tpu.region"() ({
      %run_scoped3A = tpu.sem_alloc : memref<!tpu.dma_semaphore, #tpu.memory_space<semaphore_mem>>
      %dma_start3A = arith.constant 0 : i32
      %dma_start3A_126 = tpu.memref_slice %arg12[%add3A_15, %dma_start3A] : memref<10240x128xf32, #tpu.memory_space<vmem_shared>> -> memref<80x128xf32, #tpu.memory_space<vmem_shared>>
      %dma_start3A_127 = arith.constant 0 : i32
      %dma_start3A_128 = tpu.memref_slice %arg12[%add3A_15, %dma_start3A_127] : memref<10240x128xf32, #tpu.memory_space<vmem_shared>> -> memref<80x128xf32, #tpu.memory_space<vmem_shared>>
      tpu.enqueue_dma source(%arg10 : memref<80x128xf32, #tpu.memory_space<vmem>>) target(%dma_start3A_128 : memref<80x128xf32, #tpu.memory_space<vmem_shared>>) target_semaphore(%run_scoped3A : memref<!tpu.dma_semaphore, #tpu.memory_space<semaphore_mem>>)
      %dma_wait3A = arith.constant 0 : i32
      %dma_wait3A_129 = tpu.memref_slice %arg12[%add3A_15, %dma_wait3A] : memref<10240x128xf32, #tpu.memory_space<vmem_shared>> -> memref<80x128xf32, #tpu.memory_space<vmem_shared>>
      %dma_wait3A_130 = arith.constant 0 : i32
      %dma_wait3A_131 = tpu.memref_slice %arg12[%add3A_15, %dma_wait3A_130] : memref<10240x128xf32, #tpu.memory_space<vmem_shared>> -> memref<80x128xf32, #tpu.memory_space<vmem_shared>>
      tpu.wait_dma2 semaphore(%run_scoped3A : memref<!tpu.dma_semaphore, #tpu.memory_space<semaphore_mem>>) src(%arg10 : memref<80x128xf32, #tpu.memory_space<vmem>>) dst(%dma_wait3A_131 : memref<80x128xf32, #tpu.memory_space<vmem_shared>>)
      tpu.yield
    }) : () -> ()
    %add3A_16 = arith.constant 400 : i32
    %add3A_17 = arith.addi %mul3A_6, %add3A_16 : i32
    "tpu.region"() ({
      %run_scoped3A = tpu.sem_alloc : memref<!tpu.dma_semaphore, #tpu.memory_space<semaphore_mem>>
      %dma_start3A = arith.constant 0 : i32
      %dma_start3A_126 = tpu.memref_slice %arg12[%add3A_17, %dma_start3A] : memref<10240x128xf32, #tpu.memory_space<vmem_shared>> -> memref<80x128xf32, #tpu.memory_space<vmem_shared>>
      %dma_start3A_127 = arith.constant 0 : i32
      %dma_start3A_128 = tpu.memref_slice %arg12[%add3A_17, %dma_start3A_127] : memref<10240x128xf32, #tpu.memory_space<vmem_shared>> -> memref<80x128xf32, #tpu.memory_space<vmem_shared>>
      tpu.enqueue_dma source(%arg10 : memref<80x128xf32, #tpu.memory_space<vmem>>) target(%dma_start3A_128 : memref<80x128xf32, #tpu.memory_space<vmem_shared>>) target_semaphore(%run_scoped3A : memref<!tpu.dma_semaphore, #tpu.memory_space<semaphore_mem>>)
      %dma_wait3A = arith.constant 0 : i32
      %dma_wait3A_129 = tpu.memref_slice %arg12[%add3A_17, %dma_wait3A] : memref<10240x128xf32, #tpu.memory_space<vmem_shared>> -> memref<80x128xf32, #tpu.memory_space<vmem_shared>>
      %dma_wait3A_130 = arith.constant 0 : i32
      %dma_wait3A_131 = tpu.memref_slice %arg12[%add3A_17, %dma_wait3A_130] : memref<10240x128xf32, #tpu.memory_space<vmem_shared>> -> memref<80x128xf32, #tpu.memory_space<vmem_shared>>
      tpu.wait_dma2 semaphore(%run_scoped3A : memref<!tpu.dma_semaphore, #tpu.memory_space<semaphore_mem>>) src(%arg10 : memref<80x128xf32, #tpu.memory_space<vmem>>) dst(%dma_wait3A_131 : memref<80x128xf32, #tpu.memory_space<vmem_shared>>)
      tpu.yield
    }) : () -> ()
    %add3A_18 = arith.constant 480 : i32
    %add3A_19 = arith.addi %mul3A_6, %add3A_18 : i32
    "tpu.region"() ({
      %run_scoped3A = tpu.sem_alloc : memref<!tpu.dma_semaphore, #tpu.memory_space<semaphore_mem>>
      %dma_start3A = arith.constant 0 : i32
      %dma_start3A_126 = tpu.memref_slice %arg12[%add3A_19, %dma_start3A] : memref<10240x128xf32, #tpu.memory_space<vmem_shared>> -> memref<80x128xf32, #tpu.memory_space<vmem_shared>>
      %dma_start3A_127 = arith.constant 0 : i32
      %dma_start3A_128 = tpu.memref_slice %arg12[%add3A_19, %dma_start3A_127] : memref<10240x128xf32, #tpu.memory_space<vmem_shared>> -> memref<80x128xf32, #tpu.memory_space<vmem_shared>>
      tpu.enqueue_dma source(%arg10 : memref<80x128xf32, #tpu.memory_space<vmem>>) target(%dma_start3A_128 : memref<80x128xf32, #tpu.memory_space<vmem_shared>>) target_semaphore(%run_scoped3A : memref<!tpu.dma_semaphore, #tpu.memory_space<semaphore_mem>>)
      %dma_wait3A = arith.constant 0 : i32
      %dma_wait3A_129 = tpu.memref_slice %arg12[%add3A_19, %dma_wait3A] : memref<10240x128xf32, #tpu.memory_space<vmem_shared>> -> memref<80x128xf32, #tpu.memory_space<vmem_shared>>
      %dma_wait3A_130 = arith.constant 0 : i32
      %dma_wait3A_131 = tpu.memref_slice %arg12[%add3A_19, %dma_wait3A_130] : memref<10240x128xf32, #tpu.memory_space<vmem_shared>> -> memref<80x128xf32, #tpu.memory_space<vmem_shared>>
      tpu.wait_dma2 semaphore(%run_scoped3A : memref<!tpu.dma_semaphore, #tpu.memory_space<semaphore_mem>>) src(%arg10 : memref<80x128xf32, #tpu.memory_space<vmem>>) dst(%dma_wait3A_131 : memref<80x128xf32, #tpu.memory_space<vmem_shared>>)
      tpu.yield
    }) : () -> ()
    %add3A_20 = arith.constant 560 : i32
    %add3A_21 = arith.addi %mul3A_6, %add3A_20 : i32
    "tpu.region"() ({
      %run_scoped3A = tpu.sem_alloc : memref<!tpu.dma_semaphore, #tpu.memory_space<semaphore_mem>>
      %dma_start3A = arith.constant 0 : i32
      %dma_start3A_126 = tpu.memref_slice %arg12[%add3A_21, %dma_start3A] : memref<10240x128xf32, #tpu.memory_space<vmem_shared>> -> memref<80x128xf32, #tpu.memory_space<vmem_shared>>
      %dma_start3A_127 = arith.constant 0 : i32
      %dma_start3A_128 = tpu.memref_slice %arg12[%add3A_21, %dma_start3A_127] : memref<10240x128xf32, #tpu.memory_space<vmem_shared>> -> memref<80x128xf32, #tpu.memory_space<vmem_shared>>
      tpu.enqueue_dma source(%arg10 : memref<80x128xf32, #tpu.memory_space<vmem>>) target(%dma_start3A_128 : memref<80x128xf32, #tpu.memory_space<vmem_shared>>) target_semaphore(%run_scoped3A : memref<!tpu.dma_semaphore, #tpu.memory_space<semaphore_mem>>)
      %dma_wait3A = arith.constant 0 : i32
      %dma_wait3A_129 = tpu.memref_slice %arg12[%add3A_21, %dma_wait3A] : memref<10240x128xf32, #tpu.memory_space<vmem_shared>> -> memref<80x128xf32, #tpu.memory_space<vmem_shared>>
      %dma_wait3A_130 = arith.constant 0 : i32
      %dma_wait3A_131 = tpu.memref_slice %arg12[%add3A_21, %dma_wait3A_130] : memref<10240x128xf32, #tpu.memory_space<vmem_shared>> -> memref<80x128xf32, #tpu.memory_space<vmem_shared>>
      tpu.wait_dma2 semaphore(%run_scoped3A : memref<!tpu.dma_semaphore, #tpu.memory_space<semaphore_mem>>) src(%arg10 : memref<80x128xf32, #tpu.memory_space<vmem>>) dst(%dma_wait3A_131 : memref<80x128xf32, #tpu.memory_space<vmem_shared>>)
      tpu.yield
    }) : () -> ()
    %barrier3A = arith.constant 0 : index
    tpu.barrier barrier_id(%barrier3A)
    %eq3A = arith.constant 0 : i32
    %eq3A_22 = arith.cmpi eq, %arg0, %eq3A : i32
    %convert_element_type3A = arith.extui %eq3A_22 : i1 to i32
    %cond3A = arith.constant 0 : i32
    %cond3A_23 = arith.cmpi ne, %convert_element_type3A, %cond3A : i32
    scf.if %cond3A_23 {
      %dma_start3A = arith.constant 0 : i32
      %dma_start3A_126 = tpu.memref_slice %arg8[%dma_start3A] : memref<10000xi32, #tpu.memory_space<vmem>> -> memref<80xi32, #tpu.memory_space<vmem>>
      %dma_start3A_127 = arith.constant 0 : i32
      %dma_start3A_128 = arith.constant 0 : i32
      %dma_start3A_129 = tpu.memref_slice %arg2[%dma_start3A_127, %dma_start3A_128] : memref<10000x128xf32, #tpu.memory_space<hbm>> -> memref<10000x128xf32, #tpu.memory_space<hbm>>
      tpu.enqueue_indirect_dma source(%dma_start3A_129 : memref<10000x128xf32, #tpu.memory_space<hbm>>) target(%arg10 : memref<80x128xf32, #tpu.memory_space<vmem>>) offsets(%dma_start3A_126 : memref<80xi32, #tpu.memory_space<vmem>>) semaphore(%arg13 : memref<!tpu.dma_semaphore, #tpu.memory_space<semaphore_mem>>)
      %scan3A_130 = arith.constant 0 : i32
      %scan3A_131 = arith.constant 0 : i32
      %scan3A_132 = arith.constant 125 : i32
      %scan3A_133 = arith.addi %scan3A_131, %scan3A_132 : i32
      %scan3A_134 = arith.constant 1 : i32
      scf.for %scan3A_136 = %scan3A_131 to %scan3A_133 step %scan3A_134  : i32 {
        %jit3A = arith.constant 2 : i32
        %eq3A_137 = arith.constant 0 : i32
        %eq3A_138 = arith.cmpi eq, %jit3A, %eq3A_137 : i32
        %jit3A_139 = arith.constant 1 : i32
        %select_n3A = arith.select %eq3A_138, %jit3A_139, %jit3A : i32
        %rem3A = arith.remsi %scan3A_136, %select_n3A : i32
        %ne3A = arith.constant 0 : i32
        %ne3A_140 = arith.cmpi ne, %rem3A, %ne3A : i32
        %lt3A = arith.constant 0 : i32
        %lt3A_141 = arith.cmpi slt, %rem3A, %lt3A : i32
        %lt3A_142 = arith.constant 0 : i32
        %lt3A_143 = arith.cmpi slt, %select_n3A, %lt3A_142 : i32
        %ne3A_144 = arith.xori %lt3A_141, %lt3A_143 : i1
        %and3A = arith.andi %ne3A_144, %ne3A_140 : i1
        %add3A_145 = arith.addi %rem3A, %select_n3A : i32
        %select_n3A_146 = arith.select %and3A, %add3A_145, %rem3A : i32
        %eq3A_147 = arith.constant 0 : i32
        %eq3A_148 = arith.cmpi eq, %select_n3A_146, %eq3A_147 : i32
        %convert_element_type3A_149 = arith.extui %eq3A_148 : i1 to i32
        %cond3A_150 = arith.constant 0 : i32
        %cond3A_151 = arith.cmpi ne, %convert_element_type3A_149, %cond3A_150 : i32
        scf.if %cond3A_151 {
          %add3A_173 = arith.constant 1 : i32
          %add3A_174 = arith.addi %scan3A_136, %add3A_173 : i32
          %lt3A_175 = arith.constant 125 : i32
          %lt3A_176 = arith.cmpi slt, %add3A_174, %lt3A_175 : i32
          %convert_element_type3A_177 = arith.extui %lt3A_176 : i1 to i32
          %cond3A_178 = arith.constant 0 : i32
          %cond3A_179 = arith.cmpi ne, %convert_element_type3A_177, %cond3A_178 : i32
          scf.if %cond3A_179 {
            %add3A_185 = arith.constant 1 : i32
            %add3A_186 = arith.addi %scan3A_136, %add3A_185 : i32
            %mul3A_187 = arith.constant 80 : i32
            %mul3A_188 = arith.muli %add3A_186, %mul3A_187 : i32
            %dma_start3A_189 = tpu.memref_slice %arg8[%mul3A_188] : memref<10000xi32, #tpu.memory_space<vmem>> -> memref<80xi32, #tpu.memory_space<vmem>>
            %dma_start3A_190 = arith.constant 0 : i32
            %dma_start3A_191 = arith.constant 0 : i32
            %dma_start3A_192 = tpu.memref_slice %arg2[%dma_start3A_190, %dma_start3A_191] : memref<10000x128xf32, #tpu.memory_space<hbm>> -> memref<10000x128xf32, #tpu.memory_space<hbm>>
            tpu.enqueue_indirect_dma source(%dma_start3A_192 : memref<10000x128xf32, #tpu.memory_space<hbm>>) target(%arg11 : memref<80x128xf32, #tpu.memory_space<vmem>>) offsets(%dma_start3A_189 : memref<80xi32, #tpu.memory_space<vmem>>) semaphore(%arg14 : memref<!tpu.dma_semaphore, #tpu.memory_space<semaphore_mem>>)
          } else {
          }
          %mul3A_180 = arith.constant 80 : i32
          %mul3A_181 = arith.muli %scan3A_136, %mul3A_180 : i32
          %dma_wait3A = tpu.memref_slice %arg8[%mul3A_181] : memref<10000xi32, #tpu.memory_space<vmem>> -> memref<80xi32, #tpu.memory_space<vmem>>
          %dma_wait3A_182 = arith.constant 0 : i32
          %dma_wait3A_183 = arith.constant 0 : i32
          %dma_wait3A_184 = tpu.memref_slice %arg2[%dma_wait3A_182, %dma_wait3A_183] : memref<10000x128xf32, #tpu.memory_space<hbm>> -> memref<10000x128xf32, #tpu.memory_space<hbm>>
          tpu.wait_indirect_dma semaphore(%arg13 : memref<!tpu.dma_semaphore, #tpu.memory_space<semaphore_mem>>) src(%dma_wait3A_184 : memref<10000x128xf32, #tpu.memory_space<hbm>>) dst(%arg10 : memref<80x128xf32, #tpu.memory_space<vmem>>)
          "tpu.region"() ({
            %run_scoped3A = tpu.sem_alloc : memref<!tpu.dma_semaphore, #tpu.memory_space<semaphore_mem>>
            %dma_start3A_185 = arith.constant 0 : i32
            %dma_start3A_186 = tpu.memref_slice %arg9[%scan3A_136, %dma_start3A_185] : memref<125x80xi32, #tpu.memory_space<vmem>> -> memref<1x80xi32, #tpu.memory_space<vmem>>
            %dma_start3A_187 = tpu.memref_squeeze %dma_start3A_186 : memref<1x80xi32, #tpu.memory_space<vmem>> -> memref<80xi32, #tpu.memory_space<vmem>>
            %dma_start3A_188 = arith.constant 0 : i32
            %dma_start3A_189 = arith.constant 0 : i32
            %dma_start3A_190 = tpu.memref_slice %arg12[%dma_start3A_188, %dma_start3A_189] : memref<10240x128xf32, #tpu.memory_space<vmem_shared>> -> memref<10240x128xf32, #tpu.memory_space<vmem_shared>>
            tpu.enqueue_indirect_dma source(%arg10 : memref<80x128xf32, #tpu.memory_space<vmem>>) target(%dma_start3A_190 : memref<10240x128xf32, #tpu.memory_space<vmem_shared>>) offsets(%dma_start3A_187 : memref<80xi32, #tpu.memory_space<vmem>>) semaphore(%run_scoped3A : memref<!tpu.dma_semaphore, #tpu.memory_space<semaphore_mem>>) {add = true}
            %dma_wait3A_191 = arith.constant 0 : i32
            %dma_wait3A_192 = tpu.memref_slice %arg9[%scan3A_136, %dma_wait3A_191] : memref<125x80xi32, #tpu.memory_space<vmem>> -> memref<1x80xi32, #tpu.memory_space<vmem>>
            %dma_wait3A_193 = tpu.memref_squeeze %dma_wait3A_192 : memref<1x80xi32, #tpu.memory_space<vmem>> -> memref<80xi32, #tpu.memory_space<vmem>>
            %dma_wait3A_194 = arith.constant 0 : i32
            %dma_wait3A_195 = arith.constant 0 : i32
            %dma_wait3A_196 = tpu.memref_slice %arg12[%dma_wait3A_194, %dma_wait3A_195] : memref<10240x128xf32, #tpu.memory_space<vmem_shared>> -> memref<10240x128xf32, #tpu.memory_space<vmem_shared>>
            tpu.wait_indirect_dma semaphore(%run_scoped3A : memref<!tpu.dma_semaphore, #tpu.memory_space<semaphore_mem>>) src(%arg10 : memref<80x128xf32, #tpu.memory_space<vmem>>) dst(%dma_wait3A_196 : memref<10240x128xf32, #tpu.memory_space<vmem_shared>>)
            tpu.yield
          }) : () -> ()
        } else {
        }
        %jit3A_152 = arith.constant 2 : i32
        %eq3A_153 = arith.constant 0 : i32
        %eq3A_154 = arith.cmpi eq, %jit3A_152, %eq3A_153 : i32
        %jit3A_155 = arith.constant 1 : i32
        %select_n3A_156 = arith.select %eq3A_154, %jit3A_155, %jit3A_152 : i32
        %rem3A_157 = arith.remsi %scan3A_136, %select_n3A_156 : i32
        %ne3A_158 = arith.constant 0 : i32
        %ne3A_159 = arith.cmpi ne, %rem3A_157, %ne3A_158 : i32
        %lt3A_160 = arith.constant 0 : i32
        %lt3A_161 = arith.cmpi slt, %rem3A_157, %lt3A_160 : i32
        %lt3A_162 = arith.constant 0 : i32
        %lt3A_163 = arith.cmpi slt, %select_n3A_156, %lt3A_162 : i32
        %ne3A_164 = arith.xori %lt3A_161, %lt3A_163 : i1
        %and3A_165 = arith.andi %ne3A_164, %ne3A_159 : i1
        %add3A_166 = arith.addi %rem3A_157, %select_n3A_156 : i32
        %select_n3A_167 = arith.select %and3A_165, %add3A_166, %rem3A_157 : i32
        %eq3A_168 = arith.constant 1 : i32
        %eq3A_169 = arith.cmpi eq, %select_n3A_167, %eq3A_168 : i32
        %convert_element_type3A_170 = arith.extui %eq3A_169 : i1 to i32
        %cond3A_171 = arith.constant 0 : i32
        %cond3A_172 = arith.cmpi ne, %convert_element_type3A_170, %cond3A_171 : i32
        scf.if %cond3A_172 {
          %add3A_173 = arith.constant 1 : i32
          %add3A_174 = arith.addi %scan3A_136, %add3A_173 : i32
          %lt3A_175 = arith.constant 125 : i32
          %lt3A_176 = arith.cmpi slt, %add3A_174, %lt3A_175 : i32
          %convert_element_type3A_177 = arith.extui %lt3A_176 : i1 to i32
          %cond3A_178 = arith.constant 0 : i32
          %cond3A_179 = arith.cmpi ne, %convert_element_type3A_177, %cond3A_178 : i32
          scf.if %cond3A_179 {
            %add3A_185 = arith.constant 1 : i32
            %add3A_186 = arith.addi %scan3A_136, %add3A_185 : i32
            %mul3A_187 = arith.constant 80 : i32
            %mul3A_188 = arith.muli %add3A_186, %mul3A_187 : i32
            %dma_start3A_189 = tpu.memref_slice %arg8[%mul3A_188] : memref<10000xi32, #tpu.memory_space<vmem>> -> memref<80xi32, #tpu.memory_space<vmem>>
            %dma_start3A_190 = arith.constant 0 : i32
            %dma_start3A_191 = arith.constant 0 : i32
            %dma_start3A_192 = tpu.memref_slice %arg2[%dma_start3A_190, %dma_start3A_191] : memref<10000x128xf32, #tpu.memory_space<hbm>> -> memref<10000x128xf32, #tpu.memory_space<hbm>>
            tpu.enqueue_indirect_dma source(%dma_start3A_192 : memref<10000x128xf32, #tpu.memory_space<hbm>>) target(%arg10 : memref<80x128xf32, #tpu.memory_space<vmem>>) offsets(%dma_start3A_189 : memref<80xi32, #tpu.memory_space<vmem>>) semaphore(%arg13 : memref<!tpu.dma_semaphore, #tpu.memory_space<semaphore_mem>>)
          } else {
          }
          %mul3A_180 = arith.constant 80 : i32
          %mul3A_181 = arith.muli %scan3A_136, %mul3A_180 : i32
          %dma_wait3A = tpu.memref_slice %arg8[%mul3A_181] : memref<10000xi32, #tpu.memory_space<vmem>> -> memref<80xi32, #tpu.memory_space<vmem>>
          %dma_wait3A_182 = arith.constant 0 : i32
          %dma_wait3A_183 = arith.constant 0 : i32
          %dma_wait3A_184 = tpu.memref_slice %arg2[%dma_wait3A_182, %dma_wait3A_183] : memref<10000x128xf32, #tpu.memory_space<hbm>> -> memref<10000x128xf32, #tpu.memory_space<hbm>>
          tpu.wait_indirect_dma semaphore(%arg14 : memref<!tpu.dma_semaphore, #tpu.memory_space<semaphore_mem>>) src(%dma_wait3A_184 : memref<10000x128xf32, #tpu.memory_space<hbm>>) dst(%arg11 : memref<80x128xf32, #tpu.memory_space<vmem>>)
          "tpu.region"() ({
            %run_scoped3A = tpu.sem_alloc : memref<!tpu.dma_semaphore, #tpu.memory_space<semaphore_mem>>
            %dma_start3A_185 = arith.constant 0 : i32
            %dma_start3A_186 = tpu.memref_slice %arg9[%scan3A_136, %dma_start3A_185] : memref<125x80xi32, #tpu.memory_space<vmem>> -> memref<1x80xi32, #tpu.memory_space<vmem>>
            %dma_start3A_187 = tpu.memref_squeeze %dma_start3A_186 : memref<1x80xi32, #tpu.memory_space<vmem>> -> memref<80xi32, #tpu.memory_space<vmem>>
            %dma_start3A_188 = arith.constant 0 : i32
            %dma_start3A_189 = arith.constant 0 : i32
            %dma_start3A_190 = tpu.memref_slice %arg12[%dma_start3A_188, %dma_start3A_189] : memref<10240x128xf32, #tpu.memory_space<vmem_shared>> -> memref<10240x128xf32, #tpu.memory_space<vmem_shared>>
            tpu.enqueue_indirect_dma source(%arg11 : memref<80x128xf32, #tpu.memory_space<vmem>>) target(%dma_start3A_190 : memref<10240x128xf32, #tpu.memory_space<vmem_shared>>) offsets(%dma_start3A_187 : memref<80xi32, #tpu.memory_space<vmem>>) semaphore(%run_scoped3A : memref<!tpu.dma_semaphore, #tpu.memory_space<semaphore_mem>>) {add = true}
            %dma_wait3A_191 = arith.constant 0 : i32
            %dma_wait3A_192 = tpu.memref_slice %arg9[%scan3A_136, %dma_wait3A_191] : memref<125x80xi32, #tpu.memory_space<vmem>> -> memref<1x80xi32, #tpu.memory_space<vmem>>
            %dma_wait3A_193 = tpu.memref_squeeze %dma_wait3A_192 : memref<1x80xi32, #tpu.memory_space<vmem>> -> memref<80xi32, #tpu.memory_space<vmem>>
            %dma_wait3A_194 = arith.constant 0 : i32
            %dma_wait3A_195 = arith.constant 0 : i32
            %dma_wait3A_196 = tpu.memref_slice %arg12[%dma_wait3A_194, %dma_wait3A_195] : memref<10240x128xf32, #tpu.memory_space<vmem_shared>> -> memref<10240x128xf32, #tpu.memory_space<vmem_shared>>
            tpu.wait_indirect_dma semaphore(%run_scoped3A : memref<!tpu.dma_semaphore, #tpu.memory_space<semaphore_mem>>) src(%arg11 : memref<80x128xf32, #tpu.memory_space<vmem>>) dst(%dma_wait3A_196 : memref<10240x128xf32, #tpu.memory_space<vmem_shared>>)
            tpu.yield
          }) : () -> ()
        } else {
        }
      }
      %scan3A_135 = arith.constant 125 : i32
    } else {
    }
    %eq3A_24 = arith.constant 1 : i32
    %eq3A_25 = arith.cmpi eq, %arg0, %eq3A_24 : i32
    %convert_element_type3A_26 = arith.extui %eq3A_25 : i1 to i32
    %cond3A_27 = arith.constant 0 : i32
    %cond3A_28 = arith.cmpi ne, %convert_element_type3A_26, %cond3A_27 : i32
    scf.if %cond3A_28 {
      %dma_start3A = arith.constant 0 : i32
      %dma_start3A_126 = tpu.memref_slice %arg8[%dma_start3A] : memref<10000xi32, #tpu.memory_space<vmem>> -> memref<80xi32, #tpu.memory_space<vmem>>
      %dma_start3A_127 = arith.constant 0 : i32
      %dma_start3A_128 = arith.constant 0 : i32
      %dma_start3A_129 = tpu.memref_slice %arg3[%dma_start3A_127, %dma_start3A_128] : memref<10000x128xf32, #tpu.memory_space<hbm>> -> memref<10000x128xf32, #tpu.memory_space<hbm>>
      tpu.enqueue_indirect_dma source(%dma_start3A_129 : memref<10000x128xf32, #tpu.memory_space<hbm>>) target(%arg10 : memref<80x128xf32, #tpu.memory_space<vmem>>) offsets(%dma_start3A_126 : memref<80xi32, #tpu.memory_space<vmem>>) semaphore(%arg13 : memref<!tpu.dma_semaphore, #tpu.memory_space<semaphore_mem>>)
      %scan3A_130 = arith.constant 0 : i32
      %scan3A_131 = arith.constant 0 : i32
      %scan3A_132 = arith.constant 125 : i32
      %scan3A_133 = arith.addi %scan3A_131, %scan3A_132 : i32
      %scan3A_134 = arith.constant 1 : i32
      scf.for %scan3A_136 = %scan3A_131 to %scan3A_133 step %scan3A_134  : i32 {
        %jit3A = arith.constant 2 : i32
        %eq3A_137 = arith.constant 0 : i32
        %eq3A_138 = arith.cmpi eq, %jit3A, %eq3A_137 : i32
        %jit3A_139 = arith.constant 1 : i32
        %select_n3A = arith.select %eq3A_138, %jit3A_139, %jit3A : i32
        %rem3A = arith.remsi %scan3A_136, %select_n3A : i32
        %ne3A = arith.constant 0 : i32
        %ne3A_140 = arith.cmpi ne, %rem3A, %ne3A : i32
        %lt3A = arith.constant 0 : i32
        %lt3A_141 = arith.cmpi slt, %rem3A, %lt3A : i32
        %lt3A_142 = arith.constant 0 : i32
        %lt3A_143 = arith.cmpi slt, %select_n3A, %lt3A_142 : i32
        %ne3A_144 = arith.xori %lt3A_141, %lt3A_143 : i1
        %and3A = arith.andi %ne3A_144, %ne3A_140 : i1
        %add3A_145 = arith.addi %rem3A, %select_n3A : i32
        %select_n3A_146 = arith.select %and3A, %add3A_145, %rem3A : i32
        %eq3A_147 = arith.constant 0 : i32
        %eq3A_148 = arith.cmpi eq, %select_n3A_146, %eq3A_147 : i32
        %convert_element_type3A_149 = arith.extui %eq3A_148 : i1 to i32
        %cond3A_150 = arith.constant 0 : i32
        %cond3A_151 = arith.cmpi ne, %convert_element_type3A_149, %cond3A_150 : i32
        scf.if %cond3A_151 {
          %add3A_173 = arith.constant 1 : i32
          %add3A_174 = arith.addi %scan3A_136, %add3A_173 : i32
          %lt3A_175 = arith.constant 125 : i32
          %lt3A_176 = arith.cmpi slt, %add3A_174, %lt3A_175 : i32
          %convert_element_type3A_177 = arith.extui %lt3A_176 : i1 to i32
          %cond3A_178 = arith.constant 0 : i32
          %cond3A_179 = arith.cmpi ne, %convert_element_type3A_177, %cond3A_178 : i32
          scf.if %cond3A_179 {
            %add3A_185 = arith.constant 1 : i32
            %add3A_186 = arith.addi %scan3A_136, %add3A_185 : i32
            %mul3A_187 = arith.constant 80 : i32
            %mul3A_188 = arith.muli %add3A_186, %mul3A_187 : i32
            %dma_start3A_189 = tpu.memref_slice %arg8[%mul3A_188] : memref<10000xi32, #tpu.memory_space<vmem>> -> memref<80xi32, #tpu.memory_space<vmem>>
            %dma_start3A_190 = arith.constant 0 : i32
            %dma_start3A_191 = arith.constant 0 : i32
            %dma_start3A_192 = tpu.memref_slice %arg3[%dma_start3A_190, %dma_start3A_191] : memref<10000x128xf32, #tpu.memory_space<hbm>> -> memref<10000x128xf32, #tpu.memory_space<hbm>>
            tpu.enqueue_indirect_dma source(%dma_start3A_192 : memref<10000x128xf32, #tpu.memory_space<hbm>>) target(%arg11 : memref<80x128xf32, #tpu.memory_space<vmem>>) offsets(%dma_start3A_189 : memref<80xi32, #tpu.memory_space<vmem>>) semaphore(%arg14 : memref<!tpu.dma_semaphore, #tpu.memory_space<semaphore_mem>>)
          } else {
          }
          %mul3A_180 = arith.constant 80 : i32
          %mul3A_181 = arith.muli %scan3A_136, %mul3A_180 : i32
          %dma_wait3A = tpu.memref_slice %arg8[%mul3A_181] : memref<10000xi32, #tpu.memory_space<vmem>> -> memref<80xi32, #tpu.memory_space<vmem>>
          %dma_wait3A_182 = arith.constant 0 : i32
          %dma_wait3A_183 = arith.constant 0 : i32
          %dma_wait3A_184 = tpu.memref_slice %arg3[%dma_wait3A_182, %dma_wait3A_183] : memref<10000x128xf32, #tpu.memory_space<hbm>> -> memref<10000x128xf32, #tpu.memory_space<hbm>>
          tpu.wait_indirect_dma semaphore(%arg13 : memref<!tpu.dma_semaphore, #tpu.memory_space<semaphore_mem>>) src(%dma_wait3A_184 : memref<10000x128xf32, #tpu.memory_space<hbm>>) dst(%arg10 : memref<80x128xf32, #tpu.memory_space<vmem>>)
          "tpu.region"() ({
            %run_scoped3A = tpu.sem_alloc : memref<!tpu.dma_semaphore, #tpu.memory_space<semaphore_mem>>
            %dma_start3A_185 = arith.constant 0 : i32
            %dma_start3A_186 = tpu.memref_slice %arg9[%scan3A_136, %dma_start3A_185] : memref<125x80xi32, #tpu.memory_space<vmem>> -> memref<1x80xi32, #tpu.memory_space<vmem>>
            %dma_start3A_187 = tpu.memref_squeeze %dma_start3A_186 : memref<1x80xi32, #tpu.memory_space<vmem>> -> memref<80xi32, #tpu.memory_space<vmem>>
            %dma_start3A_188 = arith.constant 0 : i32
            %dma_start3A_189 = arith.constant 0 : i32
            %dma_start3A_190 = tpu.memref_slice %arg12[%dma_start3A_188, %dma_start3A_189] : memref<10240x128xf32, #tpu.memory_space<vmem_shared>> -> memref<10240x128xf32, #tpu.memory_space<vmem_shared>>
            tpu.enqueue_indirect_dma source(%arg10 : memref<80x128xf32, #tpu.memory_space<vmem>>) target(%dma_start3A_190 : memref<10240x128xf32, #tpu.memory_space<vmem_shared>>) offsets(%dma_start3A_187 : memref<80xi32, #tpu.memory_space<vmem>>) semaphore(%run_scoped3A : memref<!tpu.dma_semaphore, #tpu.memory_space<semaphore_mem>>) {add = true}
            %dma_wait3A_191 = arith.constant 0 : i32
            %dma_wait3A_192 = tpu.memref_slice %arg9[%scan3A_136, %dma_wait3A_191] : memref<125x80xi32, #tpu.memory_space<vmem>> -> memref<1x80xi32, #tpu.memory_space<vmem>>
            %dma_wait3A_193 = tpu.memref_squeeze %dma_wait3A_192 : memref<1x80xi32, #tpu.memory_space<vmem>> -> memref<80xi32, #tpu.memory_space<vmem>>
            %dma_wait3A_194 = arith.constant 0 : i32
            %dma_wait3A_195 = arith.constant 0 : i32
            %dma_wait3A_196 = tpu.memref_slice %arg12[%dma_wait3A_194, %dma_wait3A_195] : memref<10240x128xf32, #tpu.memory_space<vmem_shared>> -> memref<10240x128xf32, #tpu.memory_space<vmem_shared>>
            tpu.wait_indirect_dma semaphore(%run_scoped3A : memref<!tpu.dma_semaphore, #tpu.memory_space<semaphore_mem>>) src(%arg10 : memref<80x128xf32, #tpu.memory_space<vmem>>) dst(%dma_wait3A_196 : memref<10240x128xf32, #tpu.memory_space<vmem_shared>>)
            tpu.yield
          }) : () -> ()
        } else {
        }
        %jit3A_152 = arith.constant 2 : i32
        %eq3A_153 = arith.constant 0 : i32
        %eq3A_154 = arith.cmpi eq, %jit3A_152, %eq3A_153 : i32
        %jit3A_155 = arith.constant 1 : i32
        %select_n3A_156 = arith.select %eq3A_154, %jit3A_155, %jit3A_152 : i32
        %rem3A_157 = arith.remsi %scan3A_136, %select_n3A_156 : i32
        %ne3A_158 = arith.constant 0 : i32
        %ne3A_159 = arith.cmpi ne, %rem3A_157, %ne3A_158 : i32
        %lt3A_160 = arith.constant 0 : i32
        %lt3A_161 = arith.cmpi slt, %rem3A_157, %lt3A_160 : i32
        %lt3A_162 = arith.constant 0 : i32
        %lt3A_163 = arith.cmpi slt, %select_n3A_156, %lt3A_162 : i32
        %ne3A_164 = arith.xori %lt3A_161, %lt3A_163 : i1
        %and3A_165 = arith.andi %ne3A_164, %ne3A_159 : i1
        %add3A_166 = arith.addi %rem3A_157, %select_n3A_156 : i32
        %select_n3A_167 = arith.select %and3A_165, %add3A_166, %rem3A_157 : i32
        %eq3A_168 = arith.constant 1 : i32
        %eq3A_169 = arith.cmpi eq, %select_n3A_167, %eq3A_168 : i32
        %convert_element_type3A_170 = arith.extui %eq3A_169 : i1 to i32
        %cond3A_171 = arith.constant 0 : i32
        %cond3A_172 = arith.cmpi ne, %convert_element_type3A_170, %cond3A_171 : i32
        scf.if %cond3A_172 {
          %add3A_173 = arith.constant 1 : i32
          %add3A_174 = arith.addi %scan3A_136, %add3A_173 : i32
          %lt3A_175 = arith.constant 125 : i32
          %lt3A_176 = arith.cmpi slt, %add3A_174, %lt3A_175 : i32
          %convert_element_type3A_177 = arith.extui %lt3A_176 : i1 to i32
          %cond3A_178 = arith.constant 0 : i32
          %cond3A_179 = arith.cmpi ne, %convert_element_type3A_177, %cond3A_178 : i32
          scf.if %cond3A_179 {
            %add3A_185 = arith.constant 1 : i32
            %add3A_186 = arith.addi %scan3A_136, %add3A_185 : i32
            %mul3A_187 = arith.constant 80 : i32
            %mul3A_188 = arith.muli %add3A_186, %mul3A_187 : i32
            %dma_start3A_189 = tpu.memref_slice %arg8[%mul3A_188] : memref<10000xi32, #tpu.memory_space<vmem>> -> memref<80xi32, #tpu.memory_space<vmem>>
            %dma_start3A_190 = arith.constant 0 : i32
            %dma_start3A_191 = arith.constant 0 : i32
            %dma_start3A_192 = tpu.memref_slice %arg3[%dma_start3A_190, %dma_start3A_191] : memref<10000x128xf32, #tpu.memory_space<hbm>> -> memref<10000x128xf32, #tpu.memory_space<hbm>>
            tpu.enqueue_indirect_dma source(%dma_start3A_192 : memref<10000x128xf32, #tpu.memory_space<hbm>>) target(%arg10 : memref<80x128xf32, #tpu.memory_space<vmem>>) offsets(%dma_start3A_189 : memref<80xi32, #tpu.memory_space<vmem>>) semaphore(%arg13 : memref<!tpu.dma_semaphore, #tpu.memory_space<semaphore_mem>>)
          } else {
          }
          %mul3A_180 = arith.constant 80 : i32
          %mul3A_181 = arith.muli %scan3A_136, %mul3A_180 : i32
          %dma_wait3A = tpu.memref_slice %arg8[%mul3A_181] : memref<10000xi32, #tpu.memory_space<vmem>> -> memref<80xi32, #tpu.memory_space<vmem>>
          %dma_wait3A_182 = arith.constant 0 : i32
          %dma_wait3A_183 = arith.constant 0 : i32
          %dma_wait3A_184 = tpu.memref_slice %arg3[%dma_wait3A_182, %dma_wait3A_183] : memref<10000x128xf32, #tpu.memory_space<hbm>> -> memref<10000x128xf32, #tpu.memory_space<hbm>>
          tpu.wait_indirect_dma semaphore(%arg14 : memref<!tpu.dma_semaphore, #tpu.memory_space<semaphore_mem>>) src(%dma_wait3A_184 : memref<10000x128xf32, #tpu.memory_space<hbm>>) dst(%arg11 : memref<80x128xf32, #tpu.memory_space<vmem>>)
          "tpu.region"() ({
            %run_scoped3A = tpu.sem_alloc : memref<!tpu.dma_semaphore, #tpu.memory_space<semaphore_mem>>
            %dma_start3A_185 = arith.constant 0 : i32
            %dma_start3A_186 = tpu.memref_slice %arg9[%scan3A_136, %dma_start3A_185] : memref<125x80xi32, #tpu.memory_space<vmem>> -> memref<1x80xi32, #tpu.memory_space<vmem>>
            %dma_start3A_187 = tpu.memref_squeeze %dma_start3A_186 : memref<1x80xi32, #tpu.memory_space<vmem>> -> memref<80xi32, #tpu.memory_space<vmem>>
            %dma_start3A_188 = arith.constant 0 : i32
            %dma_start3A_189 = arith.constant 0 : i32
            %dma_start3A_190 = tpu.memref_slice %arg12[%dma_start3A_188, %dma_start3A_189] : memref<10240x128xf32, #tpu.memory_space<vmem_shared>> -> memref<10240x128xf32, #tpu.memory_space<vmem_shared>>
            tpu.enqueue_indirect_dma source(%arg11 : memref<80x128xf32, #tpu.memory_space<vmem>>) target(%dma_start3A_190 : memref<10240x128xf32, #tpu.memory_space<vmem_shared>>) offsets(%dma_start3A_187 : memref<80xi32, #tpu.memory_space<vmem>>) semaphore(%run_scoped3A : memref<!tpu.dma_semaphore, #tpu.memory_space<semaphore_mem>>) {add = true}
            %dma_wait3A_191 = arith.constant 0 : i32
            %dma_wait3A_192 = tpu.memref_slice %arg9[%scan3A_136, %dma_wait3A_191] : memref<125x80xi32, #tpu.memory_space<vmem>> -> memref<1x80xi32, #tpu.memory_space<vmem>>
            %dma_wait3A_193 = tpu.memref_squeeze %dma_wait3A_192 : memref<1x80xi32, #tpu.memory_space<vmem>> -> memref<80xi32, #tpu.memory_space<vmem>>
            %dma_wait3A_194 = arith.constant 0 : i32
            %dma_wait3A_195 = arith.constant 0 : i32
            %dma_wait3A_196 = tpu.memref_slice %arg12[%dma_wait3A_194, %dma_wait3A_195] : memref<10240x128xf32, #tpu.memory_space<vmem_shared>> -> memref<10240x128xf32, #tpu.memory_space<vmem_shared>>
            tpu.wait_indirect_dma semaphore(%run_scoped3A : memref<!tpu.dma_semaphore, #tpu.memory_space<semaphore_mem>>) src(%arg11 : memref<80x128xf32, #tpu.memory_space<vmem>>) dst(%dma_wait3A_196 : memref<10240x128xf32, #tpu.memory_space<vmem_shared>>)
            tpu.yield
          }) : () -> ()
        } else {
        }
      }
      %scan3A_135 = arith.constant 125 : i32
    } else {
    }
    %barrier3A_29 = arith.constant 0 : index
    tpu.barrier barrier_id(%barrier3A_29)
    %add3A_30 = arith.constant 0 : i32
    %add3A_31 = arith.addi %mul3A_6, %add3A_30 : i32
    %eq3A_32 = arith.constant 0 : i32
    %eq3A_33 = arith.cmpi eq, %arg0, %eq3A_32 : i32
    %convert_element_type3A_34 = arith.extui %eq3A_33 : i1 to i32
    %cond3A_35 = arith.constant 0 : i32
    %cond3A_36 = arith.cmpi ne, %convert_element_type3A_34, %cond3A_35 : i32
    scf.if %cond3A_36 {
      "tpu.region"() ({
        %run_scoped3A = tpu.sem_alloc : memref<!tpu.dma_semaphore, #tpu.memory_space<semaphore_mem>>
        %dma_start3A = arith.constant 0 : i32
        %dma_start3A_126 = tpu.memref_slice %arg6[%add3A_31, %dma_start3A] : memref<10240x128xf32, #tpu.memory_space<hbm>> -> memref<80x128xf32, #tpu.memory_space<hbm>>
        %dma_start3A_127 = arith.constant 0 : i32
        %dma_start3A_128 = tpu.memref_slice %arg12[%add3A_31, %dma_start3A_127] : memref<10240x128xf32, #tpu.memory_space<vmem_shared>> -> memref<80x128xf32, #tpu.memory_space<vmem_shared>>
        tpu.enqueue_dma source(%dma_start3A_128 : memref<80x128xf32, #tpu.memory_space<vmem_shared>>) target(%dma_start3A_126 : memref<80x128xf32, #tpu.memory_space<hbm>>) target_semaphore(%run_scoped3A : memref<!tpu.dma_semaphore, #tpu.memory_space<semaphore_mem>>)
        %dma_wait3A = arith.constant 0 : i32
        %dma_wait3A_129 = tpu.memref_slice %arg6[%add3A_31, %dma_wait3A] : memref<10240x128xf32, #tpu.memory_space<hbm>> -> memref<80x128xf32, #tpu.memory_space<hbm>>
        %dma_wait3A_130 = arith.constant 0 : i32
        %dma_wait3A_131 = tpu.memref_slice %arg12[%add3A_31, %dma_wait3A_130] : memref<10240x128xf32, #tpu.memory_space<vmem_shared>> -> memref<80x128xf32, #tpu.memory_space<vmem_shared>>
        tpu.wait_dma2 semaphore(%run_scoped3A : memref<!tpu.dma_semaphore, #tpu.memory_space<semaphore_mem>>) src(%dma_wait3A_131 : memref<80x128xf32, #tpu.memory_space<vmem_shared>>) dst(%dma_wait3A_129 : memref<80x128xf32, #tpu.memory_space<hbm>>)
        tpu.yield
      }) : () -> ()
    } else {
    }
    %eq3A_37 = arith.constant 1 : i32
    %eq3A_38 = arith.cmpi eq, %arg0, %eq3A_37 : i32
    %convert_element_type3A_39 = arith.extui %eq3A_38 : i1 to i32
    %cond3A_40 = arith.constant 0 : i32
    %cond3A_41 = arith.cmpi ne, %convert_element_type3A_39, %cond3A_40 : i32
    scf.if %cond3A_41 {
      "tpu.region"() ({
        %run_scoped3A = tpu.sem_alloc : memref<!tpu.dma_semaphore, #tpu.memory_space<semaphore_mem>>
        %dma_start3A = arith.constant 0 : i32
        %dma_start3A_126 = tpu.memref_slice %arg7[%add3A_31, %dma_start3A] : memref<10240x128xf32, #tpu.memory_space<hbm>> -> memref<80x128xf32, #tpu.memory_space<hbm>>
        %dma_start3A_127 = arith.constant 0 : i32
        %dma_start3A_128 = tpu.memref_slice %arg12[%add3A_31, %dma_start3A_127] : memref<10240x128xf32, #tpu.memory_space<vmem_shared>> -> memref<80x128xf32, #tpu.memory_space<vmem_shared>>
        tpu.enqueue_dma source(%dma_start3A_128 : memref<80x128xf32, #tpu.memory_space<vmem_shared>>) target(%dma_start3A_126 : memref<80x128xf32, #tpu.memory_space<hbm>>) target_semaphore(%run_scoped3A : memref<!tpu.dma_semaphore, #tpu.memory_space<semaphore_mem>>)
        %dma_wait3A = arith.constant 0 : i32
        %dma_wait3A_129 = tpu.memref_slice %arg7[%add3A_31, %dma_wait3A] : memref<10240x128xf32, #tpu.memory_space<hbm>> -> memref<80x128xf32, #tpu.memory_space<hbm>>
        %dma_wait3A_130 = arith.constant 0 : i32
        %dma_wait3A_131 = tpu.memref_slice %arg12[%add3A_31, %dma_wait3A_130] : memref<10240x128xf32, #tpu.memory_space<vmem_shared>> -> memref<80x128xf32, #tpu.memory_space<vmem_shared>>
        tpu.wait_dma2 semaphore(%run_scoped3A : memref<!tpu.dma_semaphore, #tpu.memory_space<semaphore_mem>>) src(%dma_wait3A_131 : memref<80x128xf32, #tpu.memory_space<vmem_shared>>) dst(%dma_wait3A_129 : memref<80x128xf32, #tpu.memory_space<hbm>>)
        tpu.yield
      }) : () -> ()
    } else {
    }
    %add3A_42 = arith.constant 80 : i32
    %add3A_43 = arith.addi %mul3A_6, %add3A_42 : i32
    %eq3A_44 = arith.constant 0 : i32
    %eq3A_45 = arith.cmpi eq, %arg0, %eq3A_44 : i32
    %convert_element_type3A_46 = arith.extui %eq3A_45 : i1 to i32
    %cond3A_47 = arith.constant 0 : i32
    %cond3A_48 = arith.cmpi ne, %convert_element_type3A_46, %cond3A_47 : i32
    scf.if %cond3A_48 {
      "tpu.region"() ({
        %run_scoped3A = tpu.sem_alloc : memref<!tpu.dma_semaphore, #tpu.memory_space<semaphore_mem>>
        %dma_start3A = arith.constant 0 : i32
        %dma_start3A_126 = tpu.memref_slice %arg6[%add3A_43, %dma_start3A] : memref<10240x128xf32, #tpu.memory_space<hbm>> -> memref<80x128xf32, #tpu.memory_space<hbm>>
        %dma_start3A_127 = arith.constant 0 : i32
        %dma_start3A_128 = tpu.memref_slice %arg12[%add3A_43, %dma_start3A_127] : memref<10240x128xf32, #tpu.memory_space<vmem_shared>> -> memref<80x128xf32, #tpu.memory_space<vmem_shared>>
        tpu.enqueue_dma source(%dma_start3A_128 : memref<80x128xf32, #tpu.memory_space<vmem_shared>>) target(%dma_start3A_126 : memref<80x128xf32, #tpu.memory_space<hbm>>) target_semaphore(%run_scoped3A : memref<!tpu.dma_semaphore, #tpu.memory_space<semaphore_mem>>)
        %dma_wait3A = arith.constant 0 : i32
        %dma_wait3A_129 = tpu.memref_slice %arg6[%add3A_43, %dma_wait3A] : memref<10240x128xf32, #tpu.memory_space<hbm>> -> memref<80x128xf32, #tpu.memory_space<hbm>>
        %dma_wait3A_130 = arith.constant 0 : i32
        %dma_wait3A_131 = tpu.memref_slice %arg12[%add3A_43, %dma_wait3A_130] : memref<10240x128xf32, #tpu.memory_space<vmem_shared>> -> memref<80x128xf32, #tpu.memory_space<vmem_shared>>
        tpu.wait_dma2 semaphore(%run_scoped3A : memref<!tpu.dma_semaphore, #tpu.memory_space<semaphore_mem>>) src(%dma_wait3A_131 : memref<80x128xf32, #tpu.memory_space<vmem_shared>>) dst(%dma_wait3A_129 : memref<80x128xf32, #tpu.memory_space<hbm>>)
        tpu.yield
      }) : () -> ()
    } else {
    }
    %eq3A_49 = arith.constant 1 : i32
    %eq3A_50 = arith.cmpi eq, %arg0, %eq3A_49 : i32
    %convert_element_type3A_51 = arith.extui %eq3A_50 : i1 to i32
    %cond3A_52 = arith.constant 0 : i32
    %cond3A_53 = arith.cmpi ne, %convert_element_type3A_51, %cond3A_52 : i32
    scf.if %cond3A_53 {
      "tpu.region"() ({
        %run_scoped3A = tpu.sem_alloc : memref<!tpu.dma_semaphore, #tpu.memory_space<semaphore_mem>>
        %dma_start3A = arith.constant 0 : i32
        %dma_start3A_126 = tpu.memref_slice %arg7[%add3A_43, %dma_start3A] : memref<10240x128xf32, #tpu.memory_space<hbm>> -> memref<80x128xf32, #tpu.memory_space<hbm>>
        %dma_start3A_127 = arith.constant 0 : i32
        %dma_start3A_128 = tpu.memref_slice %arg12[%add3A_43, %dma_start3A_127] : memref<10240x128xf32, #tpu.memory_space<vmem_shared>> -> memref<80x128xf32, #tpu.memory_space<vmem_shared>>
        tpu.enqueue_dma source(%dma_start3A_128 : memref<80x128xf32, #tpu.memory_space<vmem_shared>>) target(%dma_start3A_126 : memref<80x128xf32, #tpu.memory_space<hbm>>) target_semaphore(%run_scoped3A : memref<!tpu.dma_semaphore, #tpu.memory_space<semaphore_mem>>)
        %dma_wait3A = arith.constant 0 : i32
        %dma_wait3A_129 = tpu.memref_slice %arg7[%add3A_43, %dma_wait3A] : memref<10240x128xf32, #tpu.memory_space<hbm>> -> memref<80x128xf32, #tpu.memory_space<hbm>>
        %dma_wait3A_130 = arith.constant 0 : i32
        %dma_wait3A_131 = tpu.memref_slice %arg12[%add3A_43, %dma_wait3A_130] : memref<10240x128xf32, #tpu.memory_space<vmem_shared>> -> memref<80x128xf32, #tpu.memory_space<vmem_shared>>
        tpu.wait_dma2 semaphore(%run_scoped3A : memref<!tpu.dma_semaphore, #tpu.memory_space<semaphore_mem>>) src(%dma_wait3A_131 : memref<80x128xf32, #tpu.memory_space<vmem_shared>>) dst(%dma_wait3A_129 : memref<80x128xf32, #tpu.memory_space<hbm>>)
        tpu.yield
      }) : () -> ()
    } else {
    }
    %add3A_54 = arith.constant 160 : i32
    %add3A_55 = arith.addi %mul3A_6, %add3A_54 : i32
    %eq3A_56 = arith.constant 0 : i32
    %eq3A_57 = arith.cmpi eq, %arg0, %eq3A_56 : i32
    %convert_element_type3A_58 = arith.extui %eq3A_57 : i1 to i32
    %cond3A_59 = arith.constant 0 : i32
    %cond3A_60 = arith.cmpi ne, %convert_element_type3A_58, %cond3A_59 : i32
    scf.if %cond3A_60 {
      "tpu.region"() ({
        %run_scoped3A = tpu.sem_alloc : memref<!tpu.dma_semaphore, #tpu.memory_space<semaphore_mem>>
        %dma_start3A = arith.constant 0 : i32
        %dma_start3A_126 = tpu.memref_slice %arg6[%add3A_55, %dma_start3A] : memref<10240x128xf32, #tpu.memory_space<hbm>> -> memref<80x128xf32, #tpu.memory_space<hbm>>
        %dma_start3A_127 = arith.constant 0 : i32
        %dma_start3A_128 = tpu.memref_slice %arg12[%add3A_55, %dma_start3A_127] : memref<10240x128xf32, #tpu.memory_space<vmem_shared>> -> memref<80x128xf32, #tpu.memory_space<vmem_shared>>
        tpu.enqueue_dma source(%dma_start3A_128 : memref<80x128xf32, #tpu.memory_space<vmem_shared>>) target(%dma_start3A_126 : memref<80x128xf32, #tpu.memory_space<hbm>>) target_semaphore(%run_scoped3A : memref<!tpu.dma_semaphore, #tpu.memory_space<semaphore_mem>>)
        %dma_wait3A = arith.constant 0 : i32
        %dma_wait3A_129 = tpu.memref_slice %arg6[%add3A_55, %dma_wait3A] : memref<10240x128xf32, #tpu.memory_space<hbm>> -> memref<80x128xf32, #tpu.memory_space<hbm>>
        %dma_wait3A_130 = arith.constant 0 : i32
        %dma_wait3A_131 = tpu.memref_slice %arg12[%add3A_55, %dma_wait3A_130] : memref<10240x128xf32, #tpu.memory_space<vmem_shared>> -> memref<80x128xf32, #tpu.memory_space<vmem_shared>>
        tpu.wait_dma2 semaphore(%run_scoped3A : memref<!tpu.dma_semaphore, #tpu.memory_space<semaphore_mem>>) src(%dma_wait3A_131 : memref<80x128xf32, #tpu.memory_space<vmem_shared>>) dst(%dma_wait3A_129 : memref<80x128xf32, #tpu.memory_space<hbm>>)
        tpu.yield
      }) : () -> ()
    } else {
    }
    %eq3A_61 = arith.constant 1 : i32
    %eq3A_62 = arith.cmpi eq, %arg0, %eq3A_61 : i32
    %convert_element_type3A_63 = arith.extui %eq3A_62 : i1 to i32
    %cond3A_64 = arith.constant 0 : i32
    %cond3A_65 = arith.cmpi ne, %convert_element_type3A_63, %cond3A_64 : i32
    scf.if %cond3A_65 {
      "tpu.region"() ({
        %run_scoped3A = tpu.sem_alloc : memref<!tpu.dma_semaphore, #tpu.memory_space<semaphore_mem>>
        %dma_start3A = arith.constant 0 : i32
        %dma_start3A_126 = tpu.memref_slice %arg7[%add3A_55, %dma_start3A] : memref<10240x128xf32, #tpu.memory_space<hbm>> -> memref<80x128xf32, #tpu.memory_space<hbm>>
        %dma_start3A_127 = arith.constant 0 : i32
        %dma_start3A_128 = tpu.memref_slice %arg12[%add3A_55, %dma_start3A_127] : memref<10240x128xf32, #tpu.memory_space<vmem_shared>> -> memref<80x128xf32, #tpu.memory_space<vmem_shared>>
        tpu.enqueue_dma source(%dma_start3A_128 : memref<80x128xf32, #tpu.memory_space<vmem_shared>>) target(%dma_start3A_126 : memref<80x128xf32, #tpu.memory_space<hbm>>) target_semaphore(%run_scoped3A : memref<!tpu.dma_semaphore, #tpu.memory_space<semaphore_mem>>)
        %dma_wait3A = arith.constant 0 : i32
        %dma_wait3A_129 = tpu.memref_slice %arg7[%add3A_55, %dma_wait3A] : memref<10240x128xf32, #tpu.memory_space<hbm>> -> memref<80x128xf32, #tpu.memory_space<hbm>>
        %dma_wait3A_130 = arith.constant 0 : i32
        %dma_wait3A_131 = tpu.memref_slice %arg12[%add3A_55, %dma_wait3A_130] : memref<10240x128xf32, #tpu.memory_space<vmem_shared>> -> memref<80x128xf32, #tpu.memory_space<vmem_shared>>
        tpu.wait_dma2 semaphore(%run_scoped3A : memref<!tpu.dma_semaphore, #tpu.memory_space<semaphore_mem>>) src(%dma_wait3A_131 : memref<80x128xf32, #tpu.memory_space<vmem_shared>>) dst(%dma_wait3A_129 : memref<80x128xf32, #tpu.memory_space<hbm>>)
        tpu.yield
      }) : () -> ()
    } else {
    }
    %add3A_66 = arith.constant 240 : i32
    %add3A_67 = arith.addi %mul3A_6, %add3A_66 : i32
    %eq3A_68 = arith.constant 0 : i32
    %eq3A_69 = arith.cmpi eq, %arg0, %eq3A_68 : i32
    %convert_element_type3A_70 = arith.extui %eq3A_69 : i1 to i32
    %cond3A_71 = arith.constant 0 : i32
    %cond3A_72 = arith.cmpi ne, %convert_element_type3A_70, %cond3A_71 : i32
    scf.if %cond3A_72 {
      "tpu.region"() ({
        %run_scoped3A = tpu.sem_alloc : memref<!tpu.dma_semaphore, #tpu.memory_space<semaphore_mem>>
        %dma_start3A = arith.constant 0 : i32
        %dma_start3A_126 = tpu.memref_slice %arg6[%add3A_67, %dma_start3A] : memref<10240x128xf32, #tpu.memory_space<hbm>> -> memref<80x128xf32, #tpu.memory_space<hbm>>
        %dma_start3A_127 = arith.constant 0 : i32
        %dma_start3A_128 = tpu.memref_slice %arg12[%add3A_67, %dma_start3A_127] : memref<10240x128xf32, #tpu.memory_space<vmem_shared>> -> memref<80x128xf32, #tpu.memory_space<vmem_shared>>
        tpu.enqueue_dma source(%dma_start3A_128 : memref<80x128xf32, #tpu.memory_space<vmem_shared>>) target(%dma_start3A_126 : memref<80x128xf32, #tpu.memory_space<hbm>>) target_semaphore(%run_scoped3A : memref<!tpu.dma_semaphore, #tpu.memory_space<semaphore_mem>>)
        %dma_wait3A = arith.constant 0 : i32
        %dma_wait3A_129 = tpu.memref_slice %arg6[%add3A_67, %dma_wait3A] : memref<10240x128xf32, #tpu.memory_space<hbm>> -> memref<80x128xf32, #tpu.memory_space<hbm>>
        %dma_wait3A_130 = arith.constant 0 : i32
        %dma_wait3A_131 = tpu.memref_slice %arg12[%add3A_67, %dma_wait3A_130] : memref<10240x128xf32, #tpu.memory_space<vmem_shared>> -> memref<80x128xf32, #tpu.memory_space<vmem_shared>>
        tpu.wait_dma2 semaphore(%run_scoped3A : memref<!tpu.dma_semaphore, #tpu.memory_space<semaphore_mem>>) src(%dma_wait3A_131 : memref<80x128xf32, #tpu.memory_space<vmem_shared>>) dst(%dma_wait3A_129 : memref<80x128xf32, #tpu.memory_space<hbm>>)
        tpu.yield
      }) : () -> ()
    } else {
    }
    %eq3A_73 = arith.constant 1 : i32
    %eq3A_74 = arith.cmpi eq, %arg0, %eq3A_73 : i32
    %convert_element_type3A_75 = arith.extui %eq3A_74 : i1 to i32
    %cond3A_76 = arith.constant 0 : i32
    %cond3A_77 = arith.cmpi ne, %convert_element_type3A_75, %cond3A_76 : i32
    scf.if %cond3A_77 {
      "tpu.region"() ({
        %run_scoped3A = tpu.sem_alloc : memref<!tpu.dma_semaphore, #tpu.memory_space<semaphore_mem>>
        %dma_start3A = arith.constant 0 : i32
        %dma_start3A_126 = tpu.memref_slice %arg7[%add3A_67, %dma_start3A] : memref<10240x128xf32, #tpu.memory_space<hbm>> -> memref<80x128xf32, #tpu.memory_space<hbm>>
        %dma_start3A_127 = arith.constant 0 : i32
        %dma_start3A_128 = tpu.memref_slice %arg12[%add3A_67, %dma_start3A_127] : memref<10240x128xf32, #tpu.memory_space<vmem_shared>> -> memref<80x128xf32, #tpu.memory_space<vmem_shared>>
        tpu.enqueue_dma source(%dma_start3A_128 : memref<80x128xf32, #tpu.memory_space<vmem_shared>>) target(%dma_start3A_126 : memref<80x128xf32, #tpu.memory_space<hbm>>) target_semaphore(%run_scoped3A : memref<!tpu.dma_semaphore, #tpu.memory_space<semaphore_mem>>)
        %dma_wait3A = arith.constant 0 : i32
        %dma_wait3A_129 = tpu.memref_slice %arg7[%add3A_67, %dma_wait3A] : memref<10240x128xf32, #tpu.memory_space<hbm>> -> memref<80x128xf32, #tpu.memory_space<hbm>>
        %dma_wait3A_130 = arith.constant 0 : i32
        %dma_wait3A_131 = tpu.memref_slice %arg12[%add3A_67, %dma_wait3A_130] : memref<10240x128xf32, #tpu.memory_space<vmem_shared>> -> memref<80x128xf32, #tpu.memory_space<vmem_shared>>
        tpu.wait_dma2 semaphore(%run_scoped3A : memref<!tpu.dma_semaphore, #tpu.memory_space<semaphore_mem>>) src(%dma_wait3A_131 : memref<80x128xf32, #tpu.memory_space<vmem_shared>>) dst(%dma_wait3A_129 : memref<80x128xf32, #tpu.memory_space<hbm>>)
        tpu.yield
      }) : () -> ()
    } else {
    }
    %add3A_78 = arith.constant 320 : i32
    %add3A_79 = arith.addi %mul3A_6, %add3A_78 : i32
    %eq3A_80 = arith.constant 0 : i32
    %eq3A_81 = arith.cmpi eq, %arg0, %eq3A_80 : i32
    %convert_element_type3A_82 = arith.extui %eq3A_81 : i1 to i32
    %cond3A_83 = arith.constant 0 : i32
    %cond3A_84 = arith.cmpi ne, %convert_element_type3A_82, %cond3A_83 : i32
    scf.if %cond3A_84 {
      "tpu.region"() ({
        %run_scoped3A = tpu.sem_alloc : memref<!tpu.dma_semaphore, #tpu.memory_space<semaphore_mem>>
        %dma_start3A = arith.constant 0 : i32
        %dma_start3A_126 = tpu.memref_slice %arg6[%add3A_79, %dma_start3A] : memref<10240x128xf32, #tpu.memory_space<hbm>> -> memref<80x128xf32, #tpu.memory_space<hbm>>
        %dma_start3A_127 = arith.constant 0 : i32
        %dma_start3A_128 = tpu.memref_slice %arg12[%add3A_79, %dma_start3A_127] : memref<10240x128xf32, #tpu.memory_space<vmem_shared>> -> memref<80x128xf32, #tpu.memory_space<vmem_shared>>
        tpu.enqueue_dma source(%dma_start3A_128 : memref<80x128xf32, #tpu.memory_space<vmem_shared>>) target(%dma_start3A_126 : memref<80x128xf32, #tpu.memory_space<hbm>>) target_semaphore(%run_scoped3A : memref<!tpu.dma_semaphore, #tpu.memory_space<semaphore_mem>>)
        %dma_wait3A = arith.constant 0 : i32
        %dma_wait3A_129 = tpu.memref_slice %arg6[%add3A_79, %dma_wait3A] : memref<10240x128xf32, #tpu.memory_space<hbm>> -> memref<80x128xf32, #tpu.memory_space<hbm>>
        %dma_wait3A_130 = arith.constant 0 : i32
        %dma_wait3A_131 = tpu.memref_slice %arg12[%add3A_79, %dma_wait3A_130] : memref<10240x128xf32, #tpu.memory_space<vmem_shared>> -> memref<80x128xf32, #tpu.memory_space<vmem_shared>>
        tpu.wait_dma2 semaphore(%run_scoped3A : memref<!tpu.dma_semaphore, #tpu.memory_space<semaphore_mem>>) src(%dma_wait3A_131 : memref<80x128xf32, #tpu.memory_space<vmem_shared>>) dst(%dma_wait3A_129 : memref<80x128xf32, #tpu.memory_space<hbm>>)
        tpu.yield
      }) : () -> ()
    } else {
    }
    %eq3A_85 = arith.constant 1 : i32
    %eq3A_86 = arith.cmpi eq, %arg0, %eq3A_85 : i32
    %convert_element_type3A_87 = arith.extui %eq3A_86 : i1 to i32
    %cond3A_88 = arith.constant 0 : i32
    %cond3A_89 = arith.cmpi ne, %convert_element_type3A_87, %cond3A_88 : i32
    scf.if %cond3A_89 {
      "tpu.region"() ({
        %run_scoped3A = tpu.sem_alloc : memref<!tpu.dma_semaphore, #tpu.memory_space<semaphore_mem>>
        %dma_start3A = arith.constant 0 : i32
        %dma_start3A_126 = tpu.memref_slice %arg7[%add3A_79, %dma_start3A] : memref<10240x128xf32, #tpu.memory_space<hbm>> -> memref<80x128xf32, #tpu.memory_space<hbm>>
        %dma_start3A_127 = arith.constant 0 : i32
        %dma_start3A_128 = tpu.memref_slice %arg12[%add3A_79, %dma_start3A_127] : memref<10240x128xf32, #tpu.memory_space<vmem_shared>> -> memref<80x128xf32, #tpu.memory_space<vmem_shared>>
        tpu.enqueue_dma source(%dma_start3A_128 : memref<80x128xf32, #tpu.memory_space<vmem_shared>>) target(%dma_start3A_126 : memref<80x128xf32, #tpu.memory_space<hbm>>) target_semaphore(%run_scoped3A : memref<!tpu.dma_semaphore, #tpu.memory_space<semaphore_mem>>)
        %dma_wait3A = arith.constant 0 : i32
        %dma_wait3A_129 = tpu.memref_slice %arg7[%add3A_79, %dma_wait3A] : memref<10240x128xf32, #tpu.memory_space<hbm>> -> memref<80x128xf32, #tpu.memory_space<hbm>>
        %dma_wait3A_130 = arith.constant 0 : i32
        %dma_wait3A_131 = tpu.memref_slice %arg12[%add3A_79, %dma_wait3A_130] : memref<10240x128xf32, #tpu.memory_space<vmem_shared>> -> memref<80x128xf32, #tpu.memory_space<vmem_shared>>
        tpu.wait_dma2 semaphore(%run_scoped3A : memref<!tpu.dma_semaphore, #tpu.memory_space<semaphore_mem>>) src(%dma_wait3A_131 : memref<80x128xf32, #tpu.memory_space<vmem_shared>>) dst(%dma_wait3A_129 : memref<80x128xf32, #tpu.memory_space<hbm>>)
        tpu.yield
      }) : () -> ()
    } else {
    }
    %add3A_90 = arith.constant 400 : i32
    %add3A_91 = arith.addi %mul3A_6, %add3A_90 : i32
    %eq3A_92 = arith.constant 0 : i32
    %eq3A_93 = arith.cmpi eq, %arg0, %eq3A_92 : i32
    %convert_element_type3A_94 = arith.extui %eq3A_93 : i1 to i32
    %cond3A_95 = arith.constant 0 : i32
    %cond3A_96 = arith.cmpi ne, %convert_element_type3A_94, %cond3A_95 : i32
    scf.if %cond3A_96 {
      "tpu.region"() ({
        %run_scoped3A = tpu.sem_alloc : memref<!tpu.dma_semaphore, #tpu.memory_space<semaphore_mem>>
        %dma_start3A = arith.constant 0 : i32
        %dma_start3A_126 = tpu.memref_slice %arg6[%add3A_91, %dma_start3A] : memref<10240x128xf32, #tpu.memory_space<hbm>> -> memref<80x128xf32, #tpu.memory_space<hbm>>
        %dma_start3A_127 = arith.constant 0 : i32
        %dma_start3A_128 = tpu.memref_slice %arg12[%add3A_91, %dma_start3A_127] : memref<10240x128xf32, #tpu.memory_space<vmem_shared>> -> memref<80x128xf32, #tpu.memory_space<vmem_shared>>
        tpu.enqueue_dma source(%dma_start3A_128 : memref<80x128xf32, #tpu.memory_space<vmem_shared>>) target(%dma_start3A_126 : memref<80x128xf32, #tpu.memory_space<hbm>>) target_semaphore(%run_scoped3A : memref<!tpu.dma_semaphore, #tpu.memory_space<semaphore_mem>>)
        %dma_wait3A = arith.constant 0 : i32
        %dma_wait3A_129 = tpu.memref_slice %arg6[%add3A_91, %dma_wait3A] : memref<10240x128xf32, #tpu.memory_space<hbm>> -> memref<80x128xf32, #tpu.memory_space<hbm>>
        %dma_wait3A_130 = arith.constant 0 : i32
        %dma_wait3A_131 = tpu.memref_slice %arg12[%add3A_91, %dma_wait3A_130] : memref<10240x128xf32, #tpu.memory_space<vmem_shared>> -> memref<80x128xf32, #tpu.memory_space<vmem_shared>>
        tpu.wait_dma2 semaphore(%run_scoped3A : memref<!tpu.dma_semaphore, #tpu.memory_space<semaphore_mem>>) src(%dma_wait3A_131 : memref<80x128xf32, #tpu.memory_space<vmem_shared>>) dst(%dma_wait3A_129 : memref<80x128xf32, #tpu.memory_space<hbm>>)
        tpu.yield
      }) : () -> ()
    } else {
    }
    %eq3A_97 = arith.constant 1 : i32
    %eq3A_98 = arith.cmpi eq, %arg0, %eq3A_97 : i32
    %convert_element_type3A_99 = arith.extui %eq3A_98 : i1 to i32
    %cond3A_100 = arith.constant 0 : i32
    %cond3A_101 = arith.cmpi ne, %convert_element_type3A_99, %cond3A_100 : i32
    scf.if %cond3A_101 {
      "tpu.region"() ({
        %run_scoped3A = tpu.sem_alloc : memref<!tpu.dma_semaphore, #tpu.memory_space<semaphore_mem>>
        %dma_start3A = arith.constant 0 : i32
        %dma_start3A_126 = tpu.memref_slice %arg7[%add3A_91, %dma_start3A] : memref<10240x128xf32, #tpu.memory_space<hbm>> -> memref<80x128xf32, #tpu.memory_space<hbm>>
        %dma_start3A_127 = arith.constant 0 : i32
        %dma_start3A_128 = tpu.memref_slice %arg12[%add3A_91, %dma_start3A_127] : memref<10240x128xf32, #tpu.memory_space<vmem_shared>> -> memref<80x128xf32, #tpu.memory_space<vmem_shared>>
        tpu.enqueue_dma source(%dma_start3A_128 : memref<80x128xf32, #tpu.memory_space<vmem_shared>>) target(%dma_start3A_126 : memref<80x128xf32, #tpu.memory_space<hbm>>) target_semaphore(%run_scoped3A : memref<!tpu.dma_semaphore, #tpu.memory_space<semaphore_mem>>)
        %dma_wait3A = arith.constant 0 : i32
        %dma_wait3A_129 = tpu.memref_slice %arg7[%add3A_91, %dma_wait3A] : memref<10240x128xf32, #tpu.memory_space<hbm>> -> memref<80x128xf32, #tpu.memory_space<hbm>>
        %dma_wait3A_130 = arith.constant 0 : i32
        %dma_wait3A_131 = tpu.memref_slice %arg12[%add3A_91, %dma_wait3A_130] : memref<10240x128xf32, #tpu.memory_space<vmem_shared>> -> memref<80x128xf32, #tpu.memory_space<vmem_shared>>
        tpu.wait_dma2 semaphore(%run_scoped3A : memref<!tpu.dma_semaphore, #tpu.memory_space<semaphore_mem>>) src(%dma_wait3A_131 : memref<80x128xf32, #tpu.memory_space<vmem_shared>>) dst(%dma_wait3A_129 : memref<80x128xf32, #tpu.memory_space<hbm>>)
        tpu.yield
      }) : () -> ()
    } else {
    }
    %add3A_102 = arith.constant 480 : i32
    %add3A_103 = arith.addi %mul3A_6, %add3A_102 : i32
    %eq3A_104 = arith.constant 0 : i32
    %eq3A_105 = arith.cmpi eq, %arg0, %eq3A_104 : i32
    %convert_element_type3A_106 = arith.extui %eq3A_105 : i1 to i32
    %cond3A_107 = arith.constant 0 : i32
    %cond3A_108 = arith.cmpi ne, %convert_element_type3A_106, %cond3A_107 : i32
    scf.if %cond3A_108 {
      "tpu.region"() ({
        %run_scoped3A = tpu.sem_alloc : memref<!tpu.dma_semaphore, #tpu.memory_space<semaphore_mem>>
        %dma_start3A = arith.constant 0 : i32
        %dma_start3A_126 = tpu.memref_slice %arg6[%add3A_103, %dma_start3A] : memref<10240x128xf32, #tpu.memory_space<hbm>> -> memref<80x128xf32, #tpu.memory_space<hbm>>
        %dma_start3A_127 = arith.constant 0 : i32
        %dma_start3A_128 = tpu.memref_slice %arg12[%add3A_103, %dma_start3A_127] : memref<10240x128xf32, #tpu.memory_space<vmem_shared>> -> memref<80x128xf32, #tpu.memory_space<vmem_shared>>
        tpu.enqueue_dma source(%dma_start3A_128 : memref<80x128xf32, #tpu.memory_space<vmem_shared>>) target(%dma_start3A_126 : memref<80x128xf32, #tpu.memory_space<hbm>>) target_semaphore(%run_scoped3A : memref<!tpu.dma_semaphore, #tpu.memory_space<semaphore_mem>>)
        %dma_wait3A = arith.constant 0 : i32
        %dma_wait3A_129 = tpu.memref_slice %arg6[%add3A_103, %dma_wait3A] : memref<10240x128xf32, #tpu.memory_space<hbm>> -> memref<80x128xf32, #tpu.memory_space<hbm>>
        %dma_wait3A_130 = arith.constant 0 : i32
        %dma_wait3A_131 = tpu.memref_slice %arg12[%add3A_103, %dma_wait3A_130] : memref<10240x128xf32, #tpu.memory_space<vmem_shared>> -> memref<80x128xf32, #tpu.memory_space<vmem_shared>>
        tpu.wait_dma2 semaphore(%run_scoped3A : memref<!tpu.dma_semaphore, #tpu.memory_space<semaphore_mem>>) src(%dma_wait3A_131 : memref<80x128xf32, #tpu.memory_space<vmem_shared>>) dst(%dma_wait3A_129 : memref<80x128xf32, #tpu.memory_space<hbm>>)
        tpu.yield
      }) : () -> ()
    } else {
    }
    %eq3A_109 = arith.constant 1 : i32
    %eq3A_110 = arith.cmpi eq, %arg0, %eq3A_109 : i32
    %convert_element_type3A_111 = arith.extui %eq3A_110 : i1 to i32
    %cond3A_112 = arith.constant 0 : i32
    %cond3A_113 = arith.cmpi ne, %convert_element_type3A_111, %cond3A_112 : i32
    scf.if %cond3A_113 {
      "tpu.region"() ({
        %run_scoped3A = tpu.sem_alloc : memref<!tpu.dma_semaphore, #tpu.memory_space<semaphore_mem>>
        %dma_start3A = arith.constant 0 : i32
        %dma_start3A_126 = tpu.memref_slice %arg7[%add3A_103, %dma_start3A] : memref<10240x128xf32, #tpu.memory_space<hbm>> -> memref<80x128xf32, #tpu.memory_space<hbm>>
        %dma_start3A_127 = arith.constant 0 : i32
        %dma_start3A_128 = tpu.memref_slice %arg12[%add3A_103, %dma_start3A_127] : memref<10240x128xf32, #tpu.memory_space<vmem_shared>> -> memref<80x128xf32, #tpu.memory_space<vmem_shared>>
        tpu.enqueue_dma source(%dma_start3A_128 : memref<80x128xf32, #tpu.memory_space<vmem_shared>>) target(%dma_start3A_126 : memref<80x128xf32, #tpu.memory_space<hbm>>) target_semaphore(%run_scoped3A : memref<!tpu.dma_semaphore, #tpu.memory_space<semaphore_mem>>)
        %dma_wait3A = arith.constant 0 : i32
        %dma_wait3A_129 = tpu.memref_slice %arg7[%add3A_103, %dma_wait3A] : memref<10240x128xf32, #tpu.memory_space<hbm>> -> memref<80x128xf32, #tpu.memory_space<hbm>>
        %dma_wait3A_130 = arith.constant 0 : i32
        %dma_wait3A_131 = tpu.memref_slice %arg12[%add3A_103, %dma_wait3A_130] : memref<10240x128xf32, #tpu.memory_space<vmem_shared>> -> memref<80x128xf32, #tpu.memory_space<vmem_shared>>
        tpu.wait_dma2 semaphore(%run_scoped3A : memref<!tpu.dma_semaphore, #tpu.memory_space<semaphore_mem>>) src(%dma_wait3A_131 : memref<80x128xf32, #tpu.memory_space<vmem_shared>>) dst(%dma_wait3A_129 : memref<80x128xf32, #tpu.memory_space<hbm>>)
        tpu.yield
      }) : () -> ()
    } else {
    }
    %add3A_114 = arith.constant 560 : i32
    %add3A_115 = arith.addi %mul3A_6, %add3A_114 : i32
    %eq3A_116 = arith.constant 0 : i32
    %eq3A_117 = arith.cmpi eq, %arg0, %eq3A_116 : i32
    %convert_element_type3A_118 = arith.extui %eq3A_117 : i1 to i32
    %cond3A_119 = arith.constant 0 : i32
    %cond3A_120 = arith.cmpi ne, %convert_element_type3A_118, %cond3A_119 : i32
    scf.if %cond3A_120 {
      "tpu.region"() ({
        %run_scoped3A = tpu.sem_alloc : memref<!tpu.dma_semaphore, #tpu.memory_space<semaphore_mem>>
        %dma_start3A = arith.constant 0 : i32
        %dma_start3A_126 = tpu.memref_slice %arg6[%add3A_115, %dma_start3A] : memref<10240x128xf32, #tpu.memory_space<hbm>> -> memref<80x128xf32, #tpu.memory_space<hbm>>
        %dma_start3A_127 = arith.constant 0 : i32
        %dma_start3A_128 = tpu.memref_slice %arg12[%add3A_115, %dma_start3A_127] : memref<10240x128xf32, #tpu.memory_space<vmem_shared>> -> memref<80x128xf32, #tpu.memory_space<vmem_shared>>
        tpu.enqueue_dma source(%dma_start3A_128 : memref<80x128xf32, #tpu.memory_space<vmem_shared>>) target(%dma_start3A_126 : memref<80x128xf32, #tpu.memory_space<hbm>>) target_semaphore(%run_scoped3A : memref<!tpu.dma_semaphore, #tpu.memory_space<semaphore_mem>>)
        %dma_wait3A = arith.constant 0 : i32
        %dma_wait3A_129 = tpu.memref_slice %arg6[%add3A_115, %dma_wait3A] : memref<10240x128xf32, #tpu.memory_space<hbm>> -> memref<80x128xf32, #tpu.memory_space<hbm>>
        %dma_wait3A_130 = arith.constant 0 : i32
        %dma_wait3A_131 = tpu.memref_slice %arg12[%add3A_115, %dma_wait3A_130] : memref<10240x128xf32, #tpu.memory_space<vmem_shared>> -> memref<80x128xf32, #tpu.memory_space<vmem_shared>>
        tpu.wait_dma2 semaphore(%run_scoped3A : memref<!tpu.dma_semaphore, #tpu.memory_space<semaphore_mem>>) src(%dma_wait3A_131 : memref<80x128xf32, #tpu.memory_space<vmem_shared>>) dst(%dma_wait3A_129 : memref<80x128xf32, #tpu.memory_space<hbm>>)
        tpu.yield
      }) : () -> ()
    } else {
    }
    %eq3A_121 = arith.constant 1 : i32
    %eq3A_122 = arith.cmpi eq, %arg0, %eq3A_121 : i32
    %convert_element_type3A_123 = arith.extui %eq3A_122 : i1 to i32
    %cond3A_124 = arith.constant 0 : i32
    %cond3A_125 = arith.cmpi ne, %convert_element_type3A_123, %cond3A_124 : i32
    scf.if %cond3A_125 {
      "tpu.region"() ({
        %run_scoped3A = tpu.sem_alloc : memref<!tpu.dma_semaphore, #tpu.memory_space<semaphore_mem>>
        %dma_start3A = arith.constant 0 : i32
        %dma_start3A_126 = tpu.memref_slice %arg7[%add3A_115, %dma_start3A] : memref<10240x128xf32, #tpu.memory_space<hbm>> -> memref<80x128xf32, #tpu.memory_space<hbm>>
        %dma_start3A_127 = arith.constant 0 : i32
        %dma_start3A_128 = tpu.memref_slice %arg12[%add3A_115, %dma_start3A_127] : memref<10240x128xf32, #tpu.memory_space<vmem_shared>> -> memref<80x128xf32, #tpu.memory_space<vmem_shared>>
        tpu.enqueue_dma source(%dma_start3A_128 : memref<80x128xf32, #tpu.memory_space<vmem_shared>>) target(%dma_start3A_126 : memref<80x128xf32, #tpu.memory_space<hbm>>) target_semaphore(%run_scoped3A : memref<!tpu.dma_semaphore, #tpu.memory_space<semaphore_mem>>)
        %dma_wait3A = arith.constant 0 : i32
        %dma_wait3A_129 = tpu.memref_slice %arg7[%add3A_115, %dma_wait3A] : memref<10240x128xf32, #tpu.memory_space<hbm>> -> memref<80x128xf32, #tpu.memory_space<hbm>>
        %dma_wait3A_130 = arith.constant 0 : i32
        %dma_wait3A_131 = tpu.memref_slice %arg12[%add3A_115, %dma_wait3A_130] : memref<10240x128xf32, #tpu.memory_space<vmem_shared>> -> memref<80x128xf32, #tpu.memory_space<vmem_shared>>
        tpu.wait_dma2 semaphore(%run_scoped3A : memref<!tpu.dma_semaphore, #tpu.memory_space<semaphore_mem>>) src(%dma_wait3A_131 : memref<80x128xf32, #tpu.memory_space<vmem_shared>>) dst(%dma_wait3A_129 : memref<80x128xf32, #tpu.memory_space<hbm>>)
        tpu.yield
      }) : () -> ()
    } else {
    }
    return
  }
}

#map = affine_map<(d0, d1) -> (0, 0)>
#map1 = affine_map<(d0, d1) -> (0, 0, 0)>
#map2 = affine_map<(d0, d1) -> (0)>
module attributes {stable_mosaic.version = 14 : i64} {
  func.func @_path_body(%arg0: i32, %arg1: i32, %arg2: memref<10240x128xf32, #tpu.memory_space<hbm>>, %arg3: memref<10240x128xf32, #tpu.memory_space<hbm>>, %arg4: memref<16x16x256xi32, #tpu.memory_space<hbm>>, %arg5: memref<4096xi32, #tpu.memory_space<hbm>>, %arg6: memref<4096xi32, #tpu.memory_space<hbm>>, %arg7: memref<4096xi32, #tpu.memory_space<hbm>>, %arg8: memref<4096x128xf32, #tpu.memory_space<hbm>>, %arg9: memref<4096x128xf32, #tpu.memory_space<hbm>>, %arg10: memref<4096x128xf32, #tpu.memory_space<hbm>>, %arg11: memref<4096x128xf32, #tpu.memory_space<hbm>>, %arg12: memref<4096x128xf32, #tpu.memory_space<hbm>>, %arg13: memref<4096x128xf32, #tpu.memory_space<hbm>>, %arg14: memref<16x256xi32, #tpu.memory_space<vmem>>, %arg15: memref<256xi32, #tpu.memory_space<vmem>>, %arg16: memref<256xi32, #tpu.memory_space<vmem>>, %arg17: memref<256xi32, #tpu.memory_space<vmem>>, %arg18: memref<20x128xi32, #tpu.memory_space<vmem>>, %arg19: memref<128x128xf32, #tpu.memory_space<vmem>>, %arg20: memref<128x128xf32, #tpu.memory_space<vmem>>, %arg21: memref<256x128xf32, #tpu.memory_space<vmem>>, %arg22: memref<!tpu.dma_semaphore, #tpu.memory_space<semaphore_mem>>, %arg23: memref<!tpu.dma_semaphore, #tpu.memory_space<semaphore_mem>>) attributes {dimension_semantics = [#tpu.dimension_semantics<core_parallel>, #tpu.dimension_semantics<subcore_parallel>], iteration_bounds = array<i64: 2, 16>, scalar_prefetch = 0 : i64, scratch_operands = 10 : i64, tpu.core_type = #tpu.core_type<sc_vector_subcore>, window_params = [{transform_indices = #map}, {transform_indices = #map}, {transform_indices = #map1}, {transform_indices = #map2}, {transform_indices = #map2}, {transform_indices = #map2}, {transform_indices = #map}, {transform_indices = #map}, {transform_indices = #map}, {transform_indices = #map}, {transform_indices = #map}, {transform_indices = #map}]} {
    %broadcast_in_dim3A = arith.constant 0.000000e+00 : f32
    %broadcast_in_dim3A_0 = vector.broadcast %broadcast_in_dim3A : f32 to vector<16xf32>
    %mul3A = arith.constant 256 : i32
    %mul3A_1 = arith.muli %arg1, %mul3A : i32
    "tpu.region"() ({
      %run_scoped3A = tpu.sem_alloc : memref<!tpu.dma_semaphore, #tpu.memory_space<semaphore_mem>>
      %dma_start3A = arith.constant 0 : i32
      %dma_start3A_20 = arith.constant 0 : i32
      %dma_start3A_21 = tpu.memref_slice %arg4[%arg1, %dma_start3A, %dma_start3A_20] : memref<16x16x256xi32, #tpu.memory_space<hbm>> -> memref<1x16x256xi32, #tpu.memory_space<hbm>>
      %dma_start3A_22 = tpu.memref_squeeze %dma_start3A_21 : memref<1x16x256xi32, #tpu.memory_space<hbm>> -> memref<16x256xi32, #tpu.memory_space<hbm>>
      %dma_start3A_23 = arith.constant 0 : i32
      %dma_start3A_24 = arith.constant 0 : i32
      %dma_start3A_25 = tpu.memref_slice %arg4[%arg1, %dma_start3A_23, %dma_start3A_24] : memref<16x16x256xi32, #tpu.memory_space<hbm>> -> memref<1x16x256xi32, #tpu.memory_space<hbm>>
      %dma_start3A_26 = tpu.memref_squeeze %dma_start3A_25 : memref<1x16x256xi32, #tpu.memory_space<hbm>> -> memref<16x256xi32, #tpu.memory_space<hbm>>
      tpu.enqueue_dma source(%dma_start3A_26 : memref<16x256xi32, #tpu.memory_space<hbm>>) target(%arg14 : memref<16x256xi32, #tpu.memory_space<vmem>>) target_semaphore(%run_scoped3A : memref<!tpu.dma_semaphore, #tpu.memory_space<semaphore_mem>>)
      %dma_wait3A = arith.constant 0 : i32
      %dma_wait3A_27 = arith.constant 0 : i32
      %dma_wait3A_28 = tpu.memref_slice %arg4[%arg1, %dma_wait3A, %dma_wait3A_27] : memref<16x16x256xi32, #tpu.memory_space<hbm>> -> memref<1x16x256xi32, #tpu.memory_space<hbm>>
      %dma_wait3A_29 = tpu.memref_squeeze %dma_wait3A_28 : memref<1x16x256xi32, #tpu.memory_space<hbm>> -> memref<16x256xi32, #tpu.memory_space<hbm>>
      %dma_wait3A_30 = arith.constant 0 : i32
      %dma_wait3A_31 = arith.constant 0 : i32
      %dma_wait3A_32 = tpu.memref_slice %arg4[%arg1, %dma_wait3A_30, %dma_wait3A_31] : memref<16x16x256xi32, #tpu.memory_space<hbm>> -> memref<1x16x256xi32, #tpu.memory_space<hbm>>
      %dma_wait3A_33 = tpu.memref_squeeze %dma_wait3A_32 : memref<1x16x256xi32, #tpu.memory_space<hbm>> -> memref<16x256xi32, #tpu.memory_space<hbm>>
      tpu.wait_dma2 semaphore(%run_scoped3A : memref<!tpu.dma_semaphore, #tpu.memory_space<semaphore_mem>>) src(%dma_wait3A_33 : memref<16x256xi32, #tpu.memory_space<hbm>>) dst(%arg14 : memref<16x256xi32, #tpu.memory_space<vmem>>)
      tpu.yield
    }) : () -> ()
    "tpu.region"() ({
      %run_scoped3A = tpu.sem_alloc : memref<!tpu.dma_semaphore, #tpu.memory_space<semaphore_mem>>
      %dma_start3A = tpu.memref_slice %arg5[%mul3A_1] : memref<4096xi32, #tpu.memory_space<hbm>> -> memref<256xi32, #tpu.memory_space<hbm>>
      %dma_start3A_20 = tpu.memref_slice %arg5[%mul3A_1] : memref<4096xi32, #tpu.memory_space<hbm>> -> memref<256xi32, #tpu.memory_space<hbm>>
      tpu.enqueue_dma source(%dma_start3A_20 : memref<256xi32, #tpu.memory_space<hbm>>) target(%arg15 : memref<256xi32, #tpu.memory_space<vmem>>) target_semaphore(%run_scoped3A : memref<!tpu.dma_semaphore, #tpu.memory_space<semaphore_mem>>)
      %dma_wait3A = tpu.memref_slice %arg5[%mul3A_1] : memref<4096xi32, #tpu.memory_space<hbm>> -> memref<256xi32, #tpu.memory_space<hbm>>
      %dma_wait3A_21 = tpu.memref_slice %arg5[%mul3A_1] : memref<4096xi32, #tpu.memory_space<hbm>> -> memref<256xi32, #tpu.memory_space<hbm>>
      tpu.wait_dma2 semaphore(%run_scoped3A : memref<!tpu.dma_semaphore, #tpu.memory_space<semaphore_mem>>) src(%dma_wait3A_21 : memref<256xi32, #tpu.memory_space<hbm>>) dst(%arg15 : memref<256xi32, #tpu.memory_space<vmem>>)
      tpu.yield
    }) : () -> ()
    "tpu.region"() ({
      %run_scoped3A = tpu.sem_alloc : memref<!tpu.dma_semaphore, #tpu.memory_space<semaphore_mem>>
      %dma_start3A = tpu.memref_slice %arg6[%mul3A_1] : memref<4096xi32, #tpu.memory_space<hbm>> -> memref<256xi32, #tpu.memory_space<hbm>>
      %dma_start3A_20 = tpu.memref_slice %arg6[%mul3A_1] : memref<4096xi32, #tpu.memory_space<hbm>> -> memref<256xi32, #tpu.memory_space<hbm>>
      tpu.enqueue_dma source(%dma_start3A_20 : memref<256xi32, #tpu.memory_space<hbm>>) target(%arg16 : memref<256xi32, #tpu.memory_space<vmem>>) target_semaphore(%run_scoped3A : memref<!tpu.dma_semaphore, #tpu.memory_space<semaphore_mem>>)
      %dma_wait3A = tpu.memref_slice %arg6[%mul3A_1] : memref<4096xi32, #tpu.memory_space<hbm>> -> memref<256xi32, #tpu.memory_space<hbm>>
      %dma_wait3A_21 = tpu.memref_slice %arg6[%mul3A_1] : memref<4096xi32, #tpu.memory_space<hbm>> -> memref<256xi32, #tpu.memory_space<hbm>>
      tpu.wait_dma2 semaphore(%run_scoped3A : memref<!tpu.dma_semaphore, #tpu.memory_space<semaphore_mem>>) src(%dma_wait3A_21 : memref<256xi32, #tpu.memory_space<hbm>>) dst(%arg16 : memref<256xi32, #tpu.memory_space<vmem>>)
      tpu.yield
    }) : () -> ()
    "tpu.region"() ({
      %run_scoped3A = tpu.sem_alloc : memref<!tpu.dma_semaphore, #tpu.memory_space<semaphore_mem>>
      %dma_start3A = tpu.memref_slice %arg7[%mul3A_1] : memref<4096xi32, #tpu.memory_space<hbm>> -> memref<256xi32, #tpu.memory_space<hbm>>
      %dma_start3A_20 = tpu.memref_slice %arg7[%mul3A_1] : memref<4096xi32, #tpu.memory_space<hbm>> -> memref<256xi32, #tpu.memory_space<hbm>>
      tpu.enqueue_dma source(%dma_start3A_20 : memref<256xi32, #tpu.memory_space<hbm>>) target(%arg17 : memref<256xi32, #tpu.memory_space<vmem>>) target_semaphore(%run_scoped3A : memref<!tpu.dma_semaphore, #tpu.memory_space<semaphore_mem>>)
      %dma_wait3A = tpu.memref_slice %arg7[%mul3A_1] : memref<4096xi32, #tpu.memory_space<hbm>> -> memref<256xi32, #tpu.memory_space<hbm>>
      %dma_wait3A_21 = tpu.memref_slice %arg7[%mul3A_1] : memref<4096xi32, #tpu.memory_space<hbm>> -> memref<256xi32, #tpu.memory_space<hbm>>
      tpu.wait_dma2 semaphore(%run_scoped3A : memref<!tpu.dma_semaphore, #tpu.memory_space<semaphore_mem>>) src(%dma_wait3A_21 : memref<256xi32, #tpu.memory_space<hbm>>) dst(%arg17 : memref<256xi32, #tpu.memory_space<vmem>>)
      tpu.yield
    }) : () -> ()
    %iota3A = tpu.iota {dimensions = array<i32: 0>} : vector<16xi32>
    %scan3A = arith.constant 0 : i32
    %scan3A_2 = arith.constant 0 : i32
    %scan3A_3 = arith.constant 160 : i32
    %scan3A_4 = arith.addi %scan3A_2, %scan3A_3 : i32
    %scan3A_5 = arith.constant 1 : i32
    scf.for %scan3A_20 = %scan3A_2 to %scan3A_4 step %scan3A_5  : i32 {
      %jit3A = arith.constant 16 : i32
      %div3A = arith.divsi %scan3A_20, %jit3A : i32
      %sign3A = arith.constant 0 : i32
      %sign3A_21 = arith.cmpi sgt, %scan3A_20, %sign3A : i32
      %sign3A_22 = arith.extui %sign3A_21 : i1 to i32
      %sign3A_23 = arith.constant 0 : i32
      %sign3A_24 = arith.cmpi slt, %scan3A_20, %sign3A_23 : i32
      %sign3A_25 = arith.extui %sign3A_24 : i1 to i32
      %sign3A_26 = arith.subi %sign3A_22, %sign3A_25 : i32
      %sign3A_27 = arith.constant 0 : i32
      %sign3A_28 = arith.cmpi sgt, %jit3A, %sign3A_27 : i32
      %sign3A_29 = arith.extui %sign3A_28 : i1 to i32
      %sign3A_30 = arith.constant 0 : i32
      %sign3A_31 = arith.cmpi slt, %jit3A, %sign3A_30 : i32
      %sign3A_32 = arith.extui %sign3A_31 : i1 to i32
      %sign3A_33 = arith.subi %sign3A_29, %sign3A_32 : i32
      %ne3A = arith.cmpi ne, %sign3A_26, %sign3A_33 : i32
      %rem3A = arith.remsi %scan3A_20, %jit3A : i32
      %ne3A_34 = arith.constant 0 : i32
      %ne3A_35 = arith.cmpi ne, %rem3A, %ne3A_34 : i32
      %and3A = arith.andi %ne3A, %ne3A_35 : i1
      %sub3A = arith.constant 1 : i32
      %sub3A_36 = arith.subi %div3A, %sub3A : i32
      %select_n3A = arith.select %and3A, %sub3A_36, %div3A : i32
      %jit3A_37 = arith.constant 16 : i32
      %eq3A_38 = arith.constant 0 : i32
      %eq3A_39 = arith.cmpi eq, %jit3A_37, %eq3A_38 : i32
      %jit3A_40 = arith.constant 1 : i32
      %select_n3A_41 = arith.select %eq3A_39, %jit3A_40, %jit3A_37 : i32
      %rem3A_42 = arith.remsi %scan3A_20, %select_n3A_41 : i32
      %ne3A_43 = arith.constant 0 : i32
      %ne3A_44 = arith.cmpi ne, %rem3A_42, %ne3A_43 : i32
      %lt3A = arith.constant 0 : i32
      %lt3A_45 = arith.cmpi slt, %rem3A_42, %lt3A : i32
      %lt3A_46 = arith.constant 0 : i32
      %lt3A_47 = arith.cmpi slt, %select_n3A_41, %lt3A_46 : i32
      %ne3A_48 = arith.xori %lt3A_45, %lt3A_47 : i1
      %and3A_49 = arith.andi %ne3A_48, %ne3A_44 : i1
      %add3A = arith.addi %rem3A_42, %select_n3A_41 : i32
      %select_n3A_50 = arith.select %and3A_49, %add3A, %rem3A_42 : i32
      %mul3A_51 = arith.constant 16 : i32
      %mul3A_52 = arith.muli %select_n3A_50, %mul3A_51 : i32
      %get3A = arith.index_cast %select_n3A : i32 to index
      %get3A_53 = arith.index_cast %mul3A_52 : i32 to index
      %get3A_54 = tpu.vector_load %arg14[%get3A, %get3A_53] {strides = array<i32>} : memref<16x256xi32, #tpu.memory_space<vmem>>, vector<1x16xi32>,
      %get3A_55 = vector.shape_cast %get3A_54 : vector<1x16xi32> to vector<16xi32>
      %mul3A_56 = arith.constant 16 : i32
      %mul3A_57 = arith.muli %select_n3A_50, %mul3A_56 : i32
      %get3A_58 = arith.index_cast %mul3A_57 : i32 to index
      %get3A_59 = tpu.vector_load %arg15[%get3A_58] {strides = array<i32>} : memref<256xi32, #tpu.memory_space<vmem>>, vector<16xi32>,
      %get3A_60 = vector.shape_cast %get3A_59 : vector<16xi32> to vector<16xi32>
      %mul3A_61 = arith.constant 16 : i32
      %mul3A_62 = arith.muli %select_n3A_50, %mul3A_61 : i32
      %add3A_63 = vector.broadcast %mul3A_62 : i32 to vector<16xi32>
      %add3A_64 = arith.addi %add3A_63, %iota3A : vector<16xi32>
      %mul3A_65 = arith.constant 53 : i32
      %mul3A_66 = arith.muli %select_n3A, %mul3A_65 : i32
      %add3A_67 = vector.broadcast %mul3A_66 : i32 to vector<16xi32>
      %add3A_68 = arith.addi %add3A_64, %add3A_67 : vector<16xi32>
      %and3A_69 = arith.constant 127 : i32
      %and3A_70 = vector.broadcast %and3A_69 : i32 to vector<16xi32>
      %and3A_71 = arith.andi %add3A_68, %and3A_70 : vector<16xi32>
      %add3A_72 = arith.constant 10000 : i32
      %add3A_73 = vector.broadcast %add3A_72 : i32 to vector<16xi32>
      %add3A_74 = arith.addi %add3A_73, %and3A_71 : vector<16xi32>
      %lt3A_75 = vector.broadcast %select_n3A : i32 to vector<16xi32>
      %lt3A_76 = arith.cmpi slt, %lt3A_75, %get3A_60 : vector<16xi32>
      %select_n3A_77 = arith.select %lt3A_76, %get3A_55, %add3A_74 : vector<16xi1>, vector<16xi32>
      %mul3A_78 = arith.constant 2 : i32
      %mul3A_79 = arith.muli %select_n3A, %mul3A_78 : i32
      %jit3A_80 = arith.constant 8 : i32
      %div3A_81 = arith.divsi %select_n3A_50, %jit3A_80 : i32
      %sign3A_82 = arith.constant 0 : i32
      %sign3A_83 = arith.cmpi sgt, %select_n3A_50, %sign3A_82 : i32
      %sign3A_84 = arith.extui %sign3A_83 : i1 to i32
      %sign3A_85 = arith.constant 0 : i32
      %sign3A_86 = arith.cmpi slt, %select_n3A_50, %sign3A_85 : i32
      %sign3A_87 = arith.extui %sign3A_86 : i1 to i32
      %sign3A_88 = arith.subi %sign3A_84, %sign3A_87 : i32
      %sign3A_89 = arith.constant 0 : i32
      %sign3A_90 = arith.cmpi sgt, %jit3A_80, %sign3A_89 : i32
      %sign3A_91 = arith.extui %sign3A_90 : i1 to i32
      %sign3A_92 = arith.constant 0 : i32
      %sign3A_93 = arith.cmpi slt, %jit3A_80, %sign3A_92 : i32
      %sign3A_94 = arith.extui %sign3A_93 : i1 to i32
      %sign3A_95 = arith.subi %sign3A_91, %sign3A_94 : i32
      %ne3A_96 = arith.cmpi ne, %sign3A_88, %sign3A_95 : i32
      %rem3A_97 = arith.remsi %select_n3A_50, %jit3A_80 : i32
      %ne3A_98 = arith.constant 0 : i32
      %ne3A_99 = arith.cmpi ne, %rem3A_97, %ne3A_98 : i32
      %and3A_100 = arith.andi %ne3A_96, %ne3A_99 : i1
      %sub3A_101 = arith.constant 1 : i32
      %sub3A_102 = arith.subi %div3A_81, %sub3A_101 : i32
      %select_n3A_103 = arith.select %and3A_100, %sub3A_102, %div3A_81 : i32
      %add3A_104 = arith.addi %mul3A_79, %select_n3A_103 : i32
      %jit3A_105 = arith.constant 8 : i32
      %eq3A_106 = arith.constant 0 : i32
      %eq3A_107 = arith.cmpi eq, %jit3A_105, %eq3A_106 : i32
      %jit3A_108 = arith.constant 1 : i32
      %select_n3A_109 = arith.select %eq3A_107, %jit3A_108, %jit3A_105 : i32
      %rem3A_110 = arith.remsi %select_n3A_50, %select_n3A_109 : i32
      %ne3A_111 = arith.constant 0 : i32
      %ne3A_112 = arith.cmpi ne, %rem3A_110, %ne3A_111 : i32
      %lt3A_113 = arith.constant 0 : i32
      %lt3A_114 = arith.cmpi slt, %rem3A_110, %lt3A_113 : i32
      %lt3A_115 = arith.constant 0 : i32
      %lt3A_116 = arith.cmpi slt, %select_n3A_109, %lt3A_115 : i32
      %ne3A_117 = arith.xori %lt3A_114, %lt3A_116 : i1
      %and3A_118 = arith.andi %ne3A_117, %ne3A_112 : i1
      %add3A_119 = arith.addi %rem3A_110, %select_n3A_109 : i32
      %select_n3A_120 = arith.select %and3A_118, %add3A_119, %rem3A_110 : i32
      %mul3A_121 = arith.constant 16 : i32
      %mul3A_122 = arith.muli %select_n3A_120, %mul3A_121 : i32
      %swap3A = arith.index_cast %add3A_104 : i32 to index
      %swap3A_123 = arith.index_cast %mul3A_122 : i32 to index
      %swap3A_124 = tpu.vector_load %arg18[%swap3A, %swap3A_123] {strides = array<i32>} : memref<20x128xi32, #tpu.memory_space<vmem>>, vector<1x16xi32>,
      %swap3A_125 = vector.shape_cast %swap3A_124 : vector<1x16xi32> to vector<16xi32>
      %swap3A_126 = vector.shape_cast %select_n3A_77 : vector<16xi32> to vector<1x16xi32>
      tpu.vector_store %arg18[%swap3A, %swap3A_123], %swap3A_126 {strides = array<i32>} : memref<20x128xi32, #tpu.memory_space<vmem>>, vector<1x16xi32>,
    }
    %scan3A_6 = arith.constant 160 : i32
    %scan3A_7 = arith.constant 0 : i32
    %scan3A_8 = arith.constant 0 : i32
    %scan3A_9 = arith.constant 256 : i32
    %scan3A_10 = arith.addi %scan3A_8, %scan3A_9 : i32
    %scan3A_11 = arith.constant 1 : i32
    scf.for %scan3A_20 = %scan3A_8 to %scan3A_10 step %scan3A_11  : i32 {
      %swap3A = arith.index_cast %scan3A_20 : i32 to index
      %swap3A_21 = arith.constant 0 : index
      %swap3A_22 = tpu.vector_load %arg21[%swap3A, %swap3A_21] {strides = array<i32>} : memref<256x128xf32, #tpu.memory_space<vmem>>, vector<1x16xf32>,
      %swap3A_23 = vector.shape_cast %swap3A_22 : vector<1x16xf32> to vector<16xf32>
      %swap3A_24 = vector.shape_cast %broadcast_in_dim3A_0 : vector<16xf32> to vector<1x16xf32>
      tpu.vector_store %arg21[%swap3A, %swap3A_21], %swap3A_24 {strides = array<i32>} : memref<256x128xf32, #tpu.memory_space<vmem>>, vector<1x16xf32>,
      %swap3A_25 = arith.index_cast %scan3A_20 : i32 to index
      %swap3A_26 = arith.constant 16 : index
      %swap3A_27 = tpu.vector_load %arg21[%swap3A_25, %swap3A_26] {strides = array<i32>} : memref<256x128xf32, #tpu.memory_space<vmem>>, vector<1x16xf32>,
      %swap3A_28 = vector.shape_cast %swap3A_27 : vector<1x16xf32> to vector<16xf32>
      %swap3A_29 = vector.shape_cast %broadcast_in_dim3A_0 : vector<16xf32> to vector<1x16xf32>
      tpu.vector_store %arg21[%swap3A_25, %swap3A_26], %swap3A_29 {strides = array<i32>} : memref<256x128xf32, #tpu.memory_space<vmem>>, vector<1x16xf32>,
      %swap3A_30 = arith.index_cast %scan3A_20 : i32 to index
      %swap3A_31 = arith.constant 32 : index
      %swap3A_32 = tpu.vector_load %arg21[%swap3A_30, %swap3A_31] {strides = array<i32>} : memref<256x128xf32, #tpu.memory_space<vmem>>, vector<1x16xf32>,
      %swap3A_33 = vector.shape_cast %swap3A_32 : vector<1x16xf32> to vector<16xf32>
      %swap3A_34 = vector.shape_cast %broadcast_in_dim3A_0 : vector<16xf32> to vector<1x16xf32>
      tpu.vector_store %arg21[%swap3A_30, %swap3A_31], %swap3A_34 {strides = array<i32>} : memref<256x128xf32, #tpu.memory_space<vmem>>, vector<1x16xf32>,
      %swap3A_35 = arith.index_cast %scan3A_20 : i32 to index
      %swap3A_36 = arith.constant 48 : index
      %swap3A_37 = tpu.vector_load %arg21[%swap3A_35, %swap3A_36] {strides = array<i32>} : memref<256x128xf32, #tpu.memory_space<vmem>>, vector<1x16xf32>,
      %swap3A_38 = vector.shape_cast %swap3A_37 : vector<1x16xf32> to vector<16xf32>
      %swap3A_39 = vector.shape_cast %broadcast_in_dim3A_0 : vector<16xf32> to vector<1x16xf32>
      tpu.vector_store %arg21[%swap3A_35, %swap3A_36], %swap3A_39 {strides = array<i32>} : memref<256x128xf32, #tpu.memory_space<vmem>>, vector<1x16xf32>,
      %swap3A_40 = arith.index_cast %scan3A_20 : i32 to index
      %swap3A_41 = arith.constant 64 : index
      %swap3A_42 = tpu.vector_load %arg21[%swap3A_40, %swap3A_41] {strides = array<i32>} : memref<256x128xf32, #tpu.memory_space<vmem>>, vector<1x16xf32>,
      %swap3A_43 = vector.shape_cast %swap3A_42 : vector<1x16xf32> to vector<16xf32>
      %swap3A_44 = vector.shape_cast %broadcast_in_dim3A_0 : vector<16xf32> to vector<1x16xf32>
      tpu.vector_store %arg21[%swap3A_40, %swap3A_41], %swap3A_44 {strides = array<i32>} : memref<256x128xf32, #tpu.memory_space<vmem>>, vector<1x16xf32>,
      %swap3A_45 = arith.index_cast %scan3A_20 : i32 to index
      %swap3A_46 = arith.constant 80 : index
      %swap3A_47 = tpu.vector_load %arg21[%swap3A_45, %swap3A_46] {strides = array<i32>} : memref<256x128xf32, #tpu.memory_space<vmem>>, vector<1x16xf32>,
      %swap3A_48 = vector.shape_cast %swap3A_47 : vector<1x16xf32> to vector<16xf32>
      %swap3A_49 = vector.shape_cast %broadcast_in_dim3A_0 : vector<16xf32> to vector<1x16xf32>
      tpu.vector_store %arg21[%swap3A_45, %swap3A_46], %swap3A_49 {strides = array<i32>} : memref<256x128xf32, #tpu.memory_space<vmem>>, vector<1x16xf32>,
      %swap3A_50 = arith.index_cast %scan3A_20 : i32 to index
      %swap3A_51 = arith.constant 96 : index
      %swap3A_52 = tpu.vector_load %arg21[%swap3A_50, %swap3A_51] {strides = array<i32>} : memref<256x128xf32, #tpu.memory_space<vmem>>, vector<1x16xf32>,
      %swap3A_53 = vector.shape_cast %swap3A_52 : vector<1x16xf32> to vector<16xf32>
      %swap3A_54 = vector.shape_cast %broadcast_in_dim3A_0 : vector<16xf32> to vector<1x16xf32>
      tpu.vector_store %arg21[%swap3A_50, %swap3A_51], %swap3A_54 {strides = array<i32>} : memref<256x128xf32, #tpu.memory_space<vmem>>, vector<1x16xf32>,
      %swap3A_55 = arith.index_cast %scan3A_20 : i32 to index
      %swap3A_56 = arith.constant 112 : index
      %swap3A_57 = tpu.vector_load %arg21[%swap3A_55, %swap3A_56] {strides = array<i32>} : memref<256x128xf32, #tpu.memory_space<vmem>>, vector<1x16xf32>,
      %swap3A_58 = vector.shape_cast %swap3A_57 : vector<1x16xf32> to vector<16xf32>
      %swap3A_59 = vector.shape_cast %broadcast_in_dim3A_0 : vector<16xf32> to vector<1x16xf32>
      tpu.vector_store %arg21[%swap3A_55, %swap3A_56], %swap3A_59 {strides = array<i32>} : memref<256x128xf32, #tpu.memory_space<vmem>>, vector<1x16xf32>,
    }
    %scan3A_12 = arith.constant 256 : i32
    %eq3A = arith.constant 0 : i32
    %eq3A_13 = arith.cmpi eq, %arg0, %eq3A : i32
    %convert_element_type3A = arith.extui %eq3A_13 : i1 to i32
    %cond3A = arith.constant 0 : i32
    %cond3A_14 = arith.cmpi ne, %convert_element_type3A, %cond3A : i32
    scf.if %cond3A_14 {
      %dma_start3A = arith.constant 0 : i32
      %dma_start3A_20 = arith.constant 0 : i32
      %dma_start3A_21 = tpu.memref_slice %arg18[%dma_start3A, %dma_start3A_20] : memref<20x128xi32, #tpu.memory_space<vmem>> -> memref<1x128xi32, #tpu.memory_space<vmem>>
      %dma_start3A_22 = tpu.memref_squeeze %dma_start3A_21 : memref<1x128xi32, #tpu.memory_space<vmem>> -> memref<128xi32, #tpu.memory_space<vmem>>
      %dma_start3A_23 = arith.constant 0 : i32
      %dma_start3A_24 = arith.constant 0 : i32
      %dma_start3A_25 = tpu.memref_slice %arg2[%dma_start3A_23, %dma_start3A_24] : memref<10240x128xf32, #tpu.memory_space<hbm>> -> memref<10240x128xf32, #tpu.memory_space<hbm>>
      tpu.enqueue_indirect_dma source(%dma_start3A_25 : memref<10240x128xf32, #tpu.memory_space<hbm>>) target(%arg19 : memref<128x128xf32, #tpu.memory_space<vmem>>) offsets(%dma_start3A_22 : memref<128xi32, #tpu.memory_space<vmem>>) semaphore(%arg22 : memref<!tpu.dma_semaphore, #tpu.memory_space<semaphore_mem>>)
      %scan3A_26 = arith.constant 0 : i32
      %scan3A_27 = arith.constant 0 : i32
      %scan3A_28 = arith.constant 20 : i32
      %scan3A_29 = arith.addi %scan3A_27, %scan3A_28 : i32
      %scan3A_30 = arith.constant 1 : i32
      scf.for %scan3A_78 = %scan3A_27 to %scan3A_29 step %scan3A_30  : i32 {
        %jit3A = arith.constant 2 : i32
        %eq3A_79 = arith.constant 0 : i32
        %eq3A_80 = arith.cmpi eq, %jit3A, %eq3A_79 : i32
        %jit3A_81 = arith.constant 1 : i32
        %select_n3A = arith.select %eq3A_80, %jit3A_81, %jit3A : i32
        %rem3A = arith.remsi %scan3A_78, %select_n3A : i32
        %ne3A = arith.constant 0 : i32
        %ne3A_82 = arith.cmpi ne, %rem3A, %ne3A : i32
        %lt3A = arith.constant 0 : i32
        %lt3A_83 = arith.cmpi slt, %rem3A, %lt3A : i32
        %lt3A_84 = arith.constant 0 : i32
        %lt3A_85 = arith.cmpi slt, %select_n3A, %lt3A_84 : i32
        %ne3A_86 = arith.xori %lt3A_83, %lt3A_85 : i1
        %and3A = arith.andi %ne3A_86, %ne3A_82 : i1
        %add3A_87 = arith.addi %rem3A, %select_n3A : i32
        %select_n3A_88 = arith.select %and3A, %add3A_87, %rem3A : i32
        %eq3A_89 = arith.constant 0 : i32
        %eq3A_90 = arith.cmpi eq, %select_n3A_88, %eq3A_89 : i32
        %convert_element_type3A_91 = arith.extui %eq3A_90 : i1 to i32
        %cond3A_92 = arith.constant 0 : i32
        %cond3A_93 = arith.cmpi ne, %convert_element_type3A_91, %cond3A_92 : i32
        scf.if %cond3A_93 {
          %add3A_115 = arith.constant 1 : i32
          %add3A_116 = arith.addi %scan3A_78, %add3A_115 : i32
          %lt3A_117 = arith.constant 20 : i32
          %lt3A_118 = arith.cmpi slt, %add3A_116, %lt3A_117 : i32
          %convert_element_type3A_119 = arith.extui %lt3A_118 : i1 to i32
          %cond3A_120 = arith.constant 0 : i32
          %cond3A_121 = arith.cmpi ne, %convert_element_type3A_119, %cond3A_120 : i32
          scf.if %cond3A_121 {
            %add3A_152 = arith.constant 1 : i32
            %add3A_153 = arith.addi %scan3A_78, %add3A_152 : i32
            %dma_start3A_154 = arith.constant 0 : i32
            %dma_start3A_155 = tpu.memref_slice %arg18[%add3A_153, %dma_start3A_154] : memref<20x128xi32, #tpu.memory_space<vmem>> -> memref<1x128xi32, #tpu.memory_space<vmem>>
            %dma_start3A_156 = tpu.memref_squeeze %dma_start3A_155 : memref<1x128xi32, #tpu.memory_space<vmem>> -> memref<128xi32, #tpu.memory_space<vmem>>
            %dma_start3A_157 = arith.constant 0 : i32
            %dma_start3A_158 = arith.constant 0 : i32
            %dma_start3A_159 = tpu.memref_slice %arg2[%dma_start3A_157, %dma_start3A_158] : memref<10240x128xf32, #tpu.memory_space<hbm>> -> memref<10240x128xf32, #tpu.memory_space<hbm>>
            tpu.enqueue_indirect_dma source(%dma_start3A_159 : memref<10240x128xf32, #tpu.memory_space<hbm>>) target(%arg20 : memref<128x128xf32, #tpu.memory_space<vmem>>) offsets(%dma_start3A_156 : memref<128xi32, #tpu.memory_space<vmem>>) semaphore(%arg23 : memref<!tpu.dma_semaphore, #tpu.memory_space<semaphore_mem>>)
          } else {
          }
          %dma_wait3A_122 = arith.constant 0 : i32
          %dma_wait3A_123 = tpu.memref_slice %arg18[%scan3A_78, %dma_wait3A_122] : memref<20x128xi32, #tpu.memory_space<vmem>> -> memref<1x128xi32, #tpu.memory_space<vmem>>
          %dma_wait3A_124 = tpu.memref_squeeze %dma_wait3A_123 : memref<1x128xi32, #tpu.memory_space<vmem>> -> memref<128xi32, #tpu.memory_space<vmem>>
          %dma_wait3A_125 = arith.constant 0 : i32
          %dma_wait3A_126 = arith.constant 0 : i32
          %dma_wait3A_127 = tpu.memref_slice %arg2[%dma_wait3A_125, %dma_wait3A_126] : memref<10240x128xf32, #tpu.memory_space<hbm>> -> memref<10240x128xf32, #tpu.memory_space<hbm>>
          tpu.wait_indirect_dma semaphore(%arg22 : memref<!tpu.dma_semaphore, #tpu.memory_space<semaphore_mem>>) src(%dma_wait3A_127 : memref<10240x128xf32, #tpu.memory_space<hbm>>) dst(%arg19 : memref<128x128xf32, #tpu.memory_space<vmem>>)
          %jit3A_128 = arith.constant 2 : i32
          %eq3A_129 = arith.constant 0 : i32
          %eq3A_130 = arith.cmpi eq, %jit3A_128, %eq3A_129 : i32
          %jit3A_131 = arith.constant 1 : i32
          %select_n3A_132 = arith.select %eq3A_130, %jit3A_131, %jit3A_128 : i32
          %rem3A_133 = arith.remsi %scan3A_78, %select_n3A_132 : i32
          %ne3A_134 = arith.constant 0 : i32
          %ne3A_135 = arith.cmpi ne, %rem3A_133, %ne3A_134 : i32
          %lt3A_136 = arith.constant 0 : i32
          %lt3A_137 = arith.cmpi slt, %rem3A_133, %lt3A_136 : i32
          %lt3A_138 = arith.constant 0 : i32
          %lt3A_139 = arith.cmpi slt, %select_n3A_132, %lt3A_138 : i32
          %ne3A_140 = arith.xori %lt3A_137, %lt3A_139 : i1
          %and3A_141 = arith.andi %ne3A_140, %ne3A_135 : i1
          %add3A_142 = arith.addi %rem3A_133, %select_n3A_132 : i32
          %select_n3A_143 = arith.select %and3A_141, %add3A_142, %rem3A_133 : i32
          %mul3A_144 = arith.constant 128 : i32
          %mul3A_145 = arith.muli %select_n3A_143, %mul3A_144 : i32
          %scan3A_146 = arith.constant 0 : i32
          %scan3A_147 = arith.constant 0 : i32
          %scan3A_148 = arith.constant 128 : i32
          %scan3A_149 = arith.addi %scan3A_147, %scan3A_148 : i32
          %scan3A_150 = arith.constant 1 : i32
          scf.for %scan3A_152 = %scan3A_147 to %scan3A_149 step %scan3A_150  : i32 {
            %add3A_153 = arith.addi %mul3A_145, %scan3A_152 : i32
            %get3A = arith.index_cast %add3A_153 : i32 to index
            %get3A_154 = arith.constant 0 : index
            %get3A_155 = tpu.vector_load %arg21[%get3A, %get3A_154] {strides = array<i32>} : memref<256x128xf32, #tpu.memory_space<vmem>>, vector<1x16xf32>,
            %get3A_156 = vector.shape_cast %get3A_155 : vector<1x16xf32> to vector<16xf32>
            %get3A_157 = arith.index_cast %scan3A_152 : i32 to index
            %get3A_158 = arith.constant 0 : index
            %get3A_159 = tpu.vector_load %arg19[%get3A_157, %get3A_158] {strides = array<i32>} : memref<128x128xf32, #tpu.memory_space<vmem>>, vector<1x16xf32>,
            %get3A_160 = vector.shape_cast %get3A_159 : vector<1x16xf32> to vector<16xf32>
            %add3A_161 = arith.addf %get3A_156, %get3A_160 : vector<16xf32>
            %add3A_162 = arith.addi %mul3A_145, %scan3A_152 : i32
            %swap3A = arith.index_cast %add3A_162 : i32 to index
            %swap3A_163 = arith.constant 0 : index
            %swap3A_164 = tpu.vector_load %arg21[%swap3A, %swap3A_163] {strides = array<i32>} : memref<256x128xf32, #tpu.memory_space<vmem>>, vector<1x16xf32>,
            %swap3A_165 = vector.shape_cast %swap3A_164 : vector<1x16xf32> to vector<16xf32>
            %swap3A_166 = vector.shape_cast %add3A_161 : vector<16xf32> to vector<1x16xf32>
            tpu.vector_store %arg21[%swap3A, %swap3A_163], %swap3A_166 {strides = array<i32>} : memref<256x128xf32, #tpu.memory_space<vmem>>, vector<1x16xf32>,
            %add3A_167 = arith.addi %mul3A_145, %scan3A_152 : i32
            %get3A_168 = arith.index_cast %add3A_167 : i32 to index
            %get3A_169 = arith.constant 16 : index
            %get3A_170 = tpu.vector_load %arg21[%get3A_168, %get3A_169] {strides = array<i32>} : memref<256x128xf32, #tpu.memory_space<vmem>>, vector<1x16xf32>,
            %get3A_171 = vector.shape_cast %get3A_170 : vector<1x16xf32> to vector<16xf32>
            %get3A_172 = arith.index_cast %scan3A_152 : i32 to index
            %get3A_173 = arith.constant 16 : index
            %get3A_174 = tpu.vector_load %arg19[%get3A_172, %get3A_173] {strides = array<i32>} : memref<128x128xf32, #tpu.memory_space<vmem>>, vector<1x16xf32>,
            %get3A_175 = vector.shape_cast %get3A_174 : vector<1x16xf32> to vector<16xf32>
            %add3A_176 = arith.addf %get3A_171, %get3A_175 : vector<16xf32>
            %add3A_177 = arith.addi %mul3A_145, %scan3A_152 : i32
            %swap3A_178 = arith.index_cast %add3A_177 : i32 to index
            %swap3A_179 = arith.constant 16 : index
            %swap3A_180 = tpu.vector_load %arg21[%swap3A_178, %swap3A_179] {strides = array<i32>} : memref<256x128xf32, #tpu.memory_space<vmem>>, vector<1x16xf32>,
            %swap3A_181 = vector.shape_cast %swap3A_180 : vector<1x16xf32> to vector<16xf32>
            %swap3A_182 = vector.shape_cast %add3A_176 : vector<16xf32> to vector<1x16xf32>
            tpu.vector_store %arg21[%swap3A_178, %swap3A_179], %swap3A_182 {strides = array<i32>} : memref<256x128xf32, #tpu.memory_space<vmem>>, vector<1x16xf32>,
            %add3A_183 = arith.addi %mul3A_145, %scan3A_152 : i32
            %get3A_184 = arith.index_cast %add3A_183 : i32 to index
            %get3A_185 = arith.constant 32 : index
            %get3A_186 = tpu.vector_load %arg21[%get3A_184, %get3A_185] {strides = array<i32>} : memref<256x128xf32, #tpu.memory_space<vmem>>, vector<1x16xf32>,
            %get3A_187 = vector.shape_cast %get3A_186 : vector<1x16xf32> to vector<16xf32>
            %get3A_188 = arith.index_cast %scan3A_152 : i32 to index
            %get3A_189 = arith.constant 32 : index
            %get3A_190 = tpu.vector_load %arg19[%get3A_188, %get3A_189] {strides = array<i32>} : memref<128x128xf32, #tpu.memory_space<vmem>>, vector<1x16xf32>,
            %get3A_191 = vector.shape_cast %get3A_190 : vector<1x16xf32> to vector<16xf32>
            %add3A_192 = arith.addf %get3A_187, %get3A_191 : vector<16xf32>
            %add3A_193 = arith.addi %mul3A_145, %scan3A_152 : i32
            %swap3A_194 = arith.index_cast %add3A_193 : i32 to index
            %swap3A_195 = arith.constant 32 : index
            %swap3A_196 = tpu.vector_load %arg21[%swap3A_194, %swap3A_195] {strides = array<i32>} : memref<256x128xf32, #tpu.memory_space<vmem>>, vector<1x16xf32>,
            %swap3A_197 = vector.shape_cast %swap3A_196 : vector<1x16xf32> to vector<16xf32>
            %swap3A_198 = vector.shape_cast %add3A_192 : vector<16xf32> to vector<1x16xf32>
            tpu.vector_store %arg21[%swap3A_194, %swap3A_195], %swap3A_198 {strides = array<i32>} : memref<256x128xf32, #tpu.memory_space<vmem>>, vector<1x16xf32>,
            %add3A_199 = arith.addi %mul3A_145, %scan3A_152 : i32
            %get3A_200 = arith.index_cast %add3A_199 : i32 to index
            %get3A_201 = arith.constant 48 : index
            %get3A_202 = tpu.vector_load %arg21[%get3A_200, %get3A_201] {strides = array<i32>} : memref<256x128xf32, #tpu.memory_space<vmem>>, vector<1x16xf32>,
            %get3A_203 = vector.shape_cast %get3A_202 : vector<1x16xf32> to vector<16xf32>
            %get3A_204 = arith.index_cast %scan3A_152 : i32 to index
            %get3A_205 = arith.constant 48 : index
            %get3A_206 = tpu.vector_load %arg19[%get3A_204, %get3A_205] {strides = array<i32>} : memref<128x128xf32, #tpu.memory_space<vmem>>, vector<1x16xf32>,
            %get3A_207 = vector.shape_cast %get3A_206 : vector<1x16xf32> to vector<16xf32>
            %add3A_208 = arith.addf %get3A_203, %get3A_207 : vector<16xf32>
            %add3A_209 = arith.addi %mul3A_145, %scan3A_152 : i32
            %swap3A_210 = arith.index_cast %add3A_209 : i32 to index
            %swap3A_211 = arith.constant 48 : index
            %swap3A_212 = tpu.vector_load %arg21[%swap3A_210, %swap3A_211] {strides = array<i32>} : memref<256x128xf32, #tpu.memory_space<vmem>>, vector<1x16xf32>,
            %swap3A_213 = vector.shape_cast %swap3A_212 : vector<1x16xf32> to vector<16xf32>
            %swap3A_214 = vector.shape_cast %add3A_208 : vector<16xf32> to vector<1x16xf32>
            tpu.vector_store %arg21[%swap3A_210, %swap3A_211], %swap3A_214 {strides = array<i32>} : memref<256x128xf32, #tpu.memory_space<vmem>>, vector<1x16xf32>,
            %add3A_215 = arith.addi %mul3A_145, %scan3A_152 : i32
            %get3A_216 = arith.index_cast %add3A_215 : i32 to index
            %get3A_217 = arith.constant 64 : index
            %get3A_218 = tpu.vector_load %arg21[%get3A_216, %get3A_217] {strides = array<i32>} : memref<256x128xf32, #tpu.memory_space<vmem>>, vector<1x16xf32>,
            %get3A_219 = vector.shape_cast %get3A_218 : vector<1x16xf32> to vector<16xf32>
            %get3A_220 = arith.index_cast %scan3A_152 : i32 to index
            %get3A_221 = arith.constant 64 : index
            %get3A_222 = tpu.vector_load %arg19[%get3A_220, %get3A_221] {strides = array<i32>} : memref<128x128xf32, #tpu.memory_space<vmem>>, vector<1x16xf32>,
            %get3A_223 = vector.shape_cast %get3A_222 : vector<1x16xf32> to vector<16xf32>
            %add3A_224 = arith.addf %get3A_219, %get3A_223 : vector<16xf32>
            %add3A_225 = arith.addi %mul3A_145, %scan3A_152 : i32
            %swap3A_226 = arith.index_cast %add3A_225 : i32 to index
            %swap3A_227 = arith.constant 64 : index
            %swap3A_228 = tpu.vector_load %arg21[%swap3A_226, %swap3A_227] {strides = array<i32>} : memref<256x128xf32, #tpu.memory_space<vmem>>, vector<1x16xf32>,
            %swap3A_229 = vector.shape_cast %swap3A_228 : vector<1x16xf32> to vector<16xf32>
            %swap3A_230 = vector.shape_cast %add3A_224 : vector<16xf32> to vector<1x16xf32>
            tpu.vector_store %arg21[%swap3A_226, %swap3A_227], %swap3A_230 {strides = array<i32>} : memref<256x128xf32, #tpu.memory_space<vmem>>, vector<1x16xf32>,
            %add3A_231 = arith.addi %mul3A_145, %scan3A_152 : i32
            %get3A_232 = arith.index_cast %add3A_231 : i32 to index
            %get3A_233 = arith.constant 80 : index
            %get3A_234 = tpu.vector_load %arg21[%get3A_232, %get3A_233] {strides = array<i32>} : memref<256x128xf32, #tpu.memory_space<vmem>>, vector<1x16xf32>,
            %get3A_235 = vector.shape_cast %get3A_234 : vector<1x16xf32> to vector<16xf32>
            %get3A_236 = arith.index_cast %scan3A_152 : i32 to index
            %get3A_237 = arith.constant 80 : index
            %get3A_238 = tpu.vector_load %arg19[%get3A_236, %get3A_237] {strides = array<i32>} : memref<128x128xf32, #tpu.memory_space<vmem>>, vector<1x16xf32>,
            %get3A_239 = vector.shape_cast %get3A_238 : vector<1x16xf32> to vector<16xf32>
            %add3A_240 = arith.addf %get3A_235, %get3A_239 : vector<16xf32>
            %add3A_241 = arith.addi %mul3A_145, %scan3A_152 : i32
            %swap3A_242 = arith.index_cast %add3A_241 : i32 to index
            %swap3A_243 = arith.constant 80 : index
            %swap3A_244 = tpu.vector_load %arg21[%swap3A_242, %swap3A_243] {strides = array<i32>} : memref<256x128xf32, #tpu.memory_space<vmem>>, vector<1x16xf32>,
            %swap3A_245 = vector.shape_cast %swap3A_244 : vector<1x16xf32> to vector<16xf32>
            %swap3A_246 = vector.shape_cast %add3A_240 : vector<16xf32> to vector<1x16xf32>
            tpu.vector_store %arg21[%swap3A_242, %swap3A_243], %swap3A_246 {strides = array<i32>} : memref<256x128xf32, #tpu.memory_space<vmem>>, vector<1x16xf32>,
            %add3A_247 = arith.addi %mul3A_145, %scan3A_152 : i32
            %get3A_248 = arith.index_cast %add3A_247 : i32 to index
            %get3A_249 = arith.constant 96 : index
            %get3A_250 = tpu.vector_load %arg21[%get3A_248, %get3A_249] {strides = array<i32>} : memref<256x128xf32, #tpu.memory_space<vmem>>, vector<1x16xf32>,
            %get3A_251 = vector.shape_cast %get3A_250 : vector<1x16xf32> to vector<16xf32>
            %get3A_252 = arith.index_cast %scan3A_152 : i32 to index
            %get3A_253 = arith.constant 96 : index
            %get3A_254 = tpu.vector_load %arg19[%get3A_252, %get3A_253] {strides = array<i32>} : memref<128x128xf32, #tpu.memory_space<vmem>>, vector<1x16xf32>,
            %get3A_255 = vector.shape_cast %get3A_254 : vector<1x16xf32> to vector<16xf32>
            %add3A_256 = arith.addf %get3A_251, %get3A_255 : vector<16xf32>
            %add3A_257 = arith.addi %mul3A_145, %scan3A_152 : i32
            %swap3A_258 = arith.index_cast %add3A_257 : i32 to index
            %swap3A_259 = arith.constant 96 : index
            %swap3A_260 = tpu.vector_load %arg21[%swap3A_258, %swap3A_259] {strides = array<i32>} : memref<256x128xf32, #tpu.memory_space<vmem>>, vector<1x16xf32>,
            %swap3A_261 = vector.shape_cast %swap3A_260 : vector<1x16xf32> to vector<16xf32>
            %swap3A_262 = vector.shape_cast %add3A_256 : vector<16xf32> to vector<1x16xf32>
            tpu.vector_store %arg21[%swap3A_258, %swap3A_259], %swap3A_262 {strides = array<i32>} : memref<256x128xf32, #tpu.memory_space<vmem>>, vector<1x16xf32>,
            %add3A_263 = arith.addi %mul3A_145, %scan3A_152 : i32
            %get3A_264 = arith.index_cast %add3A_263 : i32 to index
            %get3A_265 = arith.constant 112 : index
            %get3A_266 = tpu.vector_load %arg21[%get3A_264, %get3A_265] {strides = array<i32>} : memref<256x128xf32, #tpu.memory_space<vmem>>, vector<1x16xf32>,
            %get3A_267 = vector.shape_cast %get3A_266 : vector<1x16xf32> to vector<16xf32>
            %get3A_268 = arith.index_cast %scan3A_152 : i32 to index
            %get3A_269 = arith.constant 112 : index
            %get3A_270 = tpu.vector_load %arg19[%get3A_268, %get3A_269] {strides = array<i32>} : memref<128x128xf32, #tpu.memory_space<vmem>>, vector<1x16xf32>,
            %get3A_271 = vector.shape_cast %get3A_270 : vector<1x16xf32> to vector<16xf32>
            %add3A_272 = arith.addf %get3A_267, %get3A_271 : vector<16xf32>
            %add3A_273 = arith.addi %mul3A_145, %scan3A_152 : i32
            %swap3A_274 = arith.index_cast %add3A_273 : i32 to index
            %swap3A_275 = arith.constant 112 : index
            %swap3A_276 = tpu.vector_load %arg21[%swap3A_274, %swap3A_275] {strides = array<i32>} : memref<256x128xf32, #tpu.memory_space<vmem>>, vector<1x16xf32>,
            %swap3A_277 = vector.shape_cast %swap3A_276 : vector<1x16xf32> to vector<16xf32>
            %swap3A_278 = vector.shape_cast %add3A_272 : vector<16xf32> to vector<1x16xf32>
            tpu.vector_store %arg21[%swap3A_274, %swap3A_275], %swap3A_278 {strides = array<i32>} : memref<256x128xf32, #tpu.memory_space<vmem>>, vector<1x16xf32>,
          }
          %scan3A_151 = arith.constant 128 : i32
        } else {
        }
        %jit3A_94 = arith.constant 2 : i32
        %eq3A_95 = arith.constant 0 : i32
        %eq3A_96 = arith.cmpi eq, %jit3A_94, %eq3A_95 : i32
        %jit3A_97 = arith.constant 1 : i32
        %select_n3A_98 = arith.select %eq3A_96, %jit3A_97, %jit3A_94 : i32
        %rem3A_99 = arith.remsi %scan3A_78, %select_n3A_98 : i32
        %ne3A_100 = arith.constant 0 : i32
        %ne3A_101 = arith.cmpi ne, %rem3A_99, %ne3A_100 : i32
        %lt3A_102 = arith.constant 0 : i32
        %lt3A_103 = arith.cmpi slt, %rem3A_99, %lt3A_102 : i32
        %lt3A_104 = arith.constant 0 : i32
        %lt3A_105 = arith.cmpi slt, %select_n3A_98, %lt3A_104 : i32
        %ne3A_106 = arith.xori %lt3A_103, %lt3A_105 : i1
        %and3A_107 = arith.andi %ne3A_106, %ne3A_101 : i1
        %add3A_108 = arith.addi %rem3A_99, %select_n3A_98 : i32
        %select_n3A_109 = arith.select %and3A_107, %add3A_108, %rem3A_99 : i32
        %eq3A_110 = arith.constant 1 : i32
        %eq3A_111 = arith.cmpi eq, %select_n3A_109, %eq3A_110 : i32
        %convert_element_type3A_112 = arith.extui %eq3A_111 : i1 to i32
        %cond3A_113 = arith.constant 0 : i32
        %cond3A_114 = arith.cmpi ne, %convert_element_type3A_112, %cond3A_113 : i32
        scf.if %cond3A_114 {
          %add3A_115 = arith.constant 1 : i32
          %add3A_116 = arith.addi %scan3A_78, %add3A_115 : i32
          %lt3A_117 = arith.constant 20 : i32
          %lt3A_118 = arith.cmpi slt, %add3A_116, %lt3A_117 : i32
          %convert_element_type3A_119 = arith.extui %lt3A_118 : i1 to i32
          %cond3A_120 = arith.constant 0 : i32
          %cond3A_121 = arith.cmpi ne, %convert_element_type3A_119, %cond3A_120 : i32
          scf.if %cond3A_121 {
            %add3A_152 = arith.constant 1 : i32
            %add3A_153 = arith.addi %scan3A_78, %add3A_152 : i32
            %dma_start3A_154 = arith.constant 0 : i32
            %dma_start3A_155 = tpu.memref_slice %arg18[%add3A_153, %dma_start3A_154] : memref<20x128xi32, #tpu.memory_space<vmem>> -> memref<1x128xi32, #tpu.memory_space<vmem>>
            %dma_start3A_156 = tpu.memref_squeeze %dma_start3A_155 : memref<1x128xi32, #tpu.memory_space<vmem>> -> memref<128xi32, #tpu.memory_space<vmem>>
            %dma_start3A_157 = arith.constant 0 : i32
            %dma_start3A_158 = arith.constant 0 : i32
            %dma_start3A_159 = tpu.memref_slice %arg2[%dma_start3A_157, %dma_start3A_158] : memref<10240x128xf32, #tpu.memory_space<hbm>> -> memref<10240x128xf32, #tpu.memory_space<hbm>>
            tpu.enqueue_indirect_dma source(%dma_start3A_159 : memref<10240x128xf32, #tpu.memory_space<hbm>>) target(%arg19 : memref<128x128xf32, #tpu.memory_space<vmem>>) offsets(%dma_start3A_156 : memref<128xi32, #tpu.memory_space<vmem>>) semaphore(%arg22 : memref<!tpu.dma_semaphore, #tpu.memory_space<semaphore_mem>>)
          } else {
          }
          %dma_wait3A_122 = arith.constant 0 : i32
          %dma_wait3A_123 = tpu.memref_slice %arg18[%scan3A_78, %dma_wait3A_122] : memref<20x128xi32, #tpu.memory_space<vmem>> -> memref<1x128xi32, #tpu.memory_space<vmem>>
          %dma_wait3A_124 = tpu.memref_squeeze %dma_wait3A_123 : memref<1x128xi32, #tpu.memory_space<vmem>> -> memref<128xi32, #tpu.memory_space<vmem>>
          %dma_wait3A_125 = arith.constant 0 : i32
          %dma_wait3A_126 = arith.constant 0 : i32
          %dma_wait3A_127 = tpu.memref_slice %arg2[%dma_wait3A_125, %dma_wait3A_126] : memref<10240x128xf32, #tpu.memory_space<hbm>> -> memref<10240x128xf32, #tpu.memory_space<hbm>>
          tpu.wait_indirect_dma semaphore(%arg23 : memref<!tpu.dma_semaphore, #tpu.memory_space<semaphore_mem>>) src(%dma_wait3A_127 : memref<10240x128xf32, #tpu.memory_space<hbm>>) dst(%arg20 : memref<128x128xf32, #tpu.memory_space<vmem>>)
          %jit3A_128 = arith.constant 2 : i32
          %eq3A_129 = arith.constant 0 : i32
          %eq3A_130 = arith.cmpi eq, %jit3A_128, %eq3A_129 : i32
          %jit3A_131 = arith.constant 1 : i32
          %select_n3A_132 = arith.select %eq3A_130, %jit3A_131, %jit3A_128 : i32
          %rem3A_133 = arith.remsi %scan3A_78, %select_n3A_132 : i32
          %ne3A_134 = arith.constant 0 : i32
          %ne3A_135 = arith.cmpi ne, %rem3A_133, %ne3A_134 : i32
          %lt3A_136 = arith.constant 0 : i32
          %lt3A_137 = arith.cmpi slt, %rem3A_133, %lt3A_136 : i32
          %lt3A_138 = arith.constant 0 : i32
          %lt3A_139 = arith.cmpi slt, %select_n3A_132, %lt3A_138 : i32
          %ne3A_140 = arith.xori %lt3A_137, %lt3A_139 : i1
          %and3A_141 = arith.andi %ne3A_140, %ne3A_135 : i1
          %add3A_142 = arith.addi %rem3A_133, %select_n3A_132 : i32
          %select_n3A_143 = arith.select %and3A_141, %add3A_142, %rem3A_133 : i32
          %mul3A_144 = arith.constant 128 : i32
          %mul3A_145 = arith.muli %select_n3A_143, %mul3A_144 : i32
          %scan3A_146 = arith.constant 0 : i32
          %scan3A_147 = arith.constant 0 : i32
          %scan3A_148 = arith.constant 128 : i32
          %scan3A_149 = arith.addi %scan3A_147, %scan3A_148 : i32
          %scan3A_150 = arith.constant 1 : i32
          scf.for %scan3A_152 = %scan3A_147 to %scan3A_149 step %scan3A_150  : i32 {
            %add3A_153 = arith.addi %mul3A_145, %scan3A_152 : i32
            %get3A = arith.index_cast %add3A_153 : i32 to index
            %get3A_154 = arith.constant 0 : index
            %get3A_155 = tpu.vector_load %arg21[%get3A, %get3A_154] {strides = array<i32>} : memref<256x128xf32, #tpu.memory_space<vmem>>, vector<1x16xf32>,
            %get3A_156 = vector.shape_cast %get3A_155 : vector<1x16xf32> to vector<16xf32>
            %get3A_157 = arith.index_cast %scan3A_152 : i32 to index
            %get3A_158 = arith.constant 0 : index
            %get3A_159 = tpu.vector_load %arg20[%get3A_157, %get3A_158] {strides = array<i32>} : memref<128x128xf32, #tpu.memory_space<vmem>>, vector<1x16xf32>,
            %get3A_160 = vector.shape_cast %get3A_159 : vector<1x16xf32> to vector<16xf32>
            %add3A_161 = arith.addf %get3A_156, %get3A_160 : vector<16xf32>
            %add3A_162 = arith.addi %mul3A_145, %scan3A_152 : i32
            %swap3A = arith.index_cast %add3A_162 : i32 to index
            %swap3A_163 = arith.constant 0 : index
            %swap3A_164 = tpu.vector_load %arg21[%swap3A, %swap3A_163] {strides = array<i32>} : memref<256x128xf32, #tpu.memory_space<vmem>>, vector<1x16xf32>,
            %swap3A_165 = vector.shape_cast %swap3A_164 : vector<1x16xf32> to vector<16xf32>
            %swap3A_166 = vector.shape_cast %add3A_161 : vector<16xf32> to vector<1x16xf32>
            tpu.vector_store %arg21[%swap3A, %swap3A_163], %swap3A_166 {strides = array<i32>} : memref<256x128xf32, #tpu.memory_space<vmem>>, vector<1x16xf32>,
            %add3A_167 = arith.addi %mul3A_145, %scan3A_152 : i32
            %get3A_168 = arith.index_cast %add3A_167 : i32 to index
            %get3A_169 = arith.constant 16 : index
            %get3A_170 = tpu.vector_load %arg21[%get3A_168, %get3A_169] {strides = array<i32>} : memref<256x128xf32, #tpu.memory_space<vmem>>, vector<1x16xf32>,
            %get3A_171 = vector.shape_cast %get3A_170 : vector<1x16xf32> to vector<16xf32>
            %get3A_172 = arith.index_cast %scan3A_152 : i32 to index
            %get3A_173 = arith.constant 16 : index
            %get3A_174 = tpu.vector_load %arg20[%get3A_172, %get3A_173] {strides = array<i32>} : memref<128x128xf32, #tpu.memory_space<vmem>>, vector<1x16xf32>,
            %get3A_175 = vector.shape_cast %get3A_174 : vector<1x16xf32> to vector<16xf32>
            %add3A_176 = arith.addf %get3A_171, %get3A_175 : vector<16xf32>
            %add3A_177 = arith.addi %mul3A_145, %scan3A_152 : i32
            %swap3A_178 = arith.index_cast %add3A_177 : i32 to index
            %swap3A_179 = arith.constant 16 : index
            %swap3A_180 = tpu.vector_load %arg21[%swap3A_178, %swap3A_179] {strides = array<i32>} : memref<256x128xf32, #tpu.memory_space<vmem>>, vector<1x16xf32>,
            %swap3A_181 = vector.shape_cast %swap3A_180 : vector<1x16xf32> to vector<16xf32>
            %swap3A_182 = vector.shape_cast %add3A_176 : vector<16xf32> to vector<1x16xf32>
            tpu.vector_store %arg21[%swap3A_178, %swap3A_179], %swap3A_182 {strides = array<i32>} : memref<256x128xf32, #tpu.memory_space<vmem>>, vector<1x16xf32>,
            %add3A_183 = arith.addi %mul3A_145, %scan3A_152 : i32
            %get3A_184 = arith.index_cast %add3A_183 : i32 to index
            %get3A_185 = arith.constant 32 : index
            %get3A_186 = tpu.vector_load %arg21[%get3A_184, %get3A_185] {strides = array<i32>} : memref<256x128xf32, #tpu.memory_space<vmem>>, vector<1x16xf32>,
            %get3A_187 = vector.shape_cast %get3A_186 : vector<1x16xf32> to vector<16xf32>
            %get3A_188 = arith.index_cast %scan3A_152 : i32 to index
            %get3A_189 = arith.constant 32 : index
            %get3A_190 = tpu.vector_load %arg20[%get3A_188, %get3A_189] {strides = array<i32>} : memref<128x128xf32, #tpu.memory_space<vmem>>, vector<1x16xf32>,
            %get3A_191 = vector.shape_cast %get3A_190 : vector<1x16xf32> to vector<16xf32>
            %add3A_192 = arith.addf %get3A_187, %get3A_191 : vector<16xf32>
            %add3A_193 = arith.addi %mul3A_145, %scan3A_152 : i32
            %swap3A_194 = arith.index_cast %add3A_193 : i32 to index
            %swap3A_195 = arith.constant 32 : index
            %swap3A_196 = tpu.vector_load %arg21[%swap3A_194, %swap3A_195] {strides = array<i32>} : memref<256x128xf32, #tpu.memory_space<vmem>>, vector<1x16xf32>,
            %swap3A_197 = vector.shape_cast %swap3A_196 : vector<1x16xf32> to vector<16xf32>
            %swap3A_198 = vector.shape_cast %add3A_192 : vector<16xf32> to vector<1x16xf32>
            tpu.vector_store %arg21[%swap3A_194, %swap3A_195], %swap3A_198 {strides = array<i32>} : memref<256x128xf32, #tpu.memory_space<vmem>>, vector<1x16xf32>,
            %add3A_199 = arith.addi %mul3A_145, %scan3A_152 : i32
            %get3A_200 = arith.index_cast %add3A_199 : i32 to index
            %get3A_201 = arith.constant 48 : index
            %get3A_202 = tpu.vector_load %arg21[%get3A_200, %get3A_201] {strides = array<i32>} : memref<256x128xf32, #tpu.memory_space<vmem>>, vector<1x16xf32>,
            %get3A_203 = vector.shape_cast %get3A_202 : vector<1x16xf32> to vector<16xf32>
            %get3A_204 = arith.index_cast %scan3A_152 : i32 to index
            %get3A_205 = arith.constant 48 : index
            %get3A_206 = tpu.vector_load %arg20[%get3A_204, %get3A_205] {strides = array<i32>} : memref<128x128xf32, #tpu.memory_space<vmem>>, vector<1x16xf32>,
            %get3A_207 = vector.shape_cast %get3A_206 : vector<1x16xf32> to vector<16xf32>
            %add3A_208 = arith.addf %get3A_203, %get3A_207 : vector<16xf32>
            %add3A_209 = arith.addi %mul3A_145, %scan3A_152 : i32
            %swap3A_210 = arith.index_cast %add3A_209 : i32 to index
            %swap3A_211 = arith.constant 48 : index
            %swap3A_212 = tpu.vector_load %arg21[%swap3A_210, %swap3A_211] {strides = array<i32>} : memref<256x128xf32, #tpu.memory_space<vmem>>, vector<1x16xf32>,
            %swap3A_213 = vector.shape_cast %swap3A_212 : vector<1x16xf32> to vector<16xf32>
            %swap3A_214 = vector.shape_cast %add3A_208 : vector<16xf32> to vector<1x16xf32>
            tpu.vector_store %arg21[%swap3A_210, %swap3A_211], %swap3A_214 {strides = array<i32>} : memref<256x128xf32, #tpu.memory_space<vmem>>, vector<1x16xf32>,
            %add3A_215 = arith.addi %mul3A_145, %scan3A_152 : i32
            %get3A_216 = arith.index_cast %add3A_215 : i32 to index
            %get3A_217 = arith.constant 64 : index
            %get3A_218 = tpu.vector_load %arg21[%get3A_216, %get3A_217] {strides = array<i32>} : memref<256x128xf32, #tpu.memory_space<vmem>>, vector<1x16xf32>,
            %get3A_219 = vector.shape_cast %get3A_218 : vector<1x16xf32> to vector<16xf32>
            %get3A_220 = arith.index_cast %scan3A_152 : i32 to index
            %get3A_221 = arith.constant 64 : index
            %get3A_222 = tpu.vector_load %arg20[%get3A_220, %get3A_221] {strides = array<i32>} : memref<128x128xf32, #tpu.memory_space<vmem>>, vector<1x16xf32>,
            %get3A_223 = vector.shape_cast %get3A_222 : vector<1x16xf32> to vector<16xf32>
            %add3A_224 = arith.addf %get3A_219, %get3A_223 : vector<16xf32>
            %add3A_225 = arith.addi %mul3A_145, %scan3A_152 : i32
            %swap3A_226 = arith.index_cast %add3A_225 : i32 to index
            %swap3A_227 = arith.constant 64 : index
            %swap3A_228 = tpu.vector_load %arg21[%swap3A_226, %swap3A_227] {strides = array<i32>} : memref<256x128xf32, #tpu.memory_space<vmem>>, vector<1x16xf32>,
            %swap3A_229 = vector.shape_cast %swap3A_228 : vector<1x16xf32> to vector<16xf32>
            %swap3A_230 = vector.shape_cast %add3A_224 : vector<16xf32> to vector<1x16xf32>
            tpu.vector_store %arg21[%swap3A_226, %swap3A_227], %swap3A_230 {strides = array<i32>} : memref<256x128xf32, #tpu.memory_space<vmem>>, vector<1x16xf32>,
            %add3A_231 = arith.addi %mul3A_145, %scan3A_152 : i32
            %get3A_232 = arith.index_cast %add3A_231 : i32 to index
            %get3A_233 = arith.constant 80 : index
            %get3A_234 = tpu.vector_load %arg21[%get3A_232, %get3A_233] {strides = array<i32>} : memref<256x128xf32, #tpu.memory_space<vmem>>, vector<1x16xf32>,
            %get3A_235 = vector.shape_cast %get3A_234 : vector<1x16xf32> to vector<16xf32>
            %get3A_236 = arith.index_cast %scan3A_152 : i32 to index
            %get3A_237 = arith.constant 80 : index
            %get3A_238 = tpu.vector_load %arg20[%get3A_236, %get3A_237] {strides = array<i32>} : memref<128x128xf32, #tpu.memory_space<vmem>>, vector<1x16xf32>,
            %get3A_239 = vector.shape_cast %get3A_238 : vector<1x16xf32> to vector<16xf32>
            %add3A_240 = arith.addf %get3A_235, %get3A_239 : vector<16xf32>
            %add3A_241 = arith.addi %mul3A_145, %scan3A_152 : i32
            %swap3A_242 = arith.index_cast %add3A_241 : i32 to index
            %swap3A_243 = arith.constant 80 : index
            %swap3A_244 = tpu.vector_load %arg21[%swap3A_242, %swap3A_243] {strides = array<i32>} : memref<256x128xf32, #tpu.memory_space<vmem>>, vector<1x16xf32>,
            %swap3A_245 = vector.shape_cast %swap3A_244 : vector<1x16xf32> to vector<16xf32>
            %swap3A_246 = vector.shape_cast %add3A_240 : vector<16xf32> to vector<1x16xf32>
            tpu.vector_store %arg21[%swap3A_242, %swap3A_243], %swap3A_246 {strides = array<i32>} : memref<256x128xf32, #tpu.memory_space<vmem>>, vector<1x16xf32>,
            %add3A_247 = arith.addi %mul3A_145, %scan3A_152 : i32
            %get3A_248 = arith.index_cast %add3A_247 : i32 to index
            %get3A_249 = arith.constant 96 : index
            %get3A_250 = tpu.vector_load %arg21[%get3A_248, %get3A_249] {strides = array<i32>} : memref<256x128xf32, #tpu.memory_space<vmem>>, vector<1x16xf32>,
            %get3A_251 = vector.shape_cast %get3A_250 : vector<1x16xf32> to vector<16xf32>
            %get3A_252 = arith.index_cast %scan3A_152 : i32 to index
            %get3A_253 = arith.constant 96 : index
            %get3A_254 = tpu.vector_load %arg20[%get3A_252, %get3A_253] {strides = array<i32>} : memref<128x128xf32, #tpu.memory_space<vmem>>, vector<1x16xf32>,
            %get3A_255 = vector.shape_cast %get3A_254 : vector<1x16xf32> to vector<16xf32>
            %add3A_256 = arith.addf %get3A_251, %get3A_255 : vector<16xf32>
            %add3A_257 = arith.addi %mul3A_145, %scan3A_152 : i32
            %swap3A_258 = arith.index_cast %add3A_257 : i32 to index
            %swap3A_259 = arith.constant 96 : index
            %swap3A_260 = tpu.vector_load %arg21[%swap3A_258, %swap3A_259] {strides = array<i32>} : memref<256x128xf32, #tpu.memory_space<vmem>>, vector<1x16xf32>,
            %swap3A_261 = vector.shape_cast %swap3A_260 : vector<1x16xf32> to vector<16xf32>
            %swap3A_262 = vector.shape_cast %add3A_256 : vector<16xf32> to vector<1x16xf32>
            tpu.vector_store %arg21[%swap3A_258, %swap3A_259], %swap3A_262 {strides = array<i32>} : memref<256x128xf32, #tpu.memory_space<vmem>>, vector<1x16xf32>,
            %add3A_263 = arith.addi %mul3A_145, %scan3A_152 : i32
            %get3A_264 = arith.index_cast %add3A_263 : i32 to index
            %get3A_265 = arith.constant 112 : index
            %get3A_266 = tpu.vector_load %arg21[%get3A_264, %get3A_265] {strides = array<i32>} : memref<256x128xf32, #tpu.memory_space<vmem>>, vector<1x16xf32>,
            %get3A_267 = vector.shape_cast %get3A_266 : vector<1x16xf32> to vector<16xf32>
            %get3A_268 = arith.index_cast %scan3A_152 : i32 to index
            %get3A_269 = arith.constant 112 : index
            %get3A_270 = tpu.vector_load %arg20[%get3A_268, %get3A_269] {strides = array<i32>} : memref<128x128xf32, #tpu.memory_space<vmem>>, vector<1x16xf32>,
            %get3A_271 = vector.shape_cast %get3A_270 : vector<1x16xf32> to vector<16xf32>
            %add3A_272 = arith.addf %get3A_267, %get3A_271 : vector<16xf32>
            %add3A_273 = arith.addi %mul3A_145, %scan3A_152 : i32
            %swap3A_274 = arith.index_cast %add3A_273 : i32 to index
            %swap3A_275 = arith.constant 112 : index
            %swap3A_276 = tpu.vector_load %arg21[%swap3A_274, %swap3A_275] {strides = array<i32>} : memref<256x128xf32, #tpu.memory_space<vmem>>, vector<1x16xf32>,
            %swap3A_277 = vector.shape_cast %swap3A_276 : vector<1x16xf32> to vector<16xf32>
            %swap3A_278 = vector.shape_cast %add3A_272 : vector<16xf32> to vector<1x16xf32>
            tpu.vector_store %arg21[%swap3A_274, %swap3A_275], %swap3A_278 {strides = array<i32>} : memref<256x128xf32, #tpu.memory_space<vmem>>, vector<1x16xf32>,
          }
          %scan3A_151 = arith.constant 128 : i32
        } else {
        }
      }
      %scan3A_31 = arith.constant 20 : i32
      "tpu.region"() ({
        %run_scoped3A = tpu.sem_alloc : memref<!tpu.dma_semaphore, #tpu.memory_space<semaphore_mem>>
        %dma_start3A_78 = arith.constant 0 : i32
        %dma_start3A_79 = tpu.memref_slice %arg8[%mul3A_1, %dma_start3A_78] : memref<4096x128xf32, #tpu.memory_space<hbm>> -> memref<256x128xf32, #tpu.memory_space<hbm>>
        %dma_start3A_80 = arith.constant 0 : i32
        %dma_start3A_81 = tpu.memref_slice %arg8[%mul3A_1, %dma_start3A_80] : memref<4096x128xf32, #tpu.memory_space<hbm>> -> memref<256x128xf32, #tpu.memory_space<hbm>>
        tpu.enqueue_dma source(%arg21 : memref<256x128xf32, #tpu.memory_space<vmem>>) target(%dma_start3A_81 : memref<256x128xf32, #tpu.memory_space<hbm>>) target_semaphore(%run_scoped3A : memref<!tpu.dma_semaphore, #tpu.memory_space<semaphore_mem>>)
        %dma_wait3A_82 = arith.constant 0 : i32
        %dma_wait3A_83 = tpu.memref_slice %arg8[%mul3A_1, %dma_wait3A_82] : memref<4096x128xf32, #tpu.memory_space<hbm>> -> memref<256x128xf32, #tpu.memory_space<hbm>>
        %dma_wait3A_84 = arith.constant 0 : i32
        %dma_wait3A_85 = tpu.memref_slice %arg8[%mul3A_1, %dma_wait3A_84] : memref<4096x128xf32, #tpu.memory_space<hbm>> -> memref<256x128xf32, #tpu.memory_space<hbm>>
        tpu.wait_dma2 semaphore(%run_scoped3A : memref<!tpu.dma_semaphore, #tpu.memory_space<semaphore_mem>>) src(%arg21 : memref<256x128xf32, #tpu.memory_space<vmem>>) dst(%dma_wait3A_85 : memref<256x128xf32, #tpu.memory_space<hbm>>)
        tpu.yield
      }) : () -> ()
      %dma_start3A_32 = arith.constant 0 : i32
      %dma_start3A_33 = tpu.memref_slice %arg16[%dma_start3A_32] : memref<256xi32, #tpu.memory_space<vmem>> -> memref<128xi32, #tpu.memory_space<vmem>>
      %dma_start3A_34 = arith.constant 0 : i32
      %dma_start3A_35 = arith.constant 0 : i32
      %dma_start3A_36 = tpu.memref_slice %arg2[%dma_start3A_34, %dma_start3A_35] : memref<10240x128xf32, #tpu.memory_space<hbm>> -> memref<10240x128xf32, #tpu.memory_space<hbm>>
      tpu.enqueue_indirect_dma source(%dma_start3A_36 : memref<10240x128xf32, #tpu.memory_space<hbm>>) target(%arg19 : memref<128x128xf32, #tpu.memory_space<vmem>>) offsets(%dma_start3A_33 : memref<128xi32, #tpu.memory_space<vmem>>) semaphore(%arg22 : memref<!tpu.dma_semaphore, #tpu.memory_space<semaphore_mem>>)
      %dma_start3A_37 = arith.constant 128 : i32
      %dma_start3A_38 = tpu.memref_slice %arg16[%dma_start3A_37] : memref<256xi32, #tpu.memory_space<vmem>> -> memref<128xi32, #tpu.memory_space<vmem>>
      %dma_start3A_39 = arith.constant 0 : i32
      %dma_start3A_40 = arith.constant 0 : i32
      %dma_start3A_41 = tpu.memref_slice %arg2[%dma_start3A_39, %dma_start3A_40] : memref<10240x128xf32, #tpu.memory_space<hbm>> -> memref<10240x128xf32, #tpu.memory_space<hbm>>
      tpu.enqueue_indirect_dma source(%dma_start3A_41 : memref<10240x128xf32, #tpu.memory_space<hbm>>) target(%arg20 : memref<128x128xf32, #tpu.memory_space<vmem>>) offsets(%dma_start3A_38 : memref<128xi32, #tpu.memory_space<vmem>>) semaphore(%arg23 : memref<!tpu.dma_semaphore, #tpu.memory_space<semaphore_mem>>)
      %dma_wait3A = arith.constant 0 : i32
      %dma_wait3A_42 = tpu.memref_slice %arg16[%dma_wait3A] : memref<256xi32, #tpu.memory_space<vmem>> -> memref<128xi32, #tpu.memory_space<vmem>>
      %dma_wait3A_43 = arith.constant 0 : i32
      %dma_wait3A_44 = arith.constant 0 : i32
      %dma_wait3A_45 = tpu.memref_slice %arg2[%dma_wait3A_43, %dma_wait3A_44] : memref<10240x128xf32, #tpu.memory_space<hbm>> -> memref<10240x128xf32, #tpu.memory_space<hbm>>
      tpu.wait_indirect_dma semaphore(%arg22 : memref<!tpu.dma_semaphore, #tpu.memory_space<semaphore_mem>>) src(%dma_wait3A_45 : memref<10240x128xf32, #tpu.memory_space<hbm>>) dst(%arg19 : memref<128x128xf32, #tpu.memory_space<vmem>>)
      %add3A = arith.constant 0 : i32
      %add3A_46 = arith.addi %mul3A_1, %add3A : i32
      "tpu.region"() ({
        %run_scoped3A = tpu.sem_alloc : memref<!tpu.dma_semaphore, #tpu.memory_space<semaphore_mem>>
        %dma_start3A_78 = arith.constant 0 : i32
        %dma_start3A_79 = tpu.memref_slice %arg10[%add3A_46, %dma_start3A_78] : memref<4096x128xf32, #tpu.memory_space<hbm>> -> memref<128x128xf32, #tpu.memory_space<hbm>>
        %dma_start3A_80 = arith.constant 0 : i32
        %dma_start3A_81 = tpu.memref_slice %arg10[%add3A_46, %dma_start3A_80] : memref<4096x128xf32, #tpu.memory_space<hbm>> -> memref<128x128xf32, #tpu.memory_space<hbm>>
        tpu.enqueue_dma source(%arg19 : memref<128x128xf32, #tpu.memory_space<vmem>>) target(%dma_start3A_81 : memref<128x128xf32, #tpu.memory_space<hbm>>) target_semaphore(%run_scoped3A : memref<!tpu.dma_semaphore, #tpu.memory_space<semaphore_mem>>)
        %dma_wait3A_82 = arith.constant 0 : i32
        %dma_wait3A_83 = tpu.memref_slice %arg10[%add3A_46, %dma_wait3A_82] : memref<4096x128xf32, #tpu.memory_space<hbm>> -> memref<128x128xf32, #tpu.memory_space<hbm>>
        %dma_wait3A_84 = arith.constant 0 : i32
        %dma_wait3A_85 = tpu.memref_slice %arg10[%add3A_46, %dma_wait3A_84] : memref<4096x128xf32, #tpu.memory_space<hbm>> -> memref<128x128xf32, #tpu.memory_space<hbm>>
        tpu.wait_dma2 semaphore(%run_scoped3A : memref<!tpu.dma_semaphore, #tpu.memory_space<semaphore_mem>>) src(%arg19 : memref<128x128xf32, #tpu.memory_space<vmem>>) dst(%dma_wait3A_85 : memref<128x128xf32, #tpu.memory_space<hbm>>)
        tpu.yield
      }) : () -> ()
      %dma_start3A_47 = arith.constant 0 : i32
      %dma_start3A_48 = tpu.memref_slice %arg17[%dma_start3A_47] : memref<256xi32, #tpu.memory_space<vmem>> -> memref<128xi32, #tpu.memory_space<vmem>>
      %dma_start3A_49 = arith.constant 0 : i32
      %dma_start3A_50 = arith.constant 0 : i32
      %dma_start3A_51 = tpu.memref_slice %arg2[%dma_start3A_49, %dma_start3A_50] : memref<10240x128xf32, #tpu.memory_space<hbm>> -> memref<10240x128xf32, #tpu.memory_space<hbm>>
      tpu.enqueue_indirect_dma source(%dma_start3A_51 : memref<10240x128xf32, #tpu.memory_space<hbm>>) target(%arg19 : memref<128x128xf32, #tpu.memory_space<vmem>>) offsets(%dma_start3A_48 : memref<128xi32, #tpu.memory_space<vmem>>) semaphore(%arg22 : memref<!tpu.dma_semaphore, #tpu.memory_space<semaphore_mem>>)
      %dma_wait3A_52 = arith.constant 128 : i32
      %dma_wait3A_53 = tpu.memref_slice %arg16[%dma_wait3A_52] : memref<256xi32, #tpu.memory_space<vmem>> -> memref<128xi32, #tpu.memory_space<vmem>>
      %dma_wait3A_54 = arith.constant 0 : i32
      %dma_wait3A_55 = arith.constant 0 : i32
      %dma_wait3A_56 = tpu.memref_slice %arg2[%dma_wait3A_54, %dma_wait3A_55] : memref<10240x128xf32, #tpu.memory_space<hbm>> -> memref<10240x128xf32, #tpu.memory_space<hbm>>
      tpu.wait_indirect_dma semaphore(%arg23 : memref<!tpu.dma_semaphore, #tpu.memory_space<semaphore_mem>>) src(%dma_wait3A_56 : memref<10240x128xf32, #tpu.memory_space<hbm>>) dst(%arg20 : memref<128x128xf32, #tpu.memory_space<vmem>>)
      %add3A_57 = arith.constant 128 : i32
      %add3A_58 = arith.addi %mul3A_1, %add3A_57 : i32
      "tpu.region"() ({
        %run_scoped3A = tpu.sem_alloc : memref<!tpu.dma_semaphore, #tpu.memory_space<semaphore_mem>>
        %dma_start3A_78 = arith.constant 0 : i32
        %dma_start3A_79 = tpu.memref_slice %arg10[%add3A_58, %dma_start3A_78] : memref<4096x128xf32, #tpu.memory_space<hbm>> -> memref<128x128xf32, #tpu.memory_space<hbm>>
        %dma_start3A_80 = arith.constant 0 : i32
        %dma_start3A_81 = tpu.memref_slice %arg10[%add3A_58, %dma_start3A_80] : memref<4096x128xf32, #tpu.memory_space<hbm>> -> memref<128x128xf32, #tpu.memory_space<hbm>>
        tpu.enqueue_dma source(%arg20 : memref<128x128xf32, #tpu.memory_space<vmem>>) target(%dma_start3A_81 : memref<128x128xf32, #tpu.memory_space<hbm>>) target_semaphore(%run_scoped3A : memref<!tpu.dma_semaphore, #tpu.memory_space<semaphore_mem>>)
        %dma_wait3A_82 = arith.constant 0 : i32
        %dma_wait3A_83 = tpu.memref_slice %arg10[%add3A_58, %dma_wait3A_82] : memref<4096x128xf32, #tpu.memory_space<hbm>> -> memref<128x128xf32, #tpu.memory_space<hbm>>
        %dma_wait3A_84 = arith.constant 0 : i32
        %dma_wait3A_85 = tpu.memref_slice %arg10[%add3A_58, %dma_wait3A_84] : memref<4096x128xf32, #tpu.memory_space<hbm>> -> memref<128x128xf32, #tpu.memory_space<hbm>>
        tpu.wait_dma2 semaphore(%run_scoped3A : memref<!tpu.dma_semaphore, #tpu.memory_space<semaphore_mem>>) src(%arg20 : memref<128x128xf32, #tpu.memory_space<vmem>>) dst(%dma_wait3A_85 : memref<128x128xf32, #tpu.memory_space<hbm>>)
        tpu.yield
      }) : () -> ()
      %dma_start3A_59 = arith.constant 128 : i32
      %dma_start3A_60 = tpu.memref_slice %arg17[%dma_start3A_59] : memref<256xi32, #tpu.memory_space<vmem>> -> memref<128xi32, #tpu.memory_space<vmem>>
      %dma_start3A_61 = arith.constant 0 : i32
      %dma_start3A_62 = arith.constant 0 : i32
      %dma_start3A_63 = tpu.memref_slice %arg2[%dma_start3A_61, %dma_start3A_62] : memref<10240x128xf32, #tpu.memory_space<hbm>> -> memref<10240x128xf32, #tpu.memory_space<hbm>>
      tpu.enqueue_indirect_dma source(%dma_start3A_63 : memref<10240x128xf32, #tpu.memory_space<hbm>>) target(%arg20 : memref<128x128xf32, #tpu.memory_space<vmem>>) offsets(%dma_start3A_60 : memref<128xi32, #tpu.memory_space<vmem>>) semaphore(%arg23 : memref<!tpu.dma_semaphore, #tpu.memory_space<semaphore_mem>>)
      %dma_wait3A_64 = arith.constant 0 : i32
      %dma_wait3A_65 = tpu.memref_slice %arg17[%dma_wait3A_64] : memref<256xi32, #tpu.memory_space<vmem>> -> memref<128xi32, #tpu.memory_space<vmem>>
      %dma_wait3A_66 = arith.constant 0 : i32
      %dma_wait3A_67 = arith.constant 0 : i32
      %dma_wait3A_68 = tpu.memref_slice %arg2[%dma_wait3A_66, %dma_wait3A_67] : memref<10240x128xf32, #tpu.memory_space<hbm>> -> memref<10240x128xf32, #tpu.memory_space<hbm>>
      tpu.wait_indirect_dma semaphore(%arg22 : memref<!tpu.dma_semaphore, #tpu.memory_space<semaphore_mem>>) src(%dma_wait3A_68 : memref<10240x128xf32, #tpu.memory_space<hbm>>) dst(%arg19 : memref<128x128xf32, #tpu.memory_space<vmem>>)
      %add3A_69 = arith.constant 0 : i32
      %add3A_70 = arith.addi %mul3A_1, %add3A_69 : i32
      "tpu.region"() ({
        %run_scoped3A = tpu.sem_alloc : memref<!tpu.dma_semaphore, #tpu.memory_space<semaphore_mem>>
        %dma_start3A_78 = arith.constant 0 : i32
        %dma_start3A_79 = tpu.memref_slice %arg12[%add3A_70, %dma_start3A_78] : memref<4096x128xf32, #tpu.memory_space<hbm>> -> memref<128x128xf32, #tpu.memory_space<hbm>>
        %dma_start3A_80 = arith.constant 0 : i32
        %dma_start3A_81 = tpu.memref_slice %arg12[%add3A_70, %dma_start3A_80] : memref<4096x128xf32, #tpu.memory_space<hbm>> -> memref<128x128xf32, #tpu.memory_space<hbm>>
        tpu.enqueue_dma source(%arg19 : memref<128x128xf32, #tpu.memory_space<vmem>>) target(%dma_start3A_81 : memref<128x128xf32, #tpu.memory_space<hbm>>) target_semaphore(%run_scoped3A : memref<!tpu.dma_semaphore, #tpu.memory_space<semaphore_mem>>)
        %dma_wait3A_82 = arith.constant 0 : i32
        %dma_wait3A_83 = tpu.memref_slice %arg12[%add3A_70, %dma_wait3A_82] : memref<4096x128xf32, #tpu.memory_space<hbm>> -> memref<128x128xf32, #tpu.memory_space<hbm>>
        %dma_wait3A_84 = arith.constant 0 : i32
        %dma_wait3A_85 = tpu.memref_slice %arg12[%add3A_70, %dma_wait3A_84] : memref<4096x128xf32, #tpu.memory_space<hbm>> -> memref<128x128xf32, #tpu.memory_space<hbm>>
        tpu.wait_dma2 semaphore(%run_scoped3A : memref<!tpu.dma_semaphore, #tpu.memory_space<semaphore_mem>>) src(%arg19 : memref<128x128xf32, #tpu.memory_space<vmem>>) dst(%dma_wait3A_85 : memref<128x128xf32, #tpu.memory_space<hbm>>)
        tpu.yield
      }) : () -> ()
      %dma_wait3A_71 = arith.constant 128 : i32
      %dma_wait3A_72 = tpu.memref_slice %arg17[%dma_wait3A_71] : memref<256xi32, #tpu.memory_space<vmem>> -> memref<128xi32, #tpu.memory_space<vmem>>
      %dma_wait3A_73 = arith.constant 0 : i32
      %dma_wait3A_74 = arith.constant 0 : i32
      %dma_wait3A_75 = tpu.memref_slice %arg2[%dma_wait3A_73, %dma_wait3A_74] : memref<10240x128xf32, #tpu.memory_space<hbm>> -> memref<10240x128xf32, #tpu.memory_space<hbm>>
      tpu.wait_indirect_dma semaphore(%arg23 : memref<!tpu.dma_semaphore, #tpu.memory_space<semaphore_mem>>) src(%dma_wait3A_75 : memref<10240x128xf32, #tpu.memory_space<hbm>>) dst(%arg20 : memref<128x128xf32, #tpu.memory_space<vmem>>)
      %add3A_76 = arith.constant 128 : i32
      %add3A_77 = arith.addi %mul3A_1, %add3A_76 : i32
      "tpu.region"() ({
        %run_scoped3A = tpu.sem_alloc : memref<!tpu.dma_semaphore, #tpu.memory_space<semaphore_mem>>
        %dma_start3A_78 = arith.constant 0 : i32
        %dma_start3A_79 = tpu.memref_slice %arg12[%add3A_77, %dma_start3A_78] : memref<4096x128xf32, #tpu.memory_space<hbm>> -> memref<128x128xf32, #tpu.memory_space<hbm>>
        %dma_start3A_80 = arith.constant 0 : i32
        %dma_start3A_81 = tpu.memref_slice %arg12[%add3A_77, %dma_start3A_80] : memref<4096x128xf32, #tpu.memory_space<hbm>> -> memref<128x128xf32, #tpu.memory_space<hbm>>
        tpu.enqueue_dma source(%arg20 : memref<128x128xf32, #tpu.memory_space<vmem>>) target(%dma_start3A_81 : memref<128x128xf32, #tpu.memory_space<hbm>>) target_semaphore(%run_scoped3A : memref<!tpu.dma_semaphore, #tpu.memory_space<semaphore_mem>>)
        %dma_wait3A_82 = arith.constant 0 : i32
        %dma_wait3A_83 = tpu.memref_slice %arg12[%add3A_77, %dma_wait3A_82] : memref<4096x128xf32, #tpu.memory_space<hbm>> -> memref<128x128xf32, #tpu.memory_space<hbm>>
        %dma_wait3A_84 = arith.constant 0 : i32
        %dma_wait3A_85 = tpu.memref_slice %arg12[%add3A_77, %dma_wait3A_84] : memref<4096x128xf32, #tpu.memory_space<hbm>> -> memref<128x128xf32, #tpu.memory_space<hbm>>
        tpu.wait_dma2 semaphore(%run_scoped3A : memref<!tpu.dma_semaphore, #tpu.memory_space<semaphore_mem>>) src(%arg20 : memref<128x128xf32, #tpu.memory_space<vmem>>) dst(%dma_wait3A_85 : memref<128x128xf32, #tpu.memory_space<hbm>>)
        tpu.yield
      }) : () -> ()
    } else {
    }
    %eq3A_15 = arith.constant 1 : i32
    %eq3A_16 = arith.cmpi eq, %arg0, %eq3A_15 : i32
    %convert_element_type3A_17 = arith.extui %eq3A_16 : i1 to i32
    %cond3A_18 = arith.constant 0 : i32
    %cond3A_19 = arith.cmpi ne, %convert_element_type3A_17, %cond3A_18 : i32
    scf.if %cond3A_19 {
      %dma_start3A = arith.constant 0 : i32
      %dma_start3A_20 = arith.constant 0 : i32
      %dma_start3A_21 = tpu.memref_slice %arg18[%dma_start3A, %dma_start3A_20] : memref<20x128xi32, #tpu.memory_space<vmem>> -> memref<1x128xi32, #tpu.memory_space<vmem>>
      %dma_start3A_22 = tpu.memref_squeeze %dma_start3A_21 : memref<1x128xi32, #tpu.memory_space<vmem>> -> memref<128xi32, #tpu.memory_space<vmem>>
      %dma_start3A_23 = arith.constant 0 : i32
      %dma_start3A_24 = arith.constant 0 : i32
      %dma_start3A_25 = tpu.memref_slice %arg3[%dma_start3A_23, %dma_start3A_24] : memref<10240x128xf32, #tpu.memory_space<hbm>> -> memref<10240x128xf32, #tpu.memory_space<hbm>>
      tpu.enqueue_indirect_dma source(%dma_start3A_25 : memref<10240x128xf32, #tpu.memory_space<hbm>>) target(%arg19 : memref<128x128xf32, #tpu.memory_space<vmem>>) offsets(%dma_start3A_22 : memref<128xi32, #tpu.memory_space<vmem>>) semaphore(%arg22 : memref<!tpu.dma_semaphore, #tpu.memory_space<semaphore_mem>>)
      %scan3A_26 = arith.constant 0 : i32
      %scan3A_27 = arith.constant 0 : i32
      %scan3A_28 = arith.constant 20 : i32
      %scan3A_29 = arith.addi %scan3A_27, %scan3A_28 : i32
      %scan3A_30 = arith.constant 1 : i32
      scf.for %scan3A_78 = %scan3A_27 to %scan3A_29 step %scan3A_30  : i32 {
        %jit3A = arith.constant 2 : i32
        %eq3A_79 = arith.constant 0 : i32
        %eq3A_80 = arith.cmpi eq, %jit3A, %eq3A_79 : i32
        %jit3A_81 = arith.constant 1 : i32
        %select_n3A = arith.select %eq3A_80, %jit3A_81, %jit3A : i32
        %rem3A = arith.remsi %scan3A_78, %select_n3A : i32
        %ne3A = arith.constant 0 : i32
        %ne3A_82 = arith.cmpi ne, %rem3A, %ne3A : i32
        %lt3A = arith.constant 0 : i32
        %lt3A_83 = arith.cmpi slt, %rem3A, %lt3A : i32
        %lt3A_84 = arith.constant 0 : i32
        %lt3A_85 = arith.cmpi slt, %select_n3A, %lt3A_84 : i32
        %ne3A_86 = arith.xori %lt3A_83, %lt3A_85 : i1
        %and3A = arith.andi %ne3A_86, %ne3A_82 : i1
        %add3A_87 = arith.addi %rem3A, %select_n3A : i32
        %select_n3A_88 = arith.select %and3A, %add3A_87, %rem3A : i32
        %eq3A_89 = arith.constant 0 : i32
        %eq3A_90 = arith.cmpi eq, %select_n3A_88, %eq3A_89 : i32
        %convert_element_type3A_91 = arith.extui %eq3A_90 : i1 to i32
        %cond3A_92 = arith.constant 0 : i32
        %cond3A_93 = arith.cmpi ne, %convert_element_type3A_91, %cond3A_92 : i32
        scf.if %cond3A_93 {
          %add3A_115 = arith.constant 1 : i32
          %add3A_116 = arith.addi %scan3A_78, %add3A_115 : i32
          %lt3A_117 = arith.constant 20 : i32
          %lt3A_118 = arith.cmpi slt, %add3A_116, %lt3A_117 : i32
          %convert_element_type3A_119 = arith.extui %lt3A_118 : i1 to i32
          %cond3A_120 = arith.constant 0 : i32
          %cond3A_121 = arith.cmpi ne, %convert_element_type3A_119, %cond3A_120 : i32
          scf.if %cond3A_121 {
            %add3A_152 = arith.constant 1 : i32
            %add3A_153 = arith.addi %scan3A_78, %add3A_152 : i32
            %dma_start3A_154 = arith.constant 0 : i32
            %dma_start3A_155 = tpu.memref_slice %arg18[%add3A_153, %dma_start3A_154] : memref<20x128xi32, #tpu.memory_space<vmem>> -> memref<1x128xi32, #tpu.memory_space<vmem>>
            %dma_start3A_156 = tpu.memref_squeeze %dma_start3A_155 : memref<1x128xi32, #tpu.memory_space<vmem>> -> memref<128xi32, #tpu.memory_space<vmem>>
            %dma_start3A_157 = arith.constant 0 : i32
            %dma_start3A_158 = arith.constant 0 : i32
            %dma_start3A_159 = tpu.memref_slice %arg3[%dma_start3A_157, %dma_start3A_158] : memref<10240x128xf32, #tpu.memory_space<hbm>> -> memref<10240x128xf32, #tpu.memory_space<hbm>>
            tpu.enqueue_indirect_dma source(%dma_start3A_159 : memref<10240x128xf32, #tpu.memory_space<hbm>>) target(%arg20 : memref<128x128xf32, #tpu.memory_space<vmem>>) offsets(%dma_start3A_156 : memref<128xi32, #tpu.memory_space<vmem>>) semaphore(%arg23 : memref<!tpu.dma_semaphore, #tpu.memory_space<semaphore_mem>>)
          } else {
          }
          %dma_wait3A_122 = arith.constant 0 : i32
          %dma_wait3A_123 = tpu.memref_slice %arg18[%scan3A_78, %dma_wait3A_122] : memref<20x128xi32, #tpu.memory_space<vmem>> -> memref<1x128xi32, #tpu.memory_space<vmem>>
          %dma_wait3A_124 = tpu.memref_squeeze %dma_wait3A_123 : memref<1x128xi32, #tpu.memory_space<vmem>> -> memref<128xi32, #tpu.memory_space<vmem>>
          %dma_wait3A_125 = arith.constant 0 : i32
          %dma_wait3A_126 = arith.constant 0 : i32
          %dma_wait3A_127 = tpu.memref_slice %arg3[%dma_wait3A_125, %dma_wait3A_126] : memref<10240x128xf32, #tpu.memory_space<hbm>> -> memref<10240x128xf32, #tpu.memory_space<hbm>>
          tpu.wait_indirect_dma semaphore(%arg22 : memref<!tpu.dma_semaphore, #tpu.memory_space<semaphore_mem>>) src(%dma_wait3A_127 : memref<10240x128xf32, #tpu.memory_space<hbm>>) dst(%arg19 : memref<128x128xf32, #tpu.memory_space<vmem>>)
          %jit3A_128 = arith.constant 2 : i32
          %eq3A_129 = arith.constant 0 : i32
          %eq3A_130 = arith.cmpi eq, %jit3A_128, %eq3A_129 : i32
          %jit3A_131 = arith.constant 1 : i32
          %select_n3A_132 = arith.select %eq3A_130, %jit3A_131, %jit3A_128 : i32
          %rem3A_133 = arith.remsi %scan3A_78, %select_n3A_132 : i32
          %ne3A_134 = arith.constant 0 : i32
          %ne3A_135 = arith.cmpi ne, %rem3A_133, %ne3A_134 : i32
          %lt3A_136 = arith.constant 0 : i32
          %lt3A_137 = arith.cmpi slt, %rem3A_133, %lt3A_136 : i32
          %lt3A_138 = arith.constant 0 : i32
          %lt3A_139 = arith.cmpi slt, %select_n3A_132, %lt3A_138 : i32
          %ne3A_140 = arith.xori %lt3A_137, %lt3A_139 : i1
          %and3A_141 = arith.andi %ne3A_140, %ne3A_135 : i1
          %add3A_142 = arith.addi %rem3A_133, %select_n3A_132 : i32
          %select_n3A_143 = arith.select %and3A_141, %add3A_142, %rem3A_133 : i32
          %mul3A_144 = arith.constant 128 : i32
          %mul3A_145 = arith.muli %select_n3A_143, %mul3A_144 : i32
          %scan3A_146 = arith.constant 0 : i32
          %scan3A_147 = arith.constant 0 : i32
          %scan3A_148 = arith.constant 128 : i32
          %scan3A_149 = arith.addi %scan3A_147, %scan3A_148 : i32
          %scan3A_150 = arith.constant 1 : i32
          scf.for %scan3A_152 = %scan3A_147 to %scan3A_149 step %scan3A_150  : i32 {
            %add3A_153 = arith.addi %mul3A_145, %scan3A_152 : i32
            %get3A = arith.index_cast %add3A_153 : i32 to index
            %get3A_154 = arith.constant 0 : index
            %get3A_155 = tpu.vector_load %arg21[%get3A, %get3A_154] {strides = array<i32>} : memref<256x128xf32, #tpu.memory_space<vmem>>, vector<1x16xf32>,
            %get3A_156 = vector.shape_cast %get3A_155 : vector<1x16xf32> to vector<16xf32>
            %get3A_157 = arith.index_cast %scan3A_152 : i32 to index
            %get3A_158 = arith.constant 0 : index
            %get3A_159 = tpu.vector_load %arg19[%get3A_157, %get3A_158] {strides = array<i32>} : memref<128x128xf32, #tpu.memory_space<vmem>>, vector<1x16xf32>,
            %get3A_160 = vector.shape_cast %get3A_159 : vector<1x16xf32> to vector<16xf32>
            %add3A_161 = arith.addf %get3A_156, %get3A_160 : vector<16xf32>
            %add3A_162 = arith.addi %mul3A_145, %scan3A_152 : i32
            %swap3A = arith.index_cast %add3A_162 : i32 to index
            %swap3A_163 = arith.constant 0 : index
            %swap3A_164 = tpu.vector_load %arg21[%swap3A, %swap3A_163] {strides = array<i32>} : memref<256x128xf32, #tpu.memory_space<vmem>>, vector<1x16xf32>,
            %swap3A_165 = vector.shape_cast %swap3A_164 : vector<1x16xf32> to vector<16xf32>
            %swap3A_166 = vector.shape_cast %add3A_161 : vector<16xf32> to vector<1x16xf32>
            tpu.vector_store %arg21[%swap3A, %swap3A_163], %swap3A_166 {strides = array<i32>} : memref<256x128xf32, #tpu.memory_space<vmem>>, vector<1x16xf32>,
            %add3A_167 = arith.addi %mul3A_145, %scan3A_152 : i32
            %get3A_168 = arith.index_cast %add3A_167 : i32 to index
            %get3A_169 = arith.constant 16 : index
            %get3A_170 = tpu.vector_load %arg21[%get3A_168, %get3A_169] {strides = array<i32>} : memref<256x128xf32, #tpu.memory_space<vmem>>, vector<1x16xf32>,
            %get3A_171 = vector.shape_cast %get3A_170 : vector<1x16xf32> to vector<16xf32>
            %get3A_172 = arith.index_cast %scan3A_152 : i32 to index
            %get3A_173 = arith.constant 16 : index
            %get3A_174 = tpu.vector_load %arg19[%get3A_172, %get3A_173] {strides = array<i32>} : memref<128x128xf32, #tpu.memory_space<vmem>>, vector<1x16xf32>,
            %get3A_175 = vector.shape_cast %get3A_174 : vector<1x16xf32> to vector<16xf32>
            %add3A_176 = arith.addf %get3A_171, %get3A_175 : vector<16xf32>
            %add3A_177 = arith.addi %mul3A_145, %scan3A_152 : i32
            %swap3A_178 = arith.index_cast %add3A_177 : i32 to index
            %swap3A_179 = arith.constant 16 : index
            %swap3A_180 = tpu.vector_load %arg21[%swap3A_178, %swap3A_179] {strides = array<i32>} : memref<256x128xf32, #tpu.memory_space<vmem>>, vector<1x16xf32>,
            %swap3A_181 = vector.shape_cast %swap3A_180 : vector<1x16xf32> to vector<16xf32>
            %swap3A_182 = vector.shape_cast %add3A_176 : vector<16xf32> to vector<1x16xf32>
            tpu.vector_store %arg21[%swap3A_178, %swap3A_179], %swap3A_182 {strides = array<i32>} : memref<256x128xf32, #tpu.memory_space<vmem>>, vector<1x16xf32>,
            %add3A_183 = arith.addi %mul3A_145, %scan3A_152 : i32
            %get3A_184 = arith.index_cast %add3A_183 : i32 to index
            %get3A_185 = arith.constant 32 : index
            %get3A_186 = tpu.vector_load %arg21[%get3A_184, %get3A_185] {strides = array<i32>} : memref<256x128xf32, #tpu.memory_space<vmem>>, vector<1x16xf32>,
            %get3A_187 = vector.shape_cast %get3A_186 : vector<1x16xf32> to vector<16xf32>
            %get3A_188 = arith.index_cast %scan3A_152 : i32 to index
            %get3A_189 = arith.constant 32 : index
            %get3A_190 = tpu.vector_load %arg19[%get3A_188, %get3A_189] {strides = array<i32>} : memref<128x128xf32, #tpu.memory_space<vmem>>, vector<1x16xf32>,
            %get3A_191 = vector.shape_cast %get3A_190 : vector<1x16xf32> to vector<16xf32>
            %add3A_192 = arith.addf %get3A_187, %get3A_191 : vector<16xf32>
            %add3A_193 = arith.addi %mul3A_145, %scan3A_152 : i32
            %swap3A_194 = arith.index_cast %add3A_193 : i32 to index
            %swap3A_195 = arith.constant 32 : index
            %swap3A_196 = tpu.vector_load %arg21[%swap3A_194, %swap3A_195] {strides = array<i32>} : memref<256x128xf32, #tpu.memory_space<vmem>>, vector<1x16xf32>,
            %swap3A_197 = vector.shape_cast %swap3A_196 : vector<1x16xf32> to vector<16xf32>
            %swap3A_198 = vector.shape_cast %add3A_192 : vector<16xf32> to vector<1x16xf32>
            tpu.vector_store %arg21[%swap3A_194, %swap3A_195], %swap3A_198 {strides = array<i32>} : memref<256x128xf32, #tpu.memory_space<vmem>>, vector<1x16xf32>,
            %add3A_199 = arith.addi %mul3A_145, %scan3A_152 : i32
            %get3A_200 = arith.index_cast %add3A_199 : i32 to index
            %get3A_201 = arith.constant 48 : index
            %get3A_202 = tpu.vector_load %arg21[%get3A_200, %get3A_201] {strides = array<i32>} : memref<256x128xf32, #tpu.memory_space<vmem>>, vector<1x16xf32>,
            %get3A_203 = vector.shape_cast %get3A_202 : vector<1x16xf32> to vector<16xf32>
            %get3A_204 = arith.index_cast %scan3A_152 : i32 to index
            %get3A_205 = arith.constant 48 : index
            %get3A_206 = tpu.vector_load %arg19[%get3A_204, %get3A_205] {strides = array<i32>} : memref<128x128xf32, #tpu.memory_space<vmem>>, vector<1x16xf32>,
            %get3A_207 = vector.shape_cast %get3A_206 : vector<1x16xf32> to vector<16xf32>
            %add3A_208 = arith.addf %get3A_203, %get3A_207 : vector<16xf32>
            %add3A_209 = arith.addi %mul3A_145, %scan3A_152 : i32
            %swap3A_210 = arith.index_cast %add3A_209 : i32 to index
            %swap3A_211 = arith.constant 48 : index
            %swap3A_212 = tpu.vector_load %arg21[%swap3A_210, %swap3A_211] {strides = array<i32>} : memref<256x128xf32, #tpu.memory_space<vmem>>, vector<1x16xf32>,
            %swap3A_213 = vector.shape_cast %swap3A_212 : vector<1x16xf32> to vector<16xf32>
            %swap3A_214 = vector.shape_cast %add3A_208 : vector<16xf32> to vector<1x16xf32>
            tpu.vector_store %arg21[%swap3A_210, %swap3A_211], %swap3A_214 {strides = array<i32>} : memref<256x128xf32, #tpu.memory_space<vmem>>, vector<1x16xf32>,
            %add3A_215 = arith.addi %mul3A_145, %scan3A_152 : i32
            %get3A_216 = arith.index_cast %add3A_215 : i32 to index
            %get3A_217 = arith.constant 64 : index
            %get3A_218 = tpu.vector_load %arg21[%get3A_216, %get3A_217] {strides = array<i32>} : memref<256x128xf32, #tpu.memory_space<vmem>>, vector<1x16xf32>,
            %get3A_219 = vector.shape_cast %get3A_218 : vector<1x16xf32> to vector<16xf32>
            %get3A_220 = arith.index_cast %scan3A_152 : i32 to index
            %get3A_221 = arith.constant 64 : index
            %get3A_222 = tpu.vector_load %arg19[%get3A_220, %get3A_221] {strides = array<i32>} : memref<128x128xf32, #tpu.memory_space<vmem>>, vector<1x16xf32>,
            %get3A_223 = vector.shape_cast %get3A_222 : vector<1x16xf32> to vector<16xf32>
            %add3A_224 = arith.addf %get3A_219, %get3A_223 : vector<16xf32>
            %add3A_225 = arith.addi %mul3A_145, %scan3A_152 : i32
            %swap3A_226 = arith.index_cast %add3A_225 : i32 to index
            %swap3A_227 = arith.constant 64 : index
            %swap3A_228 = tpu.vector_load %arg21[%swap3A_226, %swap3A_227] {strides = array<i32>} : memref<256x128xf32, #tpu.memory_space<vmem>>, vector<1x16xf32>,
            %swap3A_229 = vector.shape_cast %swap3A_228 : vector<1x16xf32> to vector<16xf32>
            %swap3A_230 = vector.shape_cast %add3A_224 : vector<16xf32> to vector<1x16xf32>
            tpu.vector_store %arg21[%swap3A_226, %swap3A_227], %swap3A_230 {strides = array<i32>} : memref<256x128xf32, #tpu.memory_space<vmem>>, vector<1x16xf32>,
            %add3A_231 = arith.addi %mul3A_145, %scan3A_152 : i32
            %get3A_232 = arith.index_cast %add3A_231 : i32 to index
            %get3A_233 = arith.constant 80 : index
            %get3A_234 = tpu.vector_load %arg21[%get3A_232, %get3A_233] {strides = array<i32>} : memref<256x128xf32, #tpu.memory_space<vmem>>, vector<1x16xf32>,
            %get3A_235 = vector.shape_cast %get3A_234 : vector<1x16xf32> to vector<16xf32>
            %get3A_236 = arith.index_cast %scan3A_152 : i32 to index
            %get3A_237 = arith.constant 80 : index
            %get3A_238 = tpu.vector_load %arg19[%get3A_236, %get3A_237] {strides = array<i32>} : memref<128x128xf32, #tpu.memory_space<vmem>>, vector<1x16xf32>,
            %get3A_239 = vector.shape_cast %get3A_238 : vector<1x16xf32> to vector<16xf32>
            %add3A_240 = arith.addf %get3A_235, %get3A_239 : vector<16xf32>
            %add3A_241 = arith.addi %mul3A_145, %scan3A_152 : i32
            %swap3A_242 = arith.index_cast %add3A_241 : i32 to index
            %swap3A_243 = arith.constant 80 : index
            %swap3A_244 = tpu.vector_load %arg21[%swap3A_242, %swap3A_243] {strides = array<i32>} : memref<256x128xf32, #tpu.memory_space<vmem>>, vector<1x16xf32>,
            %swap3A_245 = vector.shape_cast %swap3A_244 : vector<1x16xf32> to vector<16xf32>
            %swap3A_246 = vector.shape_cast %add3A_240 : vector<16xf32> to vector<1x16xf32>
            tpu.vector_store %arg21[%swap3A_242, %swap3A_243], %swap3A_246 {strides = array<i32>} : memref<256x128xf32, #tpu.memory_space<vmem>>, vector<1x16xf32>,
            %add3A_247 = arith.addi %mul3A_145, %scan3A_152 : i32
            %get3A_248 = arith.index_cast %add3A_247 : i32 to index
            %get3A_249 = arith.constant 96 : index
            %get3A_250 = tpu.vector_load %arg21[%get3A_248, %get3A_249] {strides = array<i32>} : memref<256x128xf32, #tpu.memory_space<vmem>>, vector<1x16xf32>,
            %get3A_251 = vector.shape_cast %get3A_250 : vector<1x16xf32> to vector<16xf32>
            %get3A_252 = arith.index_cast %scan3A_152 : i32 to index
            %get3A_253 = arith.constant 96 : index
            %get3A_254 = tpu.vector_load %arg19[%get3A_252, %get3A_253] {strides = array<i32>} : memref<128x128xf32, #tpu.memory_space<vmem>>, vector<1x16xf32>,
            %get3A_255 = vector.shape_cast %get3A_254 : vector<1x16xf32> to vector<16xf32>
            %add3A_256 = arith.addf %get3A_251, %get3A_255 : vector<16xf32>
            %add3A_257 = arith.addi %mul3A_145, %scan3A_152 : i32
            %swap3A_258 = arith.index_cast %add3A_257 : i32 to index
            %swap3A_259 = arith.constant 96 : index
            %swap3A_260 = tpu.vector_load %arg21[%swap3A_258, %swap3A_259] {strides = array<i32>} : memref<256x128xf32, #tpu.memory_space<vmem>>, vector<1x16xf32>,
            %swap3A_261 = vector.shape_cast %swap3A_260 : vector<1x16xf32> to vector<16xf32>
            %swap3A_262 = vector.shape_cast %add3A_256 : vector<16xf32> to vector<1x16xf32>
            tpu.vector_store %arg21[%swap3A_258, %swap3A_259], %swap3A_262 {strides = array<i32>} : memref<256x128xf32, #tpu.memory_space<vmem>>, vector<1x16xf32>,
            %add3A_263 = arith.addi %mul3A_145, %scan3A_152 : i32
            %get3A_264 = arith.index_cast %add3A_263 : i32 to index
            %get3A_265 = arith.constant 112 : index
            %get3A_266 = tpu.vector_load %arg21[%get3A_264, %get3A_265] {strides = array<i32>} : memref<256x128xf32, #tpu.memory_space<vmem>>, vector<1x16xf32>,
            %get3A_267 = vector.shape_cast %get3A_266 : vector<1x16xf32> to vector<16xf32>
            %get3A_268 = arith.index_cast %scan3A_152 : i32 to index
            %get3A_269 = arith.constant 112 : index
            %get3A_270 = tpu.vector_load %arg19[%get3A_268, %get3A_269] {strides = array<i32>} : memref<128x128xf32, #tpu.memory_space<vmem>>, vector<1x16xf32>,
            %get3A_271 = vector.shape_cast %get3A_270 : vector<1x16xf32> to vector<16xf32>
            %add3A_272 = arith.addf %get3A_267, %get3A_271 : vector<16xf32>
            %add3A_273 = arith.addi %mul3A_145, %scan3A_152 : i32
            %swap3A_274 = arith.index_cast %add3A_273 : i32 to index
            %swap3A_275 = arith.constant 112 : index
            %swap3A_276 = tpu.vector_load %arg21[%swap3A_274, %swap3A_275] {strides = array<i32>} : memref<256x128xf32, #tpu.memory_space<vmem>>, vector<1x16xf32>,
            %swap3A_277 = vector.shape_cast %swap3A_276 : vector<1x16xf32> to vector<16xf32>
            %swap3A_278 = vector.shape_cast %add3A_272 : vector<16xf32> to vector<1x16xf32>
            tpu.vector_store %arg21[%swap3A_274, %swap3A_275], %swap3A_278 {strides = array<i32>} : memref<256x128xf32, #tpu.memory_space<vmem>>, vector<1x16xf32>,
          }
          %scan3A_151 = arith.constant 128 : i32
        } else {
        }
        %jit3A_94 = arith.constant 2 : i32
        %eq3A_95 = arith.constant 0 : i32
        %eq3A_96 = arith.cmpi eq, %jit3A_94, %eq3A_95 : i32
        %jit3A_97 = arith.constant 1 : i32
        %select_n3A_98 = arith.select %eq3A_96, %jit3A_97, %jit3A_94 : i32
        %rem3A_99 = arith.remsi %scan3A_78, %select_n3A_98 : i32
        %ne3A_100 = arith.constant 0 : i32
        %ne3A_101 = arith.cmpi ne, %rem3A_99, %ne3A_100 : i32
        %lt3A_102 = arith.constant 0 : i32
        %lt3A_103 = arith.cmpi slt, %rem3A_99, %lt3A_102 : i32
        %lt3A_104 = arith.constant 0 : i32
        %lt3A_105 = arith.cmpi slt, %select_n3A_98, %lt3A_104 : i32
        %ne3A_106 = arith.xori %lt3A_103, %lt3A_105 : i1
        %and3A_107 = arith.andi %ne3A_106, %ne3A_101 : i1
        %add3A_108 = arith.addi %rem3A_99, %select_n3A_98 : i32
        %select_n3A_109 = arith.select %and3A_107, %add3A_108, %rem3A_99 : i32
        %eq3A_110 = arith.constant 1 : i32
        %eq3A_111 = arith.cmpi eq, %select_n3A_109, %eq3A_110 : i32
        %convert_element_type3A_112 = arith.extui %eq3A_111 : i1 to i32
        %cond3A_113 = arith.constant 0 : i32
        %cond3A_114 = arith.cmpi ne, %convert_element_type3A_112, %cond3A_113 : i32
        scf.if %cond3A_114 {
          %add3A_115 = arith.constant 1 : i32
          %add3A_116 = arith.addi %scan3A_78, %add3A_115 : i32
          %lt3A_117 = arith.constant 20 : i32
          %lt3A_118 = arith.cmpi slt, %add3A_116, %lt3A_117 : i32
          %convert_element_type3A_119 = arith.extui %lt3A_118 : i1 to i32
          %cond3A_120 = arith.constant 0 : i32
          %cond3A_121 = arith.cmpi ne, %convert_element_type3A_119, %cond3A_120 : i32
          scf.if %cond3A_121 {
            %add3A_152 = arith.constant 1 : i32
            %add3A_153 = arith.addi %scan3A_78, %add3A_152 : i32
            %dma_start3A_154 = arith.constant 0 : i32
            %dma_start3A_155 = tpu.memref_slice %arg18[%add3A_153, %dma_start3A_154] : memref<20x128xi32, #tpu.memory_space<vmem>> -> memref<1x128xi32, #tpu.memory_space<vmem>>
            %dma_start3A_156 = tpu.memref_squeeze %dma_start3A_155 : memref<1x128xi32, #tpu.memory_space<vmem>> -> memref<128xi32, #tpu.memory_space<vmem>>
            %dma_start3A_157 = arith.constant 0 : i32
            %dma_start3A_158 = arith.constant 0 : i32
            %dma_start3A_159 = tpu.memref_slice %arg3[%dma_start3A_157, %dma_start3A_158] : memref<10240x128xf32, #tpu.memory_space<hbm>> -> memref<10240x128xf32, #tpu.memory_space<hbm>>
            tpu.enqueue_indirect_dma source(%dma_start3A_159 : memref<10240x128xf32, #tpu.memory_space<hbm>>) target(%arg19 : memref<128x128xf32, #tpu.memory_space<vmem>>) offsets(%dma_start3A_156 : memref<128xi32, #tpu.memory_space<vmem>>) semaphore(%arg22 : memref<!tpu.dma_semaphore, #tpu.memory_space<semaphore_mem>>)
          } else {
          }
          %dma_wait3A_122 = arith.constant 0 : i32
          %dma_wait3A_123 = tpu.memref_slice %arg18[%scan3A_78, %dma_wait3A_122] : memref<20x128xi32, #tpu.memory_space<vmem>> -> memref<1x128xi32, #tpu.memory_space<vmem>>
          %dma_wait3A_124 = tpu.memref_squeeze %dma_wait3A_123 : memref<1x128xi32, #tpu.memory_space<vmem>> -> memref<128xi32, #tpu.memory_space<vmem>>
          %dma_wait3A_125 = arith.constant 0 : i32
          %dma_wait3A_126 = arith.constant 0 : i32
          %dma_wait3A_127 = tpu.memref_slice %arg3[%dma_wait3A_125, %dma_wait3A_126] : memref<10240x128xf32, #tpu.memory_space<hbm>> -> memref<10240x128xf32, #tpu.memory_space<hbm>>
          tpu.wait_indirect_dma semaphore(%arg23 : memref<!tpu.dma_semaphore, #tpu.memory_space<semaphore_mem>>) src(%dma_wait3A_127 : memref<10240x128xf32, #tpu.memory_space<hbm>>) dst(%arg20 : memref<128x128xf32, #tpu.memory_space<vmem>>)
          %jit3A_128 = arith.constant 2 : i32
          %eq3A_129 = arith.constant 0 : i32
          %eq3A_130 = arith.cmpi eq, %jit3A_128, %eq3A_129 : i32
          %jit3A_131 = arith.constant 1 : i32
          %select_n3A_132 = arith.select %eq3A_130, %jit3A_131, %jit3A_128 : i32
          %rem3A_133 = arith.remsi %scan3A_78, %select_n3A_132 : i32
          %ne3A_134 = arith.constant 0 : i32
          %ne3A_135 = arith.cmpi ne, %rem3A_133, %ne3A_134 : i32
          %lt3A_136 = arith.constant 0 : i32
          %lt3A_137 = arith.cmpi slt, %rem3A_133, %lt3A_136 : i32
          %lt3A_138 = arith.constant 0 : i32
          %lt3A_139 = arith.cmpi slt, %select_n3A_132, %lt3A_138 : i32
          %ne3A_140 = arith.xori %lt3A_137, %lt3A_139 : i1
          %and3A_141 = arith.andi %ne3A_140, %ne3A_135 : i1
          %add3A_142 = arith.addi %rem3A_133, %select_n3A_132 : i32
          %select_n3A_143 = arith.select %and3A_141, %add3A_142, %rem3A_133 : i32
          %mul3A_144 = arith.constant 128 : i32
          %mul3A_145 = arith.muli %select_n3A_143, %mul3A_144 : i32
          %scan3A_146 = arith.constant 0 : i32
          %scan3A_147 = arith.constant 0 : i32
          %scan3A_148 = arith.constant 128 : i32
          %scan3A_149 = arith.addi %scan3A_147, %scan3A_148 : i32
          %scan3A_150 = arith.constant 1 : i32
          scf.for %scan3A_152 = %scan3A_147 to %scan3A_149 step %scan3A_150  : i32 {
            %add3A_153 = arith.addi %mul3A_145, %scan3A_152 : i32
            %get3A = arith.index_cast %add3A_153 : i32 to index
            %get3A_154 = arith.constant 0 : index
            %get3A_155 = tpu.vector_load %arg21[%get3A, %get3A_154] {strides = array<i32>} : memref<256x128xf32, #tpu.memory_space<vmem>>, vector<1x16xf32>,
            %get3A_156 = vector.shape_cast %get3A_155 : vector<1x16xf32> to vector<16xf32>
            %get3A_157 = arith.index_cast %scan3A_152 : i32 to index
            %get3A_158 = arith.constant 0 : index
            %get3A_159 = tpu.vector_load %arg20[%get3A_157, %get3A_158] {strides = array<i32>} : memref<128x128xf32, #tpu.memory_space<vmem>>, vector<1x16xf32>,
            %get3A_160 = vector.shape_cast %get3A_159 : vector<1x16xf32> to vector<16xf32>
            %add3A_161 = arith.addf %get3A_156, %get3A_160 : vector<16xf32>
            %add3A_162 = arith.addi %mul3A_145, %scan3A_152 : i32
            %swap3A = arith.index_cast %add3A_162 : i32 to index
            %swap3A_163 = arith.constant 0 : index
            %swap3A_164 = tpu.vector_load %arg21[%swap3A, %swap3A_163] {strides = array<i32>} : memref<256x128xf32, #tpu.memory_space<vmem>>, vector<1x16xf32>,
            %swap3A_165 = vector.shape_cast %swap3A_164 : vector<1x16xf32> to vector<16xf32>
            %swap3A_166 = vector.shape_cast %add3A_161 : vector<16xf32> to vector<1x16xf32>
            tpu.vector_store %arg21[%swap3A, %swap3A_163], %swap3A_166 {strides = array<i32>} : memref<256x128xf32, #tpu.memory_space<vmem>>, vector<1x16xf32>,
            %add3A_167 = arith.addi %mul3A_145, %scan3A_152 : i32
            %get3A_168 = arith.index_cast %add3A_167 : i32 to index
            %get3A_169 = arith.constant 16 : index
            %get3A_170 = tpu.vector_load %arg21[%get3A_168, %get3A_169] {strides = array<i32>} : memref<256x128xf32, #tpu.memory_space<vmem>>, vector<1x16xf32>,
            %get3A_171 = vector.shape_cast %get3A_170 : vector<1x16xf32> to vector<16xf32>
            %get3A_172 = arith.index_cast %scan3A_152 : i32 to index
            %get3A_173 = arith.constant 16 : index
            %get3A_174 = tpu.vector_load %arg20[%get3A_172, %get3A_173] {strides = array<i32>} : memref<128x128xf32, #tpu.memory_space<vmem>>, vector<1x16xf32>,
            %get3A_175 = vector.shape_cast %get3A_174 : vector<1x16xf32> to vector<16xf32>
            %add3A_176 = arith.addf %get3A_171, %get3A_175 : vector<16xf32>
            %add3A_177 = arith.addi %mul3A_145, %scan3A_152 : i32
            %swap3A_178 = arith.index_cast %add3A_177 : i32 to index
            %swap3A_179 = arith.constant 16 : index
            %swap3A_180 = tpu.vector_load %arg21[%swap3A_178, %swap3A_179] {strides = array<i32>} : memref<256x128xf32, #tpu.memory_space<vmem>>, vector<1x16xf32>,
            %swap3A_181 = vector.shape_cast %swap3A_180 : vector<1x16xf32> to vector<16xf32>
            %swap3A_182 = vector.shape_cast %add3A_176 : vector<16xf32> to vector<1x16xf32>
            tpu.vector_store %arg21[%swap3A_178, %swap3A_179], %swap3A_182 {strides = array<i32>} : memref<256x128xf32, #tpu.memory_space<vmem>>, vector<1x16xf32>,
            %add3A_183 = arith.addi %mul3A_145, %scan3A_152 : i32
            %get3A_184 = arith.index_cast %add3A_183 : i32 to index
            %get3A_185 = arith.constant 32 : index
            %get3A_186 = tpu.vector_load %arg21[%get3A_184, %get3A_185] {strides = array<i32>} : memref<256x128xf32, #tpu.memory_space<vmem>>, vector<1x16xf32>,
            %get3A_187 = vector.shape_cast %get3A_186 : vector<1x16xf32> to vector<16xf32>
            %get3A_188 = arith.index_cast %scan3A_152 : i32 to index
            %get3A_189 = arith.constant 32 : index
            %get3A_190 = tpu.vector_load %arg20[%get3A_188, %get3A_189] {strides = array<i32>} : memref<128x128xf32, #tpu.memory_space<vmem>>, vector<1x16xf32>,
            %get3A_191 = vector.shape_cast %get3A_190 : vector<1x16xf32> to vector<16xf32>
            %add3A_192 = arith.addf %get3A_187, %get3A_191 : vector<16xf32>
            %add3A_193 = arith.addi %mul3A_145, %scan3A_152 : i32
            %swap3A_194 = arith.index_cast %add3A_193 : i32 to index
            %swap3A_195 = arith.constant 32 : index
            %swap3A_196 = tpu.vector_load %arg21[%swap3A_194, %swap3A_195] {strides = array<i32>} : memref<256x128xf32, #tpu.memory_space<vmem>>, vector<1x16xf32>,
            %swap3A_197 = vector.shape_cast %swap3A_196 : vector<1x16xf32> to vector<16xf32>
            %swap3A_198 = vector.shape_cast %add3A_192 : vector<16xf32> to vector<1x16xf32>
            tpu.vector_store %arg21[%swap3A_194, %swap3A_195], %swap3A_198 {strides = array<i32>} : memref<256x128xf32, #tpu.memory_space<vmem>>, vector<1x16xf32>,
            %add3A_199 = arith.addi %mul3A_145, %scan3A_152 : i32
            %get3A_200 = arith.index_cast %add3A_199 : i32 to index
            %get3A_201 = arith.constant 48 : index
            %get3A_202 = tpu.vector_load %arg21[%get3A_200, %get3A_201] {strides = array<i32>} : memref<256x128xf32, #tpu.memory_space<vmem>>, vector<1x16xf32>,
            %get3A_203 = vector.shape_cast %get3A_202 : vector<1x16xf32> to vector<16xf32>
            %get3A_204 = arith.index_cast %scan3A_152 : i32 to index
            %get3A_205 = arith.constant 48 : index
            %get3A_206 = tpu.vector_load %arg20[%get3A_204, %get3A_205] {strides = array<i32>} : memref<128x128xf32, #tpu.memory_space<vmem>>, vector<1x16xf32>,
            %get3A_207 = vector.shape_cast %get3A_206 : vector<1x16xf32> to vector<16xf32>
            %add3A_208 = arith.addf %get3A_203, %get3A_207 : vector<16xf32>
            %add3A_209 = arith.addi %mul3A_145, %scan3A_152 : i32
            %swap3A_210 = arith.index_cast %add3A_209 : i32 to index
            %swap3A_211 = arith.constant 48 : index
            %swap3A_212 = tpu.vector_load %arg21[%swap3A_210, %swap3A_211] {strides = array<i32>} : memref<256x128xf32, #tpu.memory_space<vmem>>, vector<1x16xf32>,
            %swap3A_213 = vector.shape_cast %swap3A_212 : vector<1x16xf32> to vector<16xf32>
            %swap3A_214 = vector.shape_cast %add3A_208 : vector<16xf32> to vector<1x16xf32>
            tpu.vector_store %arg21[%swap3A_210, %swap3A_211], %swap3A_214 {strides = array<i32>} : memref<256x128xf32, #tpu.memory_space<vmem>>, vector<1x16xf32>,
            %add3A_215 = arith.addi %mul3A_145, %scan3A_152 : i32
            %get3A_216 = arith.index_cast %add3A_215 : i32 to index
            %get3A_217 = arith.constant 64 : index
            %get3A_218 = tpu.vector_load %arg21[%get3A_216, %get3A_217] {strides = array<i32>} : memref<256x128xf32, #tpu.memory_space<vmem>>, vector<1x16xf32>,
            %get3A_219 = vector.shape_cast %get3A_218 : vector<1x16xf32> to vector<16xf32>
            %get3A_220 = arith.index_cast %scan3A_152 : i32 to index
            %get3A_221 = arith.constant 64 : index
            %get3A_222 = tpu.vector_load %arg20[%get3A_220, %get3A_221] {strides = array<i32>} : memref<128x128xf32, #tpu.memory_space<vmem>>, vector<1x16xf32>,
            %get3A_223 = vector.shape_cast %get3A_222 : vector<1x16xf32> to vector<16xf32>
            %add3A_224 = arith.addf %get3A_219, %get3A_223 : vector<16xf32>
            %add3A_225 = arith.addi %mul3A_145, %scan3A_152 : i32
            %swap3A_226 = arith.index_cast %add3A_225 : i32 to index
            %swap3A_227 = arith.constant 64 : index
            %swap3A_228 = tpu.vector_load %arg21[%swap3A_226, %swap3A_227] {strides = array<i32>} : memref<256x128xf32, #tpu.memory_space<vmem>>, vector<1x16xf32>,
            %swap3A_229 = vector.shape_cast %swap3A_228 : vector<1x16xf32> to vector<16xf32>
            %swap3A_230 = vector.shape_cast %add3A_224 : vector<16xf32> to vector<1x16xf32>
            tpu.vector_store %arg21[%swap3A_226, %swap3A_227], %swap3A_230 {strides = array<i32>} : memref<256x128xf32, #tpu.memory_space<vmem>>, vector<1x16xf32>,
            %add3A_231 = arith.addi %mul3A_145, %scan3A_152 : i32
            %get3A_232 = arith.index_cast %add3A_231 : i32 to index
            %get3A_233 = arith.constant 80 : index
            %get3A_234 = tpu.vector_load %arg21[%get3A_232, %get3A_233] {strides = array<i32>} : memref<256x128xf32, #tpu.memory_space<vmem>>, vector<1x16xf32>,
            %get3A_235 = vector.shape_cast %get3A_234 : vector<1x16xf32> to vector<16xf32>
            %get3A_236 = arith.index_cast %scan3A_152 : i32 to index
            %get3A_237 = arith.constant 80 : index
            %get3A_238 = tpu.vector_load %arg20[%get3A_236, %get3A_237] {strides = array<i32>} : memref<128x128xf32, #tpu.memory_space<vmem>>, vector<1x16xf32>,
            %get3A_239 = vector.shape_cast %get3A_238 : vector<1x16xf32> to vector<16xf32>
            %add3A_240 = arith.addf %get3A_235, %get3A_239 : vector<16xf32>
            %add3A_241 = arith.addi %mul3A_145, %scan3A_152 : i32
            %swap3A_242 = arith.index_cast %add3A_241 : i32 to index
            %swap3A_243 = arith.constant 80 : index
            %swap3A_244 = tpu.vector_load %arg21[%swap3A_242, %swap3A_243] {strides = array<i32>} : memref<256x128xf32, #tpu.memory_space<vmem>>, vector<1x16xf32>,
            %swap3A_245 = vector.shape_cast %swap3A_244 : vector<1x16xf32> to vector<16xf32>
            %swap3A_246 = vector.shape_cast %add3A_240 : vector<16xf32> to vector<1x16xf32>
            tpu.vector_store %arg21[%swap3A_242, %swap3A_243], %swap3A_246 {strides = array<i32>} : memref<256x128xf32, #tpu.memory_space<vmem>>, vector<1x16xf32>,
            %add3A_247 = arith.addi %mul3A_145, %scan3A_152 : i32
            %get3A_248 = arith.index_cast %add3A_247 : i32 to index
            %get3A_249 = arith.constant 96 : index
            %get3A_250 = tpu.vector_load %arg21[%get3A_248, %get3A_249] {strides = array<i32>} : memref<256x128xf32, #tpu.memory_space<vmem>>, vector<1x16xf32>,
            %get3A_251 = vector.shape_cast %get3A_250 : vector<1x16xf32> to vector<16xf32>
            %get3A_252 = arith.index_cast %scan3A_152 : i32 to index
            %get3A_253 = arith.constant 96 : index
            %get3A_254 = tpu.vector_load %arg20[%get3A_252, %get3A_253] {strides = array<i32>} : memref<128x128xf32, #tpu.memory_space<vmem>>, vector<1x16xf32>,
            %get3A_255 = vector.shape_cast %get3A_254 : vector<1x16xf32> to vector<16xf32>
            %add3A_256 = arith.addf %get3A_251, %get3A_255 : vector<16xf32>
            %add3A_257 = arith.addi %mul3A_145, %scan3A_152 : i32
            %swap3A_258 = arith.index_cast %add3A_257 : i32 to index
            %swap3A_259 = arith.constant 96 : index
            %swap3A_260 = tpu.vector_load %arg21[%swap3A_258, %swap3A_259] {strides = array<i32>} : memref<256x128xf32, #tpu.memory_space<vmem>>, vector<1x16xf32>,
            %swap3A_261 = vector.shape_cast %swap3A_260 : vector<1x16xf32> to vector<16xf32>
            %swap3A_262 = vector.shape_cast %add3A_256 : vector<16xf32> to vector<1x16xf32>
            tpu.vector_store %arg21[%swap3A_258, %swap3A_259], %swap3A_262 {strides = array<i32>} : memref<256x128xf32, #tpu.memory_space<vmem>>, vector<1x16xf32>,
            %add3A_263 = arith.addi %mul3A_145, %scan3A_152 : i32
            %get3A_264 = arith.index_cast %add3A_263 : i32 to index
            %get3A_265 = arith.constant 112 : index
            %get3A_266 = tpu.vector_load %arg21[%get3A_264, %get3A_265] {strides = array<i32>} : memref<256x128xf32, #tpu.memory_space<vmem>>, vector<1x16xf32>,
            %get3A_267 = vector.shape_cast %get3A_266 : vector<1x16xf32> to vector<16xf32>
            %get3A_268 = arith.index_cast %scan3A_152 : i32 to index
            %get3A_269 = arith.constant 112 : index
            %get3A_270 = tpu.vector_load %arg20[%get3A_268, %get3A_269] {strides = array<i32>} : memref<128x128xf32, #tpu.memory_space<vmem>>, vector<1x16xf32>,
            %get3A_271 = vector.shape_cast %get3A_270 : vector<1x16xf32> to vector<16xf32>
            %add3A_272 = arith.addf %get3A_267, %get3A_271 : vector<16xf32>
            %add3A_273 = arith.addi %mul3A_145, %scan3A_152 : i32
            %swap3A_274 = arith.index_cast %add3A_273 : i32 to index
            %swap3A_275 = arith.constant 112 : index
            %swap3A_276 = tpu.vector_load %arg21[%swap3A_274, %swap3A_275] {strides = array<i32>} : memref<256x128xf32, #tpu.memory_space<vmem>>, vector<1x16xf32>,
            %swap3A_277 = vector.shape_cast %swap3A_276 : vector<1x16xf32> to vector<16xf32>
            %swap3A_278 = vector.shape_cast %add3A_272 : vector<16xf32> to vector<1x16xf32>
            tpu.vector_store %arg21[%swap3A_274, %swap3A_275], %swap3A_278 {strides = array<i32>} : memref<256x128xf32, #tpu.memory_space<vmem>>, vector<1x16xf32>,
          }
          %scan3A_151 = arith.constant 128 : i32
        } else {
        }
      }
      %scan3A_31 = arith.constant 20 : i32
      "tpu.region"() ({
        %run_scoped3A = tpu.sem_alloc : memref<!tpu.dma_semaphore, #tpu.memory_space<semaphore_mem>>
        %dma_start3A_78 = arith.constant 0 : i32
        %dma_start3A_79 = tpu.memref_slice %arg9[%mul3A_1, %dma_start3A_78] : memref<4096x128xf32, #tpu.memory_space<hbm>> -> memref<256x128xf32, #tpu.memory_space<hbm>>
        %dma_start3A_80 = arith.constant 0 : i32
        %dma_start3A_81 = tpu.memref_slice %arg9[%mul3A_1, %dma_start3A_80] : memref<4096x128xf32, #tpu.memory_space<hbm>> -> memref<256x128xf32, #tpu.memory_space<hbm>>
        tpu.enqueue_dma source(%arg21 : memref<256x128xf32, #tpu.memory_space<vmem>>) target(%dma_start3A_81 : memref<256x128xf32, #tpu.memory_space<hbm>>) target_semaphore(%run_scoped3A : memref<!tpu.dma_semaphore, #tpu.memory_space<semaphore_mem>>)
        %dma_wait3A_82 = arith.constant 0 : i32
        %dma_wait3A_83 = tpu.memref_slice %arg9[%mul3A_1, %dma_wait3A_82] : memref<4096x128xf32, #tpu.memory_space<hbm>> -> memref<256x128xf32, #tpu.memory_space<hbm>>
        %dma_wait3A_84 = arith.constant 0 : i32
        %dma_wait3A_85 = tpu.memref_slice %arg9[%mul3A_1, %dma_wait3A_84] : memref<4096x128xf32, #tpu.memory_space<hbm>> -> memref<256x128xf32, #tpu.memory_space<hbm>>
        tpu.wait_dma2 semaphore(%run_scoped3A : memref<!tpu.dma_semaphore, #tpu.memory_space<semaphore_mem>>) src(%arg21 : memref<256x128xf32, #tpu.memory_space<vmem>>) dst(%dma_wait3A_85 : memref<256x128xf32, #tpu.memory_space<hbm>>)
        tpu.yield
      }) : () -> ()
      %dma_start3A_32 = arith.constant 0 : i32
      %dma_start3A_33 = tpu.memref_slice %arg16[%dma_start3A_32] : memref<256xi32, #tpu.memory_space<vmem>> -> memref<128xi32, #tpu.memory_space<vmem>>
      %dma_start3A_34 = arith.constant 0 : i32
      %dma_start3A_35 = arith.constant 0 : i32
      %dma_start3A_36 = tpu.memref_slice %arg3[%dma_start3A_34, %dma_start3A_35] : memref<10240x128xf32, #tpu.memory_space<hbm>> -> memref<10240x128xf32, #tpu.memory_space<hbm>>
      tpu.enqueue_indirect_dma source(%dma_start3A_36 : memref<10240x128xf32, #tpu.memory_space<hbm>>) target(%arg19 : memref<128x128xf32, #tpu.memory_space<vmem>>) offsets(%dma_start3A_33 : memref<128xi32, #tpu.memory_space<vmem>>) semaphore(%arg22 : memref<!tpu.dma_semaphore, #tpu.memory_space<semaphore_mem>>)
      %dma_start3A_37 = arith.constant 128 : i32
      %dma_start3A_38 = tpu.memref_slice %arg16[%dma_start3A_37] : memref<256xi32, #tpu.memory_space<vmem>> -> memref<128xi32, #tpu.memory_space<vmem>>
      %dma_start3A_39 = arith.constant 0 : i32
      %dma_start3A_40 = arith.constant 0 : i32
      %dma_start3A_41 = tpu.memref_slice %arg3[%dma_start3A_39, %dma_start3A_40] : memref<10240x128xf32, #tpu.memory_space<hbm>> -> memref<10240x128xf32, #tpu.memory_space<hbm>>
      tpu.enqueue_indirect_dma source(%dma_start3A_41 : memref<10240x128xf32, #tpu.memory_space<hbm>>) target(%arg20 : memref<128x128xf32, #tpu.memory_space<vmem>>) offsets(%dma_start3A_38 : memref<128xi32, #tpu.memory_space<vmem>>) semaphore(%arg23 : memref<!tpu.dma_semaphore, #tpu.memory_space<semaphore_mem>>)
      %dma_wait3A = arith.constant 0 : i32
      %dma_wait3A_42 = tpu.memref_slice %arg16[%dma_wait3A] : memref<256xi32, #tpu.memory_space<vmem>> -> memref<128xi32, #tpu.memory_space<vmem>>
      %dma_wait3A_43 = arith.constant 0 : i32
      %dma_wait3A_44 = arith.constant 0 : i32
      %dma_wait3A_45 = tpu.memref_slice %arg3[%dma_wait3A_43, %dma_wait3A_44] : memref<10240x128xf32, #tpu.memory_space<hbm>> -> memref<10240x128xf32, #tpu.memory_space<hbm>>
      tpu.wait_indirect_dma semaphore(%arg22 : memref<!tpu.dma_semaphore, #tpu.memory_space<semaphore_mem>>) src(%dma_wait3A_45 : memref<10240x128xf32, #tpu.memory_space<hbm>>) dst(%arg19 : memref<128x128xf32, #tpu.memory_space<vmem>>)
      %add3A = arith.constant 0 : i32
      %add3A_46 = arith.addi %mul3A_1, %add3A : i32
      "tpu.region"() ({
        %run_scoped3A = tpu.sem_alloc : memref<!tpu.dma_semaphore, #tpu.memory_space<semaphore_mem>>
        %dma_start3A_78 = arith.constant 0 : i32
        %dma_start3A_79 = tpu.memref_slice %arg11[%add3A_46, %dma_start3A_78] : memref<4096x128xf32, #tpu.memory_space<hbm>> -> memref<128x128xf32, #tpu.memory_space<hbm>>
        %dma_start3A_80 = arith.constant 0 : i32
        %dma_start3A_81 = tpu.memref_slice %arg11[%add3A_46, %dma_start3A_80] : memref<4096x128xf32, #tpu.memory_space<hbm>> -> memref<128x128xf32, #tpu.memory_space<hbm>>
        tpu.enqueue_dma source(%arg19 : memref<128x128xf32, #tpu.memory_space<vmem>>) target(%dma_start3A_81 : memref<128x128xf32, #tpu.memory_space<hbm>>) target_semaphore(%run_scoped3A : memref<!tpu.dma_semaphore, #tpu.memory_space<semaphore_mem>>)
        %dma_wait3A_82 = arith.constant 0 : i32
        %dma_wait3A_83 = tpu.memref_slice %arg11[%add3A_46, %dma_wait3A_82] : memref<4096x128xf32, #tpu.memory_space<hbm>> -> memref<128x128xf32, #tpu.memory_space<hbm>>
        %dma_wait3A_84 = arith.constant 0 : i32
        %dma_wait3A_85 = tpu.memref_slice %arg11[%add3A_46, %dma_wait3A_84] : memref<4096x128xf32, #tpu.memory_space<hbm>> -> memref<128x128xf32, #tpu.memory_space<hbm>>
        tpu.wait_dma2 semaphore(%run_scoped3A : memref<!tpu.dma_semaphore, #tpu.memory_space<semaphore_mem>>) src(%arg19 : memref<128x128xf32, #tpu.memory_space<vmem>>) dst(%dma_wait3A_85 : memref<128x128xf32, #tpu.memory_space<hbm>>)
        tpu.yield
      }) : () -> ()
      %dma_start3A_47 = arith.constant 0 : i32
      %dma_start3A_48 = tpu.memref_slice %arg17[%dma_start3A_47] : memref<256xi32, #tpu.memory_space<vmem>> -> memref<128xi32, #tpu.memory_space<vmem>>
      %dma_start3A_49 = arith.constant 0 : i32
      %dma_start3A_50 = arith.constant 0 : i32
      %dma_start3A_51 = tpu.memref_slice %arg3[%dma_start3A_49, %dma_start3A_50] : memref<10240x128xf32, #tpu.memory_space<hbm>> -> memref<10240x128xf32, #tpu.memory_space<hbm>>
      tpu.enqueue_indirect_dma source(%dma_start3A_51 : memref<10240x128xf32, #tpu.memory_space<hbm>>) target(%arg19 : memref<128x128xf32, #tpu.memory_space<vmem>>) offsets(%dma_start3A_48 : memref<128xi32, #tpu.memory_space<vmem>>) semaphore(%arg22 : memref<!tpu.dma_semaphore, #tpu.memory_space<semaphore_mem>>)
      %dma_wait3A_52 = arith.constant 128 : i32
      %dma_wait3A_53 = tpu.memref_slice %arg16[%dma_wait3A_52] : memref<256xi32, #tpu.memory_space<vmem>> -> memref<128xi32, #tpu.memory_space<vmem>>
      %dma_wait3A_54 = arith.constant 0 : i32
      %dma_wait3A_55 = arith.constant 0 : i32
      %dma_wait3A_56 = tpu.memref_slice %arg3[%dma_wait3A_54, %dma_wait3A_55] : memref<10240x128xf32, #tpu.memory_space<hbm>> -> memref<10240x128xf32, #tpu.memory_space<hbm>>
      tpu.wait_indirect_dma semaphore(%arg23 : memref<!tpu.dma_semaphore, #tpu.memory_space<semaphore_mem>>) src(%dma_wait3A_56 : memref<10240x128xf32, #tpu.memory_space<hbm>>) dst(%arg20 : memref<128x128xf32, #tpu.memory_space<vmem>>)
      %add3A_57 = arith.constant 128 : i32
      %add3A_58 = arith.addi %mul3A_1, %add3A_57 : i32
      "tpu.region"() ({
        %run_scoped3A = tpu.sem_alloc : memref<!tpu.dma_semaphore, #tpu.memory_space<semaphore_mem>>
        %dma_start3A_78 = arith.constant 0 : i32
        %dma_start3A_79 = tpu.memref_slice %arg11[%add3A_58, %dma_start3A_78] : memref<4096x128xf32, #tpu.memory_space<hbm>> -> memref<128x128xf32, #tpu.memory_space<hbm>>
        %dma_start3A_80 = arith.constant 0 : i32
        %dma_start3A_81 = tpu.memref_slice %arg11[%add3A_58, %dma_start3A_80] : memref<4096x128xf32, #tpu.memory_space<hbm>> -> memref<128x128xf32, #tpu.memory_space<hbm>>
        tpu.enqueue_dma source(%arg20 : memref<128x128xf32, #tpu.memory_space<vmem>>) target(%dma_start3A_81 : memref<128x128xf32, #tpu.memory_space<hbm>>) target_semaphore(%run_scoped3A : memref<!tpu.dma_semaphore, #tpu.memory_space<semaphore_mem>>)
        %dma_wait3A_82 = arith.constant 0 : i32
        %dma_wait3A_83 = tpu.memref_slice %arg11[%add3A_58, %dma_wait3A_82] : memref<4096x128xf32, #tpu.memory_space<hbm>> -> memref<128x128xf32, #tpu.memory_space<hbm>>
        %dma_wait3A_84 = arith.constant 0 : i32
        %dma_wait3A_85 = tpu.memref_slice %arg11[%add3A_58, %dma_wait3A_84] : memref<4096x128xf32, #tpu.memory_space<hbm>> -> memref<128x128xf32, #tpu.memory_space<hbm>>
        tpu.wait_dma2 semaphore(%run_scoped3A : memref<!tpu.dma_semaphore, #tpu.memory_space<semaphore_mem>>) src(%arg20 : memref<128x128xf32, #tpu.memory_space<vmem>>) dst(%dma_wait3A_85 : memref<128x128xf32, #tpu.memory_space<hbm>>)
        tpu.yield
      }) : () -> ()
      %dma_start3A_59 = arith.constant 128 : i32
      %dma_start3A_60 = tpu.memref_slice %arg17[%dma_start3A_59] : memref<256xi32, #tpu.memory_space<vmem>> -> memref<128xi32, #tpu.memory_space<vmem>>
      %dma_start3A_61 = arith.constant 0 : i32
      %dma_start3A_62 = arith.constant 0 : i32
      %dma_start3A_63 = tpu.memref_slice %arg3[%dma_start3A_61, %dma_start3A_62] : memref<10240x128xf32, #tpu.memory_space<hbm>> -> memref<10240x128xf32, #tpu.memory_space<hbm>>
      tpu.enqueue_indirect_dma source(%dma_start3A_63 : memref<10240x128xf32, #tpu.memory_space<hbm>>) target(%arg20 : memref<128x128xf32, #tpu.memory_space<vmem>>) offsets(%dma_start3A_60 : memref<128xi32, #tpu.memory_space<vmem>>) semaphore(%arg23 : memref<!tpu.dma_semaphore, #tpu.memory_space<semaphore_mem>>)
      %dma_wait3A_64 = arith.constant 0 : i32
      %dma_wait3A_65 = tpu.memref_slice %arg17[%dma_wait3A_64] : memref<256xi32, #tpu.memory_space<vmem>> -> memref<128xi32, #tpu.memory_space<vmem>>
      %dma_wait3A_66 = arith.constant 0 : i32
      %dma_wait3A_67 = arith.constant 0 : i32
      %dma_wait3A_68 = tpu.memref_slice %arg3[%dma_wait3A_66, %dma_wait3A_67] : memref<10240x128xf32, #tpu.memory_space<hbm>> -> memref<10240x128xf32, #tpu.memory_space<hbm>>
      tpu.wait_indirect_dma semaphore(%arg22 : memref<!tpu.dma_semaphore, #tpu.memory_space<semaphore_mem>>) src(%dma_wait3A_68 : memref<10240x128xf32, #tpu.memory_space<hbm>>) dst(%arg19 : memref<128x128xf32, #tpu.memory_space<vmem>>)
      %add3A_69 = arith.constant 0 : i32
      %add3A_70 = arith.addi %mul3A_1, %add3A_69 : i32
      "tpu.region"() ({
        %run_scoped3A = tpu.sem_alloc : memref<!tpu.dma_semaphore, #tpu.memory_space<semaphore_mem>>
        %dma_start3A_78 = arith.constant 0 : i32
        %dma_start3A_79 = tpu.memref_slice %arg13[%add3A_70, %dma_start3A_78] : memref<4096x128xf32, #tpu.memory_space<hbm>> -> memref<128x128xf32, #tpu.memory_space<hbm>>
        %dma_start3A_80 = arith.constant 0 : i32
        %dma_start3A_81 = tpu.memref_slice %arg13[%add3A_70, %dma_start3A_80] : memref<4096x128xf32, #tpu.memory_space<hbm>> -> memref<128x128xf32, #tpu.memory_space<hbm>>
        tpu.enqueue_dma source(%arg19 : memref<128x128xf32, #tpu.memory_space<vmem>>) target(%dma_start3A_81 : memref<128x128xf32, #tpu.memory_space<hbm>>) target_semaphore(%run_scoped3A : memref<!tpu.dma_semaphore, #tpu.memory_space<semaphore_mem>>)
        %dma_wait3A_82 = arith.constant 0 : i32
        %dma_wait3A_83 = tpu.memref_slice %arg13[%add3A_70, %dma_wait3A_82] : memref<4096x128xf32, #tpu.memory_space<hbm>> -> memref<128x128xf32, #tpu.memory_space<hbm>>
        %dma_wait3A_84 = arith.constant 0 : i32
        %dma_wait3A_85 = tpu.memref_slice %arg13[%add3A_70, %dma_wait3A_84] : memref<4096x128xf32, #tpu.memory_space<hbm>> -> memref<128x128xf32, #tpu.memory_space<hbm>>
        tpu.wait_dma2 semaphore(%run_scoped3A : memref<!tpu.dma_semaphore, #tpu.memory_space<semaphore_mem>>) src(%arg19 : memref<128x128xf32, #tpu.memory_space<vmem>>) dst(%dma_wait3A_85 : memref<128x128xf32, #tpu.memory_space<hbm>>)
        tpu.yield
      }) : () -> ()
      %dma_wait3A_71 = arith.constant 128 : i32
      %dma_wait3A_72 = tpu.memref_slice %arg17[%dma_wait3A_71] : memref<256xi32, #tpu.memory_space<vmem>> -> memref<128xi32, #tpu.memory_space<vmem>>
      %dma_wait3A_73 = arith.constant 0 : i32
      %dma_wait3A_74 = arith.constant 0 : i32
      %dma_wait3A_75 = tpu.memref_slice %arg3[%dma_wait3A_73, %dma_wait3A_74] : memref<10240x128xf32, #tpu.memory_space<hbm>> -> memref<10240x128xf32, #tpu.memory_space<hbm>>
      tpu.wait_indirect_dma semaphore(%arg23 : memref<!tpu.dma_semaphore, #tpu.memory_space<semaphore_mem>>) src(%dma_wait3A_75 : memref<10240x128xf32, #tpu.memory_space<hbm>>) dst(%arg20 : memref<128x128xf32, #tpu.memory_space<vmem>>)
      %add3A_76 = arith.constant 128 : i32
      %add3A_77 = arith.addi %mul3A_1, %add3A_76 : i32
      "tpu.region"() ({
        %run_scoped3A = tpu.sem_alloc : memref<!tpu.dma_semaphore, #tpu.memory_space<semaphore_mem>>
        %dma_start3A_78 = arith.constant 0 : i32
        %dma_start3A_79 = tpu.memref_slice %arg13[%add3A_77, %dma_start3A_78] : memref<4096x128xf32, #tpu.memory_space<hbm>> -> memref<128x128xf32, #tpu.memory_space<hbm>>
        %dma_start3A_80 = arith.constant 0 : i32
        %dma_start3A_81 = tpu.memref_slice %arg13[%add3A_77, %dma_start3A_80] : memref<4096x128xf32, #tpu.memory_space<hbm>> -> memref<128x128xf32, #tpu.memory_space<hbm>>
        tpu.enqueue_dma source(%arg20 : memref<128x128xf32, #tpu.memory_space<vmem>>) target(%dma_start3A_81 : memref<128x128xf32, #tpu.memory_space<hbm>>) target_semaphore(%run_scoped3A : memref<!tpu.dma_semaphore, #tpu.memory_space<semaphore_mem>>)
        %dma_wait3A_82 = arith.constant 0 : i32
        %dma_wait3A_83 = tpu.memref_slice %arg13[%add3A_77, %dma_wait3A_82] : memref<4096x128xf32, #tpu.memory_space<hbm>> -> memref<128x128xf32, #tpu.memory_space<hbm>>
        %dma_wait3A_84 = arith.constant 0 : i32
        %dma_wait3A_85 = tpu.memref_slice %arg13[%add3A_77, %dma_wait3A_84] : memref<4096x128xf32, #tpu.memory_space<hbm>> -> memref<128x128xf32, #tpu.memory_space<hbm>>
        tpu.wait_dma2 semaphore(%run_scoped3A : memref<!tpu.dma_semaphore, #tpu.memory_space<semaphore_mem>>) src(%arg20 : memref<128x128xf32, #tpu.memory_space<vmem>>) dst(%dma_wait3A_85 : memref<128x128xf32, #tpu.memory_space<hbm>>)
        tpu.yield
      }) : () -> ()
    } else {
    }
    return
  }
}

#map = affine_map<(d0, d1) -> (0)>
module attributes {stable_mosaic.version = 14 : i64} {
  func.func @_degb_body(%arg0: i32, %arg1: i32, %arg2: memref<327680xf32, #tpu.memory_space<hbm>>, %arg3: memref<10240xf32, #tpu.memory_space<hbm>>, %arg4: memref<10240xf32, #tpu.memory_space<hbm>>, %arg5: memref<640xf32, #tpu.memory_space<vmem>>, %arg6: memref<640xf32, #tpu.memory_space<vmem>>) attributes {dimension_semantics = [#tpu.dimension_semantics<core_parallel>, #tpu.dimension_semantics<subcore_parallel>], iteration_bounds = array<i64: 2, 16>, scalar_prefetch = 0 : i64, scratch_operands = 2 : i64, tpu.core_type = #tpu.core_type<sc_vector_subcore>, window_params = [{transform_indices = #map}, {transform_indices = #map}, {transform_indices = #map}]} {
    %broadcast_in_dim3A = arith.constant 0.000000e+00 : f32
    %broadcast_in_dim3A_0 = vector.broadcast %broadcast_in_dim3A : f32 to vector<16xf32>
    %scan3A = arith.constant 0 : i32
    %scan3A_1 = arith.constant 0 : i32
    %scan3A_2 = arith.constant 40 : i32
    %scan3A_3 = arith.addi %scan3A_1, %scan3A_2 : i32
    %scan3A_4 = arith.constant 1 : i32
    scf.for %scan3A_251 = %scan3A_1 to %scan3A_3 step %scan3A_4  : i32 {
      %mul3A_252 = arith.constant 16 : i32
      %mul3A_253 = arith.muli %scan3A_251, %mul3A_252 : i32
      %swap3A = arith.index_cast %mul3A_253 : i32 to index
      %swap3A_254 = tpu.vector_load %arg6[%swap3A] {strides = array<i32>} : memref<640xf32, #tpu.memory_space<vmem>>, vector<16xf32>,
      tpu.vector_store %arg6[%swap3A], %broadcast_in_dim3A_0 {strides = array<i32>} : memref<640xf32, #tpu.memory_space<vmem>>, vector<16xf32>,
    }
    %scan3A_5 = arith.constant 40 : i32
    %mul3A = arith.constant 16 : i32
    %mul3A_6 = arith.muli %arg0, %mul3A : i32
    %add3A = arith.constant 0 : i32
    %add3A_7 = arith.addi %mul3A_6, %add3A : i32
    %mul3A_8 = arith.constant 10240 : i32
    %mul3A_9 = arith.muli %add3A_7, %mul3A_8 : i32
    %mul3A_10 = arith.constant 640 : i32
    %mul3A_11 = arith.muli %arg1, %mul3A_10 : i32
    %add3A_12 = arith.addi %mul3A_9, %mul3A_11 : i32
    "tpu.region"() ({
      %run_scoped3A = tpu.sem_alloc : memref<!tpu.dma_semaphore, #tpu.memory_space<semaphore_mem>>
      %dma_start3A = tpu.memref_slice %arg2[%add3A_12] : memref<327680xf32, #tpu.memory_space<hbm>> -> memref<640xf32, #tpu.memory_space<hbm>>
      %dma_start3A_251 = tpu.memref_slice %arg2[%add3A_12] : memref<327680xf32, #tpu.memory_space<hbm>> -> memref<640xf32, #tpu.memory_space<hbm>>
      tpu.enqueue_dma source(%dma_start3A_251 : memref<640xf32, #tpu.memory_space<hbm>>) target(%arg5 : memref<640xf32, #tpu.memory_space<vmem>>) target_semaphore(%run_scoped3A : memref<!tpu.dma_semaphore, #tpu.memory_space<semaphore_mem>>)
      %dma_wait3A = tpu.memref_slice %arg2[%add3A_12] : memref<327680xf32, #tpu.memory_space<hbm>> -> memref<640xf32, #tpu.memory_space<hbm>>
      %dma_wait3A_252 = tpu.memref_slice %arg2[%add3A_12] : memref<327680xf32, #tpu.memory_space<hbm>> -> memref<640xf32, #tpu.memory_space<hbm>>
      tpu.wait_dma2 semaphore(%run_scoped3A : memref<!tpu.dma_semaphore, #tpu.memory_space<semaphore_mem>>) src(%dma_wait3A_252 : memref<640xf32, #tpu.memory_space<hbm>>) dst(%arg5 : memref<640xf32, #tpu.memory_space<vmem>>)
      tpu.yield
    }) : () -> ()
    %scan3A_13 = arith.constant 0 : i32
    %scan3A_14 = arith.constant 0 : i32
    %scan3A_15 = arith.constant 40 : i32
    %scan3A_16 = arith.addi %scan3A_14, %scan3A_15 : i32
    %scan3A_17 = arith.constant 1 : i32
    scf.for %scan3A_251 = %scan3A_14 to %scan3A_16 step %scan3A_17  : i32 {
      %mul3A_252 = arith.constant 16 : i32
      %mul3A_253 = arith.muli %scan3A_251, %mul3A_252 : i32
      %get3A = arith.index_cast %mul3A_253 : i32 to index
      %get3A_254 = tpu.vector_load %arg6[%get3A] {strides = array<i32>} : memref<640xf32, #tpu.memory_space<vmem>>, vector<16xf32>,
      %mul3A_255 = arith.constant 16 : i32
      %mul3A_256 = arith.muli %scan3A_251, %mul3A_255 : i32
      %get3A_257 = arith.index_cast %mul3A_256 : i32 to index
      %get3A_258 = tpu.vector_load %arg5[%get3A_257] {strides = array<i32>} : memref<640xf32, #tpu.memory_space<vmem>>, vector<16xf32>,
      %add3A_259 = arith.addf %get3A_254, %get3A_258 : vector<16xf32>
      %mul3A_260 = arith.constant 16 : i32
      %mul3A_261 = arith.muli %scan3A_251, %mul3A_260 : i32
      %swap3A = arith.index_cast %mul3A_261 : i32 to index
      %swap3A_262 = tpu.vector_load %arg6[%swap3A] {strides = array<i32>} : memref<640xf32, #tpu.memory_space<vmem>>, vector<16xf32>,
      tpu.vector_store %arg6[%swap3A], %add3A_259 {strides = array<i32>} : memref<640xf32, #tpu.memory_space<vmem>>, vector<16xf32>,
    }
    %scan3A_18 = arith.constant 40 : i32
    %mul3A_19 = arith.constant 16 : i32
    %mul3A_20 = arith.muli %arg0, %mul3A_19 : i32
    %add3A_21 = arith.constant 1 : i32
    %add3A_22 = arith.addi %mul3A_20, %add3A_21 : i32
    %mul3A_23 = arith.constant 10240 : i32
    %mul3A_24 = arith.muli %add3A_22, %mul3A_23 : i32
    %mul3A_25 = arith.constant 640 : i32
    %mul3A_26 = arith.muli %arg1, %mul3A_25 : i32
    %add3A_27 = arith.addi %mul3A_24, %mul3A_26 : i32
    "tpu.region"() ({
      %run_scoped3A = tpu.sem_alloc : memref<!tpu.dma_semaphore, #tpu.memory_space<semaphore_mem>>
      %dma_start3A = tpu.memref_slice %arg2[%add3A_27] : memref<327680xf32, #tpu.memory_space<hbm>> -> memref<640xf32, #tpu.memory_space<hbm>>
      %dma_start3A_251 = tpu.memref_slice %arg2[%add3A_27] : memref<327680xf32, #tpu.memory_space<hbm>> -> memref<640xf32, #tpu.memory_space<hbm>>
      tpu.enqueue_dma source(%dma_start3A_251 : memref<640xf32, #tpu.memory_space<hbm>>) target(%arg5 : memref<640xf32, #tpu.memory_space<vmem>>) target_semaphore(%run_scoped3A : memref<!tpu.dma_semaphore, #tpu.memory_space<semaphore_mem>>)
      %dma_wait3A = tpu.memref_slice %arg2[%add3A_27] : memref<327680xf32, #tpu.memory_space<hbm>> -> memref<640xf32, #tpu.memory_space<hbm>>
      %dma_wait3A_252 = tpu.memref_slice %arg2[%add3A_27] : memref<327680xf32, #tpu.memory_space<hbm>> -> memref<640xf32, #tpu.memory_space<hbm>>
      tpu.wait_dma2 semaphore(%run_scoped3A : memref<!tpu.dma_semaphore, #tpu.memory_space<semaphore_mem>>) src(%dma_wait3A_252 : memref<640xf32, #tpu.memory_space<hbm>>) dst(%arg5 : memref<640xf32, #tpu.memory_space<vmem>>)
      tpu.yield
    }) : () -> ()
    %scan3A_28 = arith.constant 0 : i32
    %scan3A_29 = arith.constant 0 : i32
    %scan3A_30 = arith.constant 40 : i32
    %scan3A_31 = arith.addi %scan3A_29, %scan3A_30 : i32
    %scan3A_32 = arith.constant 1 : i32
    scf.for %scan3A_251 = %scan3A_29 to %scan3A_31 step %scan3A_32  : i32 {
      %mul3A_252 = arith.constant 16 : i32
      %mul3A_253 = arith.muli %scan3A_251, %mul3A_252 : i32
      %get3A = arith.index_cast %mul3A_253 : i32 to index
      %get3A_254 = tpu.vector_load %arg6[%get3A] {strides = array<i32>} : memref<640xf32, #tpu.memory_space<vmem>>, vector<16xf32>,
      %mul3A_255 = arith.constant 16 : i32
      %mul3A_256 = arith.muli %scan3A_251, %mul3A_255 : i32
      %get3A_257 = arith.index_cast %mul3A_256 : i32 to index
      %get3A_258 = tpu.vector_load %arg5[%get3A_257] {strides = array<i32>} : memref<640xf32, #tpu.memory_space<vmem>>, vector<16xf32>,
      %add3A_259 = arith.addf %get3A_254, %get3A_258 : vector<16xf32>
      %mul3A_260 = arith.constant 16 : i32
      %mul3A_261 = arith.muli %scan3A_251, %mul3A_260 : i32
      %swap3A = arith.index_cast %mul3A_261 : i32 to index
      %swap3A_262 = tpu.vector_load %arg6[%swap3A] {strides = array<i32>} : memref<640xf32, #tpu.memory_space<vmem>>, vector<16xf32>,
      tpu.vector_store %arg6[%swap3A], %add3A_259 {strides = array<i32>} : memref<640xf32, #tpu.memory_space<vmem>>, vector<16xf32>,
    }
    %scan3A_33 = arith.constant 40 : i32
    %mul3A_34 = arith.constant 16 : i32
    %mul3A_35 = arith.muli %arg0, %mul3A_34 : i32
    %add3A_36 = arith.constant 2 : i32
    %add3A_37 = arith.addi %mul3A_35, %add3A_36 : i32
    %mul3A_38 = arith.constant 10240 : i32
    %mul3A_39 = arith.muli %add3A_37, %mul3A_38 : i32
    %mul3A_40 = arith.constant 640 : i32
    %mul3A_41 = arith.muli %arg1, %mul3A_40 : i32
    %add3A_42 = arith.addi %mul3A_39, %mul3A_41 : i32
    "tpu.region"() ({
      %run_scoped3A = tpu.sem_alloc : memref<!tpu.dma_semaphore, #tpu.memory_space<semaphore_mem>>
      %dma_start3A = tpu.memref_slice %arg2[%add3A_42] : memref<327680xf32, #tpu.memory_space<hbm>> -> memref<640xf32, #tpu.memory_space<hbm>>
      %dma_start3A_251 = tpu.memref_slice %arg2[%add3A_42] : memref<327680xf32, #tpu.memory_space<hbm>> -> memref<640xf32, #tpu.memory_space<hbm>>
      tpu.enqueue_dma source(%dma_start3A_251 : memref<640xf32, #tpu.memory_space<hbm>>) target(%arg5 : memref<640xf32, #tpu.memory_space<vmem>>) target_semaphore(%run_scoped3A : memref<!tpu.dma_semaphore, #tpu.memory_space<semaphore_mem>>)
      %dma_wait3A = tpu.memref_slice %arg2[%add3A_42] : memref<327680xf32, #tpu.memory_space<hbm>> -> memref<640xf32, #tpu.memory_space<hbm>>
      %dma_wait3A_252 = tpu.memref_slice %arg2[%add3A_42] : memref<327680xf32, #tpu.memory_space<hbm>> -> memref<640xf32, #tpu.memory_space<hbm>>
      tpu.wait_dma2 semaphore(%run_scoped3A : memref<!tpu.dma_semaphore, #tpu.memory_space<semaphore_mem>>) src(%dma_wait3A_252 : memref<640xf32, #tpu.memory_space<hbm>>) dst(%arg5 : memref<640xf32, #tpu.memory_space<vmem>>)
      tpu.yield
    }) : () -> ()
    %scan3A_43 = arith.constant 0 : i32
    %scan3A_44 = arith.constant 0 : i32
    %scan3A_45 = arith.constant 40 : i32
    %scan3A_46 = arith.addi %scan3A_44, %scan3A_45 : i32
    %scan3A_47 = arith.constant 1 : i32
    scf.for %scan3A_251 = %scan3A_44 to %scan3A_46 step %scan3A_47  : i32 {
      %mul3A_252 = arith.constant 16 : i32
      %mul3A_253 = arith.muli %scan3A_251, %mul3A_252 : i32
      %get3A = arith.index_cast %mul3A_253 : i32 to index
      %get3A_254 = tpu.vector_load %arg6[%get3A] {strides = array<i32>} : memref<640xf32, #tpu.memory_space<vmem>>, vector<16xf32>,
      %mul3A_255 = arith.constant 16 : i32
      %mul3A_256 = arith.muli %scan3A_251, %mul3A_255 : i32
      %get3A_257 = arith.index_cast %mul3A_256 : i32 to index
      %get3A_258 = tpu.vector_load %arg5[%get3A_257] {strides = array<i32>} : memref<640xf32, #tpu.memory_space<vmem>>, vector<16xf32>,
      %add3A_259 = arith.addf %get3A_254, %get3A_258 : vector<16xf32>
      %mul3A_260 = arith.constant 16 : i32
      %mul3A_261 = arith.muli %scan3A_251, %mul3A_260 : i32
      %swap3A = arith.index_cast %mul3A_261 : i32 to index
      %swap3A_262 = tpu.vector_load %arg6[%swap3A] {strides = array<i32>} : memref<640xf32, #tpu.memory_space<vmem>>, vector<16xf32>,
      tpu.vector_store %arg6[%swap3A], %add3A_259 {strides = array<i32>} : memref<640xf32, #tpu.memory_space<vmem>>, vector<16xf32>,
    }
    %scan3A_48 = arith.constant 40 : i32
    %mul3A_49 = arith.constant 16 : i32
    %mul3A_50 = arith.muli %arg0, %mul3A_49 : i32
    %add3A_51 = arith.constant 3 : i32
    %add3A_52 = arith.addi %mul3A_50, %add3A_51 : i32
    %mul3A_53 = arith.constant 10240 : i32
    %mul3A_54 = arith.muli %add3A_52, %mul3A_53 : i32
    %mul3A_55 = arith.constant 640 : i32
    %mul3A_56 = arith.muli %arg1, %mul3A_55 : i32
    %add3A_57 = arith.addi %mul3A_54, %mul3A_56 : i32
    "tpu.region"() ({
      %run_scoped3A = tpu.sem_alloc : memref<!tpu.dma_semaphore, #tpu.memory_space<semaphore_mem>>
      %dma_start3A = tpu.memref_slice %arg2[%add3A_57] : memref<327680xf32, #tpu.memory_space<hbm>> -> memref<640xf32, #tpu.memory_space<hbm>>
      %dma_start3A_251 = tpu.memref_slice %arg2[%add3A_57] : memref<327680xf32, #tpu.memory_space<hbm>> -> memref<640xf32, #tpu.memory_space<hbm>>
      tpu.enqueue_dma source(%dma_start3A_251 : memref<640xf32, #tpu.memory_space<hbm>>) target(%arg5 : memref<640xf32, #tpu.memory_space<vmem>>) target_semaphore(%run_scoped3A : memref<!tpu.dma_semaphore, #tpu.memory_space<semaphore_mem>>)
      %dma_wait3A = tpu.memref_slice %arg2[%add3A_57] : memref<327680xf32, #tpu.memory_space<hbm>> -> memref<640xf32, #tpu.memory_space<hbm>>
      %dma_wait3A_252 = tpu.memref_slice %arg2[%add3A_57] : memref<327680xf32, #tpu.memory_space<hbm>> -> memref<640xf32, #tpu.memory_space<hbm>>
      tpu.wait_dma2 semaphore(%run_scoped3A : memref<!tpu.dma_semaphore, #tpu.memory_space<semaphore_mem>>) src(%dma_wait3A_252 : memref<640xf32, #tpu.memory_space<hbm>>) dst(%arg5 : memref<640xf32, #tpu.memory_space<vmem>>)
      tpu.yield
    }) : () -> ()
    %scan3A_58 = arith.constant 0 : i32
    %scan3A_59 = arith.constant 0 : i32
    %scan3A_60 = arith.constant 40 : i32
    %scan3A_61 = arith.addi %scan3A_59, %scan3A_60 : i32
    %scan3A_62 = arith.constant 1 : i32
    scf.for %scan3A_251 = %scan3A_59 to %scan3A_61 step %scan3A_62  : i32 {
      %mul3A_252 = arith.constant 16 : i32
      %mul3A_253 = arith.muli %scan3A_251, %mul3A_252 : i32
      %get3A = arith.index_cast %mul3A_253 : i32 to index
      %get3A_254 = tpu.vector_load %arg6[%get3A] {strides = array<i32>} : memref<640xf32, #tpu.memory_space<vmem>>, vector<16xf32>,
      %mul3A_255 = arith.constant 16 : i32
      %mul3A_256 = arith.muli %scan3A_251, %mul3A_255 : i32
      %get3A_257 = arith.index_cast %mul3A_256 : i32 to index
      %get3A_258 = tpu.vector_load %arg5[%get3A_257] {strides = array<i32>} : memref<640xf32, #tpu.memory_space<vmem>>, vector<16xf32>,
      %add3A_259 = arith.addf %get3A_254, %get3A_258 : vector<16xf32>
      %mul3A_260 = arith.constant 16 : i32
      %mul3A_261 = arith.muli %scan3A_251, %mul3A_260 : i32
      %swap3A = arith.index_cast %mul3A_261 : i32 to index
      %swap3A_262 = tpu.vector_load %arg6[%swap3A] {strides = array<i32>} : memref<640xf32, #tpu.memory_space<vmem>>, vector<16xf32>,
      tpu.vector_store %arg6[%swap3A], %add3A_259 {strides = array<i32>} : memref<640xf32, #tpu.memory_space<vmem>>, vector<16xf32>,
    }
    %scan3A_63 = arith.constant 40 : i32
    %mul3A_64 = arith.constant 16 : i32
    %mul3A_65 = arith.muli %arg0, %mul3A_64 : i32
    %add3A_66 = arith.constant 4 : i32
    %add3A_67 = arith.addi %mul3A_65, %add3A_66 : i32
    %mul3A_68 = arith.constant 10240 : i32
    %mul3A_69 = arith.muli %add3A_67, %mul3A_68 : i32
    %mul3A_70 = arith.constant 640 : i32
    %mul3A_71 = arith.muli %arg1, %mul3A_70 : i32
    %add3A_72 = arith.addi %mul3A_69, %mul3A_71 : i32
    "tpu.region"() ({
      %run_scoped3A = tpu.sem_alloc : memref<!tpu.dma_semaphore, #tpu.memory_space<semaphore_mem>>
      %dma_start3A = tpu.memref_slice %arg2[%add3A_72] : memref<327680xf32, #tpu.memory_space<hbm>> -> memref<640xf32, #tpu.memory_space<hbm>>
      %dma_start3A_251 = tpu.memref_slice %arg2[%add3A_72] : memref<327680xf32, #tpu.memory_space<hbm>> -> memref<640xf32, #tpu.memory_space<hbm>>
      tpu.enqueue_dma source(%dma_start3A_251 : memref<640xf32, #tpu.memory_space<hbm>>) target(%arg5 : memref<640xf32, #tpu.memory_space<vmem>>) target_semaphore(%run_scoped3A : memref<!tpu.dma_semaphore, #tpu.memory_space<semaphore_mem>>)
      %dma_wait3A = tpu.memref_slice %arg2[%add3A_72] : memref<327680xf32, #tpu.memory_space<hbm>> -> memref<640xf32, #tpu.memory_space<hbm>>
      %dma_wait3A_252 = tpu.memref_slice %arg2[%add3A_72] : memref<327680xf32, #tpu.memory_space<hbm>> -> memref<640xf32, #tpu.memory_space<hbm>>
      tpu.wait_dma2 semaphore(%run_scoped3A : memref<!tpu.dma_semaphore, #tpu.memory_space<semaphore_mem>>) src(%dma_wait3A_252 : memref<640xf32, #tpu.memory_space<hbm>>) dst(%arg5 : memref<640xf32, #tpu.memory_space<vmem>>)
      tpu.yield
    }) : () -> ()
    %scan3A_73 = arith.constant 0 : i32
    %scan3A_74 = arith.constant 0 : i32
    %scan3A_75 = arith.constant 40 : i32
    %scan3A_76 = arith.addi %scan3A_74, %scan3A_75 : i32
    %scan3A_77 = arith.constant 1 : i32
    scf.for %scan3A_251 = %scan3A_74 to %scan3A_76 step %scan3A_77  : i32 {
      %mul3A_252 = arith.constant 16 : i32
      %mul3A_253 = arith.muli %scan3A_251, %mul3A_252 : i32
      %get3A = arith.index_cast %mul3A_253 : i32 to index
      %get3A_254 = tpu.vector_load %arg6[%get3A] {strides = array<i32>} : memref<640xf32, #tpu.memory_space<vmem>>, vector<16xf32>,
      %mul3A_255 = arith.constant 16 : i32
      %mul3A_256 = arith.muli %scan3A_251, %mul3A_255 : i32
      %get3A_257 = arith.index_cast %mul3A_256 : i32 to index
      %get3A_258 = tpu.vector_load %arg5[%get3A_257] {strides = array<i32>} : memref<640xf32, #tpu.memory_space<vmem>>, vector<16xf32>,
      %add3A_259 = arith.addf %get3A_254, %get3A_258 : vector<16xf32>
      %mul3A_260 = arith.constant 16 : i32
      %mul3A_261 = arith.muli %scan3A_251, %mul3A_260 : i32
      %swap3A = arith.index_cast %mul3A_261 : i32 to index
      %swap3A_262 = tpu.vector_load %arg6[%swap3A] {strides = array<i32>} : memref<640xf32, #tpu.memory_space<vmem>>, vector<16xf32>,
      tpu.vector_store %arg6[%swap3A], %add3A_259 {strides = array<i32>} : memref<640xf32, #tpu.memory_space<vmem>>, vector<16xf32>,
    }
    %scan3A_78 = arith.constant 40 : i32
    %mul3A_79 = arith.constant 16 : i32
    %mul3A_80 = arith.muli %arg0, %mul3A_79 : i32
    %add3A_81 = arith.constant 5 : i32
    %add3A_82 = arith.addi %mul3A_80, %add3A_81 : i32
    %mul3A_83 = arith.constant 10240 : i32
    %mul3A_84 = arith.muli %add3A_82, %mul3A_83 : i32
    %mul3A_85 = arith.constant 640 : i32
    %mul3A_86 = arith.muli %arg1, %mul3A_85 : i32
    %add3A_87 = arith.addi %mul3A_84, %mul3A_86 : i32
    "tpu.region"() ({
      %run_scoped3A = tpu.sem_alloc : memref<!tpu.dma_semaphore, #tpu.memory_space<semaphore_mem>>
      %dma_start3A = tpu.memref_slice %arg2[%add3A_87] : memref<327680xf32, #tpu.memory_space<hbm>> -> memref<640xf32, #tpu.memory_space<hbm>>
      %dma_start3A_251 = tpu.memref_slice %arg2[%add3A_87] : memref<327680xf32, #tpu.memory_space<hbm>> -> memref<640xf32, #tpu.memory_space<hbm>>
      tpu.enqueue_dma source(%dma_start3A_251 : memref<640xf32, #tpu.memory_space<hbm>>) target(%arg5 : memref<640xf32, #tpu.memory_space<vmem>>) target_semaphore(%run_scoped3A : memref<!tpu.dma_semaphore, #tpu.memory_space<semaphore_mem>>)
      %dma_wait3A = tpu.memref_slice %arg2[%add3A_87] : memref<327680xf32, #tpu.memory_space<hbm>> -> memref<640xf32, #tpu.memory_space<hbm>>
      %dma_wait3A_252 = tpu.memref_slice %arg2[%add3A_87] : memref<327680xf32, #tpu.memory_space<hbm>> -> memref<640xf32, #tpu.memory_space<hbm>>
      tpu.wait_dma2 semaphore(%run_scoped3A : memref<!tpu.dma_semaphore, #tpu.memory_space<semaphore_mem>>) src(%dma_wait3A_252 : memref<640xf32, #tpu.memory_space<hbm>>) dst(%arg5 : memref<640xf32, #tpu.memory_space<vmem>>)
      tpu.yield
    }) : () -> ()
    %scan3A_88 = arith.constant 0 : i32
    %scan3A_89 = arith.constant 0 : i32
    %scan3A_90 = arith.constant 40 : i32
    %scan3A_91 = arith.addi %scan3A_89, %scan3A_90 : i32
    %scan3A_92 = arith.constant 1 : i32
    scf.for %scan3A_251 = %scan3A_89 to %scan3A_91 step %scan3A_92  : i32 {
      %mul3A_252 = arith.constant 16 : i32
      %mul3A_253 = arith.muli %scan3A_251, %mul3A_252 : i32
      %get3A = arith.index_cast %mul3A_253 : i32 to index
      %get3A_254 = tpu.vector_load %arg6[%get3A] {strides = array<i32>} : memref<640xf32, #tpu.memory_space<vmem>>, vector<16xf32>,
      %mul3A_255 = arith.constant 16 : i32
      %mul3A_256 = arith.muli %scan3A_251, %mul3A_255 : i32
      %get3A_257 = arith.index_cast %mul3A_256 : i32 to index
      %get3A_258 = tpu.vector_load %arg5[%get3A_257] {strides = array<i32>} : memref<640xf32, #tpu.memory_space<vmem>>, vector<16xf32>,
      %add3A_259 = arith.addf %get3A_254, %get3A_258 : vector<16xf32>
      %mul3A_260 = arith.constant 16 : i32
      %mul3A_261 = arith.muli %scan3A_251, %mul3A_260 : i32
      %swap3A = arith.index_cast %mul3A_261 : i32 to index
      %swap3A_262 = tpu.vector_load %arg6[%swap3A] {strides = array<i32>} : memref<640xf32, #tpu.memory_space<vmem>>, vector<16xf32>,
      tpu.vector_store %arg6[%swap3A], %add3A_259 {strides = array<i32>} : memref<640xf32, #tpu.memory_space<vmem>>, vector<16xf32>,
    }
    %scan3A_93 = arith.constant 40 : i32
    %mul3A_94 = arith.constant 16 : i32
    %mul3A_95 = arith.muli %arg0, %mul3A_94 : i32
    %add3A_96 = arith.constant 6 : i32
    %add3A_97 = arith.addi %mul3A_95, %add3A_96 : i32
    %mul3A_98 = arith.constant 10240 : i32
    %mul3A_99 = arith.muli %add3A_97, %mul3A_98 : i32
    %mul3A_100 = arith.constant 640 : i32
    %mul3A_101 = arith.muli %arg1, %mul3A_100 : i32
    %add3A_102 = arith.addi %mul3A_99, %mul3A_101 : i32
    "tpu.region"() ({
      %run_scoped3A = tpu.sem_alloc : memref<!tpu.dma_semaphore, #tpu.memory_space<semaphore_mem>>
      %dma_start3A = tpu.memref_slice %arg2[%add3A_102] : memref<327680xf32, #tpu.memory_space<hbm>> -> memref<640xf32, #tpu.memory_space<hbm>>
      %dma_start3A_251 = tpu.memref_slice %arg2[%add3A_102] : memref<327680xf32, #tpu.memory_space<hbm>> -> memref<640xf32, #tpu.memory_space<hbm>>
      tpu.enqueue_dma source(%dma_start3A_251 : memref<640xf32, #tpu.memory_space<hbm>>) target(%arg5 : memref<640xf32, #tpu.memory_space<vmem>>) target_semaphore(%run_scoped3A : memref<!tpu.dma_semaphore, #tpu.memory_space<semaphore_mem>>)
      %dma_wait3A = tpu.memref_slice %arg2[%add3A_102] : memref<327680xf32, #tpu.memory_space<hbm>> -> memref<640xf32, #tpu.memory_space<hbm>>
      %dma_wait3A_252 = tpu.memref_slice %arg2[%add3A_102] : memref<327680xf32, #tpu.memory_space<hbm>> -> memref<640xf32, #tpu.memory_space<hbm>>
      tpu.wait_dma2 semaphore(%run_scoped3A : memref<!tpu.dma_semaphore, #tpu.memory_space<semaphore_mem>>) src(%dma_wait3A_252 : memref<640xf32, #tpu.memory_space<hbm>>) dst(%arg5 : memref<640xf32, #tpu.memory_space<vmem>>)
      tpu.yield
    }) : () -> ()
    %scan3A_103 = arith.constant 0 : i32
    %scan3A_104 = arith.constant 0 : i32
    %scan3A_105 = arith.constant 40 : i32
    %scan3A_106 = arith.addi %scan3A_104, %scan3A_105 : i32
    %scan3A_107 = arith.constant 1 : i32
    scf.for %scan3A_251 = %scan3A_104 to %scan3A_106 step %scan3A_107  : i32 {
      %mul3A_252 = arith.constant 16 : i32
      %mul3A_253 = arith.muli %scan3A_251, %mul3A_252 : i32
      %get3A = arith.index_cast %mul3A_253 : i32 to index
      %get3A_254 = tpu.vector_load %arg6[%get3A] {strides = array<i32>} : memref<640xf32, #tpu.memory_space<vmem>>, vector<16xf32>,
      %mul3A_255 = arith.constant 16 : i32
      %mul3A_256 = arith.muli %scan3A_251, %mul3A_255 : i32
      %get3A_257 = arith.index_cast %mul3A_256 : i32 to index
      %get3A_258 = tpu.vector_load %arg5[%get3A_257] {strides = array<i32>} : memref<640xf32, #tpu.memory_space<vmem>>, vector<16xf32>,
      %add3A_259 = arith.addf %get3A_254, %get3A_258 : vector<16xf32>
      %mul3A_260 = arith.constant 16 : i32
      %mul3A_261 = arith.muli %scan3A_251, %mul3A_260 : i32
      %swap3A = arith.index_cast %mul3A_261 : i32 to index
      %swap3A_262 = tpu.vector_load %arg6[%swap3A] {strides = array<i32>} : memref<640xf32, #tpu.memory_space<vmem>>, vector<16xf32>,
      tpu.vector_store %arg6[%swap3A], %add3A_259 {strides = array<i32>} : memref<640xf32, #tpu.memory_space<vmem>>, vector<16xf32>,
    }
    %scan3A_108 = arith.constant 40 : i32
    %mul3A_109 = arith.constant 16 : i32
    %mul3A_110 = arith.muli %arg0, %mul3A_109 : i32
    %add3A_111 = arith.constant 7 : i32
    %add3A_112 = arith.addi %mul3A_110, %add3A_111 : i32
    %mul3A_113 = arith.constant 10240 : i32
    %mul3A_114 = arith.muli %add3A_112, %mul3A_113 : i32
    %mul3A_115 = arith.constant 640 : i32
    %mul3A_116 = arith.muli %arg1, %mul3A_115 : i32
    %add3A_117 = arith.addi %mul3A_114, %mul3A_116 : i32
    "tpu.region"() ({
      %run_scoped3A = tpu.sem_alloc : memref<!tpu.dma_semaphore, #tpu.memory_space<semaphore_mem>>
      %dma_start3A = tpu.memref_slice %arg2[%add3A_117] : memref<327680xf32, #tpu.memory_space<hbm>> -> memref<640xf32, #tpu.memory_space<hbm>>
      %dma_start3A_251 = tpu.memref_slice %arg2[%add3A_117] : memref<327680xf32, #tpu.memory_space<hbm>> -> memref<640xf32, #tpu.memory_space<hbm>>
      tpu.enqueue_dma source(%dma_start3A_251 : memref<640xf32, #tpu.memory_space<hbm>>) target(%arg5 : memref<640xf32, #tpu.memory_space<vmem>>) target_semaphore(%run_scoped3A : memref<!tpu.dma_semaphore, #tpu.memory_space<semaphore_mem>>)
      %dma_wait3A = tpu.memref_slice %arg2[%add3A_117] : memref<327680xf32, #tpu.memory_space<hbm>> -> memref<640xf32, #tpu.memory_space<hbm>>
      %dma_wait3A_252 = tpu.memref_slice %arg2[%add3A_117] : memref<327680xf32, #tpu.memory_space<hbm>> -> memref<640xf32, #tpu.memory_space<hbm>>
      tpu.wait_dma2 semaphore(%run_scoped3A : memref<!tpu.dma_semaphore, #tpu.memory_space<semaphore_mem>>) src(%dma_wait3A_252 : memref<640xf32, #tpu.memory_space<hbm>>) dst(%arg5 : memref<640xf32, #tpu.memory_space<vmem>>)
      tpu.yield
    }) : () -> ()
    %scan3A_118 = arith.constant 0 : i32
    %scan3A_119 = arith.constant 0 : i32
    %scan3A_120 = arith.constant 40 : i32
    %scan3A_121 = arith.addi %scan3A_119, %scan3A_120 : i32
    %scan3A_122 = arith.constant 1 : i32
    scf.for %scan3A_251 = %scan3A_119 to %scan3A_121 step %scan3A_122  : i32 {
      %mul3A_252 = arith.constant 16 : i32
      %mul3A_253 = arith.muli %scan3A_251, %mul3A_252 : i32
      %get3A = arith.index_cast %mul3A_253 : i32 to index
      %get3A_254 = tpu.vector_load %arg6[%get3A] {strides = array<i32>} : memref<640xf32, #tpu.memory_space<vmem>>, vector<16xf32>,
      %mul3A_255 = arith.constant 16 : i32
      %mul3A_256 = arith.muli %scan3A_251, %mul3A_255 : i32
      %get3A_257 = arith.index_cast %mul3A_256 : i32 to index
      %get3A_258 = tpu.vector_load %arg5[%get3A_257] {strides = array<i32>} : memref<640xf32, #tpu.memory_space<vmem>>, vector<16xf32>,
      %add3A_259 = arith.addf %get3A_254, %get3A_258 : vector<16xf32>
      %mul3A_260 = arith.constant 16 : i32
      %mul3A_261 = arith.muli %scan3A_251, %mul3A_260 : i32
      %swap3A = arith.index_cast %mul3A_261 : i32 to index
      %swap3A_262 = tpu.vector_load %arg6[%swap3A] {strides = array<i32>} : memref<640xf32, #tpu.memory_space<vmem>>, vector<16xf32>,
      tpu.vector_store %arg6[%swap3A], %add3A_259 {strides = array<i32>} : memref<640xf32, #tpu.memory_space<vmem>>, vector<16xf32>,
    }
    %scan3A_123 = arith.constant 40 : i32
    %mul3A_124 = arith.constant 16 : i32
    %mul3A_125 = arith.muli %arg0, %mul3A_124 : i32
    %add3A_126 = arith.constant 8 : i32
    %add3A_127 = arith.addi %mul3A_125, %add3A_126 : i32
    %mul3A_128 = arith.constant 10240 : i32
    %mul3A_129 = arith.muli %add3A_127, %mul3A_128 : i32
    %mul3A_130 = arith.constant 640 : i32
    %mul3A_131 = arith.muli %arg1, %mul3A_130 : i32
    %add3A_132 = arith.addi %mul3A_129, %mul3A_131 : i32
    "tpu.region"() ({
      %run_scoped3A = tpu.sem_alloc : memref<!tpu.dma_semaphore, #tpu.memory_space<semaphore_mem>>
      %dma_start3A = tpu.memref_slice %arg2[%add3A_132] : memref<327680xf32, #tpu.memory_space<hbm>> -> memref<640xf32, #tpu.memory_space<hbm>>
      %dma_start3A_251 = tpu.memref_slice %arg2[%add3A_132] : memref<327680xf32, #tpu.memory_space<hbm>> -> memref<640xf32, #tpu.memory_space<hbm>>
      tpu.enqueue_dma source(%dma_start3A_251 : memref<640xf32, #tpu.memory_space<hbm>>) target(%arg5 : memref<640xf32, #tpu.memory_space<vmem>>) target_semaphore(%run_scoped3A : memref<!tpu.dma_semaphore, #tpu.memory_space<semaphore_mem>>)
      %dma_wait3A = tpu.memref_slice %arg2[%add3A_132] : memref<327680xf32, #tpu.memory_space<hbm>> -> memref<640xf32, #tpu.memory_space<hbm>>
      %dma_wait3A_252 = tpu.memref_slice %arg2[%add3A_132] : memref<327680xf32, #tpu.memory_space<hbm>> -> memref<640xf32, #tpu.memory_space<hbm>>
      tpu.wait_dma2 semaphore(%run_scoped3A : memref<!tpu.dma_semaphore, #tpu.memory_space<semaphore_mem>>) src(%dma_wait3A_252 : memref<640xf32, #tpu.memory_space<hbm>>) dst(%arg5 : memref<640xf32, #tpu.memory_space<vmem>>)
      tpu.yield
    }) : () -> ()
    %scan3A_133 = arith.constant 0 : i32
    %scan3A_134 = arith.constant 0 : i32
    %scan3A_135 = arith.constant 40 : i32
    %scan3A_136 = arith.addi %scan3A_134, %scan3A_135 : i32
    %scan3A_137 = arith.constant 1 : i32
    scf.for %scan3A_251 = %scan3A_134 to %scan3A_136 step %scan3A_137  : i32 {
      %mul3A_252 = arith.constant 16 : i32
      %mul3A_253 = arith.muli %scan3A_251, %mul3A_252 : i32
      %get3A = arith.index_cast %mul3A_253 : i32 to index
      %get3A_254 = tpu.vector_load %arg6[%get3A] {strides = array<i32>} : memref<640xf32, #tpu.memory_space<vmem>>, vector<16xf32>,
      %mul3A_255 = arith.constant 16 : i32
      %mul3A_256 = arith.muli %scan3A_251, %mul3A_255 : i32
      %get3A_257 = arith.index_cast %mul3A_256 : i32 to index
      %get3A_258 = tpu.vector_load %arg5[%get3A_257] {strides = array<i32>} : memref<640xf32, #tpu.memory_space<vmem>>, vector<16xf32>,
      %add3A_259 = arith.addf %get3A_254, %get3A_258 : vector<16xf32>
      %mul3A_260 = arith.constant 16 : i32
      %mul3A_261 = arith.muli %scan3A_251, %mul3A_260 : i32
      %swap3A = arith.index_cast %mul3A_261 : i32 to index
      %swap3A_262 = tpu.vector_load %arg6[%swap3A] {strides = array<i32>} : memref<640xf32, #tpu.memory_space<vmem>>, vector<16xf32>,
      tpu.vector_store %arg6[%swap3A], %add3A_259 {strides = array<i32>} : memref<640xf32, #tpu.memory_space<vmem>>, vector<16xf32>,
    }
    %scan3A_138 = arith.constant 40 : i32
    %mul3A_139 = arith.constant 16 : i32
    %mul3A_140 = arith.muli %arg0, %mul3A_139 : i32
    %add3A_141 = arith.constant 9 : i32
    %add3A_142 = arith.addi %mul3A_140, %add3A_141 : i32
    %mul3A_143 = arith.constant 10240 : i32
    %mul3A_144 = arith.muli %add3A_142, %mul3A_143 : i32
    %mul3A_145 = arith.constant 640 : i32
    %mul3A_146 = arith.muli %arg1, %mul3A_145 : i32
    %add3A_147 = arith.addi %mul3A_144, %mul3A_146 : i32
    "tpu.region"() ({
      %run_scoped3A = tpu.sem_alloc : memref<!tpu.dma_semaphore, #tpu.memory_space<semaphore_mem>>
      %dma_start3A = tpu.memref_slice %arg2[%add3A_147] : memref<327680xf32, #tpu.memory_space<hbm>> -> memref<640xf32, #tpu.memory_space<hbm>>
      %dma_start3A_251 = tpu.memref_slice %arg2[%add3A_147] : memref<327680xf32, #tpu.memory_space<hbm>> -> memref<640xf32, #tpu.memory_space<hbm>>
      tpu.enqueue_dma source(%dma_start3A_251 : memref<640xf32, #tpu.memory_space<hbm>>) target(%arg5 : memref<640xf32, #tpu.memory_space<vmem>>) target_semaphore(%run_scoped3A : memref<!tpu.dma_semaphore, #tpu.memory_space<semaphore_mem>>)
      %dma_wait3A = tpu.memref_slice %arg2[%add3A_147] : memref<327680xf32, #tpu.memory_space<hbm>> -> memref<640xf32, #tpu.memory_space<hbm>>
      %dma_wait3A_252 = tpu.memref_slice %arg2[%add3A_147] : memref<327680xf32, #tpu.memory_space<hbm>> -> memref<640xf32, #tpu.memory_space<hbm>>
      tpu.wait_dma2 semaphore(%run_scoped3A : memref<!tpu.dma_semaphore, #tpu.memory_space<semaphore_mem>>) src(%dma_wait3A_252 : memref<640xf32, #tpu.memory_space<hbm>>) dst(%arg5 : memref<640xf32, #tpu.memory_space<vmem>>)
      tpu.yield
    }) : () -> ()
    %scan3A_148 = arith.constant 0 : i32
    %scan3A_149 = arith.constant 0 : i32
    %scan3A_150 = arith.constant 40 : i32
    %scan3A_151 = arith.addi %scan3A_149, %scan3A_150 : i32
    %scan3A_152 = arith.constant 1 : i32
    scf.for %scan3A_251 = %scan3A_149 to %scan3A_151 step %scan3A_152  : i32 {
      %mul3A_252 = arith.constant 16 : i32
      %mul3A_253 = arith.muli %scan3A_251, %mul3A_252 : i32
      %get3A = arith.index_cast %mul3A_253 : i32 to index
      %get3A_254 = tpu.vector_load %arg6[%get3A] {strides = array<i32>} : memref<640xf32, #tpu.memory_space<vmem>>, vector<16xf32>,
      %mul3A_255 = arith.constant 16 : i32
      %mul3A_256 = arith.muli %scan3A_251, %mul3A_255 : i32
      %get3A_257 = arith.index_cast %mul3A_256 : i32 to index
      %get3A_258 = tpu.vector_load %arg5[%get3A_257] {strides = array<i32>} : memref<640xf32, #tpu.memory_space<vmem>>, vector<16xf32>,
      %add3A_259 = arith.addf %get3A_254, %get3A_258 : vector<16xf32>
      %mul3A_260 = arith.constant 16 : i32
      %mul3A_261 = arith.muli %scan3A_251, %mul3A_260 : i32
      %swap3A = arith.index_cast %mul3A_261 : i32 to index
      %swap3A_262 = tpu.vector_load %arg6[%swap3A] {strides = array<i32>} : memref<640xf32, #tpu.memory_space<vmem>>, vector<16xf32>,
      tpu.vector_store %arg6[%swap3A], %add3A_259 {strides = array<i32>} : memref<640xf32, #tpu.memory_space<vmem>>, vector<16xf32>,
    }
    %scan3A_153 = arith.constant 40 : i32
    %mul3A_154 = arith.constant 16 : i32
    %mul3A_155 = arith.muli %arg0, %mul3A_154 : i32
    %add3A_156 = arith.constant 10 : i32
    %add3A_157 = arith.addi %mul3A_155, %add3A_156 : i32
    %mul3A_158 = arith.constant 10240 : i32
    %mul3A_159 = arith.muli %add3A_157, %mul3A_158 : i32
    %mul3A_160 = arith.constant 640 : i32
    %mul3A_161 = arith.muli %arg1, %mul3A_160 : i32
    %add3A_162 = arith.addi %mul3A_159, %mul3A_161 : i32
    "tpu.region"() ({
      %run_scoped3A = tpu.sem_alloc : memref<!tpu.dma_semaphore, #tpu.memory_space<semaphore_mem>>
      %dma_start3A = tpu.memref_slice %arg2[%add3A_162] : memref<327680xf32, #tpu.memory_space<hbm>> -> memref<640xf32, #tpu.memory_space<hbm>>
      %dma_start3A_251 = tpu.memref_slice %arg2[%add3A_162] : memref<327680xf32, #tpu.memory_space<hbm>> -> memref<640xf32, #tpu.memory_space<hbm>>
      tpu.enqueue_dma source(%dma_start3A_251 : memref<640xf32, #tpu.memory_space<hbm>>) target(%arg5 : memref<640xf32, #tpu.memory_space<vmem>>) target_semaphore(%run_scoped3A : memref<!tpu.dma_semaphore, #tpu.memory_space<semaphore_mem>>)
      %dma_wait3A = tpu.memref_slice %arg2[%add3A_162] : memref<327680xf32, #tpu.memory_space<hbm>> -> memref<640xf32, #tpu.memory_space<hbm>>
      %dma_wait3A_252 = tpu.memref_slice %arg2[%add3A_162] : memref<327680xf32, #tpu.memory_space<hbm>> -> memref<640xf32, #tpu.memory_space<hbm>>
      tpu.wait_dma2 semaphore(%run_scoped3A : memref<!tpu.dma_semaphore, #tpu.memory_space<semaphore_mem>>) src(%dma_wait3A_252 : memref<640xf32, #tpu.memory_space<hbm>>) dst(%arg5 : memref<640xf32, #tpu.memory_space<vmem>>)
      tpu.yield
    }) : () -> ()
    %scan3A_163 = arith.constant 0 : i32
    %scan3A_164 = arith.constant 0 : i32
    %scan3A_165 = arith.constant 40 : i32
    %scan3A_166 = arith.addi %scan3A_164, %scan3A_165 : i32
    %scan3A_167 = arith.constant 1 : i32
    scf.for %scan3A_251 = %scan3A_164 to %scan3A_166 step %scan3A_167  : i32 {
      %mul3A_252 = arith.constant 16 : i32
      %mul3A_253 = arith.muli %scan3A_251, %mul3A_252 : i32
      %get3A = arith.index_cast %mul3A_253 : i32 to index
      %get3A_254 = tpu.vector_load %arg6[%get3A] {strides = array<i32>} : memref<640xf32, #tpu.memory_space<vmem>>, vector<16xf32>,
      %mul3A_255 = arith.constant 16 : i32
      %mul3A_256 = arith.muli %scan3A_251, %mul3A_255 : i32
      %get3A_257 = arith.index_cast %mul3A_256 : i32 to index
      %get3A_258 = tpu.vector_load %arg5[%get3A_257] {strides = array<i32>} : memref<640xf32, #tpu.memory_space<vmem>>, vector<16xf32>,
      %add3A_259 = arith.addf %get3A_254, %get3A_258 : vector<16xf32>
      %mul3A_260 = arith.constant 16 : i32
      %mul3A_261 = arith.muli %scan3A_251, %mul3A_260 : i32
      %swap3A = arith.index_cast %mul3A_261 : i32 to index
      %swap3A_262 = tpu.vector_load %arg6[%swap3A] {strides = array<i32>} : memref<640xf32, #tpu.memory_space<vmem>>, vector<16xf32>,
      tpu.vector_store %arg6[%swap3A], %add3A_259 {strides = array<i32>} : memref<640xf32, #tpu.memory_space<vmem>>, vector<16xf32>,
    }
    %scan3A_168 = arith.constant 40 : i32
    %mul3A_169 = arith.constant 16 : i32
    %mul3A_170 = arith.muli %arg0, %mul3A_169 : i32
    %add3A_171 = arith.constant 11 : i32
    %add3A_172 = arith.addi %mul3A_170, %add3A_171 : i32
    %mul3A_173 = arith.constant 10240 : i32
    %mul3A_174 = arith.muli %add3A_172, %mul3A_173 : i32
    %mul3A_175 = arith.constant 640 : i32
    %mul3A_176 = arith.muli %arg1, %mul3A_175 : i32
    %add3A_177 = arith.addi %mul3A_174, %mul3A_176 : i32
    "tpu.region"() ({
      %run_scoped3A = tpu.sem_alloc : memref<!tpu.dma_semaphore, #tpu.memory_space<semaphore_mem>>
      %dma_start3A = tpu.memref_slice %arg2[%add3A_177] : memref<327680xf32, #tpu.memory_space<hbm>> -> memref<640xf32, #tpu.memory_space<hbm>>
      %dma_start3A_251 = tpu.memref_slice %arg2[%add3A_177] : memref<327680xf32, #tpu.memory_space<hbm>> -> memref<640xf32, #tpu.memory_space<hbm>>
      tpu.enqueue_dma source(%dma_start3A_251 : memref<640xf32, #tpu.memory_space<hbm>>) target(%arg5 : memref<640xf32, #tpu.memory_space<vmem>>) target_semaphore(%run_scoped3A : memref<!tpu.dma_semaphore, #tpu.memory_space<semaphore_mem>>)
      %dma_wait3A = tpu.memref_slice %arg2[%add3A_177] : memref<327680xf32, #tpu.memory_space<hbm>> -> memref<640xf32, #tpu.memory_space<hbm>>
      %dma_wait3A_252 = tpu.memref_slice %arg2[%add3A_177] : memref<327680xf32, #tpu.memory_space<hbm>> -> memref<640xf32, #tpu.memory_space<hbm>>
      tpu.wait_dma2 semaphore(%run_scoped3A : memref<!tpu.dma_semaphore, #tpu.memory_space<semaphore_mem>>) src(%dma_wait3A_252 : memref<640xf32, #tpu.memory_space<hbm>>) dst(%arg5 : memref<640xf32, #tpu.memory_space<vmem>>)
      tpu.yield
    }) : () -> ()
    %scan3A_178 = arith.constant 0 : i32
    %scan3A_179 = arith.constant 0 : i32
    %scan3A_180 = arith.constant 40 : i32
    %scan3A_181 = arith.addi %scan3A_179, %scan3A_180 : i32
    %scan3A_182 = arith.constant 1 : i32
    scf.for %scan3A_251 = %scan3A_179 to %scan3A_181 step %scan3A_182  : i32 {
      %mul3A_252 = arith.constant 16 : i32
      %mul3A_253 = arith.muli %scan3A_251, %mul3A_252 : i32
      %get3A = arith.index_cast %mul3A_253 : i32 to index
      %get3A_254 = tpu.vector_load %arg6[%get3A] {strides = array<i32>} : memref<640xf32, #tpu.memory_space<vmem>>, vector<16xf32>,
      %mul3A_255 = arith.constant 16 : i32
      %mul3A_256 = arith.muli %scan3A_251, %mul3A_255 : i32
      %get3A_257 = arith.index_cast %mul3A_256 : i32 to index
      %get3A_258 = tpu.vector_load %arg5[%get3A_257] {strides = array<i32>} : memref<640xf32, #tpu.memory_space<vmem>>, vector<16xf32>,
      %add3A_259 = arith.addf %get3A_254, %get3A_258 : vector<16xf32>
      %mul3A_260 = arith.constant 16 : i32
      %mul3A_261 = arith.muli %scan3A_251, %mul3A_260 : i32
      %swap3A = arith.index_cast %mul3A_261 : i32 to index
      %swap3A_262 = tpu.vector_load %arg6[%swap3A] {strides = array<i32>} : memref<640xf32, #tpu.memory_space<vmem>>, vector<16xf32>,
      tpu.vector_store %arg6[%swap3A], %add3A_259 {strides = array<i32>} : memref<640xf32, #tpu.memory_space<vmem>>, vector<16xf32>,
    }
    %scan3A_183 = arith.constant 40 : i32
    %mul3A_184 = arith.constant 16 : i32
    %mul3A_185 = arith.muli %arg0, %mul3A_184 : i32
    %add3A_186 = arith.constant 12 : i32
    %add3A_187 = arith.addi %mul3A_185, %add3A_186 : i32
    %mul3A_188 = arith.constant 10240 : i32
    %mul3A_189 = arith.muli %add3A_187, %mul3A_188 : i32
    %mul3A_190 = arith.constant 640 : i32
    %mul3A_191 = arith.muli %arg1, %mul3A_190 : i32
    %add3A_192 = arith.addi %mul3A_189, %mul3A_191 : i32
    "tpu.region"() ({
      %run_scoped3A = tpu.sem_alloc : memref<!tpu.dma_semaphore, #tpu.memory_space<semaphore_mem>>
      %dma_start3A = tpu.memref_slice %arg2[%add3A_192] : memref<327680xf32, #tpu.memory_space<hbm>> -> memref<640xf32, #tpu.memory_space<hbm>>
      %dma_start3A_251 = tpu.memref_slice %arg2[%add3A_192] : memref<327680xf32, #tpu.memory_space<hbm>> -> memref<640xf32, #tpu.memory_space<hbm>>
      tpu.enqueue_dma source(%dma_start3A_251 : memref<640xf32, #tpu.memory_space<hbm>>) target(%arg5 : memref<640xf32, #tpu.memory_space<vmem>>) target_semaphore(%run_scoped3A : memref<!tpu.dma_semaphore, #tpu.memory_space<semaphore_mem>>)
      %dma_wait3A = tpu.memref_slice %arg2[%add3A_192] : memref<327680xf32, #tpu.memory_space<hbm>> -> memref<640xf32, #tpu.memory_space<hbm>>
      %dma_wait3A_252 = tpu.memref_slice %arg2[%add3A_192] : memref<327680xf32, #tpu.memory_space<hbm>> -> memref<640xf32, #tpu.memory_space<hbm>>
      tpu.wait_dma2 semaphore(%run_scoped3A : memref<!tpu.dma_semaphore, #tpu.memory_space<semaphore_mem>>) src(%dma_wait3A_252 : memref<640xf32, #tpu.memory_space<hbm>>) dst(%arg5 : memref<640xf32, #tpu.memory_space<vmem>>)
      tpu.yield
    }) : () -> ()
    %scan3A_193 = arith.constant 0 : i32
    %scan3A_194 = arith.constant 0 : i32
    %scan3A_195 = arith.constant 40 : i32
    %scan3A_196 = arith.addi %scan3A_194, %scan3A_195 : i32
    %scan3A_197 = arith.constant 1 : i32
    scf.for %scan3A_251 = %scan3A_194 to %scan3A_196 step %scan3A_197  : i32 {
      %mul3A_252 = arith.constant 16 : i32
      %mul3A_253 = arith.muli %scan3A_251, %mul3A_252 : i32
      %get3A = arith.index_cast %mul3A_253 : i32 to index
      %get3A_254 = tpu.vector_load %arg6[%get3A] {strides = array<i32>} : memref<640xf32, #tpu.memory_space<vmem>>, vector<16xf32>,
      %mul3A_255 = arith.constant 16 : i32
      %mul3A_256 = arith.muli %scan3A_251, %mul3A_255 : i32
      %get3A_257 = arith.index_cast %mul3A_256 : i32 to index
      %get3A_258 = tpu.vector_load %arg5[%get3A_257] {strides = array<i32>} : memref<640xf32, #tpu.memory_space<vmem>>, vector<16xf32>,
      %add3A_259 = arith.addf %get3A_254, %get3A_258 : vector<16xf32>
      %mul3A_260 = arith.constant 16 : i32
      %mul3A_261 = arith.muli %scan3A_251, %mul3A_260 : i32
      %swap3A = arith.index_cast %mul3A_261 : i32 to index
      %swap3A_262 = tpu.vector_load %arg6[%swap3A] {strides = array<i32>} : memref<640xf32, #tpu.memory_space<vmem>>, vector<16xf32>,
      tpu.vector_store %arg6[%swap3A], %add3A_259 {strides = array<i32>} : memref<640xf32, #tpu.memory_space<vmem>>, vector<16xf32>,
    }
    %scan3A_198 = arith.constant 40 : i32
    %mul3A_199 = arith.constant 16 : i32
    %mul3A_200 = arith.muli %arg0, %mul3A_199 : i32
    %add3A_201 = arith.constant 13 : i32
    %add3A_202 = arith.addi %mul3A_200, %add3A_201 : i32
    %mul3A_203 = arith.constant 10240 : i32
    %mul3A_204 = arith.muli %add3A_202, %mul3A_203 : i32
    %mul3A_205 = arith.constant 640 : i32
    %mul3A_206 = arith.muli %arg1, %mul3A_205 : i32
    %add3A_207 = arith.addi %mul3A_204, %mul3A_206 : i32
    "tpu.region"() ({
      %run_scoped3A = tpu.sem_alloc : memref<!tpu.dma_semaphore, #tpu.memory_space<semaphore_mem>>
      %dma_start3A = tpu.memref_slice %arg2[%add3A_207] : memref<327680xf32, #tpu.memory_space<hbm>> -> memref<640xf32, #tpu.memory_space<hbm>>
      %dma_start3A_251 = tpu.memref_slice %arg2[%add3A_207] : memref<327680xf32, #tpu.memory_space<hbm>> -> memref<640xf32, #tpu.memory_space<hbm>>
      tpu.enqueue_dma source(%dma_start3A_251 : memref<640xf32, #tpu.memory_space<hbm>>) target(%arg5 : memref<640xf32, #tpu.memory_space<vmem>>) target_semaphore(%run_scoped3A : memref<!tpu.dma_semaphore, #tpu.memory_space<semaphore_mem>>)
      %dma_wait3A = tpu.memref_slice %arg2[%add3A_207] : memref<327680xf32, #tpu.memory_space<hbm>> -> memref<640xf32, #tpu.memory_space<hbm>>
      %dma_wait3A_252 = tpu.memref_slice %arg2[%add3A_207] : memref<327680xf32, #tpu.memory_space<hbm>> -> memref<640xf32, #tpu.memory_space<hbm>>
      tpu.wait_dma2 semaphore(%run_scoped3A : memref<!tpu.dma_semaphore, #tpu.memory_space<semaphore_mem>>) src(%dma_wait3A_252 : memref<640xf32, #tpu.memory_space<hbm>>) dst(%arg5 : memref<640xf32, #tpu.memory_space<vmem>>)
      tpu.yield
    }) : () -> ()
    %scan3A_208 = arith.constant 0 : i32
    %scan3A_209 = arith.constant 0 : i32
    %scan3A_210 = arith.constant 40 : i32
    %scan3A_211 = arith.addi %scan3A_209, %scan3A_210 : i32
    %scan3A_212 = arith.constant 1 : i32
    scf.for %scan3A_251 = %scan3A_209 to %scan3A_211 step %scan3A_212  : i32 {
      %mul3A_252 = arith.constant 16 : i32
      %mul3A_253 = arith.muli %scan3A_251, %mul3A_252 : i32
      %get3A = arith.index_cast %mul3A_253 : i32 to index
      %get3A_254 = tpu.vector_load %arg6[%get3A] {strides = array<i32>} : memref<640xf32, #tpu.memory_space<vmem>>, vector<16xf32>,
      %mul3A_255 = arith.constant 16 : i32
      %mul3A_256 = arith.muli %scan3A_251, %mul3A_255 : i32
      %get3A_257 = arith.index_cast %mul3A_256 : i32 to index
      %get3A_258 = tpu.vector_load %arg5[%get3A_257] {strides = array<i32>} : memref<640xf32, #tpu.memory_space<vmem>>, vector<16xf32>,
      %add3A_259 = arith.addf %get3A_254, %get3A_258 : vector<16xf32>
      %mul3A_260 = arith.constant 16 : i32
      %mul3A_261 = arith.muli %scan3A_251, %mul3A_260 : i32
      %swap3A = arith.index_cast %mul3A_261 : i32 to index
      %swap3A_262 = tpu.vector_load %arg6[%swap3A] {strides = array<i32>} : memref<640xf32, #tpu.memory_space<vmem>>, vector<16xf32>,
      tpu.vector_store %arg6[%swap3A], %add3A_259 {strides = array<i32>} : memref<640xf32, #tpu.memory_space<vmem>>, vector<16xf32>,
    }
    %scan3A_213 = arith.constant 40 : i32
    %mul3A_214 = arith.constant 16 : i32
    %mul3A_215 = arith.muli %arg0, %mul3A_214 : i32
    %add3A_216 = arith.constant 14 : i32
    %add3A_217 = arith.addi %mul3A_215, %add3A_216 : i32
    %mul3A_218 = arith.constant 10240 : i32
    %mul3A_219 = arith.muli %add3A_217, %mul3A_218 : i32
    %mul3A_220 = arith.constant 640 : i32
    %mul3A_221 = arith.muli %arg1, %mul3A_220 : i32
    %add3A_222 = arith.addi %mul3A_219, %mul3A_221 : i32
    "tpu.region"() ({
      %run_scoped3A = tpu.sem_alloc : memref<!tpu.dma_semaphore, #tpu.memory_space<semaphore_mem>>
      %dma_start3A = tpu.memref_slice %arg2[%add3A_222] : memref<327680xf32, #tpu.memory_space<hbm>> -> memref<640xf32, #tpu.memory_space<hbm>>
      %dma_start3A_251 = tpu.memref_slice %arg2[%add3A_222] : memref<327680xf32, #tpu.memory_space<hbm>> -> memref<640xf32, #tpu.memory_space<hbm>>
      tpu.enqueue_dma source(%dma_start3A_251 : memref<640xf32, #tpu.memory_space<hbm>>) target(%arg5 : memref<640xf32, #tpu.memory_space<vmem>>) target_semaphore(%run_scoped3A : memref<!tpu.dma_semaphore, #tpu.memory_space<semaphore_mem>>)
      %dma_wait3A = tpu.memref_slice %arg2[%add3A_222] : memref<327680xf32, #tpu.memory_space<hbm>> -> memref<640xf32, #tpu.memory_space<hbm>>
      %dma_wait3A_252 = tpu.memref_slice %arg2[%add3A_222] : memref<327680xf32, #tpu.memory_space<hbm>> -> memref<640xf32, #tpu.memory_space<hbm>>
      tpu.wait_dma2 semaphore(%run_scoped3A : memref<!tpu.dma_semaphore, #tpu.memory_space<semaphore_mem>>) src(%dma_wait3A_252 : memref<640xf32, #tpu.memory_space<hbm>>) dst(%arg5 : memref<640xf32, #tpu.memory_space<vmem>>)
      tpu.yield
    }) : () -> ()
    %scan3A_223 = arith.constant 0 : i32
    %scan3A_224 = arith.constant 0 : i32
    %scan3A_225 = arith.constant 40 : i32
    %scan3A_226 = arith.addi %scan3A_224, %scan3A_225 : i32
    %scan3A_227 = arith.constant 1 : i32
    scf.for %scan3A_251 = %scan3A_224 to %scan3A_226 step %scan3A_227  : i32 {
      %mul3A_252 = arith.constant 16 : i32
      %mul3A_253 = arith.muli %scan3A_251, %mul3A_252 : i32
      %get3A = arith.index_cast %mul3A_253 : i32 to index
      %get3A_254 = tpu.vector_load %arg6[%get3A] {strides = array<i32>} : memref<640xf32, #tpu.memory_space<vmem>>, vector<16xf32>,
      %mul3A_255 = arith.constant 16 : i32
      %mul3A_256 = arith.muli %scan3A_251, %mul3A_255 : i32
      %get3A_257 = arith.index_cast %mul3A_256 : i32 to index
      %get3A_258 = tpu.vector_load %arg5[%get3A_257] {strides = array<i32>} : memref<640xf32, #tpu.memory_space<vmem>>, vector<16xf32>,
      %add3A_259 = arith.addf %get3A_254, %get3A_258 : vector<16xf32>
      %mul3A_260 = arith.constant 16 : i32
      %mul3A_261 = arith.muli %scan3A_251, %mul3A_260 : i32
      %swap3A = arith.index_cast %mul3A_261 : i32 to index
      %swap3A_262 = tpu.vector_load %arg6[%swap3A] {strides = array<i32>} : memref<640xf32, #tpu.memory_space<vmem>>, vector<16xf32>,
      tpu.vector_store %arg6[%swap3A], %add3A_259 {strides = array<i32>} : memref<640xf32, #tpu.memory_space<vmem>>, vector<16xf32>,
    }
    %scan3A_228 = arith.constant 40 : i32
    %mul3A_229 = arith.constant 16 : i32
    %mul3A_230 = arith.muli %arg0, %mul3A_229 : i32
    %add3A_231 = arith.constant 15 : i32
    %add3A_232 = arith.addi %mul3A_230, %add3A_231 : i32
    %mul3A_233 = arith.constant 10240 : i32
    %mul3A_234 = arith.muli %add3A_232, %mul3A_233 : i32
    %mul3A_235 = arith.constant 640 : i32
    %mul3A_236 = arith.muli %arg1, %mul3A_235 : i32
    %add3A_237 = arith.addi %mul3A_234, %mul3A_236 : i32
    "tpu.region"() ({
      %run_scoped3A = tpu.sem_alloc : memref<!tpu.dma_semaphore, #tpu.memory_space<semaphore_mem>>
      %dma_start3A = tpu.memref_slice %arg2[%add3A_237] : memref<327680xf32, #tpu.memory_space<hbm>> -> memref<640xf32, #tpu.memory_space<hbm>>
      %dma_start3A_251 = tpu.memref_slice %arg2[%add3A_237] : memref<327680xf32, #tpu.memory_space<hbm>> -> memref<640xf32, #tpu.memory_space<hbm>>
      tpu.enqueue_dma source(%dma_start3A_251 : memref<640xf32, #tpu.memory_space<hbm>>) target(%arg5 : memref<640xf32, #tpu.memory_space<vmem>>) target_semaphore(%run_scoped3A : memref<!tpu.dma_semaphore, #tpu.memory_space<semaphore_mem>>)
      %dma_wait3A = tpu.memref_slice %arg2[%add3A_237] : memref<327680xf32, #tpu.memory_space<hbm>> -> memref<640xf32, #tpu.memory_space<hbm>>
      %dma_wait3A_252 = tpu.memref_slice %arg2[%add3A_237] : memref<327680xf32, #tpu.memory_space<hbm>> -> memref<640xf32, #tpu.memory_space<hbm>>
      tpu.wait_dma2 semaphore(%run_scoped3A : memref<!tpu.dma_semaphore, #tpu.memory_space<semaphore_mem>>) src(%dma_wait3A_252 : memref<640xf32, #tpu.memory_space<hbm>>) dst(%arg5 : memref<640xf32, #tpu.memory_space<vmem>>)
      tpu.yield
    }) : () -> ()
    %scan3A_238 = arith.constant 0 : i32
    %scan3A_239 = arith.constant 0 : i32
    %scan3A_240 = arith.constant 40 : i32
    %scan3A_241 = arith.addi %scan3A_239, %scan3A_240 : i32
    %scan3A_242 = arith.constant 1 : i32
    scf.for %scan3A_251 = %scan3A_239 to %scan3A_241 step %scan3A_242  : i32 {
      %mul3A_252 = arith.constant 16 : i32
      %mul3A_253 = arith.muli %scan3A_251, %mul3A_252 : i32
      %get3A = arith.index_cast %mul3A_253 : i32 to index
      %get3A_254 = tpu.vector_load %arg6[%get3A] {strides = array<i32>} : memref<640xf32, #tpu.memory_space<vmem>>, vector<16xf32>,
      %mul3A_255 = arith.constant 16 : i32
      %mul3A_256 = arith.muli %scan3A_251, %mul3A_255 : i32
      %get3A_257 = arith.index_cast %mul3A_256 : i32 to index
      %get3A_258 = tpu.vector_load %arg5[%get3A_257] {strides = array<i32>} : memref<640xf32, #tpu.memory_space<vmem>>, vector<16xf32>,
      %add3A_259 = arith.addf %get3A_254, %get3A_258 : vector<16xf32>
      %mul3A_260 = arith.constant 16 : i32
      %mul3A_261 = arith.muli %scan3A_251, %mul3A_260 : i32
      %swap3A = arith.index_cast %mul3A_261 : i32 to index
      %swap3A_262 = tpu.vector_load %arg6[%swap3A] {strides = array<i32>} : memref<640xf32, #tpu.memory_space<vmem>>, vector<16xf32>,
      tpu.vector_store %arg6[%swap3A], %add3A_259 {strides = array<i32>} : memref<640xf32, #tpu.memory_space<vmem>>, vector<16xf32>,
    }
    %scan3A_243 = arith.constant 40 : i32
    %eq3A = arith.constant 0 : i32
    %eq3A_244 = arith.cmpi eq, %arg0, %eq3A : i32
    %convert_element_type3A = arith.extui %eq3A_244 : i1 to i32
    %cond3A = arith.constant 0 : i32
    %cond3A_245 = arith.cmpi ne, %convert_element_type3A, %cond3A : i32
    scf.if %cond3A_245 {
      %mul3A_251 = arith.constant 640 : i32
      %mul3A_252 = arith.muli %arg1, %mul3A_251 : i32
      "tpu.region"() ({
        %run_scoped3A = tpu.sem_alloc : memref<!tpu.dma_semaphore, #tpu.memory_space<semaphore_mem>>
        %dma_start3A = tpu.memref_slice %arg3[%mul3A_252] : memref<10240xf32, #tpu.memory_space<hbm>> -> memref<640xf32, #tpu.memory_space<hbm>>
        %dma_start3A_253 = tpu.memref_slice %arg3[%mul3A_252] : memref<10240xf32, #tpu.memory_space<hbm>> -> memref<640xf32, #tpu.memory_space<hbm>>
        tpu.enqueue_dma source(%arg6 : memref<640xf32, #tpu.memory_space<vmem>>) target(%dma_start3A_253 : memref<640xf32, #tpu.memory_space<hbm>>) target_semaphore(%run_scoped3A : memref<!tpu.dma_semaphore, #tpu.memory_space<semaphore_mem>>)
        %dma_wait3A = tpu.memref_slice %arg3[%mul3A_252] : memref<10240xf32, #tpu.memory_space<hbm>> -> memref<640xf32, #tpu.memory_space<hbm>>
        %dma_wait3A_254 = tpu.memref_slice %arg3[%mul3A_252] : memref<10240xf32, #tpu.memory_space<hbm>> -> memref<640xf32, #tpu.memory_space<hbm>>
        tpu.wait_dma2 semaphore(%run_scoped3A : memref<!tpu.dma_semaphore, #tpu.memory_space<semaphore_mem>>) src(%arg6 : memref<640xf32, #tpu.memory_space<vmem>>) dst(%dma_wait3A_254 : memref<640xf32, #tpu.memory_space<hbm>>)
        tpu.yield
      }) : () -> ()
    } else {
    }
    %eq3A_246 = arith.constant 1 : i32
    %eq3A_247 = arith.cmpi eq, %arg0, %eq3A_246 : i32
    %convert_element_type3A_248 = arith.extui %eq3A_247 : i1 to i32
    %cond3A_249 = arith.constant 0 : i32
    %cond3A_250 = arith.cmpi ne, %convert_element_type3A_248, %cond3A_249 : i32
    scf.if %cond3A_250 {
      %mul3A_251 = arith.constant 640 : i32
      %mul3A_252 = arith.muli %arg1, %mul3A_251 : i32
      "tpu.region"() ({
        %run_scoped3A = tpu.sem_alloc : memref<!tpu.dma_semaphore, #tpu.memory_space<semaphore_mem>>
        %dma_start3A = tpu.memref_slice %arg4[%mul3A_252] : memref<10240xf32, #tpu.memory_space<hbm>> -> memref<640xf32, #tpu.memory_space<hbm>>
        %dma_start3A_253 = tpu.memref_slice %arg4[%mul3A_252] : memref<10240xf32, #tpu.memory_space<hbm>> -> memref<640xf32, #tpu.memory_space<hbm>>
        tpu.enqueue_dma source(%arg6 : memref<640xf32, #tpu.memory_space<vmem>>) target(%dma_start3A_253 : memref<640xf32, #tpu.memory_space<hbm>>) target_semaphore(%run_scoped3A : memref<!tpu.dma_semaphore, #tpu.memory_space<semaphore_mem>>)
        %dma_wait3A = tpu.memref_slice %arg4[%mul3A_252] : memref<10240xf32, #tpu.memory_space<hbm>> -> memref<640xf32, #tpu.memory_space<hbm>>
        %dma_wait3A_254 = tpu.memref_slice %arg4[%mul3A_252] : memref<10240xf32, #tpu.memory_space<hbm>> -> memref<640xf32, #tpu.memory_space<hbm>>
        tpu.wait_dma2 semaphore(%run_scoped3A : memref<!tpu.dma_semaphore, #tpu.memory_space<semaphore_mem>>) src(%arg6 : memref<640xf32, #tpu.memory_space<vmem>>) dst(%dma_wait3A_254 : memref<640xf32, #tpu.memory_space<hbm>>)
        tpu.yield
      }) : () -> ()
    } else {
    }
    return
  }
}

module attributes {stable_mosaic.version = 14 : i64} {
  func.func @_gnn_body(%arg0: i32, %arg1: memref<1024x128xf32, #tpu.memory_space<vmem>>, %arg2: memref<1024x128xf32, #tpu.memory_space<vmem>>, %arg3: memref<1024x1xf32, #tpu.memory_space<vmem>>, %arg4: memref<1024x1xf32, #tpu.memory_space<vmem>>, %arg5: memref<256x256xf32, #tpu.memory_space<vmem>>, %arg6: memref<1x256xf32, #tpu.memory_space<vmem>>, %arg7: memref<1024x128xf32, #tpu.memory_space<vmem>>, %arg8: memref<1024x128xf32, #tpu.memory_space<vmem>>) attributes {dimension_semantics = [#tpu.dimension_semantics<arbitrary>], iteration_bounds = array<i64: 10>, scalar_prefetch = 0 : i64, scratch_operands = 0 : i64, tpu.core_type = #tpu.core_type<tc>, window_params = [{transform_indices = @transform_0, window_bounds = array<i64: 1024, 128>}, {transform_indices = @transform_1, window_bounds = array<i64: 1024, 128>}, {transform_indices = @transform_2, window_bounds = array<i64: 1024, 1>}, {transform_indices = @transform_3, window_bounds = array<i64: 1024, 1>}, {pipeline_mode = #tpu.pipeline_mode<synchronous>, transform_indices = @transform_4, window_bounds = array<i64: 256, 256>}, {pipeline_mode = #tpu.pipeline_mode<synchronous>, transform_indices = @transform_5, window_bounds = array<i64: 1, 256>}, {transform_indices = @transform_6, window_bounds = array<i64: 1024, 128>}, {transform_indices = @transform_7, window_bounds = array<i64: 1024, 128>}]} {
    %get3A = arith.constant 0 : index
    %get3A_0 = arith.constant 0 : index
    %get3A_1 = vector.load %arg3[%get3A, %get3A_0] : memref<1024x1xf32, #tpu.memory_space<vmem>>, vector<1024x1xf32>
    %get3A_2 = arith.constant 0 : index
    %get3A_3 = arith.constant 0 : index
    %get3A_4 = vector.load %arg4[%get3A_2, %get3A_3] : memref<1024x1xf32, #tpu.memory_space<vmem>>, vector<1024x1xf32>
    %add3A = arith.addf %get3A_1, %get3A_4 : vector<1024x1xf32>
    %max3A = arith.constant 1.000000e+00 : f32
    %max3A_5 = vector.broadcast %max3A : f32 to vector<1024x1xf32>
    %max3A_6 = arith.maximumf %add3A, %max3A_5 : vector<1024x1xf32>
    %div3A = arith.constant 1.000000e+00 : f32
    %div3A_7 = vector.broadcast %div3A : f32 to vector<1024x1xf32>
    %div3A_8 = arith.divf %div3A_7, %max3A_6 : vector<1024x1xf32>
    %get3A_9 = arith.constant 0 : index
    %get3A_10 = arith.constant 0 : index
    %get3A_11 = vector.load %arg1[%get3A_9, %get3A_10] : memref<1024x128xf32, #tpu.memory_space<vmem>>, vector<1024x128xf32>
    %mul3A = vector.broadcast %div3A_8 : vector<1024x1xf32> to vector<1024x128xf32>
    %mul3A_12 = arith.mulf %get3A_11, %mul3A : vector<1024x128xf32>
    %get3A_13 = arith.constant 0 : index
    %get3A_14 = arith.constant 0 : index
    %get3A_15 = vector.load %arg2[%get3A_13, %get3A_14] : memref<1024x128xf32, #tpu.memory_space<vmem>>, vector<1024x128xf32>
    %mul3A_16 = vector.broadcast %div3A_8 : vector<1024x1xf32> to vector<1024x128xf32>
    %mul3A_17 = arith.mulf %get3A_15, %mul3A_16 : vector<1024x128xf32>
    %get3A_18 = arith.constant 0 : index
    %get3A_19 = arith.constant 0 : index
    %get3A_20 = vector.load %arg5[%get3A_18, %get3A_19] : memref<256x256xf32, #tpu.memory_space<vmem>>, vector<128x256xf32>
    %dot_general3A = arith.constant dense<0.000000e+00> : vector<1024x256xf32>
    %dot_general3A_21 = tpu.matmul %mul3A_12, %get3A_20, %dot_general3A {dimension_numbers = #tpu.dot_dimension_numbers<[1], [0], [0], [1], [0, 0, 1, 1], [], []>, transpose_lhs_hint = false} : vector<1024x128xf32>, vector<128x256xf32>, vector<1024x256xf32> -> vector<1024x256xf32>
    %get3A_22 = arith.constant 128 : index
    %get3A_23 = arith.constant 0 : index
    %get3A_24 = vector.load %arg5[%get3A_22, %get3A_23] : memref<256x256xf32, #tpu.memory_space<vmem>>, vector<128x256xf32>
    %dot_general3A_25 = arith.constant dense<0.000000e+00> : vector<1024x256xf32>
    %dot_general3A_26 = tpu.matmul %mul3A_17, %get3A_24, %dot_general3A_25 {dimension_numbers = #tpu.dot_dimension_numbers<[1], [0], [0], [1], [0, 0, 1, 1], [], []>, transpose_lhs_hint = false} : vector<1024x128xf32>, vector<128x256xf32>, vector<1024x256xf32> -> vector<1024x256xf32>
    %add3A_27 = arith.addf %dot_general3A_21, %dot_general3A_26 : vector<1024x256xf32>
    %get3A_28 = arith.constant 0 : index
    %get3A_29 = arith.constant 0 : index
    %get3A_30 = vector.load %arg6[%get3A_28, %get3A_29] : memref<1x256xf32, #tpu.memory_space<vmem>>, vector<1x256xf32>
    %add3A_31 = vector.broadcast %get3A_30 : vector<1x256xf32> to vector<1024x256xf32>
    %add3A_32 = arith.addf %add3A_27, %add3A_31 : vector<1024x256xf32>
    %max3A_33 = arith.constant 0.000000e+00 : f32
    %max3A_34 = vector.broadcast %max3A_33 : f32 to vector<1024x256xf32>
    %max3A_35 = arith.maximumf %add3A_32, %max3A_34 : vector<1024x256xf32>
    %mul3A_36 = arith.constant 1024 : i32
    %mul3A_37 = arith.muli %arg0, %mul3A_36 : i32
    %iota3A = tpu.iota {dimensions = array<i32: 0>} : vector<1024x256xi32>
    %add3A_38 = vector.broadcast %mul3A_37 : i32 to vector<1024x256xi32>
    %add3A_39 = arith.addi %add3A_38, %iota3A : vector<1024x256xi32>
    %lt3A = arith.constant 10000 : i32
    %lt3A_40 = vector.broadcast %lt3A : i32 to vector<1024x256xi32>
    %lt3A_41 = arith.cmpi slt, %add3A_39, %lt3A_40 : vector<1024x256xi32>
    %jit3A = arith.constant 0.000000e+00 : f32
    %broadcast_in_dim3A = vector.broadcast %jit3A : f32 to vector<1024x256xf32>
    %select_n3A = arith.select %lt3A_41, %max3A_35, %broadcast_in_dim3A : vector<1024x256xi1>, vector<1024x256xf32>
    %slice3A = vector.extract_strided_slice %select_n3A {offsets = [0, 0], sizes = [1024, 128], strides = [1, 1]} : vector<1024x256xf32> to vector<1024x128xf32>
    %swap3A = arith.constant 0 : index
    %swap3A_42 = arith.constant 0 : index
    %swap3A_43 = vector.load %arg7[%swap3A, %swap3A_42] : memref<1024x128xf32, #tpu.memory_space<vmem>>, vector<1024x128xf32>
    tpu.vector_store %arg7[%swap3A, %swap3A_42], %slice3A {strides = array<i32>} : memref<1024x128xf32, #tpu.memory_space<vmem>>, vector<1024x128xf32>,
    %slice3A_44 = vector.extract_strided_slice %select_n3A {offsets = [0, 128], sizes = [1024, 128], strides = [1, 1]} : vector<1024x256xf32> to vector<1024x128xf32>
    %swap3A_45 = arith.constant 0 : index
    %swap3A_46 = arith.constant 0 : index
    %swap3A_47 = vector.load %arg8[%swap3A_45, %swap3A_46] : memref<1024x128xf32, #tpu.memory_space<vmem>>, vector<1024x128xf32>
    tpu.vector_store %arg8[%swap3A_45, %swap3A_46], %slice3A_44 {strides = array<i32>} : memref<1024x128xf32, #tpu.memory_space<vmem>>, vector<1024x128xf32>,
    return
  }
  func.func @transform_0(%arg0: i32) -> (i32, i32) {
    %c0_i32 = arith.constant 0 : i32
    %c0_i32_0 = arith.constant 0 : i32
    return %arg0, %c0_i32 : i32, i32
  }
  func.func @transform_1(%arg0: i32) -> (i32, i32) {
    %c0_i32 = arith.constant 0 : i32
    %c0_i32_0 = arith.constant 0 : i32
    return %arg0, %c0_i32 : i32, i32
  }
  func.func @transform_2(%arg0: i32) -> (i32, i32) {
    %c0_i32 = arith.constant 0 : i32
    %c0_i32_0 = arith.constant 0 : i32
    return %arg0, %c0_i32 : i32, i32
  }
  func.func @transform_3(%arg0: i32) -> (i32, i32) {
    %c0_i32 = arith.constant 0 : i32
    %c0_i32_0 = arith.constant 0 : i32
    return %arg0, %c0_i32 : i32, i32
  }
  func.func @transform_4(%arg0: i32) -> (i32, i32) {
    %c0_i32 = arith.constant 0 : i32
    %c0_i32_0 = arith.constant 0 : i32
    %c0_i32_1 = arith.constant 0 : i32
    return %c0_i32, %c0_i32_0 : i32, i32
  }
  func.func @transform_5(%arg0: i32) -> (i32, i32) {
    %c0_i32 = arith.constant 0 : i32
    %c0_i32_0 = arith.constant 0 : i32
    %c0_i32_1 = arith.constant 0 : i32
    return %c0_i32, %c0_i32_0 : i32, i32
  }
  func.func @transform_6(%arg0: i32) -> (i32, i32) {
    %c0_i32 = arith.constant 0 : i32
    %c0_i32_0 = arith.constant 0 : i32
    return %arg0, %c0_i32 : i32, i32
  }
  func.func @transform_7(%arg0: i32) -> (i32, i32) {
    %c0_i32 = arith.constant 0 : i32
    %c0_i32_0 = arith.constant 0 : i32
    return %arg0, %c0_i32 : i32, i32
  }
}

module attributes {stable_mosaic.version = 14 : i64} {
  func.func @_pred_body(%arg0: i32, %arg1: memref<1024x128xf32, #tpu.memory_space<vmem>>, %arg2: memref<1024x128xf32, #tpu.memory_space<vmem>>, %arg3: memref<1024x128xf32, #tpu.memory_space<vmem>>, %arg4: memref<1024x128xf32, #tpu.memory_space<vmem>>, %arg5: memref<1024x128xf32, #tpu.memory_space<vmem>>, %arg6: memref<1024x128xf32, #tpu.memory_space<vmem>>, %arg7: memref<1024x1xf32, #tpu.memory_space<vmem>>, %arg8: memref<256x256xf32, #tpu.memory_space<vmem>>, %arg9: memref<1x256xf32, #tpu.memory_space<vmem>>, %arg10: memref<768x256xf32, #tpu.memory_space<vmem>>, %arg11: memref<1x256xf32, #tpu.memory_space<vmem>>, %arg12: memref<1x256xf32, #tpu.memory_space<vmem>>, %arg13: memref<1x1xf32, #tpu.memory_space<vmem>>, %arg14: memref<1024x1xf32, #tpu.memory_space<vmem>>) attributes {dimension_semantics = [#tpu.dimension_semantics<arbitrary>], iteration_bounds = array<i64: 4>, scalar_prefetch = 0 : i64, scratch_operands = 0 : i64, tpu.core_type = #tpu.core_type<tc>, window_params = [{transform_indices = @transform_0, window_bounds = array<i64: 1024, 128>}, {transform_indices = @transform_1, window_bounds = array<i64: 1024, 128>}, {transform_indices = @transform_2, window_bounds = array<i64: 1024, 128>}, {transform_indices = @transform_3, window_bounds = array<i64: 1024, 128>}, {transform_indices = @transform_4, window_bounds = array<i64: 1024, 128>}, {transform_indices = @transform_5, window_bounds = array<i64: 1024, 128>}, {transform_indices = @transform_6, window_bounds = array<i64: 1024, 1>}, {pipeline_mode = #tpu.pipeline_mode<synchronous>, transform_indices = @transform_7, window_bounds = array<i64: 256, 256>}, {pipeline_mode = #tpu.pipeline_mode<synchronous>, transform_indices = @transform_8, window_bounds = array<i64: 1, 256>}, {pipeline_mode = #tpu.pipeline_mode<synchronous>, transform_indices = @transform_9, window_bounds = array<i64: 768, 256>}, {pipeline_mode = #tpu.pipeline_mode<synchronous>, transform_indices = @transform_10, window_bounds = array<i64: 1, 256>}, {pipeline_mode = #tpu.pipeline_mode<synchronous>, transform_indices = @transform_11, window_bounds = array<i64: 1, 256>}, {pipeline_mode = #tpu.pipeline_mode<synchronous>, transform_indices = @transform_12, window_bounds = array<i64: 1, 1>}, {transform_indices = @transform_13, window_bounds = array<i64: 1024, 1>}]} {
    %get3A = arith.constant 0 : index
    %get3A_0 = arith.constant 0 : index
    %get3A_1 = vector.load %arg7[%get3A, %get3A_0] : memref<1024x1xf32, #tpu.memory_space<vmem>>, vector<1024x1xf32>
    %div3A = arith.constant 1.000000e+00 : f32
    %div3A_2 = vector.broadcast %div3A : f32 to vector<1024x1xf32>
    %div3A_3 = arith.divf %div3A_2, %get3A_1 : vector<1024x1xf32>
    %get3A_4 = arith.constant 0 : index
    %get3A_5 = arith.constant 0 : index
    %get3A_6 = vector.load %arg1[%get3A_4, %get3A_5] : memref<1024x128xf32, #tpu.memory_space<vmem>>, vector<1024x128xf32>
    %mul3A = vector.broadcast %div3A_3 : vector<1024x1xf32> to vector<1024x128xf32>
    %mul3A_7 = arith.mulf %get3A_6, %mul3A : vector<1024x128xf32>
    %get3A_8 = arith.constant 0 : index
    %get3A_9 = arith.constant 0 : index
    %get3A_10 = vector.load %arg2[%get3A_8, %get3A_9] : memref<1024x128xf32, #tpu.memory_space<vmem>>, vector<1024x128xf32>
    %mul3A_11 = vector.broadcast %div3A_3 : vector<1024x1xf32> to vector<1024x128xf32>
    %mul3A_12 = arith.mulf %get3A_10, %mul3A_11 : vector<1024x128xf32>
    %get3A_13 = arith.constant 0 : index
    %get3A_14 = arith.constant 0 : index
    %get3A_15 = vector.load %arg8[%get3A_13, %get3A_14] : memref<256x256xf32, #tpu.memory_space<vmem>>, vector<128x256xf32>
    %dot_general3A = arith.constant dense<0.000000e+00> : vector<1024x256xf32>
    %dot_general3A_16 = tpu.matmul %mul3A_7, %get3A_15, %dot_general3A {dimension_numbers = #tpu.dot_dimension_numbers<[1], [0], [0], [1], [0, 0, 1, 1], [], []>, transpose_lhs_hint = false} : vector<1024x128xf32>, vector<128x256xf32>, vector<1024x256xf32> -> vector<1024x256xf32>
    %get3A_17 = arith.constant 128 : index
    %get3A_18 = arith.constant 0 : index
    %get3A_19 = vector.load %arg8[%get3A_17, %get3A_18] : memref<256x256xf32, #tpu.memory_space<vmem>>, vector<128x256xf32>
    %dot_general3A_20 = arith.constant dense<0.000000e+00> : vector<1024x256xf32>
    %dot_general3A_21 = tpu.matmul %mul3A_12, %get3A_19, %dot_general3A_20 {dimension_numbers = #tpu.dot_dimension_numbers<[1], [0], [0], [1], [0, 0, 1, 1], [], []>, transpose_lhs_hint = false} : vector<1024x128xf32>, vector<128x256xf32>, vector<1024x256xf32> -> vector<1024x256xf32>
    %add3A = arith.addf %dot_general3A_16, %dot_general3A_21 : vector<1024x256xf32>
    %get3A_22 = arith.constant 0 : index
    %get3A_23 = arith.constant 0 : index
    %get3A_24 = vector.load %arg9[%get3A_22, %get3A_23] : memref<1x256xf32, #tpu.memory_space<vmem>>, vector<1x256xf32>
    %add3A_25 = vector.broadcast %get3A_24 : vector<1x256xf32> to vector<1024x256xf32>
    %add3A_26 = arith.addf %add3A, %add3A_25 : vector<1024x256xf32>
    %max3A = arith.constant 0.000000e+00 : f32
    %max3A_27 = vector.broadcast %max3A : f32 to vector<1024x256xf32>
    %max3A_28 = arith.maximumf %add3A_26, %max3A_27 : vector<1024x256xf32>
    %mul3A_29 = arith.constant 2.000000e+00 : f32
    %mul3A_30 = vector.broadcast %mul3A_29 : f32 to vector<1024x256xf32>
    %mul3A_31 = arith.mulf %mul3A_30, %max3A_28 : vector<1024x256xf32>
    %get3A_32 = arith.constant 0 : index
    %get3A_33 = arith.constant 0 : index
    %get3A_34 = vector.load %arg3[%get3A_32, %get3A_33] : memref<1024x128xf32, #tpu.memory_space<vmem>>, vector<1024x128xf32>
    %get3A_35 = arith.constant 0 : index
    %get3A_36 = arith.constant 0 : index
    %get3A_37 = vector.load %arg10[%get3A_35, %get3A_36] : memref<768x256xf32, #tpu.memory_space<vmem>>, vector<128x256xf32>
    %dot_general3A_38 = arith.constant dense<0.000000e+00> : vector<1024x256xf32>
    %dot_general3A_39 = tpu.matmul %get3A_34, %get3A_37, %dot_general3A_38 {dimension_numbers = #tpu.dot_dimension_numbers<[1], [0], [0], [1], [0, 0, 1, 1], [], []>, transpose_lhs_hint = false} : vector<1024x128xf32>, vector<128x256xf32>, vector<1024x256xf32> -> vector<1024x256xf32>
    %get3A_40 = arith.constant 0 : index
    %get3A_41 = arith.constant 0 : index
    %get3A_42 = vector.load %arg4[%get3A_40, %get3A_41] : memref<1024x128xf32, #tpu.memory_space<vmem>>, vector<1024x128xf32>
    %get3A_43 = arith.constant 128 : index
    %get3A_44 = arith.constant 0 : index
    %get3A_45 = vector.load %arg10[%get3A_43, %get3A_44] : memref<768x256xf32, #tpu.memory_space<vmem>>, vector<128x256xf32>
    %dot_general3A_46 = arith.constant dense<0.000000e+00> : vector<1024x256xf32>
    %dot_general3A_47 = tpu.matmul %get3A_42, %get3A_45, %dot_general3A_46 {dimension_numbers = #tpu.dot_dimension_numbers<[1], [0], [0], [1], [0, 0, 1, 1], [], []>, transpose_lhs_hint = false} : vector<1024x128xf32>, vector<128x256xf32>, vector<1024x256xf32> -> vector<1024x256xf32>
    %add3A_48 = arith.addf %dot_general3A_39, %dot_general3A_47 : vector<1024x256xf32>
    %get3A_49 = arith.constant 0 : index
    %get3A_50 = arith.constant 0 : index
    %get3A_51 = vector.load %arg5[%get3A_49, %get3A_50] : memref<1024x128xf32, #tpu.memory_space<vmem>>, vector<1024x128xf32>
    %get3A_52 = arith.constant 256 : index
    %get3A_53 = arith.constant 0 : index
    %get3A_54 = vector.load %arg10[%get3A_52, %get3A_53] : memref<768x256xf32, #tpu.memory_space<vmem>>, vector<128x256xf32>
    %dot_general3A_55 = arith.constant dense<0.000000e+00> : vector<1024x256xf32>
    %dot_general3A_56 = tpu.matmul %get3A_51, %get3A_54, %dot_general3A_55 {dimension_numbers = #tpu.dot_dimension_numbers<[1], [0], [0], [1], [0, 0, 1, 1], [], []>, transpose_lhs_hint = false} : vector<1024x128xf32>, vector<128x256xf32>, vector<1024x256xf32> -> vector<1024x256xf32>
    %add3A_57 = arith.addf %add3A_48, %dot_general3A_56 : vector<1024x256xf32>
    %get3A_58 = arith.constant 0 : index
    %get3A_59 = arith.constant 0 : index
    %get3A_60 = vector.load %arg6[%get3A_58, %get3A_59] : memref<1024x128xf32, #tpu.memory_space<vmem>>, vector<1024x128xf32>
    %get3A_61 = arith.constant 384 : index
    %get3A_62 = arith.constant 0 : index
    %get3A_63 = vector.load %arg10[%get3A_61, %get3A_62] : memref<768x256xf32, #tpu.memory_space<vmem>>, vector<128x256xf32>
    %dot_general3A_64 = arith.constant dense<0.000000e+00> : vector<1024x256xf32>
    %dot_general3A_65 = tpu.matmul %get3A_60, %get3A_63, %dot_general3A_64 {dimension_numbers = #tpu.dot_dimension_numbers<[1], [0], [0], [1], [0, 0, 1, 1], [], []>, transpose_lhs_hint = false} : vector<1024x128xf32>, vector<128x256xf32>, vector<1024x256xf32> -> vector<1024x256xf32>
    %add3A_66 = arith.addf %add3A_57, %dot_general3A_65 : vector<1024x256xf32>
    %get3A_67 = arith.constant 512 : index
    %get3A_68 = arith.constant 0 : index
    %get3A_69 = vector.load %arg10[%get3A_67, %get3A_68] : memref<768x256xf32, #tpu.memory_space<vmem>>, vector<256x256xf32>
    %dot_general3A_70 = arith.constant dense<0.000000e+00> : vector<1024x256xf32>
    %dot_general3A_71 = tpu.matmul %mul3A_31, %get3A_69, %dot_general3A_70 {dimension_numbers = #tpu.dot_dimension_numbers<[1], [0], [0], [1], [0, 0, 1, 1], [], []>, transpose_lhs_hint = false} : vector<1024x256xf32>, vector<256x256xf32>, vector<1024x256xf32> -> vector<1024x256xf32>
    %add3A_72 = arith.addf %add3A_66, %dot_general3A_71 : vector<1024x256xf32>
    %get3A_73 = arith.constant 0 : index
    %get3A_74 = arith.constant 0 : index
    %get3A_75 = vector.load %arg11[%get3A_73, %get3A_74] : memref<1x256xf32, #tpu.memory_space<vmem>>, vector<1x256xf32>
    %add3A_76 = vector.broadcast %get3A_75 : vector<1x256xf32> to vector<1024x256xf32>
    %add3A_77 = arith.addf %add3A_72, %add3A_76 : vector<1024x256xf32>
    %max3A_78 = arith.constant 0.000000e+00 : f32
    %max3A_79 = vector.broadcast %max3A_78 : f32 to vector<1024x256xf32>
    %max3A_80 = arith.maximumf %add3A_77, %max3A_79 : vector<1024x256xf32>
    %get3A_81 = arith.constant 0 : index
    %get3A_82 = arith.constant 0 : index
    %get3A_83 = vector.load %arg12[%get3A_81, %get3A_82] : memref<1x256xf32, #tpu.memory_space<vmem>>, vector<1x256xf32>
    %mul3A_84 = vector.broadcast %get3A_83 : vector<1x256xf32> to vector<1024x256xf32>
    %mul3A_85 = arith.mulf %max3A_80, %mul3A_84 : vector<1024x256xf32>
    %reduce_sum3A = arith.constant dense<0.000000e+00> : vector<1024xf32>
    %reduce_sum3A_86 = vector.multi_reduction <add>, %mul3A_85, %reduce_sum3A [1] : vector<1024x256xf32> to vector<1024xf32>
    %broadcast_in_dim3A = vector.shape_cast %reduce_sum3A_86 : vector<1024xf32> to vector<1024x1xf32>
    %get3A_87 = arith.constant 0 : index
    %get3A_88 = arith.constant 0 : index
    %get3A_89 = vector.load %arg13[%get3A_87, %get3A_88] : memref<1x1xf32, #tpu.memory_space<vmem>>, vector<1x1xf32>
    %add3A_90 = vector.broadcast %get3A_89 : vector<1x1xf32> to vector<1024x1xf32>
    %add3A_91 = arith.addf %broadcast_in_dim3A, %add3A_90 : vector<1024x1xf32>
    %swap3A = arith.constant 0 : index
    %swap3A_92 = arith.constant 0 : index
    %swap3A_93 = vector.load %arg14[%swap3A, %swap3A_92] : memref<1024x1xf32, #tpu.memory_space<vmem>>, vector<1024x1xf32>
    tpu.vector_store %arg14[%swap3A, %swap3A_92], %add3A_91 {strides = array<i32>} : memref<1024x1xf32, #tpu.memory_space<vmem>>, vector<1024x1xf32>,
    return
  }
  func.func @transform_0(%arg0: i32) -> (i32, i32) {
    %c0_i32 = arith.constant 0 : i32
    %c0_i32_0 = arith.constant 0 : i32
    return %arg0, %c0_i32 : i32, i32
  }
  func.func @transform_1(%arg0: i32) -> (i32, i32) {
    %c0_i32 = arith.constant 0 : i32
    %c0_i32_0 = arith.constant 0 : i32
    return %arg0, %c0_i32 : i32, i32
  }
  func.func @transform_2(%arg0: i32) -> (i32, i32) {
    %c0_i32 = arith.constant 0 : i32
    %c0_i32_0 = arith.constant 0 : i32
    return %arg0, %c0_i32 : i32, i32
  }
  func.func @transform_3(%arg0: i32) -> (i32, i32) {
    %c0_i32 = arith.constant 0 : i32
    %c0_i32_0 = arith.constant 0 : i32
    return %arg0, %c0_i32 : i32, i32
  }
  func.func @transform_4(%arg0: i32) -> (i32, i32) {
    %c0_i32 = arith.constant 0 : i32
    %c0_i32_0 = arith.constant 0 : i32
    return %arg0, %c0_i32 : i32, i32
  }
  func.func @transform_5(%arg0: i32) -> (i32, i32) {
    %c0_i32 = arith.constant 0 : i32
    %c0_i32_0 = arith.constant 0 : i32
    return %arg0, %c0_i32 : i32, i32
  }
  func.func @transform_6(%arg0: i32) -> (i32, i32) {
    %c0_i32 = arith.constant 0 : i32
    %c0_i32_0 = arith.constant 0 : i32
    return %arg0, %c0_i32 : i32, i32
  }
  func.func @transform_7(%arg0: i32) -> (i32, i32) {
    %c0_i32 = arith.constant 0 : i32
    %c0_i32_0 = arith.constant 0 : i32
    %c0_i32_1 = arith.constant 0 : i32
    return %c0_i32, %c0_i32_0 : i32, i32
  }
  func.func @transform_8(%arg0: i32) -> (i32, i32) {
    %c0_i32 = arith.constant 0 : i32
    %c0_i32_0 = arith.constant 0 : i32
    %c0_i32_1 = arith.constant 0 : i32
    return %c0_i32, %c0_i32_0 : i32, i32
  }
  func.func @transform_9(%arg0: i32) -> (i32, i32) {
    %c0_i32 = arith.constant 0 : i32
    %c0_i32_0 = arith.constant 0 : i32
    %c0_i32_1 = arith.constant 0 : i32
    return %c0_i32, %c0_i32_0 : i32, i32
  }
  func.func @transform_10(%arg0: i32) -> (i32, i32) {
    %c0_i32 = arith.constant 0 : i32
    %c0_i32_0 = arith.constant 0 : i32
    %c0_i32_1 = arith.constant 0 : i32
    return %c0_i32, %c0_i32_0 : i32, i32
  }
  func.func @transform_11(%arg0: i32) -> (i32, i32) {
    %c0_i32 = arith.constant 0 : i32
    %c0_i32_0 = arith.constant 0 : i32
    %c0_i32_1 = arith.constant 0 : i32
    return %c0_i32, %c0_i32_0 : i32, i32
  }
  func.func @transform_12(%arg0: i32) -> (i32, i32) {
    %c0_i32 = arith.constant 0 : i32
    %c0_i32_0 = arith.constant 0 : i32
    %c0_i32_1 = arith.constant 0 : i32
    return %c0_i32, %c0_i32_0 : i32, i32
  }
  func.func @transform_13(%arg0: i32) -> (i32, i32) {
    %c0_i32 = arith.constant 0 : i32
    %c0_i32_0 = arith.constant 0 : i32
    return %arg0, %c0_i32 : i32, i32
  }
}

</mosaic_0001>

<sc_bundles>
// kernel: kernel.11.cloned.1.call-start
scs
__scs_entry_jumppad:
0x0: {  	(pc) =	sbr.rel $0x88, $3  }
0x1: {  	(tag) =	ssettag $0x0;
	lr =	simm.s32 $0x1  }
0x2: {  	[smem:$0x3F94] =	sst lr;
	_ =	strace $0xD0000000  }
0x3: {  	_ = 	snop  }
0x4: {  	_ = 	snop  }
0x5: {  	_ = 	snop  }
0x6: {  	_ = 	snop  }
0x7: {  	_ = 	snop  }
__scs_overlays_trampoline_lowered:
0x8: {  	[smem:$0x3FA3] =	sst s0  }
0x9: {  	[smem:$0x3FA4] =	sst s1  }
0xa: {  	[smem:$0x3FA5] =	sst s2  }
0xb: {  	[smem:$0x3FA6] =	sst s3  }
0xc: {  	[smem:$0x3FA7] =	sst s4  }
0xd: {  	[smem:$0x3FA8] =	sst s5  }
0xe: {  	[smem:$0x3FA9] =	sst s6  }
0xf: {  	[smem:$0x3FAA] =	sst s7  }
0x10: {  	[smem:$0x3FAB] =	sst s8  }
0x11: {  	[smem:$0x3FAC] =	sst s9;
	s0 =	simm.s32 @!p0 $0x0  }
0x12: {  	s1 =	sld [smem:$0x3F92];
	s0 =	simm.s32 @p0 $0x1  }
0x13: {  	[smem:$0x3FAD] =	sst s0;
	s0 =	simm.s32 @!p1 $0x0  }
0x14: {  	s2 =	sld [smem:$0x3F91];
	s0 =	simm.s32 @p1 $0x1  }
0x15: {  	[smem:$0x3FAE] =	sst s0;
	s0 =	simm.s32 @!p2 $0x0  }
0x16: {  	s3 =	sld [smem:$0x3FDB];
	s0 =	simm.s32 @p2 $0x1  }
0x17: {  	s4 =	simm.s32 $0x1BF5;
	[smem:$0x3FB0] =	sst s0  }
0x18: {  	s0 =	sld [smem:$0x3F93];
	_ =	swait.ge [sflag:s4], $0x0  }
0x19: {  	s7 =	sld [smem:$0x3F94]  }
0x1a: {  	s8 =	sadd.s32 $0xFFFFE003, lr  }
0x1b: {  	s9 =	sadd.s32 $0xFFFFFEF7, lr;
	s5 =	simm.s32 $0xFFFFFFFF;
	p2 =	slt.u32 s8, $0xFFFFF086  }
0x1c: {  	p1 =	slt.u32 s9, $0xF7A;
	s5 =	simm.s32 @!p2 $0x0  }
0x1d: {  	s5 =	simm.s32 @p1 $0x1;
	p0 =	seq.s32 s7, s2  }
0x1e: {  	s7 =	smul.u32 @!p0 $0xF7A, s2;
	p2 =	seq.s32 @!p0 s5, $0x0  }
0x1f: {  	s9 =	smul.u32 $0xF7A, s1;
	s8 =	simm.s32 @!p0 $0x1BF5;
	p2 =	por !p2, p0  }
0x20: {  	[sflag:s8] =	ssyncset.s32 @!p0 $0xFFFFF086;
	s6 =	sadd.s32 @!p0 s3, s7;
	s7 =	simm.s32 @!p0 $0x108  }
0x21: {  	s3 =	sadd.s32 s3, s9;
	s6 =	sadd.s32 @!p0 $0x88, s6;
	s7 =	simm.s32 @p2 $0x1082  }
0x22: {  	[simem:s7], [sflag:s8] =	dma.local @!p0 [hbm:s6], $0xF7A  }
0x23: {  	s9 =	sor.u32 $0xD0000000, s2;
	s6 =	simm.s32 $0x108;
	_ =	swait.ge @!p0 [sflag:s8], $0x0  }
0x24: {  	s3 =	sadd.s32 $0x88, s3;
	s6 =	simm.s32 @!p1 $0x1082;
	[sflag:s4] =	ssyncset.s32 $0xFFFFF086  }
0x25: {  	[simem:s6], [sflag:s4] =	dma.local [hbm:s3], $0xF7A  }
0x26: {  	[smem:$0x3F94] =	sst s1;
	(tag) =	ssettag s2;
	_ =	strace s9  }
0x27: {  	s1 =	sld [smem:$0x3FA4]  }
0x28: {  	s2 =	sld [smem:$0x3FA5]  }
0x29: {  	s4 =	sld [smem:$0x3FA7]  }
0x2a: {  	p0 =	seq.s32 s5, $0x0;
	s5 =	sld [smem:$0x3FA8]  }
0x2b: {  	s6 =	sld [smem:$0x3FA9]  }
0x2c: {  	s7 =	sld [smem:$0x3FAA]  }
0x2d: {  	s3 =	simm.s32 $0x108;
	s8 =	sld [smem:$0x3FAB]  }
0x2e: {  	s3 =	simm.s32 @!p0 $0x1082;
	s9 =	sld [smem:$0x3FAC]  }
0x2f: {  	lr =	sadd.s32 s0, s3;
	s0 =	sld [smem:$0x3FA3]  }
0x30: {  	s3 =	sld [smem:$0x3FA6]  }
0x31: {  	[smem:$0x3FAF] =	sst s10  }
0x32: {  	s10 =	sld [smem:$0x3FAD];
	_ =	sdelay $0x3  }
0x33: {  	p0 =	seq.s32 s10, $0x1;
	s10 =	sld [smem:$0x3FAF];
	_ =	sdelay $0x3  }
0x34: {  	[smem:$0x3FAF] =	sst s10  }
0x35: {  	s10 =	sld [smem:$0x3FAE];
	_ =	sdelay $0x3  }
0x36: {  	p1 =	seq.s32 s10, $0x1;
	s10 =	sld [smem:$0x3FAF];
	_ =	sdelay $0x3  }
0x37: {  	[smem:$0x3FAF] =	sst s10  }
0x38: {  	s10 =	sld [smem:$0x3FB0]  }
0x39: {  	_ = 	snop;
	(pc) =	sbr.ind lr, $3  }
0x3a: {  	_ = 	snop  }
0x3b: {  	_ = 	snop  }
0x3c: {  	p2 =	seq.s32 s10, $0x1;
	s10 =	sld [smem:$0x3FAF]  }
0x3d: {  	_ =	shalt  }
0x3e: {  	_ =	shalt  }
0x3f: {  	_ =	shalt  }
0x40: {  	_ =	shalt  }
0x41: {  	_ =	shalt  }
0x42: {  	_ =	shalt  }
0x43: {  	_ =	shalt  }
0x44: {  	_ =	shalt  }
0x45: {  	_ =	shalt  }
0x46: {  	_ =	shalt  }
0x47: {  	_ =	shalt  }
0x48: {  	_ =	shalt  }
0x49: {  	_ =	shalt  }
0x4a: {  	_ =	shalt  }
0x4b: {  	_ =	shalt  }
0x4c: {  	_ =	shalt  }
0x4d: {  	_ =	shalt  }
0x4e: {  	_ =	shalt  }
0x4f: {  	_ =	shalt  }
0x50: {  	_ =	shalt  }
0x51: {  	_ =	shalt  }
0x52: {  	_ =	shalt  }
0x53: {  	_ =	shalt  }
0x54: {  	_ =	shalt  }
0x55: {  	_ =	shalt  }
0x56: {  	_ =	shalt  }
0x57: {  	_ =	shalt  }
0x58: {  	_ =	shalt  }
0x59: {  	_ =	shalt  }
0x5a: {  	_ =	shalt  }
0x5b: {  	_ =	shalt  }
0x5c: {  	_ =	shalt  }
0x5d: {  	_ =	shalt  }
0x5e: {  	_ =	shalt  }
0x5f: {  	_ =	shalt  }
0x60: {  	_ =	shalt  }
0x61: {  	_ =	shalt  }
0x62: {  	_ =	shalt  }
0x63: {  	_ =	shalt  }
0x64: {  	_ =	shalt  }
0x65: {  	_ =	shalt  }
0x66: {  	_ =	shalt  }
0x67: {  	_ =	shalt  }
0x68: {  	_ =	shalt  }
0x69: {  	_ =	shalt  }
0x6a: {  	_ =	shalt  }
0x6b: {  	_ =	shalt  }
0x6c: {  	_ =	shalt  }
0x6d: {  	_ =	shalt  }
0x6e: {  	_ =	shalt  }
0x6f: {  	_ =	shalt  }
0x70: {  	_ =	shalt  }
0x71: {  	_ =	shalt  }
0x72: {  	_ =	shalt  }
0x73: {  	_ =	shalt  }
0x74: {  	_ =	shalt  }
0x75: {  	_ =	shalt  }
0x76: {  	_ =	shalt  }
0x77: {  	_ =	shalt  }
0x78: {  	_ =	shalt  }
0x79: {  	_ =	shalt  }
0x7a: {  	_ =	shalt  }
0x7b: {  	_ =	shalt  }
0x7c: {  	_ =	shalt  }
0x7d: {  	_ =	shalt  }
0x7e: {  	_ =	shalt  }
0x7f: {  	_ =	shalt  }
0x80: {  	_ =	shalt  }
0x81: {  	_ =	shalt  }
0x82: {  	_ =	shalt  }
0x83: {  	_ =	shalt  }
0x84: {  	_ =	shalt  }
0x85: {  	_ =	shalt  }
0x86: {  	_ =	shalt  }
0x87: {  	_ =	shalt  }
.Lfunc_end0:
.L_simem_size_0:
called_computation.1_lowered:
.L_overlay_start_0:
0x88: {  	s2 =	sld [smem:$0x3FD9]  }
0x89: {  	s3 =	sld [smem:$0x3FFE];
	_ =	sdelay $0x1  }
0x8a: {  	s1 =	srdreg.scid  }
0x8b: {  	s0 =	sand.u32 $0x1, s1  }
0x8c: {  	s16 =	sshll.u32 s0, $0xA;
	s2 =	sadd.s32 s3, s2  }
0x8d: {  	s2 =	sadd.s32 s2, s16  }
0x8e: {  	[smem:$0x3FBB] =	sst s2  }
0x8f: {  	_ = 	snop  }
0x90: {  	(tm) =	ssettm $0x1  }
0x91: {  	s17 =	sld [smem:$0x3FFB];
	_ =	sdelay $0x3  }
0x92: {  	_ =	strace s17  }
0x93: {  	s2 =	sld [smem:$0x3FFC];
	_ =	sdelay $0x3  }
0x94: {  	_ =	strace s2  }
0x95: {  	s2 =	sld [smem:$0x3FFD];
	_ =	sdelay $0x3  }
0x96: {  	_ =	strace s2  }
0x97: {  	_ =	strace $0x8FFFFFFF  }
0x98: {  	s18 =	sld [smem:$0x3FDB];
	_ =	sdelay $0x1  }
0x99: {  	s19 =	simm.s32 $_scs_section_size  }
0x9a: {  	s4 =	simm.s32 $_size__tile_overlayer_lowered;
	s5 =	simm.s32 $_tile_overlayer_lowered  }
0x9b: {  	s22 =	simm.s32 $0x1BFF;
	s21 =	sshll.u32 s5, $0x1;
	s2 =	sadd.s32 s19, s18  }
0x9c: {  	s6 =	simm.s32 $0x0;
	s20 =	sshll.u32 s4, $0x1;
	s4 =	sadd.s32 s21, s2  }
0x9d: {  	[timem:s6], [sflag:s22] =	dma.local [hbm:s4], s20  }
0x9e: {  	_ =	swait.ge [sflag:s22], s20  }
0x9f: {  	s3 =	ssub.s32 $0x0, s20;
	[sflag:s22] =	ssyncset.done $0x0  }
0xa0: {  	[sflag:s22] =	ssyncadd.s32 s3;
	_ =	sdelay $0x1  }
0xa1: {  	s23 =	simm.s32 $0x1B8B  }
0xa2: {  	_ =	swait.ge [sflag:s23], $0x1  }
0xa3: {  	[sflag:s23] =	ssyncset.done $0x0  }
0xa4: {  	s25 =	simm.s32 $0x1B8E;
	s24 =	sld [smem:$0x3FFE];
	[sflag:s23] =	ssyncadd.s32 $0xFFFFFFFF  }
0xa5: {  	s26 =	simm.s32 $execute0_lowered;
	[smem:$0x3FD2] =	sst s25  }
0xa6: {  	s4 =	sshll.u32 s26, $0x1;
	_ =	strace $0x80000046;
	[dreg:$0x1] =	wrdreg $0xFFFFFFFF  }
0xa7: {  	s28 =	simm.s32 $_size_execute0_lowered;
	s2 =	sadd.s32 s2, s4;
	[dreg:$0x0] =	wrdreg $0x0  }
0xa8: {  	s4 =	sshll.u32 s28, $0x1;
	[dreg:$0x2] =	wrdreg s2  }
0xa9: {  	[dreg:$0x3] =	wrdreg s4  }
0xaa: {  	[dreg:$0x4] =	wrdreg $0xC0  }
0xab: {  	_ =	task [dreg:s6], $0x5FFFF  }
0xac: {  	[dreg:$0x1] =	wrdreg $0xFFFFFFFF  }
0xad: {  	[dreg:$0x0] =	wrdreg $0x60  }
0xae: {  	[dreg:$0x2] =	wrdreg s24  }
0xaf: {  	[dreg:$0x3] =	wrdreg $0x9  }
0xb0: {  	_ =	task.clear_ibuf [dreg:s6], $0x4FFFF;
	_ =	strace $0x90000046  }
0xb1: {  	s29 =	simm.s32 $0x9;
	_ =	strace $0x80000048  }
0xb2: {  	_ =	swait.ge [sflag:s29], $0x1  }
0xb3: {  	[sflag:s29] =	ssyncadd.s32 $0xFFFFFFFF  }
0xb4: {  	_ =	strace $0x90000048  }
0xb5: {  	_ =	sfence  }
0xb6: {  	s30 =	sld [smem:$0x0];
	_ =	sdelay $0x2  }
0xb7: {  	s31 =	sshll.u32 s1, $0xD;
	s1 =	sshrl.u32 s1, $0x2  }
0xb8: {  	s3 =	sand.u32 $0x4000, s31;
	s1 =	sadd.s32 s1, s30  }
0xb9: {  	s0 =	sor.u32 s3, s0;
	s1 =	sshll.u32 s1, $0x11  }
0xba: {  	s0 =	sor.u32 s1, s0  }
0xbb: {  	s0 =	sadd.s32 $0x8F2B, s0  }
0xbc: {  	[sflag:s0] =	ssyncadd.remote.s32 $0x1  }
0xbd: {  	_ =	sfence.sel $0xFFFF  }
0xbe: {  	[dreg:$0x0] =	wrdreg $0xFFFFFFFF;
	(pc) =	sbr.abs _section_cstart, $3  }
0xbf: {  	[dreg:$0x1] =	wrdreg $0xFFFFFFFF  }
0xc0: {  	_ =	task.clear_ibuf [dreg:s6], $0x2FFFF;
	_ =	strace $0x9FFFFFFF  }
0xc1: {  	(tm) =	ssettm $0x7FFFFFFF  }
tec
execute0_lowered:
.L_overlay_start_1:
0x0: {  	(tag) =	ssettag $0x1  }
0x1: {  	s0 =	srdreg.scid  }
0x2: {  	s5 =	rddreg [dreg:$0x0];
	s3 =	sand.u32 $0x1, s0  }
0x3: {  	s2 =	simm.s32 $0x0;
	s0 =	stileid.u32;
	s1 =	sshll.u32 s3, $0x4  }
0x4: {  	s8 =	simm.s32 $0x1;
	s9 =	simm.s32 $0x1400;
	s4 =	sor.u32 s0, s1  }
0x5: {  	s10 =	simm.s32 $0x0;
	s1 =	sshrl.u32 s4, $0x3;
	s4 =	smul.u32 $0x500, s4  }
0x6: {  	s7 =	sshll.u32 s0, $0x7;
	s3 =	ssub.s32 $0x2, s3;
	s6 =	smul.u32 $0xA000, s1  }
0x7: {  	[smem:$0x7FF] =	sst s2;
	s7 =	sand.u32 $0x380, s7;
	s31 =	sshrl.u32 s3, $0x1  }
0x8: {  	s1 =	rddreg [dreg:$0x1];
	s4 =	sadd.s32 s4, s5;
	s6 =	sor.u32 s7, s6  }
0x9: {  	_ =	strace $0x80000047;
	s4 =	sadd.s32 $0x9600, s4;
	s6 =	sshrl.u32 s6, $0x3  }
0xa: {  	s7 =	simm.s32 $0x400;
	s6 =	sadd.s32 s6, s5;
	s5 =	ssub.s32 s3, s31  }
0xb: {  	v0 =	vimm.f32 $0.0e+00;
	vm0 =	vcmask $0x3F20;
	s3 =	sadd.s32 $0x4600, s6;
	s5 =	smax.u32 s5, $0x1;
	s6 =	simm.s32 $0x80  }
.LBB2_1:
0xc: {  	[tilespmem:s2], [sflag:$0x1] =	stream.strided.gather [hbm4b:s3+s6], $0x1400, s7, s6, $0x38;
	[tilespmem:$0x3C00] =	vst v63  }
0xd: {  	_ =	swait.ge [sflag:s8], $0x1400  }
0xe: {  	[sflag:s8] =	ssyncset.done $0x0  }
0xf: {  	s11 =	simm.s32 $0x0;
	[sflag:s8] =	ssyncadd.s32 $0xFFFFEC00  }
.LBB2_2:
0x10: {  	p0 =	sne.s32 s11, $0x9FC0  }
.Ltmp0:
0x11: {  	_ = 	snop;
	(pc) =	sbr.rel @p0 .LBB2_2-.Ltmp0, $3  }
0x12: {  	_ =	sdelay $0x1  }
0x13: {  	s12 =	sshra.s32 s11, $0x2  }
0x14: {  	s11 =	sadd.s32 $0x40, s11;
	[tilespmem:s12+$0x1400] =	vst v0  }
0x15: {  	s11 =	simm.s32 $0x0  }
0x16: {  	v1 =	vld [tilespmem:s11+$0x0];
	_ =	sdelay $0x4  }
0x17: {  	(xrf1) =	vunique.msk.u32 $0xffff, v1;
	_ =	sdelay $0xd  }
0x18: {  	_, v2, vm1 =	vpop (xrf1);
	_ =	sdelay $0x5  }
0x19: {  	v3 =	vld.idx.msk [tilespmem:v1+s9+$0x0], vm1;
	_ =	sdelay $0x2  }
0x1a: {  	v2 =	vcvt.s32.f32 v2;
	_ =	sdelay $0x1  }
0x1b: {  	s12 =	simm.s32 $0x80;
	s11 =	simm.s32 $0x40;
	v2 =	vadd.f32 v2, v3  }
.LBB2_4:
0x1c: {  	p0 =	sne.s32 s12, $0x4DC0  }
0x1d: {  	s13 =	sshra.s32 s11, $0x2;
	s11 =	smov.u32 s12;
	s12 =	sadd.s32 $0x40, s12;
	[tilespmem:v1+s9+$0x0] =	vst.idx.msk vm1, v2  }
0x1e: {  	v1 =	vld [tilespmem:s13+$0x0];
	_ =	sdelay $0x4  }
0x1f: {  	(xrf1) =	vunique.msk.u32 $0xffff, v1;
	_ =	sdelay $0xd  }
0x20: {  	_, v2, vm1 =	vpop (xrf1);
	_ =	sdelay $0x5  }
0x21: {  	v3 =	vld.idx.msk [tilespmem:v1+s9+$0x0], vm1;
	_ =	sdelay $0x1  }
.Ltmp1:
0x22: {  	(pc) =	sbr.rel @p0 .LBB2_4-.Ltmp1, $3  }
0x23: {  	_ = 	snop  }
0x24: {  	v2 =	vcvt.s32.f32 v2;
	_ =	sdelay $0x1  }
0x25: {  	v2 =	vadd.f32 v2, v3  }
0x26: {  	_ =	sdelay $0x4  }
0x27: {  	s11 =	sshra.s32 s11, $0x2;
	[tilespmem:v1+s9+$0x0] =	vst.idx.msk vm1, v2  }
0x28: {  	v1 =	vld [tilespmem:s11+$0x0];
	_ =	sdelay $0x4  }
0x29: {  	(xrf1) =	vunique.msk.u32 $0xffff, v1;
	_ =	sdelay $0xd  }
0x2a: {  	_, v2, vm1 =	vpop (xrf1);
	_ =	sdelay $0x5  }
0x2b: {  	v3 =	vld.idx.msk [tilespmem:v1+s9+$0x0], vm1;
	_ =	sdelay $0x2  }
0x2c: {  	v2 =	vcvt.s32.f32 v2;
	_ =	sdelay $0x1  }
0x2d: {  	v2 =	vadd.f32 v2, v3;
	_ =	sdelay $0x1  }
0x2e: {  	[tilespmem:v1+s9+$0x0] =	vst.idx.msk vm1, v2  }
0x2f: {  	v1 =	vld [tilespmem:$0x1378];
	_ =	sdelay $0x4  }
0x30: {  	(xrf1) =	vunique.msk.u32 vm0, v1;
	_ =	sdelay $0xd  }
0x31: {  	_, v2, vm1 =	vpop (xrf1);
	_ =	sdelay $0x5  }
0x32: {  	v3 =	vld.idx.msk [tilespmem:v1+s9+$0x0], vm1;
	_ =	sdelay $0x2  }
0x33: {  	v2 =	vcvt.s32.f32 v2;
	_ =	sdelay $0x1  }
0x34: {  	s10 =	sadd.s32 $0x1, s10;
	v2 =	vadd.f32 v2, v3  }
0x35: {  	p0 =	sne.s32 s10, s5  }
.Ltmp2:
0x36: {  	[tilespmem:v1+s9+$0x0] =	vst.idx.msk vm1, v2;
	(pc) =	sbr.rel @p0 .LBB2_1-.Ltmp2, $4  }
0x37: {  	[hbm4b:s4+s2] =	stream.linear.scatter [tilespmem:s9], [sflag:$0x1], $0x2800, $0x38;
	[tilespmem:$0x3C00] =	vst v63  }
0x38: {  	_ =	swait.ge [sflag:s8], $0x2800  }
0x39: {  	[sflag:s8] =	ssyncset.done $0x0  }
0x3a: {  	[sflag:s8] =	ssyncadd.s32 $0xFFFFD800  }
0x3b: {  	_ =	sfence.sel $0x180000  }
0x3c: {  	[bflag:$0x0] =	sbarrier.arrive $0xFFFF  }
0x3d: {  	p0 =	sne.s32 s0, $0x0;
	_ =	strace $0x90000047  }
0x3e: {  	s0 =	sadd.s32 @!p0 $0x100000, s1;
	[bflag:$0x2] =	sbarrier.arrive $0xFFFF  }
0x3f: {  	[sflag:s0] =	ssyncadd.tile.s32 @!p0 $0x1;
	_ =	shalt  }
.Lfunc_end2:
_tile_overlayer_lowered:
.L_overlay_start_2:
0x40: {  	(tag) =	ssettag $0x2  }
0x41: {  	s0 =	rddreg [dreg:$0x0];
	s2 =	stileid.u32  }
0x42: {  	s1 =	rddreg [dreg:$0x1];
	p0 =	sne.s32 s2, $0x0  }
0x43: {  	s3 =	rddreg [dreg:$0x2];
	[bflag:$0x3] =	sbarrier.arrive $0xFFFF;
	s2 =	simm.s32 @!p0 $0x1C01  }
0x44: {  	[timem:s3], [sflag:s2] =	dma.local @!p0 [hbm:s0], s1  }
0x45: {  	s0 =	simm.s32 @!p0 $0x1  }
0x46: {  	_ =	swait.ge @!p0 [sflag:s0], s1  }
0x47: {  	s1 =	ssub.s32 @!p0 $0x0, s1;
	[sflag:s0] =	ssyncset.done @!p0 $0x0  }
0x48: {  	[sflag:s0] =	ssyncadd.s32 @!p0 s1  }
0x49: {  	[bflag:$0x3] =	sbarrier.arrive $0xFFFF  }
0x4a: {  	_ =	shalt  }

// kernel: kernel.14.cloned.1.call-start
scs
__scs_entry_jumppad:
0x0: {  	(pc) =	sbr.rel $0x88, $3  }
0x1: {  	(tag) =	ssettag $0x0;
	lr =	simm.s32 $0x1  }
0x2: {  	[smem:$0x3F94] =	sst lr;
	_ =	strace $0xD0000000  }
0x3: {  	_ = 	snop  }
0x4: {  	_ = 	snop  }
0x5: {  	_ = 	snop  }
0x6: {  	_ = 	snop  }
0x7: {  	_ = 	snop  }
__scs_overlays_trampoline_lowered:
0x8: {  	[smem:$0x3FA3] =	sst s0  }
0x9: {  	[smem:$0x3FA4] =	sst s1  }
0xa: {  	[smem:$0x3FA5] =	sst s2  }
0xb: {  	[smem:$0x3FA6] =	sst s3  }
0xc: {  	[smem:$0x3FA7] =	sst s4  }
0xd: {  	[smem:$0x3FA8] =	sst s5  }
0xe: {  	[smem:$0x3FA9] =	sst s6  }
0xf: {  	[smem:$0x3FAA] =	sst s7  }
0x10: {  	[smem:$0x3FAB] =	sst s8  }
0x11: {  	[smem:$0x3FAC] =	sst s9;
	s0 =	simm.s32 @!p0 $0x0  }
0x12: {  	s1 =	sld [smem:$0x3F92];
	s0 =	simm.s32 @p0 $0x1  }
0x13: {  	[smem:$0x3FAD] =	sst s0;
	s0 =	simm.s32 @!p1 $0x0  }
0x14: {  	s2 =	sld [smem:$0x3F91];
	s0 =	simm.s32 @p1 $0x1  }
0x15: {  	[smem:$0x3FAE] =	sst s0;
	s0 =	simm.s32 @!p2 $0x0  }
0x16: {  	s3 =	sld [smem:$0x3FDB];
	s0 =	simm.s32 @p2 $0x1  }
0x17: {  	s4 =	simm.s32 $0x1BF5;
	[smem:$0x3FB0] =	sst s0  }
0x18: {  	s0 =	sld [smem:$0x3F93];
	_ =	swait.ge [sflag:s4], $0x0  }
0x19: {  	s7 =	sld [smem:$0x3F94]  }
0x1a: {  	s8 =	sadd.s32 $0xFFFFE003, lr  }
0x1b: {  	s9 =	sadd.s32 $0xFFFFFEF7, lr;
	s5 =	simm.s32 $0xFFFFFFFF;
	p2 =	slt.u32 s8, $0xFFFFF086  }
0x1c: {  	p1 =	slt.u32 s9, $0xF7A;
	s5 =	simm.s32 @!p2 $0x0  }
0x1d: {  	s5 =	simm.s32 @p1 $0x1;
	p0 =	seq.s32 s7, s2  }
0x1e: {  	s7 =	smul.u32 @!p0 $0xF7A, s2;
	p2 =	seq.s32 @!p0 s5, $0x0  }
0x1f: {  	s9 =	smul.u32 $0xF7A, s1;
	s8 =	simm.s32 @!p0 $0x1BF5;
	p2 =	por !p2, p0  }
0x20: {  	[sflag:s8] =	ssyncset.s32 @!p0 $0xFFFFF086;
	s6 =	sadd.s32 @!p0 s3, s7;
	s7 =	simm.s32 @!p0 $0x108  }
0x21: {  	s3 =	sadd.s32 s3, s9;
	s6 =	sadd.s32 @!p0 $0x88, s6;
	s7 =	simm.s32 @p2 $0x1082  }
0x22: {  	[simem:s7], [sflag:s8] =	dma.local @!p0 [hbm:s6], $0xF7A  }
0x23: {  	s9 =	sor.u32 $0xD0000000, s2;
	s6 =	simm.s32 $0x108;
	_ =	swait.ge @!p0 [sflag:s8], $0x0  }
0x24: {  	s3 =	sadd.s32 $0x88, s3;
	s6 =	simm.s32 @!p1 $0x1082;
	[sflag:s4] =	ssyncset.s32 $0xFFFFF086  }
0x25: {  	[simem:s6], [sflag:s4] =	dma.local [hbm:s3], $0xF7A  }
0x26: {  	[smem:$0x3F94] =	sst s1;
	(tag) =	ssettag s2;
	_ =	strace s9  }
0x27: {  	s1 =	sld [smem:$0x3FA4]  }
0x28: {  	s2 =	sld [smem:$0x3FA5]  }
0x29: {  	s4 =	sld [smem:$0x3FA7]  }
0x2a: {  	p0 =	seq.s32 s5, $0x0;
	s5 =	sld [smem:$0x3FA8]  }
0x2b: {  	s6 =	sld [smem:$0x3FA9]  }
0x2c: {  	s7 =	sld [smem:$0x3FAA]  }
0x2d: {  	s3 =	simm.s32 $0x108;
	s8 =	sld [smem:$0x3FAB]  }
0x2e: {  	s3 =	simm.s32 @!p0 $0x1082;
	s9 =	sld [smem:$0x3FAC]  }
0x2f: {  	lr =	sadd.s32 s0, s3;
	s0 =	sld [smem:$0x3FA3]  }
0x30: {  	s3 =	sld [smem:$0x3FA6]  }
0x31: {  	[smem:$0x3FAF] =	sst s10  }
0x32: {  	s10 =	sld [smem:$0x3FAD];
	_ =	sdelay $0x3  }
0x33: {  	p0 =	seq.s32 s10, $0x1;
	s10 =	sld [smem:$0x3FAF];
	_ =	sdelay $0x3  }
0x34: {  	[smem:$0x3FAF] =	sst s10  }
0x35: {  	s10 =	sld [smem:$0x3FAE];
	_ =	sdelay $0x3  }
0x36: {  	p1 =	seq.s32 s10, $0x1;
	s10 =	sld [smem:$0x3FAF];
	_ =	sdelay $0x3  }
0x37: {  	[smem:$0x3FAF] =	sst s10  }
0x38: {  	s10 =	sld [smem:$0x3FB0]  }
0x39: {  	_ = 	snop;
	(pc) =	sbr.ind lr, $3  }
0x3a: {  	_ = 	snop  }
0x3b: {  	_ = 	snop  }
0x3c: {  	p2 =	seq.s32 s10, $0x1;
	s10 =	sld [smem:$0x3FAF]  }
0x3d: {  	_ =	shalt  }
0x3e: {  	_ =	shalt  }
0x3f: {  	_ =	shalt  }
0x40: {  	_ =	shalt  }
0x41: {  	_ =	shalt  }
0x42: {  	_ =	shalt  }
0x43: {  	_ =	shalt  }
0x44: {  	_ =	shalt  }
0x45: {  	_ =	shalt  }
0x46: {  	_ =	shalt  }
0x47: {  	_ =	shalt  }
0x48: {  	_ =	shalt  }
0x49: {  	_ =	shalt  }
0x4a: {  	_ =	shalt  }
0x4b: {  	_ =	shalt  }
0x4c: {  	_ =	shalt  }
0x4d: {  	_ =	shalt  }
0x4e: {  	_ =	shalt  }
0x4f: {  	_ =	shalt  }
0x50: {  	_ =	shalt  }
0x51: {  	_ =	shalt  }
0x52: {  	_ =	shalt  }
0x53: {  	_ =	shalt  }
0x54: {  	_ =	shalt  }
0x55: {  	_ =	shalt  }
0x56: {  	_ =	shalt  }
0x57: {  	_ =	shalt  }
0x58: {  	_ =	shalt  }
0x59: {  	_ =	shalt  }
0x5a: {  	_ =	shalt  }
0x5b: {  	_ =	shalt  }
0x5c: {  	_ =	shalt  }
0x5d: {  	_ =	shalt  }
0x5e: {  	_ =	shalt  }
0x5f: {  	_ =	shalt  }
0x60: {  	_ =	shalt  }
0x61: {  	_ =	shalt  }
0x62: {  	_ =	shalt  }
0x63: {  	_ =	shalt  }
0x64: {  	_ =	shalt  }
0x65: {  	_ =	shalt  }
0x66: {  	_ =	shalt  }
0x67: {  	_ =	shalt  }
0x68: {  	_ =	shalt  }
0x69: {  	_ =	shalt  }
0x6a: {  	_ =	shalt  }
0x6b: {  	_ =	shalt  }
0x6c: {  	_ =	shalt  }
0x6d: {  	_ =	shalt  }
0x6e: {  	_ =	shalt  }
0x6f: {  	_ =	shalt  }
0x70: {  	_ =	shalt  }
0x71: {  	_ =	shalt  }
0x72: {  	_ =	shalt  }
0x73: {  	_ =	shalt  }
0x74: {  	_ =	shalt  }
0x75: {  	_ =	shalt  }
0x76: {  	_ =	shalt  }
0x77: {  	_ =	shalt  }
0x78: {  	_ =	shalt  }
0x79: {  	_ =	shalt  }
0x7a: {  	_ =	shalt  }
0x7b: {  	_ =	shalt  }
0x7c: {  	_ =	shalt  }
0x7d: {  	_ =	shalt  }
0x7e: {  	_ =	shalt  }
0x7f: {  	_ =	shalt  }
0x80: {  	_ =	shalt  }
0x81: {  	_ =	shalt  }
0x82: {  	_ =	shalt  }
0x83: {  	_ =	shalt  }
0x84: {  	_ =	shalt  }
0x85: {  	_ =	shalt  }
0x86: {  	_ =	shalt  }
0x87: {  	_ =	shalt  }
.Lfunc_end0:
.L_simem_size_0:
called_computation.2_lowered:
.L_overlay_start_0:
0x88: {  	s2 =	sld [smem:$0x3FD9]  }
0x89: {  	s3 =	sld [smem:$0x3FFE];
	_ =	sdelay $0x1  }
0x8a: {  	s1 =	srdreg.scid  }
0x8b: {  	s0 =	sand.u32 $0x1, s1  }
0x8c: {  	s16 =	sshll.u32 s0, $0xA;
	s2 =	sadd.s32 s3, s2  }
0x8d: {  	s2 =	sadd.s32 s2, s16  }
0x8e: {  	[smem:$0x3FBB] =	sst s2  }
0x8f: {  	_ = 	snop  }
0x90: {  	(tm) =	ssettm $0x1  }
0x91: {  	s17 =	sld [smem:$0x3FFB];
	_ =	sdelay $0x3  }
0x92: {  	_ =	strace s17  }
0x93: {  	s2 =	sld [smem:$0x3FFC];
	_ =	sdelay $0x3  }
0x94: {  	_ =	strace s2  }
0x95: {  	s2 =	sld [smem:$0x3FFD];
	_ =	sdelay $0x3  }
0x96: {  	_ =	strace s2  }
0x97: {  	_ =	strace $0x8FFFFFFF  }
0x98: {  	s18 =	sld [smem:$0x3FDB];
	_ =	sdelay $0x1  }
0x99: {  	s19 =	simm.s32 $_scs_section_size  }
0x9a: {  	s4 =	simm.s32 $_size__tile_overlayer_lowered;
	s5 =	simm.s32 $_tile_overlayer_lowered  }
0x9b: {  	s22 =	simm.s32 $0x1BFF;
	s21 =	sshll.u32 s5, $0x1;
	s2 =	sadd.s32 s19, s18  }
0x9c: {  	s6 =	simm.s32 $0x0;
	s20 =	sshll.u32 s4, $0x1;
	s4 =	sadd.s32 s21, s2  }
0x9d: {  	[timem:s6], [sflag:s22] =	dma.local [hbm:s4], s20  }
0x9e: {  	_ =	swait.ge [sflag:s22], s20  }
0x9f: {  	s3 =	ssub.s32 $0x0, s20;
	[sflag:s22] =	ssyncset.done $0x0  }
0xa0: {  	[sflag:s22] =	ssyncadd.s32 s3;
	_ =	sdelay $0x1  }
0xa1: {  	s23 =	simm.s32 $0x1B8B  }
0xa2: {  	_ =	swait.ge [sflag:s23], $0x1  }
0xa3: {  	[sflag:s23] =	ssyncset.done $0x0  }
0xa4: {  	s25 =	simm.s32 $0x1B8E;
	s24 =	sld [smem:$0x3FFE];
	[sflag:s23] =	ssyncadd.s32 $0xFFFFFFFF  }
0xa5: {  	s26 =	simm.s32 $execute0_lowered;
	[smem:$0x3FD2] =	sst s25  }
0xa6: {  	s4 =	sshll.u32 s26, $0x1;
	_ =	strace $0x80000049;
	[dreg:$0x1] =	wrdreg $0xFFFFFFFF  }
0xa7: {  	s28 =	simm.s32 $_size_execute0_lowered;
	s2 =	sadd.s32 s2, s4;
	[dreg:$0x0] =	wrdreg $0x0  }
0xa8: {  	s4 =	sshll.u32 s28, $0x1;
	[dreg:$0x2] =	wrdreg s2  }
0xa9: {  	[dreg:$0x3] =	wrdreg s4  }
0xaa: {  	[dreg:$0x4] =	wrdreg $0xC0  }
0xab: {  	_ =	task [dreg:s6], $0x5FFFF  }
0xac: {  	[dreg:$0x1] =	wrdreg $0xFFFFFFFF  }
0xad: {  	[dreg:$0x0] =	wrdreg $0x60  }
0xae: {  	[dreg:$0x2] =	wrdreg s24  }
0xaf: {  	[dreg:$0x3] =	wrdreg $0xA  }
0xb0: {  	_ =	task.clear_ibuf [dreg:s6], $0x4FFFF;
	_ =	strace $0x90000049  }
0xb1: {  	s29 =	simm.s32 $0xA;
	_ =	strace $0x8000004B  }
0xb2: {  	_ =	swait.ge [sflag:s29], $0x1  }
0xb3: {  	[sflag:s29] =	ssyncadd.s32 $0xFFFFFFFF  }
0xb4: {  	_ =	strace $0x9000004B  }
0xb5: {  	_ =	sfence  }
0xb6: {  	s30 =	sld [smem:$0x0];
	_ =	sdelay $0x2  }
0xb7: {  	s31 =	sshll.u32 s1, $0xD;
	s1 =	sshrl.u32 s1, $0x2  }
0xb8: {  	s3 =	sand.u32 $0x4000, s31;
	s1 =	sadd.s32 s1, s30  }
0xb9: {  	s0 =	sor.u32 s3, s0;
	s1 =	sshll.u32 s1, $0x11  }
0xba: {  	s0 =	sor.u32 s1, s0  }
0xbb: {  	s0 =	sadd.s32 $0x8F2B, s0  }
0xbc: {  	[sflag:s0] =	ssyncadd.remote.s32 $0x1  }
0xbd: {  	_ =	sfence.sel $0xFFFF  }
0xbe: {  	[dreg:$0x0] =	wrdreg $0xFFFFFFFF;
	(pc) =	sbr.abs _section_cstart, $3  }
0xbf: {  	[dreg:$0x1] =	wrdreg $0xFFFFFFFF  }
0xc0: {  	_ =	task.clear_ibuf [dreg:s6], $0x2FFFF;
	_ =	strace $0x9FFFFFFF  }
0xc1: {  	(tm) =	ssettm $0x7FFFFFFF  }
tec
execute0_lowered:
.L_overlay_start_1:
0x0: {  	(tag) =	ssettag $0x1  }
0x1: {  	s1 =	srdreg.scid;
	s0 =	stileid.u32  }
0x2: {  	s19 =	rddreg [dreg:$0x0];
	s2 =	simm.s32 $0x0;
	s21 =	simm.s32 $0x4C00  }
0x3: {  	s23 =	simm.s32 $0x0;
	s15 =	sand.u32 $0x1, s1;
	s1 =	rddreg [dreg:$0x1]  }
0x4: {  	s18 =	smul.u32 $0x280, s0;
	[smem:$0x7FF] =	sst s2;
	s11 =	sadd.s32 $0x9600, s19  }
0x5: {  	s3 =	smul.u32 $0x28000, s15;
	s4 =	ssub.s32 $0x2, s15;
	p0 =	seq.s32 s15, $0x1  }
0x6: {  	_ =	strace $0x8000004A;
	s31 =	sshrl.u32 s4, $0x1;
	s21 =	simm.s32 @!p0 $0x4600  }
0x7: {  	s22 =	sshrl.u32 s18, $0x3;
	s9 =	sor.u32 s18, s3;
	s20 =	ssub.s32 s4, s31  }
0x8: {  	s21 =	sadd.s32 s21, s19;
	s5 =	sshrl.u32 s9, $0x3;
	s12 =	sadd.s32 $0x14000, s9  }
0x9: {  	s19 =	smax.u32 s20, $0x1;
	s20 =	sadd.s32 s21, s22;
	s21 =	simm.s32 $0x1  }
0xa: {  	s22 =	simm.s32 $0x280;
	s3 =	sadd.s32 s11, s5;
	s12 =	sshrl.u32 s12, $0x3  }
0xb: {  	s4 =	sadd.s32 $0x500, s3;
	s5 =	sadd.s32 $0xA00, s3;
	s6 =	sadd.s32 $0xF00, s3  }
0xc: {  	s7 =	sadd.s32 $0x1400, s3;
	s8 =	sadd.s32 $0x1900, s3;
	s9 =	sadd.s32 $0x1E00, s3  }
0xd: {  	s10 =	sadd.s32 $0x2300, s3;
	s11 =	sadd.s32 s11, s12;
	s12 =	sadd.s32 $0x2D00, s3  }
0xe: {  	s13 =	sadd.s32 $0x3200, s3;
	s14 =	sadd.s32 $0x3700, s3;
	s15 =	sadd.s32 $0x3C00, s3  }
0xf: {  	v0 =	vimm.f32 $0.0e+00;
	s16 =	sadd.s32 $0x4100, s3;
	s17 =	sadd.s32 $0x4600, s3;
	s18 =	sadd.s32 $0x4B00, s3  }
.LBB2_1:
0x10: {  	[tilespmem:$0x280] =	vst v0  }
0x11: {  	[tilespmem:$0x290] =	vst v0  }
0x12: {  	[tilespmem:$0x2A0] =	vst v0  }
0x13: {  	[tilespmem:$0x2B0] =	vst v0  }
0x14: {  	[tilespmem:$0x2C0] =	vst v0  }
0x15: {  	[tilespmem:$0x2D0] =	vst v0  }
0x16: {  	[tilespmem:$0x2E0] =	vst v0  }
0x17: {  	[tilespmem:$0x2F0] =	vst v0  }
0x18: {  	[tilespmem:$0x300] =	vst v0  }
0x19: {  	[tilespmem:$0x310] =	vst v0  }
0x1a: {  	[tilespmem:$0x320] =	vst v0  }
0x1b: {  	[tilespmem:$0x330] =	vst v0  }
0x1c: {  	[tilespmem:$0x340] =	vst v0  }
0x1d: {  	[tilespmem:$0x350] =	vst v0  }
0x1e: {  	[tilespmem:$0x360] =	vst v0  }
0x1f: {  	[tilespmem:$0x370] =	vst v0  }
0x20: {  	[tilespmem:$0x380] =	vst v0  }
0x21: {  	[tilespmem:$0x390] =	vst v0  }
0x22: {  	[tilespmem:$0x3A0] =	vst v0  }
0x23: {  	[tilespmem:$0x3B0] =	vst v0  }
0x24: {  	[tilespmem:$0x3C0] =	vst v0  }
0x25: {  	[tilespmem:$0x3D0] =	vst v0  }
0x26: {  	[tilespmem:$0x3E0] =	vst v0  }
0x27: {  	[tilespmem:$0x3F0] =	vst v0  }
0x28: {  	[tilespmem:$0x400] =	vst v0  }
0x29: {  	[tilespmem:$0x410] =	vst v0  }
0x2a: {  	[tilespmem:$0x420] =	vst v0  }
0x2b: {  	[tilespmem:$0x430] =	vst v0  }
0x2c: {  	[tilespmem:$0x440] =	vst v0  }
0x2d: {  	[tilespmem:$0x450] =	vst v0  }
0x2e: {  	[tilespmem:$0x460] =	vst v0  }
0x2f: {  	[tilespmem:$0x470] =	vst v0  }
0x30: {  	[tilespmem:$0x480] =	vst v0  }
0x31: {  	[tilespmem:$0x490] =	vst v0  }
0x32: {  	[tilespmem:$0x4A0] =	vst v0  }
0x33: {  	[tilespmem:$0x4B0] =	vst v0  }
0x34: {  	[tilespmem:$0x4C0] =	vst v0  }
0x35: {  	[tilespmem:$0x4D0] =	vst v0  }
0x36: {  	[tilespmem:$0x4E0] =	vst v0  }
0x37: {  	[tilespmem:$0x4F0] =	vst v0  }
0x38: {  	[tilespmem:s2], [sflag:$0x1] =	stream.linear.gather [hbm4b:s3+s2], $0x280, $0x38;
	[tilespmem:$0x500] =	vst v63  }
0x39: {  	_ =	swait.ge [sflag:s21], $0x280  }
0x3a: {  	[sflag:s21] =	ssyncset.done $0x0  }
0x3b: {  	s24 =	simm.s32 $0x0;
	[sflag:s21] =	ssyncadd.s32 $0xFFFFFD80  }
0x3c: {  	s25 =	simm.s32 $0x40;
	v1 =	vld [tilespmem:s24+$0x0]  }
.LBB2_2:
0x3d: {  	p0 =	sne.s32 s25, $0x9C0;
	v2 =	vld [tilespmem:s24+$0x280];
	_ =	sdelay $0x2  }
.Ltmp0:
0x3e: {  	(pc) =	sbr.rel @p0 .LBB2_2-.Ltmp0, $4  }
0x3f: {  	_ = 	snop  }
0x40: {  	v2 =	vadd.f32 v1, v2  }
0x41: {  	s26 =	sshra.s32 s25, $0x2  }
0x42: {  	s25 =	sadd.s32 $0x40, s25;
	v1 =	vld [tilespmem:s26+$0x0];
	[tilespmem:s24+$0x280] =	vst v2;
	s24 =	smov.u32 s26  }
0x43: {  	v2 =	vld [tilespmem:s24+$0x280];
	_ =	sdelay $0x4  }
0x44: {  	v1 =	vadd.f32 v1, v2;
	_ =	sdelay $0x1  }
0x45: {  	s31 =	simm.s32 $0x0;
	[tilespmem:s24+$0x280] =	vst v1  }
0x46: {  	[tilespmem:s31], [sflag:$0x1] =	stream.linear.gather [hbm4b:s4+s31], $0x280, $0x38;
	[tilespmem:$0x500] =	vst v63  }
0x47: {  	_ =	swait.ge [sflag:s21], $0x280  }
0x48: {  	[sflag:s21] =	ssyncset.done $0x0  }
0x49: {  	s24 =	simm.s32 $0x0;
	[sflag:s21] =	ssyncadd.s32 $0xFFFFFD80  }
0x4a: {  	s25 =	simm.s32 $0x40;
	v1 =	vld [tilespmem:s24+$0x0]  }
.LBB2_4:
0x4b: {  	p0 =	sne.s32 s25, $0x9C0;
	v2 =	vld [tilespmem:s24+$0x280];
	_ =	sdelay $0x2  }
.Ltmp1:
0x4c: {  	(pc) =	sbr.rel @p0 .LBB2_4-.Ltmp1, $4  }
0x4d: {  	_ = 	snop  }
0x4e: {  	v2 =	vadd.f32 v1, v2  }
0x4f: {  	s26 =	sshra.s32 s25, $0x2  }
0x50: {  	s25 =	sadd.s32 $0x40, s25;
	v1 =	vld [tilespmem:s26+$0x0];
	[tilespmem:s24+$0x280] =	vst v2;
	s24 =	smov.u32 s26  }
0x51: {  	v2 =	vld [tilespmem:s24+$0x280];
	_ =	sdelay $0x4  }
0x52: {  	v1 =	vadd.f32 v1, v2;
	_ =	sdelay $0x1  }
0x53: {  	s31 =	simm.s32 $0x0;
	[tilespmem:s24+$0x280] =	vst v1  }
0x54: {  	[tilespmem:s31], [sflag:$0x1] =	stream.linear.gather [hbm4b:s5+s31], $0x280, $0x38;
	[tilespmem:$0x500] =	vst v63  }
0x55: {  	_ =	swait.ge [sflag:s21], $0x280  }
0x56: {  	[sflag:s21] =	ssyncset.done $0x0  }
0x57: {  	s24 =	simm.s32 $0x0;
	[sflag:s21] =	ssyncadd.s32 $0xFFFFFD80  }
0x58: {  	s25 =	simm.s32 $0x40;
	v1 =	vld [tilespmem:s24+$0x0]  }
.LBB2_6:
0x59: {  	p0 =	sne.s32 s25, $0x9C0;
	v2 =	vld [tilespmem:s24+$0x280];
	_ =	sdelay $0x2  }
.Ltmp2:
0x5a: {  	(pc) =	sbr.rel @p0 .LBB2_6-.Ltmp2, $4  }
0x5b: {  	_ = 	snop  }
0x5c: {  	v2 =	vadd.f32 v1, v2  }
0x5d: {  	s26 =	sshra.s32 s25, $0x2  }
0x5e: {  	s25 =	sadd.s32 $0x40, s25;
	v1 =	vld [tilespmem:s26+$0x0];
	[tilespmem:s24+$0x280] =	vst v2;
	s24 =	smov.u32 s26  }
0x5f: {  	v2 =	vld [tilespmem:s24+$0x280];
	_ =	sdelay $0x4  }
0x60: {  	v1 =	vadd.f32 v1, v2;
	_ =	sdelay $0x1  }
0x61: {  	s31 =	simm.s32 $0x0;
	[tilespmem:s24+$0x280] =	vst v1  }
0x62: {  	[tilespmem:s31], [sflag:$0x1] =	stream.linear.gather [hbm4b:s6+s31], $0x280, $0x38;
	[tilespmem:$0x500] =	vst v63  }
0x63: {  	_ =	swait.ge [sflag:s21], $0x280  }
0x64: {  	[sflag:s21] =	ssyncset.done $0x0  }
0x65: {  	s24 =	simm.s32 $0x0;
	[sflag:s21] =	ssyncadd.s32 $0xFFFFFD80  }
0x66: {  	s25 =	simm.s32 $0x40;
	v1 =	vld [tilespmem:s24+$0x0]  }
.LBB2_8:
0x67: {  	p0 =	sne.s32 s25, $0x9C0;
	v2 =	vld [tilespmem:s24+$0x280];
	_ =	sdelay $0x2  }
.Ltmp3:
0x68: {  	(pc) =	sbr.rel @p0 .LBB2_8-.Ltmp3, $4  }
0x69: {  	_ = 	snop  }
0x6a: {  	v2 =	vadd.f32 v1, v2  }
0x6b: {  	s26 =	sshra.s32 s25, $0x2  }
0x6c: {  	s25 =	sadd.s32 $0x40, s25;
	v1 =	vld [tilespmem:s26+$0x0];
	[tilespmem:s24+$0x280] =	vst v2;
	s24 =	smov.u32 s26  }
0x6d: {  	v2 =	vld [tilespmem:s24+$0x280];
	_ =	sdelay $0x4  }
0x6e: {  	v1 =	vadd.f32 v1, v2;
	_ =	sdelay $0x1  }
0x6f: {  	s31 =	simm.s32 $0x0;
	[tilespmem:s24+$0x280] =	vst v1  }
0x70: {  	[tilespmem:s31], [sflag:$0x1] =	stream.linear.gather [hbm4b:s7+s31], $0x280, $0x38;
	[tilespmem:$0x500] =	vst v63  }
0x71: {  	_ =	swait.ge [sflag:s21], $0x280  }
0x72: {  	[sflag:s21] =	ssyncset.done $0x0  }
0x73: {  	s24 =	simm.s32 $0x0;
	[sflag:s21] =	ssyncadd.s32 $0xFFFFFD80  }
0x74: {  	s25 =	simm.s32 $0x40;
	v1 =	vld [tilespmem:s24+$0x0]  }
.LBB2_10:
0x75: {  	p0 =	sne.s32 s25, $0x9C0;
	v2 =	vld [tilespmem:s24+$0x280];
	_ =	sdelay $0x2  }
.Ltmp4:
0x76: {  	(pc) =	sbr.rel @p0 .LBB2_10-.Ltmp4, $4  }
0x77: {  	_ = 	snop  }
0x78: {  	v2 =	vadd.f32 v1, v2  }
0x79: {  	s26 =	sshra.s32 s25, $0x2  }
0x7a: {  	s25 =	sadd.s32 $0x40, s25;
	v1 =	vld [tilespmem:s26+$0x0];
	[tilespmem:s24+$0x280] =	vst v2;
	s24 =	smov.u32 s26  }
0x7b: {  	v2 =	vld [tilespmem:s24+$0x280];
	_ =	sdelay $0x4  }
0x7c: {  	v1 =	vadd.f32 v1, v2;
	_ =	sdelay $0x1  }
0x7d: {  	s31 =	simm.s32 $0x0;
	[tilespmem:s24+$0x280] =	vst v1  }
0x7e: {  	[tilespmem:s31], [sflag:$0x1] =	stream.linear.gather [hbm4b:s8+s31], $0x280, $0x38;
	[tilespmem:$0x500] =	vst v63  }
0x7f: {  	_ =	swait.ge [sflag:s21], $0x280  }
0x80: {  	[sflag:s21] =	ssyncset.done $0x0  }
0x81: {  	s24 =	simm.s32 $0x0;
	[sflag:s21] =	ssyncadd.s32 $0xFFFFFD80  }
0x82: {  	s25 =	simm.s32 $0x40;
	v1 =	vld [tilespmem:s24+$0x0]  }
.LBB2_12:
0x83: {  	p0 =	sne.s32 s25, $0x9C0;
	v2 =	vld [tilespmem:s24+$0x280];
	_ =	sdelay $0x2  }
.Ltmp5:
0x84: {  	(pc) =	sbr.rel @p0 .LBB2_12-.Ltmp5, $4  }
0x85: {  	_ = 	snop  }
0x86: {  	v2 =	vadd.f32 v1, v2  }
0x87: {  	s26 =	sshra.s32 s25, $0x2  }
0x88: {  	s25 =	sadd.s32 $0x40, s25;
	v1 =	vld [tilespmem:s26+$0x0];
	[tilespmem:s24+$0x280] =	vst v2;
	s24 =	smov.u32 s26  }
0x89: {  	v2 =	vld [tilespmem:s24+$0x280];
	_ =	sdelay $0x4  }
0x8a: {  	v1 =	vadd.f32 v1, v2;
	_ =	sdelay $0x1  }
0x8b: {  	s31 =	simm.s32 $0x0;
	[tilespmem:s24+$0x280] =	vst v1  }
0x8c: {  	[tilespmem:s31], [sflag:$0x1] =	stream.linear.gather [hbm4b:s9+s31], $0x280, $0x38;
	[tilespmem:$0x500] =	vst v63  }
0x8d: {  	_ =	swait.ge [sflag:s21], $0x280  }
0x8e: {  	[sflag:s21] =	ssyncset.done $0x0  }
0x8f: {  	s24 =	simm.s32 $0x0;
	[sflag:s21] =	ssyncadd.s32 $0xFFFFFD80  }
0x90: {  	s25 =	simm.s32 $0x40;
	v1 =	vld [tilespmem:s24+$0x0]  }
.LBB2_14:
0x91: {  	p0 =	sne.s32 s25, $0x9C0;
	v2 =	vld [tilespmem:s24+$0x280];
	_ =	sdelay $0x2  }
.Ltmp6:
0x92: {  	(pc) =	sbr.rel @p0 .LBB2_14-.Ltmp6, $4  }
0x93: {  	_ = 	snop  }
0x94: {  	v2 =	vadd.f32 v1, v2  }
0x95: {  	s26 =	sshra.s32 s25, $0x2  }
0x96: {  	s25 =	sadd.s32 $0x40, s25;
	v1 =	vld [tilespmem:s26+$0x0];
	[tilespmem:s24+$0x280] =	vst v2;
	s24 =	smov.u32 s26  }
0x97: {  	v2 =	vld [tilespmem:s24+$0x280];
	_ =	sdelay $0x4  }
0x98: {  	v1 =	vadd.f32 v1, v2;
	_ =	sdelay $0x1  }
0x99: {  	s31 =	simm.s32 $0x0;
	[tilespmem:s24+$0x280] =	vst v1  }
0x9a: {  	[tilespmem:s31], [sflag:$0x1] =	stream.linear.gather [hbm4b:s10+s31], $0x280, $0x38;
	[tilespmem:$0x500] =	vst v63  }
0x9b: {  	_ =	swait.ge [sflag:s21], $0x280  }
0x9c: {  	[sflag:s21] =	ssyncset.done $0x0  }
0x9d: {  	s24 =	simm.s32 $0x0;
	[sflag:s21] =	ssyncadd.s32 $0xFFFFFD80  }
0x9e: {  	s25 =	simm.s32 $0x40;
	v1 =	vld [tilespmem:s24+$0x0]  }
.LBB2_16:
0x9f: {  	p0 =	sne.s32 s25, $0x9C0;
	v2 =	vld [tilespmem:s24+$0x280];
	_ =	sdelay $0x2  }
.Ltmp7:
0xa0: {  	(pc) =	sbr.rel @p0 .LBB2_16-.Ltmp7, $4  }
0xa1: {  	_ = 	snop  }
0xa2: {  	v2 =	vadd.f32 v1, v2  }
0xa3: {  	s26 =	sshra.s32 s25, $0x2  }
0xa4: {  	s25 =	sadd.s32 $0x40, s25;
	v1 =	vld [tilespmem:s26+$0x0];
	[tilespmem:s24+$0x280] =	vst v2;
	s24 =	smov.u32 s26  }
0xa5: {  	v2 =	vld [tilespmem:s24+$0x280];
	_ =	sdelay $0x4  }
0xa6: {  	v1 =	vadd.f32 v1, v2;
	_ =	sdelay $0x1  }
0xa7: {  	s31 =	simm.s32 $0x0;
	[tilespmem:s24+$0x280] =	vst v1  }
0xa8: {  	[tilespmem:s31], [sflag:$0x1] =	stream.linear.gather [hbm4b:s11+s31], $0x280, $0x38;
	[tilespmem:$0x500] =	vst v63  }
0xa9: {  	_ =	swait.ge [sflag:s21], $0x280  }
0xaa: {  	[sflag:s21] =	ssyncset.done $0x0  }
0xab: {  	s24 =	simm.s32 $0x0;
	[sflag:s21] =	ssyncadd.s32 $0xFFFFFD80  }
0xac: {  	s25 =	simm.s32 $0x40;
	v1 =	vld [tilespmem:s24+$0x0]  }
.LBB2_18:
0xad: {  	p0 =	sne.s32 s25, $0x9C0;
	v2 =	vld [tilespmem:s24+$0x280];
	_ =	sdelay $0x2  }
.Ltmp8:
0xae: {  	(pc) =	sbr.rel @p0 .LBB2_18-.Ltmp8, $4  }
0xaf: {  	_ = 	snop  }
0xb0: {  	v2 =	vadd.f32 v1, v2  }
0xb1: {  	s26 =	sshra.s32 s25, $0x2  }
0xb2: {  	s25 =	sadd.s32 $0x40, s25;
	v1 =	vld [tilespmem:s26+$0x0];
	[tilespmem:s24+$0x280] =	vst v2;
	s24 =	smov.u32 s26  }
0xb3: {  	v2 =	vld [tilespmem:s24+$0x280];
	_ =	sdelay $0x4  }
0xb4: {  	v1 =	vadd.f32 v1, v2;
	_ =	sdelay $0x1  }
0xb5: {  	s31 =	simm.s32 $0x0;
	[tilespmem:s24+$0x280] =	vst v1  }
0xb6: {  	[tilespmem:s31], [sflag:$0x1] =	stream.linear.gather [hbm4b:s12+s31], $0x280, $0x38;
	[tilespmem:$0x500] =	vst v63  }
0xb7: {  	_ =	swait.ge [sflag:s21], $0x280  }
0xb8: {  	[sflag:s21] =	ssyncset.done $0x0  }
0xb9: {  	s24 =	simm.s32 $0x0;
	[sflag:s21] =	ssyncadd.s32 $0xFFFFFD80  }
0xba: {  	s25 =	simm.s32 $0x40;
	v1 =	vld [tilespmem:s24+$0x0]  }
.LBB2_20:
0xbb: {  	p0 =	sne.s32 s25, $0x9C0;
	v2 =	vld [tilespmem:s24+$0x280];
	_ =	sdelay $0x2  }
.Ltmp9:
0xbc: {  	(pc) =	sbr.rel @p0 .LBB2_20-.Ltmp9, $4  }
0xbd: {  	_ = 	snop  }
0xbe: {  	v2 =	vadd.f32 v1, v2  }
0xbf: {  	s26 =	sshra.s32 s25, $0x2  }
0xc0: {  	s25 =	sadd.s32 $0x40, s25;
	v1 =	vld [tilespmem:s26+$0x0];
	[tilespmem:s24+$0x280] =	vst v2;
	s24 =	smov.u32 s26  }
0xc1: {  	v2 =	vld [tilespmem:s24+$0x280];
	_ =	sdelay $0x4  }
0xc2: {  	v1 =	vadd.f32 v1, v2;
	_ =	sdelay $0x1  }
0xc3: {  	s31 =	simm.s32 $0x0;
	[tilespmem:s24+$0x280] =	vst v1  }
0xc4: {  	[tilespmem:s31], [sflag:$0x1] =	stream.linear.gather [hbm4b:s13+s31], $0x280, $0x38;
	[tilespmem:$0x500] =	vst v63  }
0xc5: {  	_ =	swait.ge [sflag:s21], $0x280  }
0xc6: {  	[sflag:s21] =	ssyncset.done $0x0  }
0xc7: {  	s24 =	simm.s32 $0x0;
	[sflag:s21] =	ssyncadd.s32 $0xFFFFFD80  }
0xc8: {  	s25 =	simm.s32 $0x40;
	v1 =	vld [tilespmem:s24+$0x0]  }
.LBB2_22:
0xc9: {  	p0 =	sne.s32 s25, $0x9C0;
	v2 =	vld [tilespmem:s24+$0x280];
	_ =	sdelay $0x2  }
.Ltmp10:
0xca: {  	(pc) =	sbr.rel @p0 .LBB2_22-.Ltmp10, $4  }
0xcb: {  	_ = 	snop  }
0xcc: {  	v2 =	vadd.f32 v1, v2  }
0xcd: {  	s26 =	sshra.s32 s25, $0x2  }
0xce: {  	s25 =	sadd.s32 $0x40, s25;
	v1 =	vld [tilespmem:s26+$0x0];
	[tilespmem:s24+$0x280] =	vst v2;
	s24 =	smov.u32 s26  }
0xcf: {  	v2 =	vld [tilespmem:s24+$0x280];
	_ =	sdelay $0x4  }
0xd0: {  	v1 =	vadd.f32 v1, v2;
	_ =	sdelay $0x1  }
0xd1: {  	s31 =	simm.s32 $0x0;
	[tilespmem:s24+$0x280] =	vst v1  }
0xd2: {  	[tilespmem:s31], [sflag:$0x1] =	stream.linear.gather [hbm4b:s14+s31], $0x280, $0x38;
	[tilespmem:$0x500] =	vst v63  }
0xd3: {  	_ =	swait.ge [sflag:s21], $0x280  }
0xd4: {  	[sflag:s21] =	ssyncset.done $0x0  }
0xd5: {  	s24 =	simm.s32 $0x0;
	[sflag:s21] =	ssyncadd.s32 $0xFFFFFD80  }
0xd6: {  	s25 =	simm.s32 $0x40;
	v1 =	vld [tilespmem:s24+$0x0]  }
.LBB2_24:
0xd7: {  	p0 =	sne.s32 s25, $0x9C0;
	v2 =	vld [tilespmem:s24+$0x280];
	_ =	sdelay $0x2  }
.Ltmp11:
0xd8: {  	(pc) =	sbr.rel @p0 .LBB2_24-.Ltmp11, $4  }
0xd9: {  	_ = 	snop  }
0xda: {  	v2 =	vadd.f32 v1, v2  }
0xdb: {  	s26 =	sshra.s32 s25, $0x2  }
0xdc: {  	s25 =	sadd.s32 $0x40, s25;
	v1 =	vld [tilespmem:s26+$0x0];
	[tilespmem:s24+$0x280] =	vst v2;
	s24 =	smov.u32 s26  }
0xdd: {  	v2 =	vld [tilespmem:s24+$0x280];
	_ =	sdelay $0x4  }
0xde: {  	v1 =	vadd.f32 v1, v2;
	_ =	sdelay $0x1  }
0xdf: {  	s31 =	simm.s32 $0x0;
	[tilespmem:s24+$0x280] =	vst v1  }
0xe0: {  	[tilespmem:s31], [sflag:$0x1] =	stream.linear.gather [hbm4b:s15+s31], $0x280, $0x38;
	[tilespmem:$0x500] =	vst v63  }
0xe1: {  	_ =	swait.ge [sflag:s21], $0x280  }
0xe2: {  	[sflag:s21] =	ssyncset.done $0x0  }
0xe3: {  	s24 =	simm.s32 $0x0;
	[sflag:s21] =	ssyncadd.s32 $0xFFFFFD80  }
0xe4: {  	s25 =	simm.s32 $0x40;
	v1 =	vld [tilespmem:s24+$0x0]  }
.LBB2_26:
0xe5: {  	p0 =	sne.s32 s25, $0x9C0;
	v2 =	vld [tilespmem:s24+$0x280];
	_ =	sdelay $0x2  }
.Ltmp12:
0xe6: {  	(pc) =	sbr.rel @p0 .LBB2_26-.Ltmp12, $4  }
0xe7: {  	_ = 	snop  }
0xe8: {  	v2 =	vadd.f32 v1, v2  }
0xe9: {  	s26 =	sshra.s32 s25, $0x2  }
0xea: {  	s25 =	sadd.s32 $0x40, s25;
	v1 =	vld [tilespmem:s26+$0x0];
	[tilespmem:s24+$0x280] =	vst v2;
	s24 =	smov.u32 s26  }
0xeb: {  	v2 =	vld [tilespmem:s24+$0x280];
	_ =	sdelay $0x4  }
0xec: {  	v1 =	vadd.f32 v1, v2;
	_ =	sdelay $0x1  }
0xed: {  	s31 =	simm.s32 $0x0;
	[tilespmem:s24+$0x280] =	vst v1  }
0xee: {  	[tilespmem:s31], [sflag:$0x1] =	stream.linear.gather [hbm4b:s16+s31], $0x280, $0x38;
	[tilespmem:$0x500] =	vst v63  }
0xef: {  	_ =	swait.ge [sflag:s21], $0x280  }
0xf0: {  	[sflag:s21] =	ssyncset.done $0x0  }
0xf1: {  	s24 =	simm.s32 $0x0;
	[sflag:s21] =	ssyncadd.s32 $0xFFFFFD80  }
0xf2: {  	s25 =	simm.s32 $0x40;
	v1 =	vld [tilespmem:s24+$0x0]  }
.LBB2_28:
0xf3: {  	p0 =	sne.s32 s25, $0x9C0;
	v2 =	vld [tilespmem:s24+$0x280];
	_ =	sdelay $0x2  }
.Ltmp13:
0xf4: {  	(pc) =	sbr.rel @p0 .LBB2_28-.Ltmp13, $4  }
0xf5: {  	_ = 	snop  }
0xf6: {  	v2 =	vadd.f32 v1, v2  }
0xf7: {  	s26 =	sshra.s32 s25, $0x2  }
0xf8: {  	s25 =	sadd.s32 $0x40, s25;
	v1 =	vld [tilespmem:s26+$0x0];
	[tilespmem:s24+$0x280] =	vst v2;
	s24 =	smov.u32 s26  }
0xf9: {  	v2 =	vld [tilespmem:s24+$0x280];
	_ =	sdelay $0x4  }
0xfa: {  	v1 =	vadd.f32 v1, v2;
	_ =	sdelay $0x1  }
0xfb: {  	s31 =	simm.s32 $0x0;
	[tilespmem:s24+$0x280] =	vst v1  }
0xfc: {  	[tilespmem:s31], [sflag:$0x1] =	stream.linear.gather [hbm4b:s17+s31], $0x280, $0x38;
	[tilespmem:$0x500] =	vst v63  }
0xfd: {  	_ =	swait.ge [sflag:s21], $0x280  }
0xfe: {  	[sflag:s21] =	ssyncset.done $0x0  }
0xff: {  	s24 =	simm.s32 $0x0;
	[sflag:s21] =	ssyncadd.s32 $0xFFFFFD80  }
0x100: {  	s25 =	simm.s32 $0x40;
	v1 =	vld [tilespmem:s24+$0x0]  }
.LBB2_30:
0x101: {  	p0 =	sne.s32 s25, $0x9C0;
	v2 =	vld [tilespmem:s24+$0x280];
	_ =	sdelay $0x2  }
.Ltmp14:
0x102: {  	(pc) =	sbr.rel @p0 .LBB2_30-.Ltmp14, $4  }
0x103: {  	_ = 	snop  }
0x104: {  	v2 =	vadd.f32 v1, v2  }
0x105: {  	s26 =	sshra.s32 s25, $0x2  }
0x106: {  	s25 =	sadd.s32 $0x40, s25;
	v1 =	vld [tilespmem:s26+$0x0];
	[tilespmem:s24+$0x280] =	vst v2;
	s24 =	smov.u32 s26  }
0x107: {  	v2 =	vld [tilespmem:s24+$0x280];
	_ =	sdelay $0x4  }
0x108: {  	v1 =	vadd.f32 v1, v2;
	_ =	sdelay $0x1  }
0x109: {  	s31 =	simm.s32 $0x0;
	[tilespmem:s24+$0x280] =	vst v1  }
0x10a: {  	[tilespmem:s31], [sflag:$0x1] =	stream.linear.gather [hbm4b:s18+s31], $0x280, $0x38;
	[tilespmem:$0x500] =	vst v63  }
0x10b: {  	_ =	swait.ge [sflag:s21], $0x280  }
0x10c: {  	[sflag:s21] =	ssyncset.done $0x0  }
0x10d: {  	s24 =	simm.s32 $0x0;
	[sflag:s21] =	ssyncadd.s32 $0xFFFFFD80  }
0x10e: {  	s25 =	simm.s32 $0x40;
	v1 =	vld [tilespmem:s24+$0x0]  }
.LBB2_32:
0x10f: {  	p0 =	sne.s32 s25, $0x9C0;
	v2 =	vld [tilespmem:s24+$0x280];
	_ =	sdelay $0x2  }
.Ltmp15:
0x110: {  	(pc) =	sbr.rel @p0 .LBB2_32-.Ltmp15, $4  }
0x111: {  	_ = 	snop  }
0x112: {  	v2 =	vadd.f32 v1, v2  }
0x113: {  	s26 =	sshra.s32 s25, $0x2  }
0x114: {  	s25 =	sadd.s32 $0x40, s25;
	v1 =	vld [tilespmem:s26+$0x0];
	[tilespmem:s24+$0x280] =	vst v2;
	s24 =	smov.u32 s26  }
0x115: {  	v2 =	vld [tilespmem:s24+$0x280];
	_ =	sdelay $0x4  }
0x116: {  	s23 =	sadd.s32 $0x1, s23;
	v1 =	vadd.f32 v1, v2  }
0x117: {  	p0 =	sne.s32 s23, s19  }
.Ltmp16:
0x118: {  	[tilespmem:s24+$0x280] =	vst v1;
	(pc) =	sbr.rel @p0 .LBB2_1-.Ltmp16, $4  }
0x119: {  	[hbm4b:s20+s2] =	stream.linear.scatter [tilespmem:s22], [sflag:$0x1], $0x280, $0x38;
	[tilespmem:$0x500] =	vst v63  }
0x11a: {  	_ =	swait.ge [sflag:s21], $0x280  }
0x11b: {  	[sflag:s21] =	ssyncset.done $0x0  }
0x11c: {  	[sflag:s21] =	ssyncadd.s32 $0xFFFFFD80  }
0x11d: {  	_ =	sfence.sel $0x180000  }
0x11e: {  	[bflag:$0x0] =	sbarrier.arrive $0xFFFF  }
0x11f: {  	p0 =	sne.s32 s0, $0x0;
	_ =	strace $0x9000004A  }
0x120: {  	s0 =	sadd.s32 @!p0 $0x100000, s1;
	[bflag:$0x2] =	sbarrier.arrive $0xFFFF  }
0x121: {  	[sflag:s0] =	ssyncadd.tile.s32 @!p0 $0x1;
	_ =	shalt  }
.Lfunc_end2:
_tile_overlayer_lowered:
.L_overlay_start_2:
0x122: {  	(tag) =	ssettag $0x2  }
0x123: {  	s0 =	rddreg [dreg:$0x0];
	s2 =	stileid.u32  }
0x124: {  	s1 =	rddreg [dreg:$0x1];
	p0 =	sne.s32 s2, $0x0  }
0x125: {  	s3 =	rddreg [dreg:$0x2];
	[bflag:$0x3] =	sbarrier.arrive $0xFFFF;
	s2 =	simm.s32 @!p0 $0x1C01  }
0x126: {  	[timem:s3], [sflag:s2] =	dma.local @!p0 [hbm:s0], s1  }
0x127: {  	s0 =	simm.s32 @!p0 $0x1  }
0x128: {  	_ =	swait.ge @!p0 [sflag:s0], s1  }
0x129: {  	s1 =	ssub.s32 @!p0 $0x0, s1;
	[sflag:s0] =	ssyncset.done @!p0 $0x0  }
0x12a: {  	[sflag:s0] =	ssyncadd.s32 @!p0 s1  }
0x12b: {  	[bflag:$0x3] =	sbarrier.arrive $0xFFFF  }
0x12c: {  	_ =	shalt  }

// kernel: kernel.17.cloned.1.call-start
scs
__scs_entry_jumppad:
0x0: {  	(pc) =	sbr.rel $0x88, $3  }
0x1: {  	(tag) =	ssettag $0x0;
	lr =	simm.s32 $0x1  }
0x2: {  	[smem:$0x3F94] =	sst lr;
	_ =	strace $0xD0000000  }
0x3: {  	_ = 	snop  }
0x4: {  	_ = 	snop  }
0x5: {  	_ = 	snop  }
0x6: {  	_ = 	snop  }
0x7: {  	_ = 	snop  }
__scs_overlays_trampoline_lowered:
0x8: {  	[smem:$0x3FA3] =	sst s0  }
0x9: {  	[smem:$0x3FA4] =	sst s1  }
0xa: {  	[smem:$0x3FA5] =	sst s2  }
0xb: {  	[smem:$0x3FA6] =	sst s3  }
0xc: {  	[smem:$0x3FA7] =	sst s4  }
0xd: {  	[smem:$0x3FA8] =	sst s5  }
0xe: {  	[smem:$0x3FA9] =	sst s6  }
0xf: {  	[smem:$0x3FAA] =	sst s7  }
0x10: {  	[smem:$0x3FAB] =	sst s8  }
0x11: {  	[smem:$0x3FAC] =	sst s9;
	s0 =	simm.s32 @!p0 $0x0  }
0x12: {  	s1 =	sld [smem:$0x3F92];
	s0 =	simm.s32 @p0 $0x1  }
0x13: {  	[smem:$0x3FAD] =	sst s0;
	s0 =	simm.s32 @!p1 $0x0  }
0x14: {  	s2 =	sld [smem:$0x3F91];
	s0 =	simm.s32 @p1 $0x1  }
0x15: {  	[smem:$0x3FAE] =	sst s0;
	s0 =	simm.s32 @!p2 $0x0  }
0x16: {  	s3 =	sld [smem:$0x3FDB];
	s0 =	simm.s32 @p2 $0x1  }
0x17: {  	s4 =	simm.s32 $0x1BF5;
	[smem:$0x3FB0] =	sst s0  }
0x18: {  	s0 =	sld [smem:$0x3F93];
	_ =	swait.ge [sflag:s4], $0x0  }
0x19: {  	s7 =	sld [smem:$0x3F94]  }
0x1a: {  	s8 =	sadd.s32 $0xFFFFE003, lr  }
0x1b: {  	s9 =	sadd.s32 $0xFFFFFEF7, lr;
	s5 =	simm.s32 $0xFFFFFFFF;
	p2 =	slt.u32 s8, $0xFFFFF086  }
0x1c: {  	p1 =	slt.u32 s9, $0xF7A;
	s5 =	simm.s32 @!p2 $0x0  }
0x1d: {  	s5 =	simm.s32 @p1 $0x1;
	p0 =	seq.s32 s7, s2  }
0x1e: {  	s7 =	smul.u32 @!p0 $0xF7A, s2;
	p2 =	seq.s32 @!p0 s5, $0x0  }
0x1f: {  	s9 =	smul.u32 $0xF7A, s1;
	s8 =	simm.s32 @!p0 $0x1BF5;
	p2 =	por !p2, p0  }
0x20: {  	[sflag:s8] =	ssyncset.s32 @!p0 $0xFFFFF086;
	s6 =	sadd.s32 @!p0 s3, s7;
	s7 =	simm.s32 @!p0 $0x108  }
0x21: {  	s3 =	sadd.s32 s3, s9;
	s6 =	sadd.s32 @!p0 $0x88, s6;
	s7 =	simm.s32 @p2 $0x1082  }
0x22: {  	[simem:s7], [sflag:s8] =	dma.local @!p0 [hbm:s6], $0xF7A  }
0x23: {  	s9 =	sor.u32 $0xD0000000, s2;
	s6 =	simm.s32 $0x108;
	_ =	swait.ge @!p0 [sflag:s8], $0x0  }
0x24: {  	s3 =	sadd.s32 $0x88, s3;
	s6 =	simm.s32 @!p1 $0x1082;
	[sflag:s4] =	ssyncset.s32 $0xFFFFF086  }
0x25: {  	[simem:s6], [sflag:s4] =	dma.local [hbm:s3], $0xF7A  }
0x26: {  	[smem:$0x3F94] =	sst s1;
	(tag) =	ssettag s2;
	_ =	strace s9  }
0x27: {  	s1 =	sld [smem:$0x3FA4]  }
0x28: {  	s2 =	sld [smem:$0x3FA5]  }
0x29: {  	s4 =	sld [smem:$0x3FA7]  }
0x2a: {  	p0 =	seq.s32 s5, $0x0;
	s5 =	sld [smem:$0x3FA8]  }
0x2b: {  	s6 =	sld [smem:$0x3FA9]  }
0x2c: {  	s7 =	sld [smem:$0x3FAA]  }
0x2d: {  	s3 =	simm.s32 $0x108;
	s8 =	sld [smem:$0x3FAB]  }
0x2e: {  	s3 =	simm.s32 @!p0 $0x1082;
	s9 =	sld [smem:$0x3FAC]  }
0x2f: {  	lr =	sadd.s32 s0, s3;
	s0 =	sld [smem:$0x3FA3]  }
0x30: {  	s3 =	sld [smem:$0x3FA6]  }
0x31: {  	[smem:$0x3FAF] =	sst s10  }
0x32: {  	s10 =	sld [smem:$0x3FAD];
	_ =	sdelay $0x3  }
0x33: {  	p0 =	seq.s32 s10, $0x1;
	s10 =	sld [smem:$0x3FAF];
	_ =	sdelay $0x3  }
0x34: {  	[smem:$0x3FAF] =	sst s10  }
0x35: {  	s10 =	sld [smem:$0x3FAE];
	_ =	sdelay $0x3  }
0x36: {  	p1 =	seq.s32 s10, $0x1;
	s10 =	sld [smem:$0x3FAF];
	_ =	sdelay $0x3  }
0x37: {  	[smem:$0x3FAF] =	sst s10  }
0x38: {  	s10 =	sld [smem:$0x3FB0]  }
0x39: {  	_ = 	snop;
	(pc) =	sbr.ind lr, $3  }
0x3a: {  	_ = 	snop  }
0x3b: {  	_ = 	snop  }
0x3c: {  	p2 =	seq.s32 s10, $0x1;
	s10 =	sld [smem:$0x3FAF]  }
0x3d: {  	_ =	shalt  }
0x3e: {  	_ =	shalt  }
0x3f: {  	_ =	shalt  }
0x40: {  	_ =	shalt  }
0x41: {  	_ =	shalt  }
0x42: {  	_ =	shalt  }
0x43: {  	_ =	shalt  }
0x44: {  	_ =	shalt  }
0x45: {  	_ =	shalt  }
0x46: {  	_ =	shalt  }
0x47: {  	_ =	shalt  }
0x48: {  	_ =	shalt  }
0x49: {  	_ =	shalt  }
0x4a: {  	_ =	shalt  }
0x4b: {  	_ =	shalt  }
0x4c: {  	_ =	shalt  }
0x4d: {  	_ =	shalt  }
0x4e: {  	_ =	shalt  }
0x4f: {  	_ =	shalt  }
0x50: {  	_ =	shalt  }
0x51: {  	_ =	shalt  }
0x52: {  	_ =	shalt  }
0x53: {  	_ =	shalt  }
0x54: {  	_ =	shalt  }
0x55: {  	_ =	shalt  }
0x56: {  	_ =	shalt  }
0x57: {  	_ =	shalt  }
0x58: {  	_ =	shalt  }
0x59: {  	_ =	shalt  }
0x5a: {  	_ =	shalt  }
0x5b: {  	_ =	shalt  }
0x5c: {  	_ =	shalt  }
0x5d: {  	_ =	shalt  }
0x5e: {  	_ =	shalt  }
0x5f: {  	_ =	shalt  }
0x60: {  	_ =	shalt  }
0x61: {  	_ =	shalt  }
0x62: {  	_ =	shalt  }
0x63: {  	_ =	shalt  }
0x64: {  	_ =	shalt  }
0x65: {  	_ =	shalt  }
0x66: {  	_ =	shalt  }
0x67: {  	_ =	shalt  }
0x68: {  	_ =	shalt  }
0x69: {  	_ =	shalt  }
0x6a: {  	_ =	shalt  }
0x6b: {  	_ =	shalt  }
0x6c: {  	_ =	shalt  }
0x6d: {  	_ =	shalt  }
0x6e: {  	_ =	shalt  }
0x6f: {  	_ =	shalt  }
0x70: {  	_ =	shalt  }
0x71: {  	_ =	shalt  }
0x72: {  	_ =	shalt  }
0x73: {  	_ =	shalt  }
0x74: {  	_ =	shalt  }
0x75: {  	_ =	shalt  }
0x76: {  	_ =	shalt  }
0x77: {  	_ =	shalt  }
0x78: {  	_ =	shalt  }
0x79: {  	_ =	shalt  }
0x7a: {  	_ =	shalt  }
0x7b: {  	_ =	shalt  }
0x7c: {  	_ =	shalt  }
0x7d: {  	_ =	shalt  }
0x7e: {  	_ =	shalt  }
0x7f: {  	_ =	shalt  }
0x80: {  	_ =	shalt  }
0x81: {  	_ =	shalt  }
0x82: {  	_ =	shalt  }
0x83: {  	_ =	shalt  }
0x84: {  	_ =	shalt  }
0x85: {  	_ =	shalt  }
0x86: {  	_ =	shalt  }
0x87: {  	_ =	shalt  }
.Lfunc_end0:
.L_simem_size_0:
called_computation.3_lowered:
.L_overlay_start_0:
0x88: {  	s2 =	sld [smem:$0x3FD9]  }
0x89: {  	s3 =	sld [smem:$0x3FFE];
	_ =	sdelay $0x1  }
0x8a: {  	s1 =	srdreg.scid  }
0x8b: {  	s0 =	sand.u32 $0x1, s1  }
0x8c: {  	s17 =	sshll.u32 s0, $0xA;
	s2 =	sadd.s32 s3, s2  }
0x8d: {  	s2 =	sadd.s32 s2, s17  }
0x8e: {  	[smem:$0x3FBB] =	sst s2  }
0x8f: {  	_ = 	snop  }
0x90: {  	s2 =	sld [smem:$0x3FBD]  }
0x91: {  	s18 =	sld [smem:$0x3FD0];
	(tm) =	ssettm $0x1  }
0x92: {  	s4 =	sld [smem:$0x3FFB];
	_ =	sdelay $0x3  }
0x93: {  	_ =	strace s4  }
0x94: {  	s4 =	sld [smem:$0x3FFC];
	_ =	sdelay $0x3  }
0x95: {  	_ =	strace s4  }
0x96: {  	s4 =	sld [smem:$0x3FFD];
	_ =	sdelay $0x3  }
0x97: {  	_ =	strace s4  }
0x98: {  	_ =	strace $0x8FFFFFFF  }
0x99: {  	s19 =	sld [smem:$0x3FDB];
	_ =	sdelay $0x1  }
0x9a: {  	s5 =	simm.s32 $_scs_section_size  }
0x9b: {  	s6 =	simm.s32 $_size__tile_overlayer_lowered;
	s7 =	simm.s32 $_tile_overlayer_lowered  }
0x9c: {  	s22 =	simm.s32 $0x1BFF;
	s21 =	sshll.u32 s7, $0x1;
	s4 =	sadd.s32 s5, s19  }
0x9d: {  	s8 =	simm.s32 $0x0;
	s20 =	sshll.u32 s6, $0x1;
	s6 =	sadd.s32 s21, s4  }
0x9e: {  	[timem:s8], [sflag:s22] =	dma.local [hbm:s6], s20  }
0x9f: {  	_ =	swait.ge [sflag:s22], s20  }
0xa0: {  	s5 =	ssub.s32 $0x0, s20;
	[sflag:s22] =	ssyncset.done $0x0  }
0xa1: {  	[sflag:s22] =	ssyncadd.s32 s5;
	_ =	sdelay $0x1  }
0xa2: {  	s23 =	simm.s32 $0x1B8B  }
0xa3: {  	_ =	swait.ge [sflag:s23], $0x1  }
0xa4: {  	[sflag:s23] =	ssyncset.done $0x0  }
0xa5: {  	s25 =	simm.s32 $0x1B8E;
	s24 =	sld [smem:$0x3FFE];
	[sflag:s23] =	ssyncadd.s32 $0xFFFFFFFF  }
0xa6: {  	s26 =	simm.s32 $execute0_lowered;
	[smem:$0x3FD2] =	sst s25  }
0xa7: {  	s6 =	sshll.u32 s26, $0x1;
	_ =	strace $0x8000004F;
	[dreg:$0x1] =	wrdreg $0xFFFFFFFF  }
0xa8: {  	s28 =	simm.s32 $_size_execute0_lowered;
	s4 =	sadd.s32 s4, s6;
	[dreg:$0x0] =	wrdreg $0x0  }
0xa9: {  	s6 =	sshll.u32 s28, $0x1;
	[dreg:$0x2] =	wrdreg s4  }
0xaa: {  	[dreg:$0x3] =	wrdreg s6  }
0xab: {  	[dreg:$0x4] =	wrdreg $0xC0  }
0xac: {  	_ =	task [dreg:s8], $0x5FFFF  }
0xad: {  	[dreg:$0x1] =	wrdreg $0xFFFFFFFF  }
0xae: {  	[dreg:$0x0] =	wrdreg $0x60  }
0xaf: {  	[dreg:$0x2] =	wrdreg s24  }
0xb0: {  	[dreg:$0x3] =	wrdreg s2  }
0xb1: {  	[dreg:$0x4] =	wrdreg s18  }
0xb2: {  	[dreg:$0x5] =	wrdreg $0x9  }
0xb3: {  	_ =	task.clear_ibuf [dreg:s8], $0x6FFFF;
	_ =	strace $0x9000004F  }
0xb4: {  	s29 =	simm.s32 $0x9;
	_ =	strace $0x80000051  }
0xb5: {  	_ =	swait.ge [sflag:s29], $0x1  }
0xb6: {  	[sflag:s29] =	ssyncadd.s32 $0xFFFFFFFF  }
0xb7: {  	_ =	strace $0x90000051  }
0xb8: {  	_ =	sfence  }
0xb9: {  	s30 =	sld [smem:$0x0];
	_ =	sdelay $0x2  }
0xba: {  	s31 =	sshll.u32 s1, $0xD;
	s1 =	sshrl.u32 s1, $0x2  }
0xbb: {  	s3 =	sand.u32 $0x4000, s31;
	s1 =	sadd.s32 s1, s30  }
0xbc: {  	s0 =	sor.u32 s3, s0;
	s1 =	sshll.u32 s1, $0x11  }
0xbd: {  	s0 =	sor.u32 s1, s0  }
0xbe: {  	s0 =	sadd.s32 $0x8F2B, s0  }
0xbf: {  	[sflag:s0] =	ssyncadd.remote.s32 $0x1  }
0xc0: {  	_ =	sfence.sel $0xFFFF  }
0xc1: {  	[dreg:$0x0] =	wrdreg $0xFFFFFFFF;
	(pc) =	sbr.abs _section_cstart, $3  }
0xc2: {  	[dreg:$0x1] =	wrdreg $0xFFFFFFFF  }
0xc3: {  	_ =	task.clear_ibuf [dreg:s8], $0x2FFFF;
	_ =	strace $0x9FFFFFFF  }
0xc4: {  	(tm) =	ssettm $0x7FFFFFFF  }
0xc5: {  	_ =	shalt  }
tec
execute0_lowered:
.L_overlay_start_1:
0x0: {  	(tag) =	ssettag $0x1  }
0x1: {  	s0 =	rddreg [dreg:$0x0]  }
0x2: {  	s1 =	rddreg [dreg:$0x1]  }
0x3: {  	s5 =	rddreg [dreg:$0x2]  }
0x4: {  	s2 =	simm.s32 $0x0;
	s9 =	stileid.u32;
	s8 =	srdreg.scid  }
0x5: {  	s18 =	simm.s32 $0x3;
	s20 =	simm.s32 $0x1100;
	s21 =	simm.s32 $0x1200  }
0x6: {  	s22 =	simm.s32 $0x80;
	s24 =	simm.s32 $0x1F00;
	s28 =	simm.s32 $0x5F00  }
0x7: {  	[smem:$0x7FF] =	sst s2;
	s3 =	sadd.s32 $0x7400, s0;
	s4 =	sadd.s32 $0x2F400, s0  }
0x8: {  	s6 =	sshll.u32 s9, $0x9;
	s7 =	sshll.u32 s9, $0x5;
	s10 =	sadd.s32 $0x57400, s0  }
0x9: {  	s25 =	sadd.s32 $0x67400, s0;
	_ =	strace $0x80000050;
	[dreg:$0x4] =	wrdreg s10  }
0xa: {  	s8 =	sand.u32 $0x1, s8;
	s26 =	sadd.s32 $0x77400, s0;
	[dreg:$0x5] =	wrdreg s25  }
0xb: {  	s29 =	sadd.s32 $0x87400, s0;
	s30 =	sadd.s32 $0x97400, s0;
	[dreg:$0x6] =	wrdreg s26  }
0xc: {  	s14 =	sshll.u32 s9, $0xC;
	s6 =	sadd.s32 s6, s0;
	[dreg:$0x7] =	wrdreg s29  }
0xd: {  	s13 =	sadd.s32 s7, s0;
	s11 =	ssub.s32 $0x2, s8;
	[dreg:$0x8] =	wrdreg s30  }
.Ltmp0:
0xe: {  	s0 =	sadd.s32 $0xA7400, s0;
	s15 =	sadd.s32 s5, s7;
	(pc) =	sbr.rel .LBB2_1-.Ltmp0, $4  }
0xf: {  	p0 =	seq.s32 s8, $0x1;
	s16 =	sor.u32 $0x800, s14;
	s25 =	simm.s32 $0x1  }
0x10: {  	s26 =	simm.s32 $0x2;
	s12 =	sshrl.u32 s11, $0x1;
	[dreg:$0x9] =	wrdreg s0  }
0x11: {  	s13 =	sadd.s32 $0x7200, s13;
	s0 =	simm.s32 $0x0;
	s31 =	ssub.s32 s11, s12  }
0x12: {  	v0 =	vlaneseq.u32;
	v1 =	vimm.f32 $0.0e+00;
	s11 =	sadd.s32 $0x5200, s6;
	s12 =	sadd.s32 s1, s7;
	s17 =	smax.u32 s31, $0x1  }
.LBB2_25:
0x13: {  	s7 =	rddreg [dreg:$0x5]  }
0x14: {  	s6 =	rddreg [dreg:$0x7]  }
0x15: {  	s5 =	smov.u32 s4;
	s1 =	rddreg [dreg:$0x9]  }
.LBB2_26:
0x16: {  	s7 =	sadd.s32 s7, s14;
	s8 =	simm.s32 $0x9F00  }
0x17: {  	[hbm4b:s7+s2] =	stream.linear.scatter [tilespmem:s8], [sflag:$0x3], $0x8000, $0x38;
	[tilespmem:$0x11F00] =	vst v63  }
0x18: {  	_ =	swait.ge [sflag:s18], $0x8000  }
0x19: {  	[sflag:s18] =	ssyncset.done $0x0  }
0x1a: {  	[sflag:s18] =	ssyncadd.s32 $0xFFFF8000  }
0x1b: {  	[tilespmem:s24], [sflag:$0x1] =	stream.indirect.gather [hbm4b:s5+s22], $0x80, s20, s22, $0xb8;
	[tilespmem:$0x11F00] =	vst v63  }
0x1c: {  	s10 =	simm.s32 $0x1180  }
0x1d: {  	[tilespmem:s28], [sflag:$0x2] =	stream.indirect.gather [hbm4b:s5+s22], $0x80, s10, s22, $0xb8;
	[tilespmem:$0x11F00] =	vst v63  }
0x1e: {  	_ =	swait.ge [sflag:s25], $0x4000  }
0x1f: {  	[sflag:s25] =	ssyncset.done $0x0  }
0x20: {  	s19 =	sadd.s32 s6, s14;
	[sflag:s25] =	ssyncadd.s32 $0xFFFFC000  }
0x21: {  	[hbm4b:s19+s2] =	stream.linear.scatter [tilespmem:s24], [sflag:$0x3], $0x4000, $0x38;
	[tilespmem:$0x11F00] =	vst v63  }
0x22: {  	_ =	swait.ge [sflag:s18], $0x4000  }
0x23: {  	[sflag:s18] =	ssyncset.done $0x0  }
0x24: {  	[sflag:s18] =	ssyncadd.s32 $0xFFFFC000  }
0x25: {  	[tilespmem:s24], [sflag:$0x1] =	stream.indirect.gather [hbm4b:s5+s22], $0x80, s21, s22, $0xb8;
	[tilespmem:$0x11F00] =	vst v63  }
0x26: {  	_ =	swait.ge [sflag:s26], $0x4000  }
0x27: {  	[sflag:s26] =	ssyncset.done $0x0  }
0x28: {  	s23 =	sadd.s32 s6, s16;
	[sflag:s26] =	ssyncadd.s32 $0xFFFFC000  }
0x29: {  	[hbm4b:s23+s2] =	stream.linear.scatter [tilespmem:s28], [sflag:$0x3], $0x4000, $0x38;
	[tilespmem:$0x11F00] =	vst v63  }
0x2a: {  	_ =	swait.ge [sflag:s18], $0x4000  }
0x2b: {  	[sflag:s18] =	ssyncset.done $0x0  }
0x2c: {  	s29 =	simm.s32 $0x1280;
	[sflag:s18] =	ssyncadd.s32 $0xFFFFC000  }
0x2d: {  	[tilespmem:s28], [sflag:$0x2] =	stream.indirect.gather [hbm4b:s5+s22], $0x80, s29, s22, $0xb8;
	[tilespmem:$0x11F00] =	vst v63  }
0x2e: {  	_ =	swait.ge [sflag:s25], $0x4000  }
0x2f: {  	[sflag:s25] =	ssyncset.done $0x0  }
0x30: {  	s30 =	sadd.s32 s1, s14;
	[sflag:s25] =	ssyncadd.s32 $0xFFFFC000  }
0x31: {  	[hbm4b:s30+s2] =	stream.linear.scatter [tilespmem:s24], [sflag:$0x3], $0x4000, $0x38;
	[tilespmem:$0x11F00] =	vst v63  }
0x32: {  	_ =	swait.ge [sflag:s18], $0x4000  }
0x33: {  	[sflag:s18] =	ssyncset.done $0x0  }
0x34: {  	[sflag:s18] =	ssyncadd.s32 $0xFFFFC000  }
0x35: {  	s0 =	sadd.s32 $0x1, s0;
	_ =	swait.ge [sflag:s26], $0x4000  }
0x36: {  	p1 =	sne.s32 s0, s17;
	[sflag:s26] =	ssyncset.done $0x0  }
.Ltmp1:
0x37: {  	s31 =	sadd.s32 s1, s16;
	[sflag:s26] =	ssyncadd.s32 $0xFFFFC000;
	(pc) =	sbr.rel @!p1 .LBB2_27-.Ltmp1, $4  }
0x38: {  	[hbm4b:s31+s2] =	stream.linear.scatter [tilespmem:s28], [sflag:$0x3], $0x4000, $0x38;
	[tilespmem:$0x11F00] =	vst v63  }
0x39: {  	_ =	swait.ge [sflag:s18], $0x4000  }
0x3a: {  	[sflag:s18] =	ssyncset.done $0x0  }
0x3b: {  	[sflag:s18] =	ssyncadd.s32 $0xFFFFC000  }
.LBB2_1:
0x3c: {  	[tilespmem:s2], [sflag:$0x3] =	stream.linear.gather [hbm4b:s11+s2], $0x1000, $0x38;
	[tilespmem:$0x11F00] =	vst v63  }
0x3d: {  	_ =	swait.ge [sflag:s18], $0x1000  }
0x3e: {  	[sflag:s18] =	ssyncset.done $0x0  }
0x3f: {  	s1 =	simm.s32 $0x1000;
	[sflag:s18] =	ssyncadd.s32 $0xFFFFF000  }
0x40: {  	[tilespmem:s1], [sflag:$0x3] =	stream.linear.gather [hbm4b:s12+s2], $0x100, $0x38;
	[tilespmem:$0x11F00] =	vst v63  }
0x41: {  	_ =	swait.ge [sflag:s18], $0x100  }
0x42: {  	s8 =	simm.s32 $0x0;
	[sflag:s18] =	ssyncset.done $0x0  }
0x43: {  	s10 =	sand.u32 $0xF, s2;
	s5 =	simm.s32 $0x0;
	[sflag:s18] =	ssyncadd.s32 $0xFFFFFF00  }
0x44: {  	[tilespmem:s20], [sflag:$0x3] =	stream.linear.gather [hbm4b:s13+s2], $0x100, $0x38;
	[tilespmem:$0x11F00] =	vst v63  }
0x45: {  	s19 =	simm.s32 $0x0;
	s6 =	sshrl.u32 s10, $0x3;
	_ =	swait.ge [sflag:s18], $0x100  }
0x46: {  	s7 =	smul.u32 $0x35, s8;
	s23 =	sand.u32 $0x800, s19;
	[sflag:s18] =	ssyncset.done $0x0  }
0x47: {  	s5 =	sand.u32 $0x380, s5;
	s29 =	sshll.u32 s6, $0xA;
	[sflag:s18] =	ssyncadd.s32 $0xFFFFFF00  }
0x48: {  	[tilespmem:s21], [sflag:$0x3] =	stream.linear.gather [hbm4b:s15+s2], $0x100, $0x38;
	[tilespmem:$0x11F00] =	vst v63  }
0x49: {  	s6 =	sshll.u32 s6, $0x7;
	v2 =	vmov s7;
	s1 =	sshll.u32 s10, $0x4;
	_ =	swait.ge [sflag:s18], $0x100  }
0x4a: {  	s23 =	sor.u32 s29, s23;
	s29 =	sand.u32 $0x70, s1;
	v2 =	vadd.s32 s1, v2;
	[sflag:s18] =	ssyncset.done $0x0  }
0x4b: {  	s5 =	sor.u32 s5, s23;
	s6 =	sor.u32 s29, s6;
	v3 =	vbroadcast v2, $0x0;
	[sflag:s18] =	ssyncadd.s32 $0xFFFFFF00  }
0x4c: {  	v5 =	vmov s8;
	s8 =	sand.u32 $0x3FFFFF00, s19;
	s30 =	sor.u32 s29, s5;
	v2 =	vld [tilespmem:s6+$0x1000]  }
0x4d: {  	s19 =	simm.s32 $0x0;
	s7 =	sand.u32 $0x80, s2;
	s23 =	simm.s32 $0x1;
	v4 =	vadd.s32 v0, v3;
	v3 =	vld [tilespmem:s30+$0x0]  }
0x4e: {  	s1 =	simm.s32 $0x0;
	s9 =	sand.u32 $0xF, s23;
	s29 =	simm.s32 $0x8  }
0x4f: {  	s5 =	sand.u32 $0x70, s2;
	s23 =	sshll.u32 s9, $0x4;
	s31 =	sand.u32 $0x380, s29  }
0x50: {  	s29 =	smul.u32 $0x35, s1;
	v4 =	vand.u32 $0x7F, v4;
	s6 =	sshrl.u32 s9, $0x3;
	s30 =	simm.s32 $0x2  }
.LBB2_2:
0x51: {  	p1 =	sne.s32 s30, $0x9F;
	s9 =	sshll.u32 s1, $0x8;
	v4 =	vadd.s32 $0x2710, v4;
	vm0 =	vlt.s32 v5, v2;
	s7 =	sor.u32 s7, s8  }
0x52: {  	s10 =	sshll.u32 s6, $0xA;
	s8 =	sand.u32 $0x800, s9;
	v2 =	vsel vm0, v3, v4;
	s5 =	sor.u32 s5, s7  }
0x53: {  	s6 =	sshll.u32 s6, $0x7;
	s7 =	sand.u32 $0x70, s23;
	s8 =	sor.u32 s10, s8;
	[tilespmem:s5+$0x1300] =	vst v2  }
0x54: {  	v3 =	vmov s29;
	s6 =	sor.u32 s7, s6;
	s5 =	sor.u32 s31, s8;
	s8 =	smov.u32 s1  }
.Ltmp2:
0x55: {  	v4 =	vadd.s32 s23, v3;
	s5 =	sor.u32 s7, s5;
	v2 =	vld [tilespmem:s6+$0x1000];
	(pc) =	sbr.rel @p1 .LBB2_2-.Ltmp2, $4  }
0x56: {  	s19 =	sadd.s32 $0x10, s19;
	s1 =	sshrl.u32 s30, $0x4;
	v4 =	vbroadcast v4, $0x0;
	s6 =	sshll.u32 s30, $0x3;
	v3 =	vld [tilespmem:s5+$0x0]  }
0x57: {  	s10 =	sand.u32 $0xF, s30;
	s7 =	sand.u32 $0x80, s19;
	s5 =	sand.u32 $0x70, s19  }
0x58: {  	s23 =	sshll.u32 s10, $0x4;
	s29 =	smul.u32 $0x35, s1;
	s31 =	sand.u32 $0x380, s6;
	v4 =	vadd.s32 v0, v4  }
0x59: {  	s30 =	sadd.s32 $0x1, s30;
	v5 =	vmov s8;
	s8 =	sand.u32 $0x3FFFFF00, s9;
	s6 =	sshrl.u32 s10, $0x3;
	v4 =	vand.u32 $0x7F, v4  }
0x5a: {  	s9 =	sshll.u32 s1, $0x8;
	s7 =	sor.u32 s7, s8  }
0x5b: {  	v4 =	vadd.s32 $0x2710, v4;
	vm0 =	vlt.s32 v5, v2;
	s10 =	sshll.u32 s6, $0xA;
	s30 =	sand.u32 $0x800, s9;
	s5 =	sor.u32 s5, s7  }
0x5c: {  	v2 =	vsel vm0, v3, v4;
	s7 =	sand.u32 $0x70, s23;
	s8 =	sor.u32 s10, s30;
	s30 =	sshll.u32 s6, $0x7  }
0x5d: {  	[tilespmem:s5+$0x1300] =	vst v2;
	v2 =	vmov s29;
	s10 =	sor.u32 s31, s8;
	s6 =	sor.u32 s7, s30  }
0x5e: {  	v2 =	vadd.s32 s23, v2;
	s5 =	sor.u32 s7, s10;
	v3 =	vld [tilespmem:s6+$0x1000]  }
0x5f: {  	v2 =	vbroadcast v2, $0x0;
	v62 =	vld [tilespmem:s5+$0x0];
	_ =	sdelay $0x1  }
0x60: {  	s29 =	sadd.s32 $0x10, s19;
	v2 =	vadd.s32 v0, v2  }
0x61: {  	v63 =	vmov s1;
	s30 =	sand.u32 $0x80, s29;
	s31 =	sand.u32 $0x3FFFFF00, s9;
	v2 =	vand.u32 $0x7F, v2  }
0x62: {  	s1 =	sor.u32 s30, s31;
	s5 =	sand.u32 $0x70, s29;
	v2 =	vadd.s32 $0x2710, v2;
	vm15 =	vlt.s32 v63, v3  }
0x63: {  	s1 =	sor.u32 s5, s1;
	v2 =	vsel vm15, v62, v2  }
0x64: {  	s5 =	simm.s32 $0x200;
	[tilespmem:s1+$0x1300] =	vst v2;
	s1 =	simm.s32 $0x0  }
.LBB2_4:
0x65: {  	p1 =	sne.s32 s5, $0x1FE00;
	[tilespmem:s1+$0x9F70] =	vst v1  }
0x66: {  	[tilespmem:s1+$0x9F00] =	vst v1  }
0x67: {  	[tilespmem:s1+$0x9F10] =	vst v1  }
.Ltmp3:
0x68: {  	[tilespmem:s1+$0x9F20] =	vst v1;
	(pc) =	sbr.rel @p1 .LBB2_4-.Ltmp3, $4  }
0x69: {  	[tilespmem:s1+$0x9F30] =	vst v1  }
0x6a: {  	[tilespmem:s1+$0x9F40] =	vst v1  }
0x6b: {  	[tilespmem:s1+$0x9F50] =	vst v1  }
0x6c: {  	[tilespmem:s1+$0x9F60] =	vst v1;
	s1 =	sshra.s32 s5, $0x2;
	s5 =	sadd.s32 $0x200, s5  }
0x6d: {  	[tilespmem:s1+$0x9F70] =	vst v1  }
0x6e: {  	[tilespmem:s1+$0x9F00] =	vst v1  }
0x6f: {  	[tilespmem:s1+$0x9F10] =	vst v1  }
.Ltmp4:
0x70: {  	[tilespmem:s1+$0x9F20] =	vst v1;
	(pc) =	sbr.rel @!p0 .LBB2_6-.Ltmp4, $4  }
0x71: {  	[tilespmem:s1+$0x9F30] =	vst v1  }
0x72: {  	[tilespmem:s1+$0x9F40] =	vst v1  }
0x73: {  	[tilespmem:s1+$0x9F50] =	vst v1  }
0x74: {  	[tilespmem:s1+$0x9F60] =	vst v1;
	s1 =	simm.s32 $0x1300  }
.Ltmp5:
0x75: {  	(pc) =	sbr.rel .LBB2_17-.Ltmp5, $3  }
0x76: {  	_ =	sdelay $0x1  }
0x77: {  	[tilespmem:s24], [sflag:$0x1] =	stream.indirect.gather [hbm4b:s4+s22], $0x80, s1, s22, $0xb8;
	[tilespmem:$0x11F00] =	vst v63  }
0x78: {  	s1 =	simm.s32 $0x0;
	p1 =	por $0x0, $0x0  }
.LBB2_24:
0x79: {  	s1 =	sadd.s32 $0x1, s1  }
0x7a: {  	p2 =	sne.s32 s1, $0x14  }
.Ltmp6:
0x7b: {  	_ = 	snop;
	(pc) =	sbr.rel @!p2 .LBB2_25-.Ltmp6, $2  }
0x7c: {  	_ =	sdelay $0x2  }
0x7d: {  	p1 =	por !p1, !p1  }
.LBB2_17:
0x7e: {  	s19 =	sand.u32 $0x1, s1  }
0x7f: {  	p2 =	seq.s32 s19, $0x1  }
.Ltmp7:
0x80: {  	_ = 	snop;
	(pc) =	sbr.rel @p2 .LBB2_21-.Ltmp7, $1  }
0x81: {  	_ =	sdelay $0x3  }
0x82: {  	s5 =	sshll.u32 s1, $0x7  }
0x83: {  	s5 =	sand.u32 $0x3FFFFF80, s5  }
0x84: {  	s5 =	sadd.s32 $0x1380, s5  }
0x85: {  	[tilespmem:s28], [sflag:$0x2] =	stream.indirect.gather [hbm4b:s4+s22], $0x80, s5, s22, $0xb8;
	[tilespmem:$0x11F00] =	vst v63  }
0x86: {  	_ =	swait.ge [sflag:s25], $0x4000  }
0x87: {  	[sflag:s25] =	ssyncset.done $0x0  }
0x88: {  	s23 =	simm.s32 $0x0;
	[sflag:s25] =	ssyncadd.s32 $0xFFFFC000  }
0x89: {  	v9 =	vld [tilespmem:s23+$0x1F00]  }
0x8a: {  	v13 =	vld [tilespmem:s23+$0x1F10]  }
0x8b: {  	v7 =	vld [tilespmem:s23+$0x1F20]  }
0x8c: {  	v6 =	vld [tilespmem:s23+$0x1F30]  }
0x8d: {  	v5 =	vld [tilespmem:s23+$0x1F40]  }
0x8e: {  	v4 =	vld [tilespmem:s23+$0x1F50]  }
0x8f: {  	v3 =	vld [tilespmem:s23+$0x1F60]  }
0x90: {  	v2 =	vld [tilespmem:s23+$0x1F70]  }
0x91: {  	v14 =	vld [tilespmem:s23+$0x9F00]  }
0x92: {  	v15 =	vld [tilespmem:s23+$0x9F10]  }
0x93: {  	v12 =	vld [tilespmem:s23+$0x9F20]  }
0x94: {  	v11 =	vld [tilespmem:s23+$0x9F30]  }
0x95: {  	v10 =	vld [tilespmem:s23+$0x9F40]  }
0x96: {  	v8 =	vld [tilespmem:s23+$0x9F50];
	v14 =	vadd.f32 v9, v14  }
0x97: {  	s29 =	simm.s32 $0x200;
	v13 =	vadd.f32 v13, v15;
	v9 =	vld [tilespmem:s23+$0x9F60]  }
.LBB2_19:
0x98: {  	s5 =	sshra.s32 s29, $0x2;
	p2 =	sne.s32 s29, $0xFE00;
	[tilespmem:s23+$0x9F00] =	vst v14;
	v7 =	vadd.f32 v7, v12;
	v12 =	vld [tilespmem:s23+$0x9F70]  }
0x99: {  	v14 =	vld [tilespmem:s5+$0x1F00];
	[tilespmem:s23+$0x9F10] =	vst v13;
	v6 =	vadd.f32 v6, v11  }
0x9a: {  	v13 =	vld [tilespmem:s5+$0x1F10];
	[tilespmem:s23+$0x9F20] =	vst v7;
	v5 =	vadd.f32 v5, v10  }
0x9b: {  	v7 =	vld [tilespmem:s5+$0x1F20];
	[tilespmem:s23+$0x9F30] =	vst v6;
	v4 =	vadd.f32 v4, v8  }
0x9c: {  	v6 =	vld [tilespmem:s5+$0x1F30];
	[tilespmem:s23+$0x9F40] =	vst v5;
	v3 =	vadd.f32 v3, v9  }
0x9d: {  	v5 =	vld [tilespmem:s5+$0x1F40];
	[tilespmem:s23+$0x9F50] =	vst v4;
	v2 =	vadd.f32 v2, v12  }
0x9e: {  	v4 =	vld [tilespmem:s5+$0x1F50];
	[tilespmem:s23+$0x9F60] =	vst v3  }
0x9f: {  	v3 =	vld [tilespmem:s5+$0x1F60];
	[tilespmem:s23+$0x9F70] =	vst v2;
	s23 =	smov.u32 s5  }
0xa0: {  	v2 =	vld [tilespmem:s23+$0x1F70]  }
0xa1: {  	v8 =	vld [tilespmem:s23+$0x9F00]  }
0xa2: {  	v9 =	vld [tilespmem:s23+$0x9F10]  }
.Ltmp8:
0xa3: {  	v12 =	vld [tilespmem:s23+$0x9F20];
	(pc) =	sbr.rel @p2 .LBB2_19-.Ltmp8, $4  }
0xa4: {  	v11 =	vld [tilespmem:s23+$0x9F30]  }
0xa5: {  	v10 =	vld [tilespmem:s23+$0x9F40]  }
0xa6: {  	v14 =	vadd.f32 v14, v8;
	v8 =	vld [tilespmem:s23+$0x9F50]  }
0xa7: {  	s29 =	sadd.s32 $0x200, s29;
	v13 =	vadd.f32 v13, v9;
	v9 =	vld [tilespmem:s23+$0x9F60]  }
0xa8: {  	[tilespmem:s23+$0x9F00] =	vst v14;
	v7 =	vadd.f32 v7, v12;
	v63 =	vld [tilespmem:s23+$0x9F70]  }
0xa9: {  	[tilespmem:s23+$0x9F10] =	vst v13;
	v6 =	vadd.f32 v6, v11  }
0xaa: {  	p2 =	seq.s32 s19, $0x0;
	[tilespmem:s23+$0x9F20] =	vst v7;
	v5 =	vadd.f32 v5, v10  }
.Ltmp9:
0xab: {  	[tilespmem:s23+$0x9F30] =	vst v6;
	v4 =	vadd.f32 v4, v8;
	(pc) =	sbr.rel @p2 .LBB2_24-.Ltmp9, $4  }
0xac: {  	[tilespmem:s23+$0x9F40] =	vst v5;
	v3 =	vadd.f32 v3, v9  }
0xad: {  	[tilespmem:s23+$0x9F50] =	vst v4;
	v2 =	vadd.f32 v2, v63  }
0xae: {  	[tilespmem:s23+$0x9F60] =	vst v3  }
0xaf: {  	[tilespmem:s23+$0x9F70] =	vst v2  }
.LBB2_21:
0xb0: {  	s5 =	simm.s32 $0x1;
	p2 =	seq.s32 s1, $0x13  }
0xb1: {  	s5 =	simm.s32 @!p1 $0x0;
	s6 =	sshll.u32 @!p2 s1, $0x7  }
0xb2: {  	s7 =	simm.s32 @!p2 $0x80;
	s5 =	sshll.u32 s5, $0xE;
	s6 =	sand.u32 @!p2 $0x3FFFFF80, s6  }
0xb3: {  	s8 =	simm.s32 @!p2 $0x1F00;
	s5 =	sor.u32 $0x9F40, s5;
	s6 =	sadd.s32 @!p2 $0x1380, s6  }
0xb4: {  	v2 =	vmov s5;
	[tilespmem:s8], [sflag:$0x1] =	stream.indirect.gather @!p2 [hbm4b:s4+s7], $0x80, s6, s7, $0xb8;
	[tilespmem:$0x11F00] =	vst v63  }
0xb5: {  	_ =	swait.ge [sflag:s26], $0x4000  }
0xb6: {  	[sflag:s26] =	ssyncset.done $0x0  }
0xb7: {  	s19 =	simm.s32 $0x0;
	[sflag:s26] =	ssyncadd.s32 $0xFFFFC000  }
0xb8: {  	v4 =	vld [tilespmem:s19+$0x5F00]  }
0xb9: {  	v3 =	vld.idx.msk [tilespmem:v2+s19+$0xFFFFFFC0 ss:$0x1], $0xffff;
	_ =	sdelay $0x4  }
0xba: {  	v3 =	vadd.f32 v4, v3;
	_ =	sdelay $0x1  }
0xbb: {  	[tilespmem:v2+s19+$0xFFFFFFC0 ss:$0x1] =	vst.idx.msk $0xffff, v3  }
0xbc: {  	v3 =	vld.idx.msk [tilespmem:v2+s19+$0xFFFFFFD0 ss:$0x1], $0xffff  }
0xbd: {  	v4 =	vld [tilespmem:s19+$0x5F10];
	_ =	sdelay $0x4  }
0xbe: {  	v3 =	vadd.f32 v4, v3;
	_ =	sdelay $0x1  }
0xbf: {  	[tilespmem:v2+s19+$0xFFFFFFD0 ss:$0x1] =	vst.idx.msk $0xffff, v3  }
0xc0: {  	v3 =	vld.idx.msk [tilespmem:v2+s19+$0xFFFFFFE0 ss:$0x1], $0xffff  }
0xc1: {  	v4 =	vld [tilespmem:s19+$0x5F20];
	_ =	sdelay $0x4  }
0xc2: {  	v3 =	vadd.f32 v4, v3;
	_ =	sdelay $0x1  }
0xc3: {  	[tilespmem:v2+s19+$0xFFFFFFE0 ss:$0x1] =	vst.idx.msk $0xffff, v3  }
0xc4: {  	v3 =	vld.idx.msk [tilespmem:v2+s19+$0xFFFFFFF0 ss:$0x1], $0xffff  }
0xc5: {  	v4 =	vld [tilespmem:s19+$0x5F30];
	_ =	sdelay $0x4  }
0xc6: {  	v3 =	vadd.f32 v4, v3;
	_ =	sdelay $0x1  }
0xc7: {  	[tilespmem:v2+s19+$0xFFFFFFF0 ss:$0x1] =	vst.idx.msk $0xffff, v3  }
0xc8: {  	v3 =	vld.idx.msk [tilespmem:v2+s19+$0x0 ss:$0x1], $0xffff  }
0xc9: {  	v4 =	vld [tilespmem:s19+$0x5F40];
	_ =	sdelay $0x4  }
0xca: {  	v3 =	vadd.f32 v4, v3;
	_ =	sdelay $0x1  }
0xcb: {  	[tilespmem:v2+s19+$0x0 ss:$0x1] =	vst.idx.msk $0xffff, v3  }
0xcc: {  	v3 =	vld.idx.msk [tilespmem:v2+s19+$0x10 ss:$0x1], $0xffff  }
0xcd: {  	v4 =	vld [tilespmem:s19+$0x5F50];
	_ =	sdelay $0x4  }
0xce: {  	v3 =	vadd.f32 v4, v3;
	_ =	sdelay $0x1  }
0xcf: {  	[tilespmem:v2+s19+$0x10 ss:$0x1] =	vst.idx.msk $0xffff, v3  }
0xd0: {  	v3 =	vld.idx.msk [tilespmem:v2+s19+$0x20 ss:$0x1], $0xffff  }
0xd1: {  	v4 =	vld [tilespmem:s19+$0x5F60];
	_ =	sdelay $0x4  }
0xd2: {  	v3 =	vadd.f32 v4, v3;
	_ =	sdelay $0x1  }
0xd3: {  	[tilespmem:v2+s19+$0x20 ss:$0x1] =	vst.idx.msk $0xffff, v3  }
0xd4: {  	v3 =	vld.idx.msk [tilespmem:v2+s19+$0x30 ss:$0x1], $0xffff  }
0xd5: {  	v4 =	vld [tilespmem:s19+$0x5F70];
	_ =	sdelay $0x4  }
0xd6: {  	s23 =	simm.s32 $0x200;
	s29 =	simm.s32 $0x400;
	v3 =	vadd.f32 v4, v3  }
.LBB2_22:
0xd7: {  	p2 =	sne.s32 s29, $0xFE00  }
0xd8: {  	[tilespmem:v2+s19+$0x30 ss:$0x1] =	vst.idx.msk $0xffff, v3;
	s19 =	sshra.s32 s23, $0x2;
	s23 =	smov.u32 s29;
	s29 =	sadd.s32 $0x200, s29  }
0xd9: {  	v3 =	vld.idx.msk [tilespmem:v2+s19+$0xFFFFFFC0 ss:$0x1], $0xffff  }
0xda: {  	v4 =	vld [tilespmem:s19+$0x5F00];
	_ =	sdelay $0x4  }
0xdb: {  	v3 =	vadd.f32 v4, v3;
	_ =	sdelay $0x1  }
0xdc: {  	[tilespmem:v2+s19+$0xFFFFFFC0 ss:$0x1] =	vst.idx.msk $0xffff, v3  }
0xdd: {  	v3 =	vld.idx.msk [tilespmem:v2+s19+$0xFFFFFFD0 ss:$0x1], $0xffff  }
0xde: {  	v4 =	vld [tilespmem:s19+$0x5F10];
	_ =	sdelay $0x4  }
0xdf: {  	v3 =	vadd.f32 v4, v3;
	_ =	sdelay $0x1  }
0xe0: {  	[tilespmem:v2+s19+$0xFFFFFFD0 ss:$0x1] =	vst.idx.msk $0xffff, v3  }
0xe1: {  	v3 =	vld.idx.msk [tilespmem:v2+s19+$0xFFFFFFE0 ss:$0x1], $0xffff  }
0xe2: {  	v4 =	vld [tilespmem:s19+$0x5F20];
	_ =	sdelay $0x4  }
0xe3: {  	v3 =	vadd.f32 v4, v3;
	_ =	sdelay $0x1  }
0xe4: {  	[tilespmem:v2+s19+$0xFFFFFFE0 ss:$0x1] =	vst.idx.msk $0xffff, v3  }
0xe5: {  	v3 =	vld.idx.msk [tilespmem:v2+s19+$0xFFFFFFF0 ss:$0x1], $0xffff  }
0xe6: {  	v4 =	vld [tilespmem:s19+$0x5F30];
	_ =	sdelay $0x4  }
0xe7: {  	v3 =	vadd.f32 v4, v3;
	_ =	sdelay $0x1  }
0xe8: {  	[tilespmem:v2+s19+$0xFFFFFFF0 ss:$0x1] =	vst.idx.msk $0xffff, v3  }
0xe9: {  	v3 =	vld.idx.msk [tilespmem:v2+s19+$0x0 ss:$0x1], $0xffff  }
0xea: {  	v4 =	vld [tilespmem:s19+$0x5F40];
	_ =	sdelay $0x4  }
0xeb: {  	v3 =	vadd.f32 v4, v3;
	_ =	sdelay $0x1  }
0xec: {  	[tilespmem:v2+s19+$0x0 ss:$0x1] =	vst.idx.msk $0xffff, v3  }
0xed: {  	v3 =	vld.idx.msk [tilespmem:v2+s19+$0x10 ss:$0x1], $0xffff  }
0xee: {  	v4 =	vld [tilespmem:s19+$0x5F50];
	_ =	sdelay $0x4  }
0xef: {  	v3 =	vadd.f32 v4, v3;
	_ =	sdelay $0x1  }
0xf0: {  	[tilespmem:v2+s19+$0x10 ss:$0x1] =	vst.idx.msk $0xffff, v3  }
0xf1: {  	v3 =	vld.idx.msk [tilespmem:v2+s19+$0x20 ss:$0x1], $0xffff  }
0xf2: {  	v4 =	vld [tilespmem:s19+$0x5F60];
	_ =	sdelay $0x4  }
0xf3: {  	v3 =	vadd.f32 v4, v3;
	_ =	sdelay $0x1  }
0xf4: {  	[tilespmem:v2+s19+$0x20 ss:$0x1] =	vst.idx.msk $0xffff, v3  }
0xf5: {  	v3 =	vld.idx.msk [tilespmem:v2+s19+$0x30 ss:$0x1], $0xffff  }
0xf6: {  	v4 =	vld [tilespmem:s19+$0x5F70]  }
.Ltmp10:
0xf7: {  	(pc) =	sbr.rel @p2 .LBB2_22-.Ltmp10, $2  }
0xf8: {  	_ =	sdelay $0x2  }
0xf9: {  	v3 =	vadd.f32 v4, v3  }
0xfa: {  	_ =	sdelay $0x3  }
0xfb: {  	s5 =	sshra.s32 s23, $0x2;
	[tilespmem:v2+s19+$0x30 ss:$0x1] =	vst.idx.msk $0xffff, v3  }
0xfc: {  	v3 =	vld.idx.msk [tilespmem:v2+s5+$0xFFFFFFC0 ss:$0x1], $0xffff  }
0xfd: {  	v4 =	vld [tilespmem:s5+$0x5F00];
	_ =	sdelay $0x4  }
0xfe: {  	v3 =	vadd.f32 v4, v3;
	_ =	sdelay $0x1  }
0xff: {  	[tilespmem:v2+s5+$0xFFFFFFC0 ss:$0x1] =	vst.idx.msk $0xffff, v3  }
0x100: {  	v3 =	vld.idx.msk [tilespmem:v2+s5+$0xFFFFFFD0 ss:$0x1], $0xffff  }
0x101: {  	v57 =	vld [tilespmem:s5+$0x5F10];
	_ =	sdelay $0x4  }
0x102: {  	v3 =	vadd.f32 v57, v3;
	_ =	sdelay $0x1  }
0x103: {  	[tilespmem:v2+s5+$0xFFFFFFD0 ss:$0x1] =	vst.idx.msk $0xffff, v3  }
0x104: {  	v3 =	vld.idx.msk [tilespmem:v2+s5+$0xFFFFFFE0 ss:$0x1], $0xffff  }
0x105: {  	v58 =	vld [tilespmem:s5+$0x5F20];
	_ =	sdelay $0x4  }
0x106: {  	v3 =	vadd.f32 v58, v3;
	_ =	sdelay $0x1  }
0x107: {  	[tilespmem:v2+s5+$0xFFFFFFE0 ss:$0x1] =	vst.idx.msk $0xffff, v3  }
0x108: {  	v3 =	vld.idx.msk [tilespmem:v2+s5+$0xFFFFFFF0 ss:$0x1], $0xffff  }
0x109: {  	v59 =	vld [tilespmem:s5+$0x5F30];
	_ =	sdelay $0x4  }
0x10a: {  	v3 =	vadd.f32 v59, v3;
	_ =	sdelay $0x1  }
0x10b: {  	[tilespmem:v2+s5+$0xFFFFFFF0 ss:$0x1] =	vst.idx.msk $0xffff, v3  }
0x10c: {  	v3 =	vld.idx.msk [tilespmem:v2+s5+$0x0 ss:$0x1], $0xffff  }
0x10d: {  	v60 =	vld [tilespmem:s5+$0x5F40];
	_ =	sdelay $0x4  }
0x10e: {  	v3 =	vadd.f32 v60, v3;
	_ =	sdelay $0x1  }
0x10f: {  	[tilespmem:v2+s5+$0x0 ss:$0x1] =	vst.idx.msk $0xffff, v3  }
0x110: {  	v3 =	vld.idx.msk [tilespmem:v2+s5+$0x10 ss:$0x1], $0xffff  }
0x111: {  	v61 =	vld [tilespmem:s5+$0x5F50];
	_ =	sdelay $0x4  }
0x112: {  	v3 =	vadd.f32 v61, v3;
	_ =	sdelay $0x1  }
0x113: {  	[tilespmem:v2+s5+$0x10 ss:$0x1] =	vst.idx.msk $0xffff, v3  }
0x114: {  	v3 =	vld.idx.msk [tilespmem:v2+s5+$0x20 ss:$0x1], $0xffff  }
0x115: {  	v62 =	vld [tilespmem:s5+$0x5F60];
	_ =	sdelay $0x4  }
0x116: {  	v3 =	vadd.f32 v62, v3;
	_ =	sdelay $0x1  }
0x117: {  	[tilespmem:v2+s5+$0x20 ss:$0x1] =	vst.idx.msk $0xffff, v3  }
0x118: {  	v3 =	vld.idx.msk [tilespmem:v2+s5+$0x30 ss:$0x1], $0xffff  }
0x119: {  	v63 =	vld [tilespmem:s5+$0x5F70];
	_ =	sdelay $0x2  }
.Ltmp11:
0x11a: {  	_ = 	snop;
	(pc) =	sbr.rel .LBB2_24-.Ltmp11, $3  }
0x11b: {  	_ = 	snop  }
0x11c: {  	v3 =	vadd.f32 v63, v3;
	_ =	sdelay $0x1  }
0x11d: {  	[tilespmem:v2+s5+$0x30 ss:$0x1] =	vst.idx.msk $0xffff, v3  }
.LBB2_6:
.Ltmp12:
0x11e: {  	(pc) =	sbr.rel .LBB2_7-.Ltmp12, $3  }
0x11f: {  	_ =	sdelay $0x1  }
0x120: {  	[tilespmem:s24], [sflag:$0x1] =	stream.indirect.gather [hbm4b:s3+s22], $0x80, s1, s22, $0xb8;
	[tilespmem:$0x11F00] =	vst v63  }
0x121: {  	s1 =	simm.s32 $0x0;
	p1 =	por $0x0, $0x0  }
.LBB2_13:
0x122: {  	_ =	sdelay $0x3  }
0x123: {  	s5 =	sshra.s32 s23, $0x2;
	[tilespmem:v2+s19+$0x30 ss:$0x1] =	vst.idx.msk $0xffff, v3  }
0x124: {  	v3 =	vld.idx.msk [tilespmem:v2+s5+$0xFFFFFFC0 ss:$0x1], $0xffff  }
0x125: {  	v4 =	vld [tilespmem:s5+$0x5F00];
	_ =	sdelay $0x4  }
0x126: {  	v3 =	vadd.f32 v4, v3;
	_ =	sdelay $0x1  }
0x127: {  	[tilespmem:v2+s5+$0xFFFFFFC0 ss:$0x1] =	vst.idx.msk $0xffff, v3  }
0x128: {  	v3 =	vld.idx.msk [tilespmem:v2+s5+$0xFFFFFFD0 ss:$0x1], $0xffff  }
0x129: {  	v57 =	vld [tilespmem:s5+$0x5F10];
	_ =	sdelay $0x4  }
0x12a: {  	v3 =	vadd.f32 v57, v3;
	_ =	sdelay $0x1  }
0x12b: {  	[tilespmem:v2+s5+$0xFFFFFFD0 ss:$0x1] =	vst.idx.msk $0xffff, v3  }
0x12c: {  	v3 =	vld.idx.msk [tilespmem:v2+s5+$0xFFFFFFE0 ss:$0x1], $0xffff  }
0x12d: {  	v58 =	vld [tilespmem:s5+$0x5F20];
	_ =	sdelay $0x4  }
0x12e: {  	v3 =	vadd.f32 v58, v3;
	_ =	sdelay $0x1  }
0x12f: {  	[tilespmem:v2+s5+$0xFFFFFFE0 ss:$0x1] =	vst.idx.msk $0xffff, v3  }
0x130: {  	v3 =	vld.idx.msk [tilespmem:v2+s5+$0xFFFFFFF0 ss:$0x1], $0xffff  }
0x131: {  	v59 =	vld [tilespmem:s5+$0x5F30];
	_ =	sdelay $0x4  }
0x132: {  	v3 =	vadd.f32 v59, v3;
	_ =	sdelay $0x1  }
0x133: {  	[tilespmem:v2+s5+$0xFFFFFFF0 ss:$0x1] =	vst.idx.msk $0xffff, v3  }
0x134: {  	v3 =	vld.idx.msk [tilespmem:v2+s5+$0x0 ss:$0x1], $0xffff  }
0x135: {  	v60 =	vld [tilespmem:s5+$0x5F40];
	_ =	sdelay $0x4  }
0x136: {  	v3 =	vadd.f32 v60, v3;
	_ =	sdelay $0x1  }
0x137: {  	[tilespmem:v2+s5+$0x0 ss:$0x1] =	vst.idx.msk $0xffff, v3  }
0x138: {  	v3 =	vld.idx.msk [tilespmem:v2+s5+$0x10 ss:$0x1], $0xffff  }
0x139: {  	v61 =	vld [tilespmem:s5+$0x5F50];
	_ =	sdelay $0x4  }
0x13a: {  	v3 =	vadd.f32 v61, v3;
	_ =	sdelay $0x1  }
0x13b: {  	[tilespmem:v2+s5+$0x10 ss:$0x1] =	vst.idx.msk $0xffff, v3  }
0x13c: {  	v3 =	vld.idx.msk [tilespmem:v2+s5+$0x20 ss:$0x1], $0xffff  }
0x13d: {  	v62 =	vld [tilespmem:s5+$0x5F60];
	_ =	sdelay $0x4  }
0x13e: {  	v3 =	vadd.f32 v62, v3;
	_ =	sdelay $0x1  }
0x13f: {  	[tilespmem:v2+s5+$0x20 ss:$0x1] =	vst.idx.msk $0xffff, v3  }
0x140: {  	v3 =	vld.idx.msk [tilespmem:v2+s5+$0x30 ss:$0x1], $0xffff  }
0x141: {  	v63 =	vld [tilespmem:s5+$0x5F70];
	_ =	sdelay $0x4  }
0x142: {  	v3 =	vadd.f32 v63, v3;
	_ =	sdelay $0x1  }
0x143: {  	[tilespmem:v2+s5+$0x30 ss:$0x1] =	vst.idx.msk $0xffff, v3  }
.LBB2_14:
0x144: {  	s1 =	sadd.s32 $0x1, s1  }
0x145: {  	p2 =	seq.s32 s1, $0x14  }
.Ltmp13:
0x146: {  	_ = 	snop;
	(pc) =	sbr.rel @p2 .LBB2_15-.Ltmp13, $2  }
0x147: {  	_ =	sdelay $0x2  }
0x148: {  	p1 =	por !p1, !p1  }
.LBB2_7:
0x149: {  	s19 =	sand.u32 $0x1, s1  }
0x14a: {  	p2 =	seq.s32 s19, $0x1  }
.Ltmp14:
0x14b: {  	_ = 	snop;
	(pc) =	sbr.rel @p2 .LBB2_11-.Ltmp14, $1  }
0x14c: {  	_ =	sdelay $0x3  }
0x14d: {  	s5 =	sshll.u32 s1, $0x7  }
0x14e: {  	s5 =	sand.u32 $0x3FFFFF80, s5  }
0x14f: {  	s5 =	sadd.s32 $0x1380, s5  }
0x150: {  	[tilespmem:s28], [sflag:$0x2] =	stream.indirect.gather [hbm4b:s3+s22], $0x80, s5, s22, $0xb8;
	[tilespmem:$0x11F00] =	vst v63  }
0x151: {  	_ =	swait.ge [sflag:s25], $0x4000  }
0x152: {  	[sflag:s25] =	ssyncset.done $0x0  }
0x153: {  	s23 =	simm.s32 $0x0;
	[sflag:s25] =	ssyncadd.s32 $0xFFFFC000  }
0x154: {  	v9 =	vld [tilespmem:s23+$0x1F00]  }
0x155: {  	v13 =	vld [tilespmem:s23+$0x1F10]  }
0x156: {  	v7 =	vld [tilespmem:s23+$0x1F20]  }
0x157: {  	v6 =	vld [tilespmem:s23+$0x1F30]  }
0x158: {  	v5 =	vld [tilespmem:s23+$0x1F40]  }
0x159: {  	v4 =	vld [tilespmem:s23+$0x1F50]  }
0x15a: {  	v3 =	vld [tilespmem:s23+$0x1F60]  }
0x15b: {  	v2 =	vld [tilespmem:s23+$0x1F70]  }
0x15c: {  	v14 =	vld [tilespmem:s23+$0x9F00]  }
0x15d: {  	v15 =	vld [tilespmem:s23+$0x9F10]  }
0x15e: {  	v12 =	vld [tilespmem:s23+$0x9F20]  }
0x15f: {  	v11 =	vld [tilespmem:s23+$0x9F30]  }
0x160: {  	v10 =	vld [tilespmem:s23+$0x9F40]  }
0x161: {  	v8 =	vld [tilespmem:s23+$0x9F50];
	v14 =	vadd.f32 v9, v14  }
0x162: {  	s29 =	simm.s32 $0x200;
	v13 =	vadd.f32 v13, v15;
	v9 =	vld [tilespmem:s23+$0x9F60]  }
.LBB2_9:
0x163: {  	s5 =	sshra.s32 s29, $0x2;
	p2 =	sne.s32 s29, $0xFE00;
	[tilespmem:s23+$0x9F00] =	vst v14;
	v7 =	vadd.f32 v7, v12;
	v12 =	vld [tilespmem:s23+$0x9F70]  }
0x164: {  	v14 =	vld [tilespmem:s5+$0x1F00];
	[tilespmem:s23+$0x9F10] =	vst v13;
	v6 =	vadd.f32 v6, v11  }
0x165: {  	v13 =	vld [tilespmem:s5+$0x1F10];
	[tilespmem:s23+$0x9F20] =	vst v7;
	v5 =	vadd.f32 v5, v10  }
0x166: {  	v7 =	vld [tilespmem:s5+$0x1F20];
	[tilespmem:s23+$0x9F30] =	vst v6;
	v4 =	vadd.f32 v4, v8  }
0x167: {  	v6 =	vld [tilespmem:s5+$0x1F30];
	[tilespmem:s23+$0x9F40] =	vst v5;
	v3 =	vadd.f32 v3, v9  }
0x168: {  	v5 =	vld [tilespmem:s5+$0x1F40];
	[tilespmem:s23+$0x9F50] =	vst v4;
	v2 =	vadd.f32 v2, v12  }
0x169: {  	v4 =	vld [tilespmem:s5+$0x1F50];
	[tilespmem:s23+$0x9F60] =	vst v3  }
0x16a: {  	v3 =	vld [tilespmem:s5+$0x1F60];
	[tilespmem:s23+$0x9F70] =	vst v2;
	s23 =	smov.u32 s5  }
0x16b: {  	v2 =	vld [tilespmem:s23+$0x1F70]  }
0x16c: {  	v8 =	vld [tilespmem:s23+$0x9F00]  }
0x16d: {  	v9 =	vld [tilespmem:s23+$0x9F10]  }
.Ltmp15:
0x16e: {  	v12 =	vld [tilespmem:s23+$0x9F20];
	(pc) =	sbr.rel @p2 .LBB2_9-.Ltmp15, $4  }
0x16f: {  	v11 =	vld [tilespmem:s23+$0x9F30]  }
0x170: {  	v10 =	vld [tilespmem:s23+$0x9F40]  }
0x171: {  	v14 =	vadd.f32 v14, v8;
	v8 =	vld [tilespmem:s23+$0x9F50]  }
0x172: {  	s29 =	sadd.s32 $0x200, s29;
	v13 =	vadd.f32 v13, v9;
	v9 =	vld [tilespmem:s23+$0x9F60]  }
0x173: {  	[tilespmem:s23+$0x9F00] =	vst v14;
	v7 =	vadd.f32 v7, v12;
	v63 =	vld [tilespmem:s23+$0x9F70]  }
0x174: {  	[tilespmem:s23+$0x9F10] =	vst v13;
	v6 =	vadd.f32 v6, v11  }
0x175: {  	p2 =	seq.s32 s19, $0x0;
	[tilespmem:s23+$0x9F20] =	vst v7;
	v5 =	vadd.f32 v5, v10  }
.Ltmp16:
0x176: {  	[tilespmem:s23+$0x9F30] =	vst v6;
	v4 =	vadd.f32 v4, v8;
	(pc) =	sbr.rel @p2 .LBB2_14-.Ltmp16, $4  }
0x177: {  	[tilespmem:s23+$0x9F40] =	vst v5;
	v3 =	vadd.f32 v3, v9  }
0x178: {  	[tilespmem:s23+$0x9F50] =	vst v4;
	v2 =	vadd.f32 v2, v63  }
0x179: {  	[tilespmem:s23+$0x9F60] =	vst v3  }
0x17a: {  	[tilespmem:s23+$0x9F70] =	vst v2  }
.LBB2_11:
0x17b: {  	s5 =	simm.s32 $0x1;
	p2 =	seq.s32 s1, $0x13  }
0x17c: {  	s5 =	simm.s32 @!p1 $0x0;
	s6 =	sshll.u32 @!p2 s1, $0x7  }
0x17d: {  	s7 =	simm.s32 @!p2 $0x80;
	s5 =	sshll.u32 s5, $0xE;
	s6 =	sand.u32 @!p2 $0x3FFFFF80, s6  }
0x17e: {  	s8 =	simm.s32 @!p2 $0x1F00;
	s5 =	sor.u32 $0x9F40, s5;
	s6 =	sadd.s32 @!p2 $0x1380, s6  }
0x17f: {  	v2 =	vmov s5;
	[tilespmem:s8], [sflag:$0x1] =	stream.indirect.gather @!p2 [hbm4b:s3+s7], $0x80, s6, s7, $0xb8;
	[tilespmem:$0x11F00] =	vst v63  }
0x180: {  	_ =	swait.ge [sflag:s26], $0x4000  }
0x181: {  	[sflag:s26] =	ssyncset.done $0x0  }
0x182: {  	s19 =	simm.s32 $0x0;
	[sflag:s26] =	ssyncadd.s32 $0xFFFFC000  }
0x183: {  	v4 =	vld [tilespmem:s19+$0x5F00]  }
0x184: {  	v3 =	vld.idx.msk [tilespmem:v2+s19+$0xFFFFFFC0 ss:$0x1], $0xffff;
	_ =	sdelay $0x4  }
0x185: {  	v3 =	vadd.f32 v4, v3;
	_ =	sdelay $0x1  }
0x186: {  	[tilespmem:v2+s19+$0xFFFFFFC0 ss:$0x1] =	vst.idx.msk $0xffff, v3  }
0x187: {  	v3 =	vld.idx.msk [tilespmem:v2+s19+$0xFFFFFFD0 ss:$0x1], $0xffff  }
0x188: {  	v4 =	vld [tilespmem:s19+$0x5F10];
	_ =	sdelay $0x4  }
0x189: {  	v3 =	vadd.f32 v4, v3;
	_ =	sdelay $0x1  }
0x18a: {  	[tilespmem:v2+s19+$0xFFFFFFD0 ss:$0x1] =	vst.idx.msk $0xffff, v3  }
0x18b: {  	v3 =	vld.idx.msk [tilespmem:v2+s19+$0xFFFFFFE0 ss:$0x1], $0xffff  }
0x18c: {  	v4 =	vld [tilespmem:s19+$0x5F20];
	_ =	sdelay $0x4  }
0x18d: {  	v3 =	vadd.f32 v4, v3;
	_ =	sdelay $0x1  }
0x18e: {  	[tilespmem:v2+s19+$0xFFFFFFE0 ss:$0x1] =	vst.idx.msk $0xffff, v3  }
0x18f: {  	v3 =	vld.idx.msk [tilespmem:v2+s19+$0xFFFFFFF0 ss:$0x1], $0xffff  }
0x190: {  	v4 =	vld [tilespmem:s19+$0x5F30];
	_ =	sdelay $0x4  }
0x191: {  	v3 =	vadd.f32 v4, v3;
	_ =	sdelay $0x1  }
0x192: {  	[tilespmem:v2+s19+$0xFFFFFFF0 ss:$0x1] =	vst.idx.msk $0xffff, v3  }
0x193: {  	v3 =	vld.idx.msk [tilespmem:v2+s19+$0x0 ss:$0x1], $0xffff  }
0x194: {  	v4 =	vld [tilespmem:s19+$0x5F40];
	_ =	sdelay $0x4  }
0x195: {  	v3 =	vadd.f32 v4, v3;
	_ =	sdelay $0x1  }
0x196: {  	[tilespmem:v2+s19+$0x0 ss:$0x1] =	vst.idx.msk $0xffff, v3  }
0x197: {  	v3 =	vld.idx.msk [tilespmem:v2+s19+$0x10 ss:$0x1], $0xffff  }
0x198: {  	v4 =	vld [tilespmem:s19+$0x5F50];
	_ =	sdelay $0x4  }
0x199: {  	v3 =	vadd.f32 v4, v3;
	_ =	sdelay $0x1  }
0x19a: {  	[tilespmem:v2+s19+$0x10 ss:$0x1] =	vst.idx.msk $0xffff, v3  }
0x19b: {  	v3 =	vld.idx.msk [tilespmem:v2+s19+$0x20 ss:$0x1], $0xffff  }
0x19c: {  	v4 =	vld [tilespmem:s19+$0x5F60];
	_ =	sdelay $0x4  }
0x19d: {  	v3 =	vadd.f32 v4, v3;
	_ =	sdelay $0x1  }
0x19e: {  	[tilespmem:v2+s19+$0x20 ss:$0x1] =	vst.idx.msk $0xffff, v3  }
0x19f: {  	v3 =	vld.idx.msk [tilespmem:v2+s19+$0x30 ss:$0x1], $0xffff  }
0x1a0: {  	v4 =	vld [tilespmem:s19+$0x5F70];
	_ =	sdelay $0x4  }
0x1a1: {  	s23 =	simm.s32 $0x200;
	s29 =	simm.s32 $0x400;
	v3 =	vadd.f32 v4, v3  }
.LBB2_12:
0x1a2: {  	p2 =	sne.s32 s29, $0xFE00  }
0x1a3: {  	[tilespmem:v2+s19+$0x30 ss:$0x1] =	vst.idx.msk $0xffff, v3;
	s19 =	sshra.s32 s23, $0x2;
	s23 =	smov.u32 s29;
	s29 =	sadd.s32 $0x200, s29  }
0x1a4: {  	v3 =	vld.idx.msk [tilespmem:v2+s19+$0xFFFFFFC0 ss:$0x1], $0xffff  }
0x1a5: {  	v4 =	vld [tilespmem:s19+$0x5F00];
	_ =	sdelay $0x4  }
0x1a6: {  	v3 =	vadd.f32 v4, v3;
	_ =	sdelay $0x1  }
0x1a7: {  	[tilespmem:v2+s19+$0xFFFFFFC0 ss:$0x1] =	vst.idx.msk $0xffff, v3  }
0x1a8: {  	v3 =	vld.idx.msk [tilespmem:v2+s19+$0xFFFFFFD0 ss:$0x1], $0xffff  }
0x1a9: {  	v4 =	vld [tilespmem:s19+$0x5F10];
	_ =	sdelay $0x4  }
0x1aa: {  	v3 =	vadd.f32 v4, v3;
	_ =	sdelay $0x1  }
0x1ab: {  	[tilespmem:v2+s19+$0xFFFFFFD0 ss:$0x1] =	vst.idx.msk $0xffff, v3  }
0x1ac: {  	v3 =	vld.idx.msk [tilespmem:v2+s19+$0xFFFFFFE0 ss:$0x1], $0xffff  }
0x1ad: {  	v4 =	vld [tilespmem:s19+$0x5F20];
	_ =	sdelay $0x4  }
0x1ae: {  	v3 =	vadd.f32 v4, v3;
	_ =	sdelay $0x1  }
0x1af: {  	[tilespmem:v2+s19+$0xFFFFFFE0 ss:$0x1] =	vst.idx.msk $0xffff, v3  }
0x1b0: {  	v3 =	vld.idx.msk [tilespmem:v2+s19+$0xFFFFFFF0 ss:$0x1], $0xffff  }
0x1b1: {  	v4 =	vld [tilespmem:s19+$0x5F30];
	_ =	sdelay $0x4  }
0x1b2: {  	v3 =	vadd.f32 v4, v3;
	_ =	sdelay $0x1  }
0x1b3: {  	[tilespmem:v2+s19+$0xFFFFFFF0 ss:$0x1] =	vst.idx.msk $0xffff, v3  }
0x1b4: {  	v3 =	vld.idx.msk [tilespmem:v2+s19+$0x0 ss:$0x1], $0xffff  }
0x1b5: {  	v4 =	vld [tilespmem:s19+$0x5F40];
	_ =	sdelay $0x4  }
0x1b6: {  	v3 =	vadd.f32 v4, v3;
	_ =	sdelay $0x1  }
0x1b7: {  	[tilespmem:v2+s19+$0x0 ss:$0x1] =	vst.idx.msk $0xffff, v3  }
0x1b8: {  	v3 =	vld.idx.msk [tilespmem:v2+s19+$0x10 ss:$0x1], $0xffff  }
0x1b9: {  	v4 =	vld [tilespmem:s19+$0x5F50];
	_ =	sdelay $0x4  }
0x1ba: {  	v3 =	vadd.f32 v4, v3;
	_ =	sdelay $0x1  }
0x1bb: {  	[tilespmem:v2+s19+$0x10 ss:$0x1] =	vst.idx.msk $0xffff, v3  }
0x1bc: {  	v3 =	vld.idx.msk [tilespmem:v2+s19+$0x20 ss:$0x1], $0xffff  }
0x1bd: {  	v4 =	vld [tilespmem:s19+$0x5F60];
	_ =	sdelay $0x4  }
0x1be: {  	v3 =	vadd.f32 v4, v3;
	_ =	sdelay $0x1  }
0x1bf: {  	[tilespmem:v2+s19+$0x20 ss:$0x1] =	vst.idx.msk $0xffff, v3  }
0x1c0: {  	v3 =	vld.idx.msk [tilespmem:v2+s19+$0x30 ss:$0x1], $0xffff  }
0x1c1: {  	v4 =	vld [tilespmem:s19+$0x5F70]  }
.Ltmp17:
0x1c2: {  	(pc) =	sbr.rel @p2 .LBB2_12-.Ltmp17, $2  }
0x1c3: {  	_ =	sdelay $0x2  }
0x1c4: {  	v3 =	vadd.f32 v4, v3  }
.Ltmp18:
0x1c5: {  	_ = 	snop;
	(pc) =	sbr.rel .LBB2_13-.Ltmp18, $1  }
0x1c6: {  	_ =	sdelay $0x3  }
.LBB2_15:
.Ltmp19:
0x1c7: {  	(pc) =	sbr.rel .LBB2_26-.Ltmp19, $4  }
0x1c8: {  	_ = 	snop  }
0x1c9: {  	s7 =	rddreg [dreg:$0x4]  }
0x1ca: {  	s6 =	rddreg [dreg:$0x6]  }
0x1cb: {  	s5 =	smov.u32 s3;
	s1 =	rddreg [dreg:$0x8]  }
.LBB2_27:
0x1cc: {  	_ =	sfence.sel $0x180000  }
0x1cd: {  	[bflag:$0x0] =	sbarrier.arrive $0xFFFF  }
0x1ce: {  	_ =	strace $0x90000050  }
0x1cf: {  	s0 =	stileid.u32;
	[bflag:$0x2] =	sbarrier.arrive $0xFFFF  }
0x1d0: {  	p0 =	sne.s32 s0, $0x0;
	s0 =	rddreg [dreg:$0x3]  }
0x1d1: {  	s0 =	sadd.s32 @!p0 $0x100000, s0  }
0x1d2: {  	[sflag:s0] =	ssyncadd.tile.s32 @!p0 $0x1;
	_ =	shalt  }
.Lfunc_end2:
_tile_overlayer_lowered:
.L_overlay_start_2:
0x1d3: {  	(tag) =	ssettag $0x2  }
0x1d4: {  	s0 =	rddreg [dreg:$0x0];
	s2 =	stileid.u32  }
0x1d5: {  	s1 =	rddreg [dreg:$0x1];
	p0 =	sne.s32 s2, $0x0  }
0x1d6: {  	s3 =	rddreg [dreg:$0x2];
	[bflag:$0x3] =	sbarrier.arrive $0xFFFF;
	s2 =	simm.s32 @!p0 $0x1C03  }
0x1d7: {  	[timem:s3], [sflag:s2] =	dma.local @!p0 [hbm:s0], s1  }
0x1d8: {  	s0 =	simm.s32 @!p0 $0x3  }
0x1d9: {  	_ =	swait.ge @!p0 [sflag:s0], s1  }
0x1da: {  	s1 =	ssub.s32 @!p0 $0x0, s1;
	[sflag:s0] =	ssyncset.done @!p0 $0x0  }
0x1db: {  	[sflag:s0] =	ssyncadd.s32 @!p0 s1  }
0x1dc: {  	[bflag:$0x3] =	sbarrier.arrive $0xFFFF  }
0x1dd: {  	_ =	shalt  }

// kernel: kernel.8.cloned.1.call-start
scs
__scs_entry_jumppad:
0x0: {  	(pc) =	sbr.rel $0x88, $3  }
0x1: {  	(tag) =	ssettag $0x0;
	lr =	simm.s32 $0x1  }
0x2: {  	[smem:$0x3F94] =	sst lr;
	_ =	strace $0xD0000000  }
0x3: {  	_ = 	snop  }
0x4: {  	_ = 	snop  }
0x5: {  	_ = 	snop  }
0x6: {  	_ = 	snop  }
0x7: {  	_ = 	snop  }
__scs_overlays_trampoline_lowered:
0x8: {  	[smem:$0x3FA3] =	sst s0  }
0x9: {  	[smem:$0x3FA4] =	sst s1  }
0xa: {  	[smem:$0x3FA5] =	sst s2  }
0xb: {  	[smem:$0x3FA6] =	sst s3  }
0xc: {  	[smem:$0x3FA7] =	sst s4  }
0xd: {  	[smem:$0x3FA8] =	sst s5  }
0xe: {  	[smem:$0x3FA9] =	sst s6  }
0xf: {  	[smem:$0x3FAA] =	sst s7  }
0x10: {  	[smem:$0x3FAB] =	sst s8  }
0x11: {  	[smem:$0x3FAC] =	sst s9;
	s0 =	simm.s32 @!p0 $0x0  }
0x12: {  	s1 =	sld [smem:$0x3F92];
	s0 =	simm.s32 @p0 $0x1  }
0x13: {  	[smem:$0x3FAD] =	sst s0;
	s0 =	simm.s32 @!p1 $0x0  }
0x14: {  	s2 =	sld [smem:$0x3F91];
	s0 =	simm.s32 @p1 $0x1  }
0x15: {  	[smem:$0x3FAE] =	sst s0;
	s0 =	simm.s32 @!p2 $0x0  }
0x16: {  	s3 =	sld [smem:$0x3FDB];
	s0 =	simm.s32 @p2 $0x1  }
0x17: {  	s4 =	simm.s32 $0x1BF5;
	[smem:$0x3FB0] =	sst s0  }
0x18: {  	s0 =	sld [smem:$0x3F93];
	_ =	swait.ge [sflag:s4], $0x0  }
0x19: {  	s7 =	sld [smem:$0x3F94]  }
0x1a: {  	s8 =	sadd.s32 $0xFFFFE003, lr  }
0x1b: {  	s9 =	sadd.s32 $0xFFFFFEF7, lr;
	s5 =	simm.s32 $0xFFFFFFFF;
	p2 =	slt.u32 s8, $0xFFFFF086  }
0x1c: {  	p1 =	slt.u32 s9, $0xF7A;
	s5 =	simm.s32 @!p2 $0x0  }
0x1d: {  	s5 =	simm.s32 @p1 $0x1;
	p0 =	seq.s32 s7, s2  }
0x1e: {  	s7 =	smul.u32 @!p0 $0xF7A, s2;
	p2 =	seq.s32 @!p0 s5, $0x0  }
0x1f: {  	s9 =	smul.u32 $0xF7A, s1;
	s8 =	simm.s32 @!p0 $0x1BF5;
	p2 =	por !p2, p0  }
0x20: {  	[sflag:s8] =	ssyncset.s32 @!p0 $0xFFFFF086;
	s6 =	sadd.s32 @!p0 s3, s7;
	s7 =	simm.s32 @!p0 $0x108  }
0x21: {  	s3 =	sadd.s32 s3, s9;
	s6 =	sadd.s32 @!p0 $0x88, s6;
	s7 =	simm.s32 @p2 $0x1082  }
0x22: {  	[simem:s7], [sflag:s8] =	dma.local @!p0 [hbm:s6], $0xF7A  }
0x23: {  	s9 =	sor.u32 $0xD0000000, s2;
	s6 =	simm.s32 $0x108;
	_ =	swait.ge @!p0 [sflag:s8], $0x0  }
0x24: {  	s3 =	sadd.s32 $0x88, s3;
	s6 =	simm.s32 @!p1 $0x1082;
	[sflag:s4] =	ssyncset.s32 $0xFFFFF086  }
0x25: {  	[simem:s6], [sflag:s4] =	dma.local [hbm:s3], $0xF7A  }
0x26: {  	[smem:$0x3F94] =	sst s1;
	(tag) =	ssettag s2;
	_ =	strace s9  }
0x27: {  	s1 =	sld [smem:$0x3FA4]  }
0x28: {  	s2 =	sld [smem:$0x3FA5]  }
0x29: {  	s4 =	sld [smem:$0x3FA7]  }
0x2a: {  	p0 =	seq.s32 s5, $0x0;
	s5 =	sld [smem:$0x3FA8]  }
0x2b: {  	s6 =	sld [smem:$0x3FA9]  }
0x2c: {  	s7 =	sld [smem:$0x3FAA]  }
0x2d: {  	s3 =	simm.s32 $0x108;
	s8 =	sld [smem:$0x3FAB]  }
0x2e: {  	s3 =	simm.s32 @!p0 $0x1082;
	s9 =	sld [smem:$0x3FAC]  }
0x2f: {  	lr =	sadd.s32 s0, s3;
	s0 =	sld [smem:$0x3FA3]  }
0x30: {  	s3 =	sld [smem:$0x3FA6]  }
0x31: {  	[smem:$0x3FAF] =	sst s10  }
0x32: {  	s10 =	sld [smem:$0x3FAD];
	_ =	sdelay $0x3  }
0x33: {  	p0 =	seq.s32 s10, $0x1;
	s10 =	sld [smem:$0x3FAF];
	_ =	sdelay $0x3  }
0x34: {  	[smem:$0x3FAF] =	sst s10  }
0x35: {  	s10 =	sld [smem:$0x3FAE];
	_ =	sdelay $0x3  }
0x36: {  	p1 =	seq.s32 s10, $0x1;
	s10 =	sld [smem:$0x3FAF];
	_ =	sdelay $0x3  }
0x37: {  	[smem:$0x3FAF] =	sst s10  }
0x38: {  	s10 =	sld [smem:$0x3FB0]  }
0x39: {  	_ = 	snop;
	(pc) =	sbr.ind lr, $3  }
0x3a: {  	_ = 	snop  }
0x3b: {  	_ = 	snop  }
0x3c: {  	p2 =	seq.s32 s10, $0x1;
	s10 =	sld [smem:$0x3FAF]  }
0x3d: {  	_ =	shalt  }
0x3e: {  	_ =	shalt  }
0x3f: {  	_ =	shalt  }
0x40: {  	_ =	shalt  }
0x41: {  	_ =	shalt  }
0x42: {  	_ =	shalt  }
0x43: {  	_ =	shalt  }
0x44: {  	_ =	shalt  }
0x45: {  	_ =	shalt  }
0x46: {  	_ =	shalt  }
0x47: {  	_ =	shalt  }
0x48: {  	_ =	shalt  }
0x49: {  	_ =	shalt  }
0x4a: {  	_ =	shalt  }
0x4b: {  	_ =	shalt  }
0x4c: {  	_ =	shalt  }
0x4d: {  	_ =	shalt  }
0x4e: {  	_ =	shalt  }
0x4f: {  	_ =	shalt  }
0x50: {  	_ =	shalt  }
0x51: {  	_ =	shalt  }
0x52: {  	_ =	shalt  }
0x53: {  	_ =	shalt  }
0x54: {  	_ =	shalt  }
0x55: {  	_ =	shalt  }
0x56: {  	_ =	shalt  }
0x57: {  	_ =	shalt  }
0x58: {  	_ =	shalt  }
0x59: {  	_ =	shalt  }
0x5a: {  	_ =	shalt  }
0x5b: {  	_ =	shalt  }
0x5c: {  	_ =	shalt  }
0x5d: {  	_ =	shalt  }
0x5e: {  	_ =	shalt  }
0x5f: {  	_ =	shalt  }
0x60: {  	_ =	shalt  }
0x61: {  	_ =	shalt  }
0x62: {  	_ =	shalt  }
0x63: {  	_ =	shalt  }
0x64: {  	_ =	shalt  }
0x65: {  	_ =	shalt  }
0x66: {  	_ =	shalt  }
0x67: {  	_ =	shalt  }
0x68: {  	_ =	shalt  }
0x69: {  	_ =	shalt  }
0x6a: {  	_ =	shalt  }
0x6b: {  	_ =	shalt  }
0x6c: {  	_ =	shalt  }
0x6d: {  	_ =	shalt  }
0x6e: {  	_ =	shalt  }
0x6f: {  	_ =	shalt  }
0x70: {  	_ =	shalt  }
0x71: {  	_ =	shalt  }
0x72: {  	_ =	shalt  }
0x73: {  	_ =	shalt  }
0x74: {  	_ =	shalt  }
0x75: {  	_ =	shalt  }
0x76: {  	_ =	shalt  }
0x77: {  	_ =	shalt  }
0x78: {  	_ =	shalt  }
0x79: {  	_ =	shalt  }
0x7a: {  	_ =	shalt  }
0x7b: {  	_ =	shalt  }
0x7c: {  	_ =	shalt  }
0x7d: {  	_ =	shalt  }
0x7e: {  	_ =	shalt  }
0x7f: {  	_ =	shalt  }
0x80: {  	_ =	shalt  }
0x81: {  	_ =	shalt  }
0x82: {  	_ =	shalt  }
0x83: {  	_ =	shalt  }
0x84: {  	_ =	shalt  }
0x85: {  	_ =	shalt  }
0x86: {  	_ =	shalt  }
0x87: {  	_ =	shalt  }
.Lfunc_end0:
.L_simem_size_0:
called_computation_lowered:
.L_overlay_start_0:
0x88: {  	s2 =	sld [smem:$0x3FD9]  }
0x89: {  	s3 =	sld [smem:$0x3FFE];
	_ =	sdelay $0x1  }
0x8a: {  	s1 =	srdreg.scid  }
0x8b: {  	s0 =	sand.u32 $0x1, s1  }
0x8c: {  	s17 =	sshll.u32 s0, $0xA;
	s2 =	sadd.s32 s3, s2  }
0x8d: {  	s2 =	sadd.s32 s2, s17  }
0x8e: {  	[smem:$0x3FBB] =	sst s2  }
0x8f: {  	_ = 	snop  }
0x90: {  	(tm) =	ssettm $0x1  }
0x91: {  	s18 =	sld [smem:$0x3FFB];
	_ =	sdelay $0x3  }
0x92: {  	_ =	strace s18  }
0x93: {  	s2 =	sld [smem:$0x3FFC];
	_ =	sdelay $0x3  }
0x94: {  	_ =	strace s2  }
0x95: {  	s2 =	sld [smem:$0x3FFD];
	_ =	sdelay $0x3  }
0x96: {  	_ =	strace s2  }
0x97: {  	_ =	strace $0x8FFFFFFF  }
0x98: {  	s19 =	sld [smem:$0x3FDB];
	_ =	sdelay $0x1  }
0x99: {  	s20 =	simm.s32 $_scs_section_size  }
0x9a: {  	s4 =	simm.s32 $_size__tile_overlayer_lowered;
	s5 =	simm.s32 $_tile_overlayer_lowered  }
0x9b: {  	s6 =	simm.s32 $0x1BFF;
	s21 =	sshll.u32 s5, $0x1;
	s3 =	sadd.s32 s20, s19  }
0x9c: {  	s22 =	simm.s32 $0x0;
	s4 =	sshll.u32 s4, $0x1;
	s5 =	sadd.s32 s21, s3  }
0x9d: {  	[timem:s22], [sflag:s6] =	dma.local [hbm:s5], s4  }
0x9e: {  	_ =	swait.ge [sflag:s6], s4  }
0x9f: {  	s4 =	ssub.s32 $0x0, s4;
	[sflag:s6] =	ssyncset.done $0x0  }
0xa0: {  	[sflag:s6] =	ssyncadd.s32 s4;
	_ =	sdelay $0x1  }
0xa1: {  	s23 =	simm.s32 $0x1B8B  }
0xa2: {  	_ =	swait.ge [sflag:s23], $0x1  }
0xa3: {  	[sflag:s23] =	ssyncset.done $0x0  }
0xa4: {  	[sflag:s23] =	ssyncadd.s32 $0xFFFFFFFF  }
0xa5: {  	s4 =	sld [smem:$0x0]  }
0xa6: {  	s5 =	sand.u32 $0xFFFFFFFE, s1  }
0xa7: {  	p0 =	sne.s32 s1, s5  }
0xa8: {  	s5 =	sshll.u32 @p0 s5, $0xE  }
0xa9: {  	s5 =	sadd.s32 @p0 $0x11B8D, s5;
	s6 =	sshll.u32 @p0 s4, $0x11  }
0xaa: {  	s5 =	sor.u32 @p0 s6, s5  }
0xab: {  	[sflag:s5] =	ssyncadd.remote.s32 @p0 $0x1;
	_ =	sdelay $0x1  }
0xac: {  	s5 =	simm.s32 @p0 $0x1B8D  }
0xad: {  	_ =	swait.eq @p0 [sflag:s5], $0x1  }
0xae: {  	[sflag:s5] =	ssyncadd.s32 @p0 $0xFFFFFFFF  }
0xaf: {  	s6 =	sshll.u32 @!p0 s1, $0xE  }
0xb0: {  	s6 =	sor.u32 @!p0 $0x4000, s6;
	s5 =	simm.s32 @!p0 $0x1B8D  }
0xb1: {  	s4 =	sshll.u32 @!p0 s4, $0x11;
	s6 =	sadd.s32 @!p0 $0x11B8D, s6;
	_ =	swait.eq @!p0 [sflag:s5], $0x1  }
0xb2: {  	s4 =	sor.u32 @!p0 s4, s6;
	[sflag:s5] =	ssyncadd.s32 @!p0 $0xFFFFFFFF  }
0xb3: {  	s25 =	simm.s32 $0x1B8E;
	s24 =	sld [smem:$0x3FFE];
	[sflag:s4] =	ssyncadd.remote.s32 @!p0 $0x1  }
0xb4: {  	s26 =	simm.s32 $execute0_lowered;
	[smem:$0x3FD2] =	sst s25  }
0xb5: {  	s5 =	sshll.u32 s26, $0x1;
	_ =	strace $0x8000004C;
	[dreg:$0x1] =	wrdreg $0xFFFFFFFF  }
0xb6: {  	s28 =	simm.s32 $_size_execute0_lowered;
	s3 =	sadd.s32 s3, s5;
	[dreg:$0x0] =	wrdreg $0x0  }
0xb7: {  	s5 =	sshll.u32 s28, $0x1;
	[dreg:$0x2] =	wrdreg s3  }
0xb8: {  	[dreg:$0x3] =	wrdreg s5  }
0xb9: {  	[dreg:$0x4] =	wrdreg $0xC0  }
0xba: {  	_ =	task [dreg:s22], $0x5FFFF  }
0xbb: {  	[dreg:$0x1] =	wrdreg $0xFFFFFFFF  }
0xbc: {  	[dreg:$0x0] =	wrdreg $0x60  }
0xbd: {  	[dreg:$0x2] =	wrdreg s24  }
0xbe: {  	[dreg:$0x3] =	wrdreg $0xB7800  }
0xbf: {  	[dreg:$0x4] =	wrdreg $0x9  }
0xc0: {  	_ =	task.clear_ibuf [dreg:s22], $0x5FFFF;
	_ =	strace $0x9000004C  }
0xc1: {  	s29 =	simm.s32 $0x9;
	_ =	strace $0x8000004E  }
0xc2: {  	_ =	swait.ge [sflag:s29], $0x1  }
0xc3: {  	[sflag:s29] =	ssyncadd.s32 $0xFFFFFFFF  }
0xc4: {  	_ =	strace $0x9000004E  }
0xc5: {  	_ =	sfence  }
0xc6: {  	s30 =	sld [smem:$0x0];
	_ =	sdelay $0x2  }
0xc7: {  	s31 =	sshll.u32 s1, $0xD;
	s1 =	sshrl.u32 s1, $0x2  }
0xc8: {  	s4 =	sand.u32 $0x4000, s31;
	s1 =	sadd.s32 s1, s30  }
0xc9: {  	s0 =	sor.u32 s4, s0;
	s1 =	sshll.u32 s1, $0x11  }
0xca: {  	s0 =	sor.u32 s1, s0  }
0xcb: {  	s0 =	sadd.s32 $0x8F2B, s0  }
0xcc: {  	[sflag:s0] =	ssyncadd.remote.s32 $0x1  }
0xcd: {  	_ =	sfence.sel $0xFFFF  }
0xce: {  	[dreg:$0x0] =	wrdreg $0xFFFFFFFF;
	(pc) =	sbr.abs _section_cstart, $3  }
0xcf: {  	[dreg:$0x1] =	wrdreg $0xFFFFFFFF  }
0xd0: {  	_ =	task.clear_ibuf [dreg:s22], $0x2FFFF;
	_ =	strace $0x9FFFFFFF  }
0xd1: {  	(tm) =	ssettm $0x7FFFFFFF  }
tec
execute0_lowered:
.L_overlay_start_1:
0x0: {  	(tag) =	ssettag $0x1  }
0x1: {  	s0 =	rddreg [dreg:$0x0]  }
0x2: {  	s2 =	rddreg [dreg:$0x1];
	s9 =	stileid.u32;
	s3 =	simm.s32 $0x0  }
0x3: {  	s25 =	srdreg.scid;
	s30 =	simm.s32 $0x3;
	s29 =	simm.s32 $0x4  }
0x4: {  	s31 =	simm.s32 $0x0;
	s1 =	sshrl.u32 s9, $0x3;
	[smem:$0x7FF] =	sst s3  }
0x5: {  	s24 =	sshll.u32 s9, $0x7;
	s4 =	sadd.s32 $0x47800, s0;
	s16 =	smul.u32 $0x280, s9  }
0x6: {  	s5 =	sadd.s32 $0x20600, s0;
	s6 =	sshll.u32 s9, $0xB;
	s28 =	smul.u32 $0x50000, s9  }
0x7: {  	s8 =	sadd.s32 $0x6EA00, s0;
	s1 =	smul.u32 $0x13C00, s1;
	_ =	strace $0x8000004D  }
0x8: {  	s3 =	sand.u32 $0x380, s24;
	s6 =	sadd.s32 s6, s0;
	[dreg:$0x3] =	wrdreg s8  }
0x9: {  	s6 =	sadd.s32 $0x13600, s6;
	s8 =	sor.u32 $0x50, s16;
	s15 =	sshrl.u32 s28, $0x2  }
0xa: {  	s18 =	sadd.s32 $0xA0, s16;
	s20 =	sadd.s32 $0xF0, s16;
	s21 =	sadd.s32 $0x140, s16  }
0xb: {  	s22 =	sadd.s32 $0x190, s16;
	s23 =	sadd.s32 $0x1E0, s16;
	s24 =	sadd.s32 $0x230, s16  }
0xc: {  	s1 =	sor.u32 s3, s1;
	s3 =	sand.u32 $0x1, s25;
	[dreg:$0x6] =	wrdreg s6  }
0xd: {  	s17 =	sshll.u32 s8, $0x7;
	s10 =	sadd.s32 s15, s2;
	s19 =	sshll.u32 s18, $0x7  }
0xe: {  	s13 =	sshll.u32 s20, $0x7;
	s14 =	sshll.u32 s21, $0x7;
	s15 =	sshll.u32 s22, $0x7  }
0xf: {  	s25 =	sshll.u32 s23, $0x7;
	s28 =	sshll.u32 s18, $0x4;
	s20 =	sshll.u32 s20, $0x4  }
0x10: {  	s21 =	sshll.u32 s21, $0x4;
	s22 =	sshll.u32 s22, $0x4;
	s23 =	sshll.u32 s23, $0x4  }
0x11: {  	s6 =	simm.s32 $0x1;
	s1 =	sshrl.u32 s1, $0x3;
	s7 =	ssub.s32 $0x2, s3  }
0x12: {  	s11 =	sadd.s32 s17, s2;
	s12 =	sadd.s32 s19, s2;
	s13 =	sadd.s32 s13, s2  }
0x13: {  	s14 =	sadd.s32 s14, s2;
	s15 =	sadd.s32 s15, s2;
	p0 =	sne.s32 s3, $0x0  }
0x14: {  	s16 =	sadd.s32 s25, s2;
	[dreg:$0x8] =	wrdreg s28;
	s1 =	sadd.s32 s1, s0  }
.Ltmp0:
0x15: {  	s26 =	sshrl.u32 s7, $0x1;
	s0 =	sadd.s32 $0x96A00, s0;
	(pc) =	sbr.rel .LBB2_1-.Ltmp0, $4  }
0x16: {  	[dreg:$0x4] =	wrdreg s0;
	s0 =	ssub.s32 s7, s26;
	s1 =	sadd.s32 $0x1B600, s1  }
0x17: {  	s26 =	sshll.u32 s24, $0x7;
	s24 =	sshll.u32 s24, $0x4;
	[dreg:$0x5] =	wrdreg s1  }
0x18: {  	s17 =	sadd.s32 s26, s2;
	s1 =	sshll.u32 s8, $0x4;
	s25 =	smax.u32 s0, $0x1  }
0x19: {  	v0 =	vimm.f32 $0.0e+00;
	s26 =	smul.u32 $0x2800, s9;
	s0 =	simm.s32 $0x6780;
	[dreg:$0x7] =	wrdreg s1  }
.LBB2_9:
0x1a: {  	p1 =	seq.s32 s8, $0x1;
	[sflag:s3] =	ssyncadd.s32 $0xFFFFD800  }
0x1b: {  	s1 =	simm.s32 @p1 $0x50;
	s3 =	simm.s32 @p1 $0x6780;
	s8 =	simm.s32 @p1 $0x2  }
0x1c: {  	[tilespmem:s3], [sflag:$0x1] =	stream.indirect.gather @p1 [hbm4b:s5+s1], $0x80, s28, s1, $0xb8;
	[tilespmem:$0x1F780] =	vst v63  }
0x1d: {  	_ =	swait.ge @p1 [sflag:s8], $0x2800  }
0x1e: {  	[sflag:s8] =	ssyncset.done @p1 $0x0  }
0x1f: {  	s3 =	simm.s32 @p1 $0x8F80;
	[sflag:s8] =	ssyncadd.s32 @p1 $0xFFFFD800  }
0x20: {  	[spmem:s2] =	stream.indirect.scatter.add.f32 @p1 [tilespmem:s3], [sflag:$0x3], $0x80, s7, s1, $0xb8;
	[tilespmem:$0x1F780] =	vst v63  }
0x21: {  	s8 =	simm.s32 @!p1 $0x1;
	s1 =	simm.s32 @!p1 $0x50;
	s3 =	simm.s32 @!p1 $0x8F80  }
0x22: {  	[tilespmem:s3], [sflag:$0x2] =	stream.indirect.gather @!p1 [hbm4b:s5+s1], $0x80, s28, s1, $0xb8;
	[tilespmem:$0x1F780] =	vst v63  }
0x23: {  	_ =	swait.ge @!p1 [sflag:s8], $0x2800  }
0x24: {  	s3 =	simm.s32 @!p1 $0x4;
	[sflag:s8] =	ssyncset.done @!p1 $0x0  }
0x25: {  	s3 =	simm.s32 @p1 $0x3;
	[sflag:s8] =	ssyncadd.s32 @!p1 $0xFFFFD800;
	s8 =	simm.s32 @!p1 $0x6780  }
0x26: {  	[spmem:s2] =	stream.indirect.scatter.add.f32 @!p1 [tilespmem:s8], [sflag:$0x4], $0x80, s7, s1, $0xb8;
	[tilespmem:$0x1F780] =	vst v63  }
0x27: {  	_ =	swait.ge [sflag:s3], $0x2800  }
0x28: {  	[sflag:s3] =	ssyncset.done $0x0  }
0x29: {  	s7 =	rddreg [dreg:$0x4];
	[sflag:s3] =	ssyncadd.s32 $0xFFFFD800  }
.LBB2_10:
0x2a: {  	_ =	swait.ge [sflag:s6], $0x2800  }
0x2b: {  	[sflag:s6] =	ssyncset.done $0x0  }
0x2c: {  	s1 =	simm.s32 $0x50;
	s3 =	simm.s32 $0x6580;
	[sflag:s6] =	ssyncadd.s32 $0xFFFFD800  }
0x2d: {  	[spmem:s2] =	stream.indirect.scatter.add.f32 [tilespmem:s0], [sflag:$0x4], $0x80, s3, s1, $0xb8;
	[tilespmem:$0x1F780] =	vst v63  }
0x2e: {  	_ =	swait.ge [sflag:s29], $0x2800  }
0x2f: {  	s18 =	stileid.u32;
	[sflag:s29] =	ssyncset.done $0x0  }
0x30: {  	s9 =	sadd.s32 s7, s26;
	s3 =	sshll.u32 s18, $0x6;
	[sflag:s29] =	ssyncadd.s32 $0xFFFFD800  }
0x31: {  	s8 =	sshrl.u32 s10, $0x3;
	s3 =	sor.u32 $0x1C03, s3;
	[bflag:$0x0] =	sbarrier.arrive $0xFFFF  }
0x32: {  	[hbm:s9], [sflag:s3] =	dma.local [spmem:s8], $0x500  }
0x33: {  	_ =	swait.ge [sflag:s30], $0x500  }
0x34: {  	[sflag:s30] =	ssyncset.done $0x0;
	s19 =	rddreg [dreg:$0x7]  }
0x35: {  	s28 =	sshrl.u32 s11, $0x3;
	s1 =	sadd.s32 s7, s19;
	[sflag:s30] =	ssyncadd.s32 $0xFFFFFB00  }
0x36: {  	[hbm:s1], [sflag:s3] =	dma.local [spmem:s28], $0x500  }
0x37: {  	_ =	swait.ge [sflag:s30], $0x500  }
0x38: {  	[sflag:s30] =	ssyncset.done $0x0;
	s9 =	rddreg [dreg:$0x8]  }
0x39: {  	s18 =	sshrl.u32 s12, $0x3;
	s1 =	sadd.s32 s7, s9;
	[sflag:s30] =	ssyncadd.s32 $0xFFFFFB00  }
0x3a: {  	[hbm:s1], [sflag:s3] =	dma.local [spmem:s18], $0x500  }
0x3b: {  	_ =	swait.ge [sflag:s30], $0x500  }
0x3c: {  	[sflag:s30] =	ssyncset.done $0x0  }
0x3d: {  	s19 =	sadd.s32 s7, s20;
	s28 =	sshrl.u32 s13, $0x3;
	[sflag:s30] =	ssyncadd.s32 $0xFFFFFB00  }
0x3e: {  	[hbm:s19], [sflag:s3] =	dma.local [spmem:s28], $0x500  }
0x3f: {  	_ =	swait.ge [sflag:s30], $0x500  }
0x40: {  	[sflag:s30] =	ssyncset.done $0x0  }
0x41: {  	s9 =	sadd.s32 s7, s21;
	s18 =	sshrl.u32 s14, $0x3;
	[sflag:s30] =	ssyncadd.s32 $0xFFFFFB00  }
0x42: {  	[hbm:s9], [sflag:s3] =	dma.local [spmem:s18], $0x500  }
0x43: {  	_ =	swait.ge [sflag:s30], $0x500  }
0x44: {  	[sflag:s30] =	ssyncset.done $0x0  }
0x45: {  	s19 =	sadd.s32 s7, s22;
	s28 =	sshrl.u32 s15, $0x3;
	[sflag:s30] =	ssyncadd.s32 $0xFFFFFB00  }
0x46: {  	[hbm:s19], [sflag:s3] =	dma.local [spmem:s28], $0x500  }
0x47: {  	_ =	swait.ge [sflag:s30], $0x500  }
0x48: {  	[sflag:s30] =	ssyncset.done $0x0  }
0x49: {  	s9 =	sadd.s32 s7, s23;
	s18 =	sshrl.u32 s16, $0x3;
	[sflag:s30] =	ssyncadd.s32 $0xFFFFFB00  }
0x4a: {  	[hbm:s9], [sflag:s3] =	dma.local [spmem:s18], $0x500  }
0x4b: {  	s31 =	sadd.s32 $0x1, s31;
	_ =	swait.ge [sflag:s30], $0x500  }
0x4c: {  	p1 =	sne.s32 s31, s25;
	s19 =	sadd.s32 s7, s24;
	[sflag:s30] =	ssyncset.done $0x0  }
.Ltmp1:
0x4d: {  	s28 =	sshrl.u32 s17, $0x3;
	[sflag:s30] =	ssyncadd.s32 $0xFFFFFB00;
	(pc) =	sbr.rel @!p1 .LBB2_11-.Ltmp1, $4  }
0x4e: {  	[hbm:s19], [sflag:s3] =	dma.local [spmem:s28], $0x500  }
0x4f: {  	_ =	swait.ge [sflag:s30], $0x500  }
0x50: {  	[sflag:s30] =	ssyncset.done $0x0  }
0x51: {  	[sflag:s30] =	ssyncadd.s32 $0xFFFFFB00  }
.LBB2_1:
0x52: {  	s1 =	simm.s32 $0x0  }
0x53: {  	s3 =	rddreg [dreg:$0x5];
	s7 =	simm.s32 $0x80;
	s8 =	simm.s32 $0x400  }
0x54: {  	[tilespmem:s1], [sflag:$0x3] =	stream.strided.gather [hbm4b:s3+s7], $0x2780, s8, s7, $0x38;
	[tilespmem:$0x1F780] =	vst v63  }
0x55: {  	_ =	swait.ge [sflag:s30], $0x2780  }
0x56: {  	[sflag:s30] =	ssyncset.done $0x0  }
0x57: {  	s28 =	simm.s32 $0x2780;
	s19 =	rddreg [dreg:$0x6];
	[sflag:s30] =	ssyncadd.s32 $0xFFFFD880  }
0x58: {  	[tilespmem:s28], [sflag:$0x3] =	stream.linear.gather [hbm4b:s19+s1], $0x3E80, $0x38;
	[tilespmem:$0x1F780] =	vst v63  }
0x59: {  	_ =	swait.ge [sflag:s30], $0x3E80  }
0x5a: {  	[sflag:s30] =	ssyncset.done $0x0  }
0x5b: {  	s3 =	simm.s32 $0x200;
	s1 =	simm.s32 $0x0;
	[sflag:s30] =	ssyncadd.s32 $0xFFFFC180  }
.LBB2_2:
0x5c: {  	p1 =	sne.s32 s3, $0x9E00;
	[tilespmem:s1+$0x67F0] =	vst v0  }
0x5d: {  	[tilespmem:s1+$0x6780] =	vst v0  }
0x5e: {  	[tilespmem:s1+$0x6790] =	vst v0  }
.Ltmp2:
0x5f: {  	[tilespmem:s1+$0x67A0] =	vst v0;
	(pc) =	sbr.rel @p1 .LBB2_2-.Ltmp2, $4  }
0x60: {  	[tilespmem:s1+$0x67B0] =	vst v0  }
0x61: {  	[tilespmem:s1+$0x67C0] =	vst v0  }
0x62: {  	[tilespmem:s1+$0x67D0] =	vst v0  }
0x63: {  	[tilespmem:s1+$0x67E0] =	vst v0;
	s1 =	sshra.s32 s3, $0x2;
	s3 =	sadd.s32 $0x200, s3  }
0x64: {  	[tilespmem:s1+$0x67F0] =	vst v0  }
0x65: {  	[tilespmem:s1+$0x6780] =	vst v0  }
0x66: {  	[tilespmem:s1+$0x6790] =	vst v0  }
0x67: {  	[tilespmem:s1+$0x67A0] =	vst v0  }
0x68: {  	[tilespmem:s1+$0x67B0] =	vst v0  }
0x69: {  	[tilespmem:s1+$0x67C0] =	vst v0  }
0x6a: {  	[tilespmem:s1+$0x67D0] =	vst v0  }
0x6b: {  	[tilespmem:s1+$0x67E0] =	vst v0  }
0x6c: {  	[spmem:s10] =	stream.linear.scatter [tilespmem:s0], [sflag:$0x3], $0x2800, $0x38;
	[tilespmem:$0x1F780] =	vst v63  }
0x6d: {  	_ =	swait.ge [sflag:s30], $0x2800  }
0x6e: {  	[sflag:s30] =	ssyncset.done $0x0  }
0x6f: {  	[sflag:s30] =	ssyncadd.s32 $0xFFFFD800  }
0x70: {  	[spmem:s11] =	stream.linear.scatter [tilespmem:s0], [sflag:$0x3], $0x2800, $0x38;
	[tilespmem:$0x1F780] =	vst v63  }
0x71: {  	_ =	swait.ge [sflag:s30], $0x2800  }
0x72: {  	[sflag:s30] =	ssyncset.done $0x0  }
0x73: {  	[sflag:s30] =	ssyncadd.s32 $0xFFFFD800  }
0x74: {  	[spmem:s12] =	stream.linear.scatter [tilespmem:s0], [sflag:$0x3], $0x2800, $0x38;
	[tilespmem:$0x1F780] =	vst v63  }
0x75: {  	_ =	swait.ge [sflag:s30], $0x2800  }
0x76: {  	[sflag:s30] =	ssyncset.done $0x0  }
0x77: {  	[sflag:s30] =	ssyncadd.s32 $0xFFFFD800  }
0x78: {  	[spmem:s13] =	stream.linear.scatter [tilespmem:s0], [sflag:$0x3], $0x2800, $0x38;
	[tilespmem:$0x1F780] =	vst v63  }
0x79: {  	_ =	swait.ge [sflag:s30], $0x2800  }
0x7a: {  	[sflag:s30] =	ssyncset.done $0x0  }
0x7b: {  	[sflag:s30] =	ssyncadd.s32 $0xFFFFD800  }
0x7c: {  	[spmem:s14] =	stream.linear.scatter [tilespmem:s0], [sflag:$0x3], $0x2800, $0x38;
	[tilespmem:$0x1F780] =	vst v63  }
0x7d: {  	_ =	swait.ge [sflag:s30], $0x2800  }
0x7e: {  	[sflag:s30] =	ssyncset.done $0x0  }
0x7f: {  	[sflag:s30] =	ssyncadd.s32 $0xFFFFD800  }
0x80: {  	[spmem:s15] =	stream.linear.scatter [tilespmem:s0], [sflag:$0x3], $0x2800, $0x38;
	[tilespmem:$0x1F780] =	vst v63  }
0x81: {  	_ =	swait.ge [sflag:s30], $0x2800  }
0x82: {  	[sflag:s30] =	ssyncset.done $0x0  }
0x83: {  	[sflag:s30] =	ssyncadd.s32 $0xFFFFD800  }
0x84: {  	[spmem:s16] =	stream.linear.scatter [tilespmem:s0], [sflag:$0x3], $0x2800, $0x38;
	[tilespmem:$0x1F780] =	vst v63  }
0x85: {  	_ =	swait.ge [sflag:s30], $0x2800  }
0x86: {  	[sflag:s30] =	ssyncset.done $0x0  }
0x87: {  	[sflag:s30] =	ssyncadd.s32 $0xFFFFD800  }
0x88: {  	[spmem:s17] =	stream.linear.scatter [tilespmem:s0], [sflag:$0x3], $0x2800, $0x38;
	[tilespmem:$0x1F780] =	vst v63  }
.Ltmp3:
0x89: {  	_ =	swait.ge [sflag:s30], $0x2800;
	(pc) =	sbr.rel @p0 .LBB2_7-.Ltmp3, $4  }
0x8a: {  	[sflag:s30] =	ssyncset.done $0x0  }
0x8b: {  	[sflag:s30] =	ssyncadd.s32 $0xFFFFD800  }
0x8c: {  	[bflag:$0x0] =	sbarrier.arrive $0xFFFF  }
0x8d: {  	s1 =	simm.s32 $0x50;
	s3 =	simm.s32 $0x0  }
0x8e: {  	[tilespmem:s0], [sflag:$0x1] =	stream.indirect.gather [hbm4b:s4+s1], $0x80, s3, s1, $0xb8;
	[tilespmem:$0x1F780] =	vst v63  }
0x8f: {  	s19 =	sand.u32 $0x1, s3  }
0x90: {  	p1 =	seq.s32 s19, $0x1  }
0x91: {  	s3 =	simm.s32 @p1 $0x50;
	s7 =	simm.s32 @p1 $0x6780;
	s8 =	simm.s32 @p1 $0x2  }
0x92: {  	[tilespmem:s7], [sflag:$0x1] =	stream.indirect.gather @p1 [hbm4b:s4+s3], $0x80, s1, s3, $0xb8;
	[tilespmem:$0x1F780] =	vst v63  }
0x93: {  	_ =	swait.ge @p1 [sflag:s8], $0x2800  }
0x94: {  	[sflag:s8] =	ssyncset.done @p1 $0x0  }
0x95: {  	s7 =	simm.s32 $0x2780;
	[sflag:s8] =	ssyncadd.s32 @p1 $0xFFFFD800;
	s8 =	simm.s32 @p1 $0x8F80  }
0x96: {  	[spmem:s2] =	stream.indirect.scatter.add.f32 @p1 [tilespmem:s8], [sflag:$0x3], $0x80, s7, s3, $0xb8;
	[tilespmem:$0x1F780] =	vst v63  }
0x97: {  	s28 =	simm.s32 @!p1 $0x1;
	s8 =	simm.s32 @!p1 $0x50;
	s3 =	simm.s32 @!p1 $0x8F80  }
0x98: {  	[tilespmem:s3], [sflag:$0x2] =	stream.indirect.gather @!p1 [hbm4b:s4+s8], $0x80, s1, s8, $0xb8;
	[tilespmem:$0x1F780] =	vst v63  }
0x99: {  	_ =	swait.ge @!p1 [sflag:s28], $0x2800  }
0x9a: {  	s9 =	simm.s32 $0x1;
	s3 =	simm.s32 @!p1 $0x4;
	[sflag:s28] =	ssyncset.done @!p1 $0x0  }
0x9b: {  	s1 =	simm.s32 @!p1 $0x6780;
	s3 =	simm.s32 @p1 $0x3;
	[sflag:s28] =	ssyncadd.s32 @!p1 $0xFFFFD800  }
0x9c: {  	[spmem:s2] =	stream.indirect.scatter.add.f32 @!p1 [tilespmem:s1], [sflag:$0x4], $0x80, s7, s8, $0xb8;
	[tilespmem:$0x1F780] =	vst v63  }
0x9d: {  	s28 =	simm.s32 $0xA0;
	s1 =	simm.s32 $0x2;
	_ =	swait.ge [sflag:s3], $0x2800  }
0x9e: {  	s7 =	simm.s32 $0x2800;
	s8 =	sand.u32 $0x1, s9;
	[sflag:s3] =	ssyncset.done $0x0  }
.LBB2_5:
0x9f: {  	p1 =	seq.s32 s8, $0x1  }
0xa0: {  	[sflag:s3] =	ssyncadd.s32 $0xFFFFD800;
	s8 =	smov.u32 s1;
	s1 =	sadd.s32 $0x1, s1  }
0xa1: {  	s9 =	simm.s32 @p1 $0x50;
	s3 =	simm.s32 @p1 $0x6780;
	s18 =	simm.s32 @p1 $0x2  }
0xa2: {  	[tilespmem:s3], [sflag:$0x1] =	stream.indirect.gather @p1 [hbm4b:s4+s9], $0x80, s28, s9, $0xb8;
	[tilespmem:$0x1F780] =	vst v63  }
0xa3: {  	p2 =	seq.s32 s1, $0x7C;
	s3 =	simm.s32 @!p1 $0x4;
	_ =	swait.ge @p1 [sflag:s18], $0x2800  }
0xa4: {  	[sflag:s18] =	ssyncset.done @p1 $0x0  }
0xa5: {  	[sflag:s18] =	ssyncadd.s32 @p1 $0xFFFFD800;
	s18 =	simm.s32 @p1 $0x8F80  }
0xa6: {  	[spmem:s2] =	stream.indirect.scatter.add.f32 @p1 [tilespmem:s18], [sflag:$0x3], $0x80, s7, s9, $0xb8;
	[tilespmem:$0x1F780] =	vst v63  }
0xa7: {  	s19 =	simm.s32 @!p1 $0x1;
	s9 =	simm.s32 @!p1 $0x50;
	s18 =	simm.s32 @!p1 $0x8F80  }
0xa8: {  	[tilespmem:s18], [sflag:$0x2] =	stream.indirect.gather @!p1 [hbm4b:s4+s9], $0x80, s28, s9, $0xb8;
	[tilespmem:$0x1F780] =	vst v63  }
0xa9: {  	_ =	swait.ge @!p1 [sflag:s19], $0x2800  }
.Ltmp4:
0xaa: {  	[sflag:s19] =	ssyncset.done @!p1 $0x0;
	(pc) =	sbr.rel @!p2 .LBB2_5-.Ltmp4, $4  }
0xab: {  	s3 =	simm.s32 @p1 $0x3;
	s18 =	simm.s32 @!p1 $0x6780;
	[sflag:s19] =	ssyncadd.s32 @!p1 $0xFFFFD800  }
0xac: {  	[spmem:s2] =	stream.indirect.scatter.add.f32 @!p1 [tilespmem:s18], [sflag:$0x4], $0x80, s7, s9, $0xb8;
	[tilespmem:$0x1F780] =	vst v63  }
0xad: {  	s7 =	sadd.s32 $0x80, s7;
	_ =	swait.ge [sflag:s3], $0x2800  }
0xae: {  	s8 =	sand.u32 $0x1, s8;
	s28 =	sadd.s32 $0x50, s28;
	[sflag:s3] =	ssyncset.done $0x0  }
0xaf: {  	p1 =	seq.s32 s8, $0x1;
	[sflag:s3] =	ssyncadd.s32 $0xFFFFD800  }
0xb0: {  	s1 =	simm.s32 @p1 $0x50;
	s3 =	simm.s32 @p1 $0x6780;
	s8 =	simm.s32 @p1 $0x2  }
0xb1: {  	[tilespmem:s3], [sflag:$0x1] =	stream.indirect.gather @p1 [hbm4b:s4+s1], $0x80, s28, s1, $0xb8;
	[tilespmem:$0x1F780] =	vst v63  }
0xb2: {  	_ =	swait.ge @p1 [sflag:s8], $0x2800  }
0xb3: {  	[sflag:s8] =	ssyncset.done @p1 $0x0  }
0xb4: {  	s3 =	simm.s32 @p1 $0x8F80;
	[sflag:s8] =	ssyncadd.s32 @p1 $0xFFFFD800  }
0xb5: {  	[spmem:s2] =	stream.indirect.scatter.add.f32 @p1 [tilespmem:s3], [sflag:$0x3], $0x80, s7, s1, $0xb8;
	[tilespmem:$0x1F780] =	vst v63  }
0xb6: {  	s8 =	simm.s32 @!p1 $0x1;
	s1 =	simm.s32 @!p1 $0x50;
	s3 =	simm.s32 @!p1 $0x8F80  }
0xb7: {  	[tilespmem:s3], [sflag:$0x2] =	stream.indirect.gather @!p1 [hbm4b:s4+s1], $0x80, s28, s1, $0xb8;
	[tilespmem:$0x1F780] =	vst v63  }
0xb8: {  	s3 =	simm.s32 @!p1 $0x4;
	_ =	swait.ge @!p1 [sflag:s8], $0x2800  }
0xb9: {  	s3 =	simm.s32 @p1 $0x3;
	[sflag:s8] =	ssyncset.done @!p1 $0x0  }
.Ltmp5:
0xba: {  	[sflag:s8] =	ssyncadd.s32 @!p1 $0xFFFFD800;
	s8 =	simm.s32 @!p1 $0x6780;
	(pc) =	sbr.rel .LBB2_10-.Ltmp5, $4  }
0xbb: {  	[spmem:s2] =	stream.indirect.scatter.add.f32 @!p1 [tilespmem:s8], [sflag:$0x4], $0x80, s7, s1, $0xb8;
	[tilespmem:$0x1F780] =	vst v63  }
0xbc: {  	_ =	swait.ge [sflag:s3], $0x2800  }
0xbd: {  	[sflag:s3] =	ssyncset.done $0x0  }
0xbe: {  	s7 =	rddreg [dreg:$0x3];
	[sflag:s3] =	ssyncadd.s32 $0xFFFFD800  }
.LBB2_7:
0xbf: {  	[tilespmem:s0], [sflag:$0x1] =	stream.indirect.gather [hbm4b:s5+s1], $0x80, s3, s1, $0xb8;
	[tilespmem:$0x1F780] =	vst v63  }
0xc0: {  	s19 =	sand.u32 $0x1, s3  }
0xc1: {  	p1 =	seq.s32 s19, $0x1  }
0xc2: {  	s3 =	simm.s32 @p1 $0x50;
	s7 =	simm.s32 @p1 $0x6780;
	s8 =	simm.s32 @p1 $0x2  }
0xc3: {  	[tilespmem:s7], [sflag:$0x1] =	stream.indirect.gather @p1 [hbm4b:s5+s3], $0x80, s1, s3, $0xb8;
	[tilespmem:$0x1F780] =	vst v63  }
0xc4: {  	_ =	swait.ge @p1 [sflag:s8], $0x2800  }
0xc5: {  	[sflag:s8] =	ssyncset.done @p1 $0x0  }
0xc6: {  	s7 =	simm.s32 $0x2780;
	[sflag:s8] =	ssyncadd.s32 @p1 $0xFFFFD800;
	s8 =	simm.s32 @p1 $0x8F80  }
0xc7: {  	[spmem:s2] =	stream.indirect.scatter.add.f32 @p1 [tilespmem:s8], [sflag:$0x3], $0x80, s7, s3, $0xb8;
	[tilespmem:$0x1F780] =	vst v63  }
0xc8: {  	s9 =	simm.s32 @!p1 $0x1;
	s8 =	simm.s32 @!p1 $0x50;
	s3 =	simm.s32 @!p1 $0x8F80  }
0xc9: {  	[tilespmem:s3], [sflag:$0x2] =	stream.indirect.gather @!p1 [hbm4b:s5+s8], $0x80, s1, s8, $0xb8;
	[tilespmem:$0x1F780] =	vst v63  }
0xca: {  	_ =	swait.ge @!p1 [sflag:s9], $0x2800  }
0xcb: {  	s18 =	simm.s32 $0x1;
	s3 =	simm.s32 @!p1 $0x4;
	[sflag:s9] =	ssyncset.done @!p1 $0x0  }
0xcc: {  	s1 =	simm.s32 @!p1 $0x6780;
	s3 =	simm.s32 @p1 $0x3;
	[sflag:s9] =	ssyncadd.s32 @!p1 $0xFFFFD800  }
0xcd: {  	[spmem:s2] =	stream.indirect.scatter.add.f32 @!p1 [tilespmem:s1], [sflag:$0x4], $0x80, s7, s8, $0xb8;
	[tilespmem:$0x1F780] =	vst v63  }
0xce: {  	s28 =	simm.s32 $0xA0;
	s1 =	simm.s32 $0x2;
	_ =	swait.ge [sflag:s3], $0x2800  }
0xcf: {  	s7 =	simm.s32 $0x2800;
	s8 =	sand.u32 $0x1, s18;
	[sflag:s3] =	ssyncset.done $0x0  }
.LBB2_8:
0xd0: {  	p1 =	seq.s32 s8, $0x1  }
0xd1: {  	[sflag:s3] =	ssyncadd.s32 $0xFFFFD800;
	s8 =	smov.u32 s1;
	s1 =	sadd.s32 $0x1, s1  }
0xd2: {  	s9 =	simm.s32 @p1 $0x50;
	s3 =	simm.s32 @p1 $0x6780;
	s18 =	simm.s32 @p1 $0x2  }
0xd3: {  	[tilespmem:s3], [sflag:$0x1] =	stream.indirect.gather @p1 [hbm4b:s5+s9], $0x80, s28, s9, $0xb8;
	[tilespmem:$0x1F780] =	vst v63  }
0xd4: {  	p2 =	sne.s32 s1, $0x7C;
	s3 =	simm.s32 @!p1 $0x4;
	_ =	swait.ge @p1 [sflag:s18], $0x2800  }
0xd5: {  	[sflag:s18] =	ssyncset.done @p1 $0x0  }
0xd6: {  	[sflag:s18] =	ssyncadd.s32 @p1 $0xFFFFD800;
	s18 =	simm.s32 @p1 $0x8F80  }
0xd7: {  	[spmem:s2] =	stream.indirect.scatter.add.f32 @p1 [tilespmem:s18], [sflag:$0x3], $0x80, s7, s9, $0xb8;
	[tilespmem:$0x1F780] =	vst v63  }
0xd8: {  	s19 =	simm.s32 @!p1 $0x1;
	s9 =	simm.s32 @!p1 $0x50;
	s18 =	simm.s32 @!p1 $0x8F80  }
0xd9: {  	[tilespmem:s18], [sflag:$0x2] =	stream.indirect.gather @!p1 [hbm4b:s5+s9], $0x80, s28, s9, $0xb8;
	[tilespmem:$0x1F780] =	vst v63  }
0xda: {  	_ =	swait.ge @!p1 [sflag:s19], $0x2800  }
.Ltmp6:
0xdb: {  	[sflag:s19] =	ssyncset.done @!p1 $0x0;
	(pc) =	sbr.rel @p2 .LBB2_8-.Ltmp6, $4  }
0xdc: {  	s3 =	simm.s32 @p1 $0x3;
	s18 =	simm.s32 @!p1 $0x6780;
	[sflag:s19] =	ssyncadd.s32 @!p1 $0xFFFFD800  }
0xdd: {  	[spmem:s2] =	stream.indirect.scatter.add.f32 @!p1 [tilespmem:s18], [sflag:$0x4], $0x80, s7, s9, $0xb8;
	[tilespmem:$0x1F780] =	vst v63  }
0xde: {  	s7 =	sadd.s32 $0x80, s7;
	_ =	swait.ge [sflag:s3], $0x2800  }
0xdf: {  	s8 =	sand.u32 $0x1, s8;
	s28 =	sadd.s32 $0x50, s28;
	[sflag:s3] =	ssyncset.done $0x0  }
.Ltmp7:
0xe0: {  	_ = 	snop;
	(pc) =	sbr.rel .LBB2_9-.Ltmp7, $1  }
0xe1: {  	_ =	sdelay $0x3  }
.LBB2_11:
0xe2: {  	_ =	sfence.sel $0x180000  }
0xe3: {  	[bflag:$0x0] =	sbarrier.arrive $0xFFFF  }
0xe4: {  	_ =	strace $0x9000004D  }
0xe5: {  	s0 =	stileid.u32;
	[bflag:$0x2] =	sbarrier.arrive $0xFFFF  }
0xe6: {  	p0 =	sne.s32 s0, $0x0;
	s0 =	rddreg [dreg:$0x2]  }
0xe7: {  	s0 =	sadd.s32 @!p0 $0x100000, s0  }
0xe8: {  	[sflag:s0] =	ssyncadd.tile.s32 @!p0 $0x1;
	_ =	shalt  }
.Lfunc_end2:
_tile_overlayer_lowered:
.L_overlay_start_2:
0xe9: {  	(tag) =	ssettag $0x2  }
0xea: {  	s0 =	rddreg [dreg:$0x0];
	s2 =	stileid.u32  }
0xeb: {  	s1 =	rddreg [dreg:$0x1];
	p0 =	sne.s32 s2, $0x0  }
0xec: {  	s3 =	rddreg [dreg:$0x2];
	[bflag:$0x3] =	sbarrier.arrive $0xFFFF;
	s2 =	simm.s32 @!p0 $0x1C03  }
0xed: {  	[timem:s3], [sflag:s2] =	dma.local @!p0 [hbm:s0], s1  }
0xee: {  	s0 =	simm.s32 @!p0 $0x3  }
0xef: {  	_ =	swait.ge @!p0 [sflag:s0], s1  }
0xf0: {  	s1 =	ssub.s32 @!p0 $0x0, s1;
	[sflag:s0] =	ssyncset.done @!p0 $0x0  }
0xf1: {  	[sflag:s0] =	ssyncadd.s32 @!p0 s1  }
0xf2: {  	[bflag:$0x3] =	sbarrier.arrive $0xFFFF  }
0xf3: {  	_ =	shalt  }

</sc_bundles>
